<compile_context>
chip_gen: v7x
topology: tpu7x:2x2x1
jax: 0.10.2.dev20260603
libtpu: 0.0.44.dev20260713+nightly
codegen_flags: <defaults>
</compile_context>

<pallas_src>
import functools

import jax
import jax.numpy as jnp
from jax import lax
from jax.experimental import pallas as pl
from jax.experimental.pallas import tpu as pltpu
from jax.experimental.pallas import tpu_sc as plsc

N = 10000
D = 128
E = 320000
HID = 128

NC = 2
NS = 16
NW = NC * NS
BPW = 128
RPS = 632
NP = NS * RPS

NBLK = 80
EPW = NBLK * BPW
EPAD = NW * EPW
BPA = 64
EPW_H = 5120
NBLK_H = EPW_H // BPA
EH = NW * EPW_H

NROWB = 4
NIDXB = 8


def _agg_body(first, x_hbm, row_hbm, col_hbm, init_hbm, out_hbm,
              idxr_v, idxc_v, rows_v, agg_sh, sem_i, sem_g, sem_s):
  c = lax.axis_index("c")
  s = lax.axis_index("s")
  base = (s * NC + c) * EPW_H
  zbase = s * RPS

  def fire_idx(k, blk):
    off = base + blk * BPA
    pltpu.async_copy(row_hbm.at[pl.ds(off, BPA)], idxr_v.at[k], sem_i.at[k])
    pltpu.async_copy(col_hbm.at[pl.ds(off, BPA)], idxc_v.at[k], sem_i.at[k])

  def wait_idx(k):
    pltpu.make_async_copy(row_hbm.at[pl.ds(base, BPA)], idxr_v.at[k],
                          sem_i.at[k]).wait()
    pltpu.make_async_copy(col_hbm.at[pl.ds(base, BPA)], idxc_v.at[k],
                          sem_i.at[k]).wait()

  def fire_gather(p, k):
    pltpu.async_copy(x_hbm.at[idxc_v.at[k]], rows_v.at[p], sem_g.at[p])

  def wait_gather(p, k):
    pltpu.make_async_copy(x_hbm.at[idxc_v.at[k]], rows_v.at[p],
                          sem_g.at[p]).wait()

  def fire_scatter(p, k):
    pltpu.async_copy(rows_v.at[p], agg_sh.at[idxr_v.at[k]], sem_s.at[p],
                     add=True)

  def wait_scatter(p, k):
    pltpu.make_async_copy(rows_v.at[p], agg_sh.at[idxr_v.at[k]],
                          sem_s.at[p]).wait()

  if first:
    pltpu.sync_copy(init_hbm, agg_sh.at[pl.ds(zbase, RPS)])
  else:
    pltpu.sync_copy(init_hbm.at[pl.ds(c * NP + zbase, RPS)],
                    agg_sh.at[pl.ds(zbase, RPS)])
  plsc.subcore_barrier()

  for k in range(4):
    fire_idx(k, k)
  for p in range(2):
    wait_idx(p)
    fire_gather(p, p)

  @pl.loop(0, NBLK_H, step=NIDXB)
  def _blocks(b):
    for q in range(NIDXB):
      blk = b + q
      p = q % NROWB
      wait_gather(p, q)
      fire_scatter(p, q)

      @pl.when(blk >= 2)
      def _drain():
        wait_scatter((q + 2) % NROWB, (q + 2) % NIDXB)

      @pl.when(blk + 2 < NBLK_H)
      def _next_gather():
        wait_idx((q + 2) % NIDXB)
        fire_gather((q + 2) % NROWB, (q + 2) % NIDXB)

      @pl.when(blk + 4 < NBLK_H)
      def _next_idx():
        fire_idx((q + 4) % NIDXB, blk + 4)

  wait_scatter(2, 2)
  wait_scatter(3, 3)

  plsc.subcore_barrier()
  pltpu.sync_copy(agg_sh.at[pl.ds(zbase, RPS)],
                  out_hbm.at[pl.ds(c * NP + zbase, RPS)])


def _make_agg_pass(first):
  return functools.partial(
      pl.kernel,
      out_type=jax.ShapeDtypeStruct((NC * NP, D), jnp.float32),
      mesh=plsc.VectorSubcoreMesh(core_axis_name="c", subcore_axis_name="s"),
      scratch_types=[
          pltpu.VMEM((NIDXB, BPA), jnp.int32),
          pltpu.VMEM((NIDXB, BPA), jnp.int32),
          pltpu.VMEM((NROWB, BPA, D), jnp.float32),
          pltpu.VMEM_SHARED((NP, D), jnp.float32),
          pltpu.SemaphoreType.DMA((NIDXB,)),
          pltpu.SemaphoreType.DMA((NROWB,)),
          pltpu.SemaphoreType.DMA((NROWB,)),
      ],
  )(functools.partial(_agg_body, first))


_agg_pass1 = _make_agg_pass(True)
_agg_pass2 = _make_agg_pass(False)


def _deg_body(row_hbm, zeros_hbm, ones_hbm, out_hbm,
              idxr_v, ones_v, deg_sh, sem_i, sem_s):
  c = lax.axis_index("c")
  s = lax.axis_index("s")
  w = s * NC + c
  base = w * EPW
  zbase = s * RPS

  def fire_idx(k, blk):
    pltpu.async_copy(row_hbm.at[pl.ds(base + blk * BPW, BPW)],
                     idxr_v.at[k], sem_i.at[k])

  def wait_idx(k):
    pltpu.make_async_copy(row_hbm.at[pl.ds(base, BPW)], idxr_v.at[k],
                          sem_i.at[k]).wait()

  def fire_scatter(k):
    pltpu.async_copy(ones_v, deg_sh.at[idxr_v.at[k]], sem_s.at[k], add=True)

  def wait_scatter(k):
    pltpu.make_async_copy(ones_v, deg_sh.at[idxr_v.at[k]],
                          sem_s.at[k]).wait()

  pltpu.sync_copy(ones_hbm, ones_v)
  pltpu.sync_copy(zeros_hbm, deg_sh.at[pl.ds(zbase, RPS)])
  plsc.subcore_barrier()

  for k in range(4):
    fire_idx(k, k)

  @pl.loop(0, NBLK, step=NIDXB)
  def _blocks(b):
    for q in range(NIDXB):
      blk = b + q
      wait_idx(q)
      fire_scatter(q)

      @pl.when(blk >= 4)
      def _drain():
        wait_scatter((q + 4) % NIDXB)

      @pl.when(blk + 4 < NBLK)
      def _next_idx():
        fire_idx((q + 4) % NIDXB, blk + 4)

  for k in range(4, NIDXB):
    wait_scatter(k)

  plsc.subcore_barrier()
  pltpu.sync_copy(deg_sh.at[pl.ds(zbase, RPS)],
                  out_hbm.at[pl.ds(c * NP + zbase, RPS)])


_deg_pass = functools.partial(
    pl.kernel,
    out_type=jax.ShapeDtypeStruct((NC * NP, D), jnp.float32),
    mesh=plsc.VectorSubcoreMesh(core_axis_name="c", subcore_axis_name="s"),
    scratch_types=[
        pltpu.VMEM((NIDXB, BPW), jnp.int32),
        pltpu.VMEM((BPW, D), jnp.float32),
        pltpu.VMEM_SHARED((NP, D), jnp.float32),
        pltpu.SemaphoreType.DMA((NIDXB,)),
        pltpu.SemaphoreType.DMA((NIDXB,)),
    ],
)(_deg_body)


ROWS_TC = 1000
NTCBLK = N // ROWS_TC


def _mlp_body(x_ref, agg2_ref, deg2_ref, w1x, w1a, b1, w2, b2, w3, b3, w4,
              b4, out_ref):
  deg = deg2_ref[0, :, 0:1] + deg2_ref[1, :, 0:1]
  deg = jnp.maximum(deg, 1.0)
  agg = (agg2_ref[0] + agg2_ref[1]) / deg
  h = jnp.dot(x_ref[...], w1x[...], preferred_element_type=jnp.float32)
  h += jnp.dot(agg, w1a[...], preferred_element_type=jnp.float32)
  h = jnp.maximum(h + b1[...], 0.0)
  h = jnp.maximum(
      jnp.dot(h, w2[...], preferred_element_type=jnp.float32) + b2[...], 0.0)
  h = jnp.maximum(
      jnp.dot(h, w3[...], preferred_element_type=jnp.float32) + b3[...], 0.0)
  out_ref[...] = (
      jnp.dot(h, w4[...], preferred_element_type=jnp.float32) + b4[...])


def _full_spec(shape):
  return pl.BlockSpec(shape, lambda i: tuple(0 for _ in shape))


_mlp = pl.pallas_call(
    _mlp_body,
    grid=(NTCBLK,),
    in_specs=[
        pl.BlockSpec((ROWS_TC, D), lambda i: (i, 0)),
        pl.BlockSpec((NC, ROWS_TC, D), lambda i: (0, i, 0)),
        pl.BlockSpec((NC, ROWS_TC, D), lambda i: (0, i, 0)),
        _full_spec((D, HID)),
        _full_spec((D, HID)),
        _full_spec((1, HID)),
        _full_spec((HID, HID)),
        _full_spec((1, HID)),
        _full_spec((HID, HID)),
        _full_spec((1, HID)),
        _full_spec((HID, D)),
        _full_spec((1, D)),
    ],
    out_specs=pl.BlockSpec((ROWS_TC, D), lambda i: (i, 0)),
    out_shape=jax.ShapeDtypeStruct((N, D), jnp.float32),
)


@jax.jit
def kernel(x, edge_index, W1, b1, W2, b2, W3, b3, W4, b4):
  row = edge_index[0].astype(jnp.int32)
  col = edge_index[1].astype(jnp.int32)
  pad = EPAD - E
  row_p = jnp.concatenate([row, jnp.full((pad,), N, jnp.int32)])
  col_p = jnp.concatenate([col, jnp.zeros((pad,), jnp.int32)])
  zeros_sm = jnp.zeros((RPS, D), jnp.float32)

  part1 = _agg_pass1(x, row_p[:EH], col_p[:EH], zeros_sm)
  part2 = _agg_pass2(x, row_p[EH:], col_p[EH:], part1)
  deg128 = _deg_pass(row_p, zeros_sm, jnp.ones((BPW, D), jnp.float32))

  agg2 = part2.reshape(NC, NP, D)
  deg2 = deg128.reshape(NC, NP, D)

  w1t = W1.T
  return _mlp(x, agg2, deg2, w1t[:D], w1t[D:], b1.reshape(1, HID),
              W2.T, b2.reshape(1, HID), W3.T, b3.reshape(1, HID),
              W4.T, b4.reshape(1, D))

# --- scband reference (transcript-rebuilt; emitter-appended) ---
"""Pipeline reference for scband-simple-corrector-7352984011301 (READ-ONLY COPY).

The authoritative reference and input builder live on the scoring server;
editing this copy changes nothing except your own understanding.
"""

import jax, jax.numpy as jnp
import numpy as np

N = 10000
D = 128
E = 320000
HID = 128

def setup_inputs(seed: int = 0) -> dict:
    key = jax.random.key(seed)
    ks = jax.random.split(key, 12)
    x = jax.random.normal(ks[0], (N, D), dtype=jnp.float32)
    edge_index = jax.random.randint(ks[1], (2, E), 0, N)
    # MLP params (torch nn.Linear layout: W[out, in], b[out])
    W1 = jax.random.normal(ks[2], (HID, 2 * D), dtype=jnp.float32) * 0.05
    b1 = jnp.zeros((HID,), dtype=jnp.float32)
    W2 = jax.random.normal(ks[3], (HID, HID), dtype=jnp.float32) * 0.05
    b2 = jnp.zeros((HID,), dtype=jnp.float32)
    W3 = jax.random.normal(ks[4], (HID, HID), dtype=jnp.float32) * 0.05
    b3 = jnp.zeros((HID,), dtype=jnp.float32)
    W4 = jax.random.normal(ks[5], (D, HID), dtype=jnp.float32) * 0.05
    b4 = jnp.zeros((D,), dtype=jnp.float32)
    return {"x": x, "edge_index": edge_index, "W1": W1, "b1": b1, "W2": W2, "b2": b2, "W3": W3, "b3": b3, "W4": W4, "b4": b4}

def reference(x, edge_index, W1, b1, W2, b2, W3, b3, W4, b4):
    row = edge_index[0]
    col = edge_index[1]
    n = x.shape[0]
    # scatter-add aggregation: agg.index_add_(0, row, x[col])
    agg = jnp.zeros_like(x).at[row].add(x[col])
    deg = jnp.bincount(row, length=n).astype(x.dtype)
    deg = jnp.maximum(deg, 1.0)[:, None]
    agg = agg / deg
    h = jnp.concatenate([x, agg], axis=1)
    h = jax.nn.relu(h @ W1.T + b1)
    h = jax.nn.relu(h @ W2.T + b2)
    h = jax.nn.relu(h @ W3.T + b3)
    out = h @ W4.T + b4
    return out

if __name__ == "__main__":
    import jax
    _d = setup_inputs()
    print(jax.jit(kernel)(*tuple(_d.values())))

</pallas_src>

<mosaic_0001>
#map = affine_map<(d0, d1) -> (0)>
#map1 = affine_map<(d0, d1) -> (0, 0)>
module attributes {stable_mosaic.version = 14 : i64} {
  func.func @_deg_body(%arg0: i32, %arg1: i32, %arg2: memref<327680xi32, #tpu.memory_space<hbm>>, %arg3: memref<632x128xf32, #tpu.memory_space<hbm>>, %arg4: memref<128x128xf32, #tpu.memory_space<hbm>>, %arg5: memref<20224x128xf32, #tpu.memory_space<hbm>>, %arg6: memref<8x128xi32, #tpu.memory_space<vmem>>, %arg7: memref<128x128xf32, #tpu.memory_space<vmem>>, %arg8: memref<10112x128xf32, #tpu.memory_space<vmem_shared>>, %arg9: memref<8x!tpu.dma_semaphore, #tpu.memory_space<semaphore_mem>>, %arg10: memref<8x!tpu.dma_semaphore, #tpu.memory_space<semaphore_mem>>) attributes {dimension_semantics = [#tpu.dimension_semantics<core_parallel>, #tpu.dimension_semantics<subcore_parallel>], iteration_bounds = array<i64: 2, 16>, scalar_prefetch = 0 : i64, scratch_operands = 5 : i64, tpu.core_type = #tpu.core_type<sc_vector_subcore>, window_params = [{transform_indices = #map}, {transform_indices = #map1}, {transform_indices = #map1}, {transform_indices = #map1}]} {
    %mul3A = arith.constant 2 : i32
    %mul3A_0 = arith.muli %arg1, %mul3A : i32
    %add3A = arith.addi %mul3A_0, %arg0 : i32
    %mul3A_1 = arith.constant 10240 : i32
    %mul3A_2 = arith.muli %add3A, %mul3A_1 : i32
    %mul3A_3 = arith.constant 632 : i32
    %mul3A_4 = arith.muli %arg1, %mul3A_3 : i32
    "tpu.region"() ({
      %run_scoped3A = tpu.sem_alloc : memref<!tpu.dma_semaphore, #tpu.memory_space<semaphore_mem>>
      tpu.enqueue_dma source(%arg4 : memref<128x128xf32, #tpu.memory_space<hbm>>) target(%arg7 : memref<128x128xf32, #tpu.memory_space<vmem>>) target_semaphore(%run_scoped3A : memref<!tpu.dma_semaphore, #tpu.memory_space<semaphore_mem>>)
      tpu.wait_dma2 semaphore(%run_scoped3A : memref<!tpu.dma_semaphore, #tpu.memory_space<semaphore_mem>>) src(%arg4 : memref<128x128xf32, #tpu.memory_space<hbm>>) dst(%arg7 : memref<128x128xf32, #tpu.memory_space<vmem>>)
      tpu.yield
    }) : () -> ()
    "tpu.region"() ({
      %run_scoped3A = tpu.sem_alloc : memref<!tpu.dma_semaphore, #tpu.memory_space<semaphore_mem>>
      %dma_start3A_107 = arith.constant 0 : i32
      %dma_start3A_108 = tpu.memref_slice %arg8[%mul3A_4, %dma_start3A_107] : memref<10112x128xf32, #tpu.memory_space<vmem_shared>> -> memref<632x128xf32, #tpu.memory_space<vmem_shared>>
      tpu.enqueue_dma source(%arg3 : memref<632x128xf32, #tpu.memory_space<hbm>>) target(%dma_start3A_108 : memref<632x128xf32, #tpu.memory_space<vmem_shared>>) target_semaphore(%run_scoped3A : memref<!tpu.dma_semaphore, #tpu.memory_space<semaphore_mem>>)
      %dma_wait3A_109 = arith.constant 0 : i32
      %dma_wait3A_110 = tpu.memref_slice %arg8[%mul3A_4, %dma_wait3A_109] : memref<10112x128xf32, #tpu.memory_space<vmem_shared>> -> memref<632x128xf32, #tpu.memory_space<vmem_shared>>
      tpu.wait_dma2 semaphore(%run_scoped3A : memref<!tpu.dma_semaphore, #tpu.memory_space<semaphore_mem>>) src(%arg3 : memref<632x128xf32, #tpu.memory_space<hbm>>) dst(%dma_wait3A_110 : memref<632x128xf32, #tpu.memory_space<vmem_shared>>)
      tpu.yield
    }) : () -> ()
    %barrier3A = arith.constant 0 : index
    tpu.barrier barrier_id(%barrier3A)
    %add3A_5 = arith.constant 0 : i32
    %add3A_6 = arith.addi %mul3A_2, %add3A_5 : i32
    %dma_start3A = arith.constant 0 : i32
    %dma_start3A_7 = arith.constant 0 : i32
    %dma_start3A_8 = arith.constant 0 : i32
    %dma_start3A_9 = tpu.memref_slice %arg6[%dma_start3A, %dma_start3A_8] : memref<8x128xi32, #tpu.memory_space<vmem>> -> memref<1x128xi32, #tpu.memory_space<vmem>>
    %dma_start3A_10 = tpu.memref_squeeze %dma_start3A_9 : memref<1x128xi32, #tpu.memory_space<vmem>> -> memref<128xi32, #tpu.memory_space<vmem>>
    %dma_start3A_11 = tpu.memref_slice %arg2[%add3A_6] : memref<327680xi32, #tpu.memory_space<hbm>> -> memref<128xi32, #tpu.memory_space<hbm>>
    %dma_start3A_12 = tpu.memref_slice %arg9[%dma_start3A_7] : memref<8x!tpu.dma_semaphore, #tpu.memory_space<semaphore_mem>> -> memref<1x!tpu.dma_semaphore, #tpu.memory_space<semaphore_mem>>
    %dma_start3A_13 = tpu.memref_squeeze %dma_start3A_12 : memref<1x!tpu.dma_semaphore, #tpu.memory_space<semaphore_mem>> -> memref<!tpu.dma_semaphore, #tpu.memory_space<semaphore_mem>>
    %dma_start3A_14 = arith.constant 0 : i32
    %dma_start3A_15 = tpu.memref_slice %arg6[%dma_start3A, %dma_start3A_14] : memref<8x128xi32, #tpu.memory_space<vmem>> -> memref<1x128xi32, #tpu.memory_space<vmem>>
    %dma_start3A_16 = tpu.memref_squeeze %dma_start3A_15 : memref<1x128xi32, #tpu.memory_space<vmem>> -> memref<128xi32, #tpu.memory_space<vmem>>
    %dma_start3A_17 = tpu.memref_slice %arg2[%add3A_6] : memref<327680xi32, #tpu.memory_space<hbm>> -> memref<128xi32, #tpu.memory_space<hbm>>
    tpu.enqueue_dma source(%dma_start3A_17 : memref<128xi32, #tpu.memory_space<hbm>>) target(%dma_start3A_16 : memref<128xi32, #tpu.memory_space<vmem>>) target_semaphore(%dma_start3A_13 : memref<!tpu.dma_semaphore, #tpu.memory_space<semaphore_mem>>)
    %add3A_18 = arith.constant 128 : i32
    %add3A_19 = arith.addi %mul3A_2, %add3A_18 : i32
    %dma_start3A_20 = arith.constant 1 : i32
    %dma_start3A_21 = arith.constant 1 : i32
    %dma_start3A_22 = arith.constant 0 : i32
    %dma_start3A_23 = tpu.memref_slice %arg6[%dma_start3A_20, %dma_start3A_22] : memref<8x128xi32, #tpu.memory_space<vmem>> -> memref<1x128xi32, #tpu.memory_space<vmem>>
    %dma_start3A_24 = tpu.memref_squeeze %dma_start3A_23 : memref<1x128xi32, #tpu.memory_space<vmem>> -> memref<128xi32, #tpu.memory_space<vmem>>
    %dma_start3A_25 = tpu.memref_slice %arg2[%add3A_19] : memref<327680xi32, #tpu.memory_space<hbm>> -> memref<128xi32, #tpu.memory_space<hbm>>
    %dma_start3A_26 = tpu.memref_slice %arg9[%dma_start3A_21] : memref<8x!tpu.dma_semaphore, #tpu.memory_space<semaphore_mem>> -> memref<1x!tpu.dma_semaphore, #tpu.memory_space<semaphore_mem>>
    %dma_start3A_27 = tpu.memref_squeeze %dma_start3A_26 : memref<1x!tpu.dma_semaphore, #tpu.memory_space<semaphore_mem>> -> memref<!tpu.dma_semaphore, #tpu.memory_space<semaphore_mem>>
    %dma_start3A_28 = arith.constant 0 : i32
    %dma_start3A_29 = tpu.memref_slice %arg6[%dma_start3A_20, %dma_start3A_28] : memref<8x128xi32, #tpu.memory_space<vmem>> -> memref<1x128xi32, #tpu.memory_space<vmem>>
    %dma_start3A_30 = tpu.memref_squeeze %dma_start3A_29 : memref<1x128xi32, #tpu.memory_space<vmem>> -> memref<128xi32, #tpu.memory_space<vmem>>
    %dma_start3A_31 = tpu.memref_slice %arg2[%add3A_19] : memref<327680xi32, #tpu.memory_space<hbm>> -> memref<128xi32, #tpu.memory_space<hbm>>
    tpu.enqueue_dma source(%dma_start3A_31 : memref<128xi32, #tpu.memory_space<hbm>>) target(%dma_start3A_30 : memref<128xi32, #tpu.memory_space<vmem>>) target_semaphore(%dma_start3A_27 : memref<!tpu.dma_semaphore, #tpu.memory_space<semaphore_mem>>)
    %add3A_32 = arith.constant 256 : i32
    %add3A_33 = arith.addi %mul3A_2, %add3A_32 : i32
    %dma_start3A_34 = arith.constant 2 : i32
    %dma_start3A_35 = arith.constant 2 : i32
    %dma_start3A_36 = arith.constant 0 : i32
    %dma_start3A_37 = tpu.memref_slice %arg6[%dma_start3A_34, %dma_start3A_36] : memref<8x128xi32, #tpu.memory_space<vmem>> -> memref<1x128xi32, #tpu.memory_space<vmem>>
    %dma_start3A_38 = tpu.memref_squeeze %dma_start3A_37 : memref<1x128xi32, #tpu.memory_space<vmem>> -> memref<128xi32, #tpu.memory_space<vmem>>
    %dma_start3A_39 = tpu.memref_slice %arg2[%add3A_33] : memref<327680xi32, #tpu.memory_space<hbm>> -> memref<128xi32, #tpu.memory_space<hbm>>
    %dma_start3A_40 = tpu.memref_slice %arg9[%dma_start3A_35] : memref<8x!tpu.dma_semaphore, #tpu.memory_space<semaphore_mem>> -> memref<1x!tpu.dma_semaphore, #tpu.memory_space<semaphore_mem>>
    %dma_start3A_41 = tpu.memref_squeeze %dma_start3A_40 : memref<1x!tpu.dma_semaphore, #tpu.memory_space<semaphore_mem>> -> memref<!tpu.dma_semaphore, #tpu.memory_space<semaphore_mem>>
    %dma_start3A_42 = arith.constant 0 : i32
    %dma_start3A_43 = tpu.memref_slice %arg6[%dma_start3A_34, %dma_start3A_42] : memref<8x128xi32, #tpu.memory_space<vmem>> -> memref<1x128xi32, #tpu.memory_space<vmem>>
    %dma_start3A_44 = tpu.memref_squeeze %dma_start3A_43 : memref<1x128xi32, #tpu.memory_space<vmem>> -> memref<128xi32, #tpu.memory_space<vmem>>
    %dma_start3A_45 = tpu.memref_slice %arg2[%add3A_33] : memref<327680xi32, #tpu.memory_space<hbm>> -> memref<128xi32, #tpu.memory_space<hbm>>
    tpu.enqueue_dma source(%dma_start3A_45 : memref<128xi32, #tpu.memory_space<hbm>>) target(%dma_start3A_44 : memref<128xi32, #tpu.memory_space<vmem>>) target_semaphore(%dma_start3A_41 : memref<!tpu.dma_semaphore, #tpu.memory_space<semaphore_mem>>)
    %add3A_46 = arith.constant 384 : i32
    %add3A_47 = arith.addi %mul3A_2, %add3A_46 : i32
    %dma_start3A_48 = arith.constant 3 : i32
    %dma_start3A_49 = arith.constant 3 : i32
    %dma_start3A_50 = arith.constant 0 : i32
    %dma_start3A_51 = tpu.memref_slice %arg6[%dma_start3A_48, %dma_start3A_50] : memref<8x128xi32, #tpu.memory_space<vmem>> -> memref<1x128xi32, #tpu.memory_space<vmem>>
    %dma_start3A_52 = tpu.memref_squeeze %dma_start3A_51 : memref<1x128xi32, #tpu.memory_space<vmem>> -> memref<128xi32, #tpu.memory_space<vmem>>
    %dma_start3A_53 = tpu.memref_slice %arg2[%add3A_47] : memref<327680xi32, #tpu.memory_space<hbm>> -> memref<128xi32, #tpu.memory_space<hbm>>
    %dma_start3A_54 = tpu.memref_slice %arg9[%dma_start3A_49] : memref<8x!tpu.dma_semaphore, #tpu.memory_space<semaphore_mem>> -> memref<1x!tpu.dma_semaphore, #tpu.memory_space<semaphore_mem>>
    %dma_start3A_55 = tpu.memref_squeeze %dma_start3A_54 : memref<1x!tpu.dma_semaphore, #tpu.memory_space<semaphore_mem>> -> memref<!tpu.dma_semaphore, #tpu.memory_space<semaphore_mem>>
    %dma_start3A_56 = arith.constant 0 : i32
    %dma_start3A_57 = tpu.memref_slice %arg6[%dma_start3A_48, %dma_start3A_56] : memref<8x128xi32, #tpu.memory_space<vmem>> -> memref<1x128xi32, #tpu.memory_space<vmem>>
    %dma_start3A_58 = tpu.memref_squeeze %dma_start3A_57 : memref<1x128xi32, #tpu.memory_space<vmem>> -> memref<128xi32, #tpu.memory_space<vmem>>
    %dma_start3A_59 = tpu.memref_slice %arg2[%add3A_47] : memref<327680xi32, #tpu.memory_space<hbm>> -> memref<128xi32, #tpu.memory_space<hbm>>
    tpu.enqueue_dma source(%dma_start3A_59 : memref<128xi32, #tpu.memory_space<hbm>>) target(%dma_start3A_58 : memref<128xi32, #tpu.memory_space<vmem>>) target_semaphore(%dma_start3A_55 : memref<!tpu.dma_semaphore, #tpu.memory_space<semaphore_mem>>)
    %scan3A = arith.constant 0 : i32
    %scan3A_60 = arith.constant 10 : i32
    %scan3A_61 = arith.addi %scan3A, %scan3A_60 : i32
    %scan3A_62 = arith.constant 1 : i32
    scf.for %scan3A_107 = %scan3A to %scan3A_61 step %scan3A_62  : i32 {
      %mul3A_108 = arith.constant 8 : i32
      %mul3A_109 = arith.muli %scan3A_107, %mul3A_108 : i32
      %add3A_110 = arith.constant 0 : i32
      %add3A_111 = arith.addi %add3A_110, %mul3A_109 : i32
      %add3A_112 = arith.constant 0 : i32
      %add3A_113 = arith.addi %add3A_111, %add3A_112 : i32
      %dma_wait3A_114 = arith.constant 0 : i32
      %dma_wait3A_115 = arith.constant 0 : i32
      %dma_wait3A_116 = arith.constant 0 : i32
      %dma_wait3A_117 = tpu.memref_slice %arg6[%dma_wait3A_114, %dma_wait3A_116] : memref<8x128xi32, #tpu.memory_space<vmem>> -> memref<1x128xi32, #tpu.memory_space<vmem>>
      %dma_wait3A_118 = tpu.memref_squeeze %dma_wait3A_117 : memref<1x128xi32, #tpu.memory_space<vmem>> -> memref<128xi32, #tpu.memory_space<vmem>>
      %dma_wait3A_119 = tpu.memref_slice %arg2[%mul3A_2] : memref<327680xi32, #tpu.memory_space<hbm>> -> memref<128xi32, #tpu.memory_space<hbm>>
      %dma_wait3A_120 = tpu.memref_slice %arg9[%dma_wait3A_115] : memref<8x!tpu.dma_semaphore, #tpu.memory_space<semaphore_mem>> -> memref<1x!tpu.dma_semaphore, #tpu.memory_space<semaphore_mem>>
      %dma_wait3A_121 = tpu.memref_squeeze %dma_wait3A_120 : memref<1x!tpu.dma_semaphore, #tpu.memory_space<semaphore_mem>> -> memref<!tpu.dma_semaphore, #tpu.memory_space<semaphore_mem>>
      %dma_wait3A_122 = arith.constant 0 : i32
      %dma_wait3A_123 = tpu.memref_slice %arg6[%dma_wait3A_114, %dma_wait3A_122] : memref<8x128xi32, #tpu.memory_space<vmem>> -> memref<1x128xi32, #tpu.memory_space<vmem>>
      %dma_wait3A_124 = tpu.memref_squeeze %dma_wait3A_123 : memref<1x128xi32, #tpu.memory_space<vmem>> -> memref<128xi32, #tpu.memory_space<vmem>>
      %dma_wait3A_125 = tpu.memref_slice %arg2[%mul3A_2] : memref<327680xi32, #tpu.memory_space<hbm>> -> memref<128xi32, #tpu.memory_space<hbm>>
      tpu.wait_dma2 semaphore(%dma_wait3A_121 : memref<!tpu.dma_semaphore, #tpu.memory_space<semaphore_mem>>) src(%dma_wait3A_125 : memref<128xi32, #tpu.memory_space<hbm>>) dst(%dma_wait3A_124 : memref<128xi32, #tpu.memory_space<vmem>>)
      %dma_start3A_126 = arith.constant 0 : i32
      %dma_start3A_127 = arith.constant 0 : i32
      %dma_start3A_128 = arith.constant 0 : i32
      %dma_start3A_129 = tpu.memref_slice %arg6[%dma_start3A_126, %dma_start3A_128] : memref<8x128xi32, #tpu.memory_space<vmem>> -> memref<1x128xi32, #tpu.memory_space<vmem>>
      %dma_start3A_130 = tpu.memref_squeeze %dma_start3A_129 : memref<1x128xi32, #tpu.memory_space<vmem>> -> memref<128xi32, #tpu.memory_space<vmem>>
      %dma_start3A_131 = arith.constant 0 : i32
      %dma_start3A_132 = arith.constant 0 : i32
      %dma_start3A_133 = tpu.memref_slice %arg8[%dma_start3A_131, %dma_start3A_132] : memref<10112x128xf32, #tpu.memory_space<vmem_shared>> -> memref<10112x128xf32, #tpu.memory_space<vmem_shared>>
      %dma_start3A_134 = tpu.memref_slice %arg10[%dma_start3A_127] : memref<8x!tpu.dma_semaphore, #tpu.memory_space<semaphore_mem>> -> memref<1x!tpu.dma_semaphore, #tpu.memory_space<semaphore_mem>>
      %dma_start3A_135 = tpu.memref_squeeze %dma_start3A_134 : memref<1x!tpu.dma_semaphore, #tpu.memory_space<semaphore_mem>> -> memref<!tpu.dma_semaphore, #tpu.memory_space<semaphore_mem>>
      tpu.enqueue_indirect_dma source(%arg7 : memref<128x128xf32, #tpu.memory_space<vmem>>) target(%dma_start3A_133 : memref<10112x128xf32, #tpu.memory_space<vmem_shared>>) offsets(%dma_start3A_130 : memref<128xi32, #tpu.memory_space<vmem>>) semaphore(%dma_start3A_135 : memref<!tpu.dma_semaphore, #tpu.memory_space<semaphore_mem>>) {add = true}
      %ge3A = arith.constant 4 : i32
      %ge3A_136 = arith.cmpi sge, %add3A_113, %ge3A : i32
      %convert_element_type3A = arith.extui %ge3A_136 : i1 to i32
      %cond3A = arith.constant 0 : i32
      %cond3A_137 = arith.cmpi ne, %convert_element_type3A, %cond3A : i32
      scf.if %cond3A_137 {
        %dma_wait3A_396 = arith.constant 4 : i32
        %dma_wait3A_397 = arith.constant 4 : i32
        %dma_wait3A_398 = arith.constant 0 : i32
        %dma_wait3A_399 = tpu.memref_slice %arg6[%dma_wait3A_396, %dma_wait3A_398] : memref<8x128xi32, #tpu.memory_space<vmem>> -> memref<1x128xi32, #tpu.memory_space<vmem>>
        %dma_wait3A_400 = tpu.memref_squeeze %dma_wait3A_399 : memref<1x128xi32, #tpu.memory_space<vmem>> -> memref<128xi32, #tpu.memory_space<vmem>>
        %dma_wait3A_401 = arith.constant 0 : i32
        %dma_wait3A_402 = arith.constant 0 : i32
        %dma_wait3A_403 = tpu.memref_slice %arg8[%dma_wait3A_401, %dma_wait3A_402] : memref<10112x128xf32, #tpu.memory_space<vmem_shared>> -> memref<10112x128xf32, #tpu.memory_space<vmem_shared>>
        %dma_wait3A_404 = tpu.memref_slice %arg10[%dma_wait3A_397] : memref<8x!tpu.dma_semaphore, #tpu.memory_space<semaphore_mem>> -> memref<1x!tpu.dma_semaphore, #tpu.memory_space<semaphore_mem>>
        %dma_wait3A_405 = tpu.memref_squeeze %dma_wait3A_404 : memref<1x!tpu.dma_semaphore, #tpu.memory_space<semaphore_mem>> -> memref<!tpu.dma_semaphore, #tpu.memory_space<semaphore_mem>>
        tpu.wait_indirect_dma semaphore(%dma_wait3A_405 : memref<!tpu.dma_semaphore, #tpu.memory_space<semaphore_mem>>) src(%arg7 : memref<128x128xf32, #tpu.memory_space<vmem>>) dst(%dma_wait3A_403 : memref<10112x128xf32, #tpu.memory_space<vmem_shared>>)
      } else {
      }
      %add3A_138 = arith.constant 4 : i32
      %add3A_139 = arith.addi %add3A_113, %add3A_138 : i32
      %lt3A = arith.constant 80 : i32
      %lt3A_140 = arith.cmpi slt, %add3A_139, %lt3A : i32
      %convert_element_type3A_141 = arith.extui %lt3A_140 : i1 to i32
      %cond3A_142 = arith.constant 0 : i32
      %cond3A_143 = arith.cmpi ne, %convert_element_type3A_141, %cond3A_142 : i32
      scf.if %cond3A_143 {
        %add3A_396 = arith.constant 4 : i32
        %add3A_397 = arith.addi %add3A_113, %add3A_396 : i32
        %mul3A_398 = arith.constant 128 : i32
        %mul3A_399 = arith.muli %add3A_397, %mul3A_398 : i32
        %add3A_400 = arith.addi %mul3A_2, %mul3A_399 : i32
        %dma_start3A_401 = arith.constant 4 : i32
        %dma_start3A_402 = arith.constant 4 : i32
        %dma_start3A_403 = arith.constant 0 : i32
        %dma_start3A_404 = tpu.memref_slice %arg6[%dma_start3A_401, %dma_start3A_403] : memref<8x128xi32, #tpu.memory_space<vmem>> -> memref<1x128xi32, #tpu.memory_space<vmem>>
        %dma_start3A_405 = tpu.memref_squeeze %dma_start3A_404 : memref<1x128xi32, #tpu.memory_space<vmem>> -> memref<128xi32, #tpu.memory_space<vmem>>
        %dma_start3A_406 = tpu.memref_slice %arg2[%add3A_400] : memref<327680xi32, #tpu.memory_space<hbm>> -> memref<128xi32, #tpu.memory_space<hbm>>
        %dma_start3A_407 = tpu.memref_slice %arg9[%dma_start3A_402] : memref<8x!tpu.dma_semaphore, #tpu.memory_space<semaphore_mem>> -> memref<1x!tpu.dma_semaphore, #tpu.memory_space<semaphore_mem>>
        %dma_start3A_408 = tpu.memref_squeeze %dma_start3A_407 : memref<1x!tpu.dma_semaphore, #tpu.memory_space<semaphore_mem>> -> memref<!tpu.dma_semaphore, #tpu.memory_space<semaphore_mem>>
        %dma_start3A_409 = arith.constant 0 : i32
        %dma_start3A_410 = tpu.memref_slice %arg6[%dma_start3A_401, %dma_start3A_409] : memref<8x128xi32, #tpu.memory_space<vmem>> -> memref<1x128xi32, #tpu.memory_space<vmem>>
        %dma_start3A_411 = tpu.memref_squeeze %dma_start3A_410 : memref<1x128xi32, #tpu.memory_space<vmem>> -> memref<128xi32, #tpu.memory_space<vmem>>
        %dma_start3A_412 = tpu.memref_slice %arg2[%add3A_400] : memref<327680xi32, #tpu.memory_space<hbm>> -> memref<128xi32, #tpu.memory_space<hbm>>
        tpu.enqueue_dma source(%dma_start3A_412 : memref<128xi32, #tpu.memory_space<hbm>>) target(%dma_start3A_411 : memref<128xi32, #tpu.memory_space<vmem>>) target_semaphore(%dma_start3A_408 : memref<!tpu.dma_semaphore, #tpu.memory_space<semaphore_mem>>)
      } else {
      }
      %add3A_144 = arith.constant 1 : i32
      %add3A_145 = arith.addi %add3A_111, %add3A_144 : i32
      %dma_wait3A_146 = arith.constant 1 : i32
      %dma_wait3A_147 = arith.constant 1 : i32
      %dma_wait3A_148 = arith.constant 0 : i32
      %dma_wait3A_149 = tpu.memref_slice %arg6[%dma_wait3A_146, %dma_wait3A_148] : memref<8x128xi32, #tpu.memory_space<vmem>> -> memref<1x128xi32, #tpu.memory_space<vmem>>
      %dma_wait3A_150 = tpu.memref_squeeze %dma_wait3A_149 : memref<1x128xi32, #tpu.memory_space<vmem>> -> memref<128xi32, #tpu.memory_space<vmem>>
      %dma_wait3A_151 = tpu.memref_slice %arg2[%mul3A_2] : memref<327680xi32, #tpu.memory_space<hbm>> -> memref<128xi32, #tpu.memory_space<hbm>>
      %dma_wait3A_152 = tpu.memref_slice %arg9[%dma_wait3A_147] : memref<8x!tpu.dma_semaphore, #tpu.memory_space<semaphore_mem>> -> memref<1x!tpu.dma_semaphore, #tpu.memory_space<semaphore_mem>>
      %dma_wait3A_153 = tpu.memref_squeeze %dma_wait3A_152 : memref<1x!tpu.dma_semaphore, #tpu.memory_space<semaphore_mem>> -> memref<!tpu.dma_semaphore, #tpu.memory_space<semaphore_mem>>
      %dma_wait3A_154 = arith.constant 0 : i32
      %dma_wait3A_155 = tpu.memref_slice %arg6[%dma_wait3A_146, %dma_wait3A_154] : memref<8x128xi32, #tpu.memory_space<vmem>> -> memref<1x128xi32, #tpu.memory_space<vmem>>
      %dma_wait3A_156 = tpu.memref_squeeze %dma_wait3A_155 : memref<1x128xi32, #tpu.memory_space<vmem>> -> memref<128xi32, #tpu.memory_space<vmem>>
      %dma_wait3A_157 = tpu.memref_slice %arg2[%mul3A_2] : memref<327680xi32, #tpu.memory_space<hbm>> -> memref<128xi32, #tpu.memory_space<hbm>>
      tpu.wait_dma2 semaphore(%dma_wait3A_153 : memref<!tpu.dma_semaphore, #tpu.memory_space<semaphore_mem>>) src(%dma_wait3A_157 : memref<128xi32, #tpu.memory_space<hbm>>) dst(%dma_wait3A_156 : memref<128xi32, #tpu.memory_space<vmem>>)
      %dma_start3A_158 = arith.constant 1 : i32
      %dma_start3A_159 = arith.constant 1 : i32
      %dma_start3A_160 = arith.constant 0 : i32
      %dma_start3A_161 = tpu.memref_slice %arg6[%dma_start3A_158, %dma_start3A_160] : memref<8x128xi32, #tpu.memory_space<vmem>> -> memref<1x128xi32, #tpu.memory_space<vmem>>
      %dma_start3A_162 = tpu.memref_squeeze %dma_start3A_161 : memref<1x128xi32, #tpu.memory_space<vmem>> -> memref<128xi32, #tpu.memory_space<vmem>>
      %dma_start3A_163 = arith.constant 0 : i32
      %dma_start3A_164 = arith.constant 0 : i32
      %dma_start3A_165 = tpu.memref_slice %arg8[%dma_start3A_163, %dma_start3A_164] : memref<10112x128xf32, #tpu.memory_space<vmem_shared>> -> memref<10112x128xf32, #tpu.memory_space<vmem_shared>>
      %dma_start3A_166 = tpu.memref_slice %arg10[%dma_start3A_159] : memref<8x!tpu.dma_semaphore, #tpu.memory_space<semaphore_mem>> -> memref<1x!tpu.dma_semaphore, #tpu.memory_space<semaphore_mem>>
      %dma_start3A_167 = tpu.memref_squeeze %dma_start3A_166 : memref<1x!tpu.dma_semaphore, #tpu.memory_space<semaphore_mem>> -> memref<!tpu.dma_semaphore, #tpu.memory_space<semaphore_mem>>
      tpu.enqueue_indirect_dma source(%arg7 : memref<128x128xf32, #tpu.memory_space<vmem>>) target(%dma_start3A_165 : memref<10112x128xf32, #tpu.memory_space<vmem_shared>>) offsets(%dma_start3A_162 : memref<128xi32, #tpu.memory_space<vmem>>) semaphore(%dma_start3A_167 : memref<!tpu.dma_semaphore, #tpu.memory_space<semaphore_mem>>) {add = true}
      %ge3A_168 = arith.constant 4 : i32
      %ge3A_169 = arith.cmpi sge, %add3A_145, %ge3A_168 : i32
      %convert_element_type3A_170 = arith.extui %ge3A_169 : i1 to i32
      %cond3A_171 = arith.constant 0 : i32
      %cond3A_172 = arith.cmpi ne, %convert_element_type3A_170, %cond3A_171 : i32
      scf.if %cond3A_172 {
        %dma_wait3A_396 = arith.constant 5 : i32
        %dma_wait3A_397 = arith.constant 5 : i32
        %dma_wait3A_398 = arith.constant 0 : i32
        %dma_wait3A_399 = tpu.memref_slice %arg6[%dma_wait3A_396, %dma_wait3A_398] : memref<8x128xi32, #tpu.memory_space<vmem>> -> memref<1x128xi32, #tpu.memory_space<vmem>>
        %dma_wait3A_400 = tpu.memref_squeeze %dma_wait3A_399 : memref<1x128xi32, #tpu.memory_space<vmem>> -> memref<128xi32, #tpu.memory_space<vmem>>
        %dma_wait3A_401 = arith.constant 0 : i32
        %dma_wait3A_402 = arith.constant 0 : i32
        %dma_wait3A_403 = tpu.memref_slice %arg8[%dma_wait3A_401, %dma_wait3A_402] : memref<10112x128xf32, #tpu.memory_space<vmem_shared>> -> memref<10112x128xf32, #tpu.memory_space<vmem_shared>>
        %dma_wait3A_404 = tpu.memref_slice %arg10[%dma_wait3A_397] : memref<8x!tpu.dma_semaphore, #tpu.memory_space<semaphore_mem>> -> memref<1x!tpu.dma_semaphore, #tpu.memory_space<semaphore_mem>>
        %dma_wait3A_405 = tpu.memref_squeeze %dma_wait3A_404 : memref<1x!tpu.dma_semaphore, #tpu.memory_space<semaphore_mem>> -> memref<!tpu.dma_semaphore, #tpu.memory_space<semaphore_mem>>
        tpu.wait_indirect_dma semaphore(%dma_wait3A_405 : memref<!tpu.dma_semaphore, #tpu.memory_space<semaphore_mem>>) src(%arg7 : memref<128x128xf32, #tpu.memory_space<vmem>>) dst(%dma_wait3A_403 : memref<10112x128xf32, #tpu.memory_space<vmem_shared>>)
      } else {
      }
      %add3A_173 = arith.constant 4 : i32
      %add3A_174 = arith.addi %add3A_145, %add3A_173 : i32
      %lt3A_175 = arith.constant 80 : i32
      %lt3A_176 = arith.cmpi slt, %add3A_174, %lt3A_175 : i32
      %convert_element_type3A_177 = arith.extui %lt3A_176 : i1 to i32
      %cond3A_178 = arith.constant 0 : i32
      %cond3A_179 = arith.cmpi ne, %convert_element_type3A_177, %cond3A_178 : i32
      scf.if %cond3A_179 {
        %add3A_396 = arith.constant 4 : i32
        %add3A_397 = arith.addi %add3A_145, %add3A_396 : i32
        %mul3A_398 = arith.constant 128 : i32
        %mul3A_399 = arith.muli %add3A_397, %mul3A_398 : i32
        %add3A_400 = arith.addi %mul3A_2, %mul3A_399 : i32
        %dma_start3A_401 = arith.constant 5 : i32
        %dma_start3A_402 = arith.constant 5 : i32
        %dma_start3A_403 = arith.constant 0 : i32
        %dma_start3A_404 = tpu.memref_slice %arg6[%dma_start3A_401, %dma_start3A_403] : memref<8x128xi32, #tpu.memory_space<vmem>> -> memref<1x128xi32, #tpu.memory_space<vmem>>
        %dma_start3A_405 = tpu.memref_squeeze %dma_start3A_404 : memref<1x128xi32, #tpu.memory_space<vmem>> -> memref<128xi32, #tpu.memory_space<vmem>>
        %dma_start3A_406 = tpu.memref_slice %arg2[%add3A_400] : memref<327680xi32, #tpu.memory_space<hbm>> -> memref<128xi32, #tpu.memory_space<hbm>>
        %dma_start3A_407 = tpu.memref_slice %arg9[%dma_start3A_402] : memref<8x!tpu.dma_semaphore, #tpu.memory_space<semaphore_mem>> -> memref<1x!tpu.dma_semaphore, #tpu.memory_space<semaphore_mem>>
        %dma_start3A_408 = tpu.memref_squeeze %dma_start3A_407 : memref<1x!tpu.dma_semaphore, #tpu.memory_space<semaphore_mem>> -> memref<!tpu.dma_semaphore, #tpu.memory_space<semaphore_mem>>
        %dma_start3A_409 = arith.constant 0 : i32
        %dma_start3A_410 = tpu.memref_slice %arg6[%dma_start3A_401, %dma_start3A_409] : memref<8x128xi32, #tpu.memory_space<vmem>> -> memref<1x128xi32, #tpu.memory_space<vmem>>
        %dma_start3A_411 = tpu.memref_squeeze %dma_start3A_410 : memref<1x128xi32, #tpu.memory_space<vmem>> -> memref<128xi32, #tpu.memory_space<vmem>>
        %dma_start3A_412 = tpu.memref_slice %arg2[%add3A_400] : memref<327680xi32, #tpu.memory_space<hbm>> -> memref<128xi32, #tpu.memory_space<hbm>>
        tpu.enqueue_dma source(%dma_start3A_412 : memref<128xi32, #tpu.memory_space<hbm>>) target(%dma_start3A_411 : memref<128xi32, #tpu.memory_space<vmem>>) target_semaphore(%dma_start3A_408 : memref<!tpu.dma_semaphore, #tpu.memory_space<semaphore_mem>>)
      } else {
      }
      %add3A_180 = arith.constant 2 : i32
      %add3A_181 = arith.addi %add3A_111, %add3A_180 : i32
      %dma_wait3A_182 = arith.constant 2 : i32
      %dma_wait3A_183 = arith.constant 2 : i32
      %dma_wait3A_184 = arith.constant 0 : i32
      %dma_wait3A_185 = tpu.memref_slice %arg6[%dma_wait3A_182, %dma_wait3A_184] : memref<8x128xi32, #tpu.memory_space<vmem>> -> memref<1x128xi32, #tpu.memory_space<vmem>>
      %dma_wait3A_186 = tpu.memref_squeeze %dma_wait3A_185 : memref<1x128xi32, #tpu.memory_space<vmem>> -> memref<128xi32, #tpu.memory_space<vmem>>
      %dma_wait3A_187 = tpu.memref_slice %arg2[%mul3A_2] : memref<327680xi32, #tpu.memory_space<hbm>> -> memref<128xi32, #tpu.memory_space<hbm>>
      %dma_wait3A_188 = tpu.memref_slice %arg9[%dma_wait3A_183] : memref<8x!tpu.dma_semaphore, #tpu.memory_space<semaphore_mem>> -> memref<1x!tpu.dma_semaphore, #tpu.memory_space<semaphore_mem>>
      %dma_wait3A_189 = tpu.memref_squeeze %dma_wait3A_188 : memref<1x!tpu.dma_semaphore, #tpu.memory_space<semaphore_mem>> -> memref<!tpu.dma_semaphore, #tpu.memory_space<semaphore_mem>>
      %dma_wait3A_190 = arith.constant 0 : i32
      %dma_wait3A_191 = tpu.memref_slice %arg6[%dma_wait3A_182, %dma_wait3A_190] : memref<8x128xi32, #tpu.memory_space<vmem>> -> memref<1x128xi32, #tpu.memory_space<vmem>>
      %dma_wait3A_192 = tpu.memref_squeeze %dma_wait3A_191 : memref<1x128xi32, #tpu.memory_space<vmem>> -> memref<128xi32, #tpu.memory_space<vmem>>
      %dma_wait3A_193 = tpu.memref_slice %arg2[%mul3A_2] : memref<327680xi32, #tpu.memory_space<hbm>> -> memref<128xi32, #tpu.memory_space<hbm>>
      tpu.wait_dma2 semaphore(%dma_wait3A_189 : memref<!tpu.dma_semaphore, #tpu.memory_space<semaphore_mem>>) src(%dma_wait3A_193 : memref<128xi32, #tpu.memory_space<hbm>>) dst(%dma_wait3A_192 : memref<128xi32, #tpu.memory_space<vmem>>)
      %dma_start3A_194 = arith.constant 2 : i32
      %dma_start3A_195 = arith.constant 2 : i32
      %dma_start3A_196 = arith.constant 0 : i32
      %dma_start3A_197 = tpu.memref_slice %arg6[%dma_start3A_194, %dma_start3A_196] : memref<8x128xi32, #tpu.memory_space<vmem>> -> memref<1x128xi32, #tpu.memory_space<vmem>>
      %dma_start3A_198 = tpu.memref_squeeze %dma_start3A_197 : memref<1x128xi32, #tpu.memory_space<vmem>> -> memref<128xi32, #tpu.memory_space<vmem>>
      %dma_start3A_199 = arith.constant 0 : i32
      %dma_start3A_200 = arith.constant 0 : i32
      %dma_start3A_201 = tpu.memref_slice %arg8[%dma_start3A_199, %dma_start3A_200] : memref<10112x128xf32, #tpu.memory_space<vmem_shared>> -> memref<10112x128xf32, #tpu.memory_space<vmem_shared>>
      %dma_start3A_202 = tpu.memref_slice %arg10[%dma_start3A_195] : memref<8x!tpu.dma_semaphore, #tpu.memory_space<semaphore_mem>> -> memref<1x!tpu.dma_semaphore, #tpu.memory_space<semaphore_mem>>
      %dma_start3A_203 = tpu.memref_squeeze %dma_start3A_202 : memref<1x!tpu.dma_semaphore, #tpu.memory_space<semaphore_mem>> -> memref<!tpu.dma_semaphore, #tpu.memory_space<semaphore_mem>>
      tpu.enqueue_indirect_dma source(%arg7 : memref<128x128xf32, #tpu.memory_space<vmem>>) target(%dma_start3A_201 : memref<10112x128xf32, #tpu.memory_space<vmem_shared>>) offsets(%dma_start3A_198 : memref<128xi32, #tpu.memory_space<vmem>>) semaphore(%dma_start3A_203 : memref<!tpu.dma_semaphore, #tpu.memory_space<semaphore_mem>>) {add = true}
      %ge3A_204 = arith.constant 4 : i32
      %ge3A_205 = arith.cmpi sge, %add3A_181, %ge3A_204 : i32
      %convert_element_type3A_206 = arith.extui %ge3A_205 : i1 to i32
      %cond3A_207 = arith.constant 0 : i32
      %cond3A_208 = arith.cmpi ne, %convert_element_type3A_206, %cond3A_207 : i32
      scf.if %cond3A_208 {
        %dma_wait3A_396 = arith.constant 6 : i32
        %dma_wait3A_397 = arith.constant 6 : i32
        %dma_wait3A_398 = arith.constant 0 : i32
        %dma_wait3A_399 = tpu.memref_slice %arg6[%dma_wait3A_396, %dma_wait3A_398] : memref<8x128xi32, #tpu.memory_space<vmem>> -> memref<1x128xi32, #tpu.memory_space<vmem>>
        %dma_wait3A_400 = tpu.memref_squeeze %dma_wait3A_399 : memref<1x128xi32, #tpu.memory_space<vmem>> -> memref<128xi32, #tpu.memory_space<vmem>>
        %dma_wait3A_401 = arith.constant 0 : i32
        %dma_wait3A_402 = arith.constant 0 : i32
        %dma_wait3A_403 = tpu.memref_slice %arg8[%dma_wait3A_401, %dma_wait3A_402] : memref<10112x128xf32, #tpu.memory_space<vmem_shared>> -> memref<10112x128xf32, #tpu.memory_space<vmem_shared>>
        %dma_wait3A_404 = tpu.memref_slice %arg10[%dma_wait3A_397] : memref<8x!tpu.dma_semaphore, #tpu.memory_space<semaphore_mem>> -> memref<1x!tpu.dma_semaphore, #tpu.memory_space<semaphore_mem>>
        %dma_wait3A_405 = tpu.memref_squeeze %dma_wait3A_404 : memref<1x!tpu.dma_semaphore, #tpu.memory_space<semaphore_mem>> -> memref<!tpu.dma_semaphore, #tpu.memory_space<semaphore_mem>>
        tpu.wait_indirect_dma semaphore(%dma_wait3A_405 : memref<!tpu.dma_semaphore, #tpu.memory_space<semaphore_mem>>) src(%arg7 : memref<128x128xf32, #tpu.memory_space<vmem>>) dst(%dma_wait3A_403 : memref<10112x128xf32, #tpu.memory_space<vmem_shared>>)
      } else {
      }
      %add3A_209 = arith.constant 4 : i32
      %add3A_210 = arith.addi %add3A_181, %add3A_209 : i32
      %lt3A_211 = arith.constant 80 : i32
      %lt3A_212 = arith.cmpi slt, %add3A_210, %lt3A_211 : i32
      %convert_element_type3A_213 = arith.extui %lt3A_212 : i1 to i32
      %cond3A_214 = arith.constant 0 : i32
      %cond3A_215 = arith.cmpi ne, %convert_element_type3A_213, %cond3A_214 : i32
      scf.if %cond3A_215 {
        %add3A_396 = arith.constant 4 : i32
        %add3A_397 = arith.addi %add3A_181, %add3A_396 : i32
        %mul3A_398 = arith.constant 128 : i32
        %mul3A_399 = arith.muli %add3A_397, %mul3A_398 : i32
        %add3A_400 = arith.addi %mul3A_2, %mul3A_399 : i32
        %dma_start3A_401 = arith.constant 6 : i32
        %dma_start3A_402 = arith.constant 6 : i32
        %dma_start3A_403 = arith.constant 0 : i32
        %dma_start3A_404 = tpu.memref_slice %arg6[%dma_start3A_401, %dma_start3A_403] : memref<8x128xi32, #tpu.memory_space<vmem>> -> memref<1x128xi32, #tpu.memory_space<vmem>>
        %dma_start3A_405 = tpu.memref_squeeze %dma_start3A_404 : memref<1x128xi32, #tpu.memory_space<vmem>> -> memref<128xi32, #tpu.memory_space<vmem>>
        %dma_start3A_406 = tpu.memref_slice %arg2[%add3A_400] : memref<327680xi32, #tpu.memory_space<hbm>> -> memref<128xi32, #tpu.memory_space<hbm>>
        %dma_start3A_407 = tpu.memref_slice %arg9[%dma_start3A_402] : memref<8x!tpu.dma_semaphore, #tpu.memory_space<semaphore_mem>> -> memref<1x!tpu.dma_semaphore, #tpu.memory_space<semaphore_mem>>
        %dma_start3A_408 = tpu.memref_squeeze %dma_start3A_407 : memref<1x!tpu.dma_semaphore, #tpu.memory_space<semaphore_mem>> -> memref<!tpu.dma_semaphore, #tpu.memory_space<semaphore_mem>>
        %dma_start3A_409 = arith.constant 0 : i32
        %dma_start3A_410 = tpu.memref_slice %arg6[%dma_start3A_401, %dma_start3A_409] : memref<8x128xi32, #tpu.memory_space<vmem>> -> memref<1x128xi32, #tpu.memory_space<vmem>>
        %dma_start3A_411 = tpu.memref_squeeze %dma_start3A_410 : memref<1x128xi32, #tpu.memory_space<vmem>> -> memref<128xi32, #tpu.memory_space<vmem>>
        %dma_start3A_412 = tpu.memref_slice %arg2[%add3A_400] : memref<327680xi32, #tpu.memory_space<hbm>> -> memref<128xi32, #tpu.memory_space<hbm>>
        tpu.enqueue_dma source(%dma_start3A_412 : memref<128xi32, #tpu.memory_space<hbm>>) target(%dma_start3A_411 : memref<128xi32, #tpu.memory_space<vmem>>) target_semaphore(%dma_start3A_408 : memref<!tpu.dma_semaphore, #tpu.memory_space<semaphore_mem>>)
      } else {
      }
      %add3A_216 = arith.constant 3 : i32
      %add3A_217 = arith.addi %add3A_111, %add3A_216 : i32
      %dma_wait3A_218 = arith.constant 3 : i32
      %dma_wait3A_219 = arith.constant 3 : i32
      %dma_wait3A_220 = arith.constant 0 : i32
      %dma_wait3A_221 = tpu.memref_slice %arg6[%dma_wait3A_218, %dma_wait3A_220] : memref<8x128xi32, #tpu.memory_space<vmem>> -> memref<1x128xi32, #tpu.memory_space<vmem>>
      %dma_wait3A_222 = tpu.memref_squeeze %dma_wait3A_221 : memref<1x128xi32, #tpu.memory_space<vmem>> -> memref<128xi32, #tpu.memory_space<vmem>>
      %dma_wait3A_223 = tpu.memref_slice %arg2[%mul3A_2] : memref<327680xi32, #tpu.memory_space<hbm>> -> memref<128xi32, #tpu.memory_space<hbm>>
      %dma_wait3A_224 = tpu.memref_slice %arg9[%dma_wait3A_219] : memref<8x!tpu.dma_semaphore, #tpu.memory_space<semaphore_mem>> -> memref<1x!tpu.dma_semaphore, #tpu.memory_space<semaphore_mem>>
      %dma_wait3A_225 = tpu.memref_squeeze %dma_wait3A_224 : memref<1x!tpu.dma_semaphore, #tpu.memory_space<semaphore_mem>> -> memref<!tpu.dma_semaphore, #tpu.memory_space<semaphore_mem>>
      %dma_wait3A_226 = arith.constant 0 : i32
      %dma_wait3A_227 = tpu.memref_slice %arg6[%dma_wait3A_218, %dma_wait3A_226] : memref<8x128xi32, #tpu.memory_space<vmem>> -> memref<1x128xi32, #tpu.memory_space<vmem>>
      %dma_wait3A_228 = tpu.memref_squeeze %dma_wait3A_227 : memref<1x128xi32, #tpu.memory_space<vmem>> -> memref<128xi32, #tpu.memory_space<vmem>>
      %dma_wait3A_229 = tpu.memref_slice %arg2[%mul3A_2] : memref<327680xi32, #tpu.memory_space<hbm>> -> memref<128xi32, #tpu.memory_space<hbm>>
      tpu.wait_dma2 semaphore(%dma_wait3A_225 : memref<!tpu.dma_semaphore, #tpu.memory_space<semaphore_mem>>) src(%dma_wait3A_229 : memref<128xi32, #tpu.memory_space<hbm>>) dst(%dma_wait3A_228 : memref<128xi32, #tpu.memory_space<vmem>>)
      %dma_start3A_230 = arith.constant 3 : i32
      %dma_start3A_231 = arith.constant 3 : i32
      %dma_start3A_232 = arith.constant 0 : i32
      %dma_start3A_233 = tpu.memref_slice %arg6[%dma_start3A_230, %dma_start3A_232] : memref<8x128xi32, #tpu.memory_space<vmem>> -> memref<1x128xi32, #tpu.memory_space<vmem>>
      %dma_start3A_234 = tpu.memref_squeeze %dma_start3A_233 : memref<1x128xi32, #tpu.memory_space<vmem>> -> memref<128xi32, #tpu.memory_space<vmem>>
      %dma_start3A_235 = arith.constant 0 : i32
      %dma_start3A_236 = arith.constant 0 : i32
      %dma_start3A_237 = tpu.memref_slice %arg8[%dma_start3A_235, %dma_start3A_236] : memref<10112x128xf32, #tpu.memory_space<vmem_shared>> -> memref<10112x128xf32, #tpu.memory_space<vmem_shared>>
      %dma_start3A_238 = tpu.memref_slice %arg10[%dma_start3A_231] : memref<8x!tpu.dma_semaphore, #tpu.memory_space<semaphore_mem>> -> memref<1x!tpu.dma_semaphore, #tpu.memory_space<semaphore_mem>>
      %dma_start3A_239 = tpu.memref_squeeze %dma_start3A_238 : memref<1x!tpu.dma_semaphore, #tpu.memory_space<semaphore_mem>> -> memref<!tpu.dma_semaphore, #tpu.memory_space<semaphore_mem>>
      tpu.enqueue_indirect_dma source(%arg7 : memref<128x128xf32, #tpu.memory_space<vmem>>) target(%dma_start3A_237 : memref<10112x128xf32, #tpu.memory_space<vmem_shared>>) offsets(%dma_start3A_234 : memref<128xi32, #tpu.memory_space<vmem>>) semaphore(%dma_start3A_239 : memref<!tpu.dma_semaphore, #tpu.memory_space<semaphore_mem>>) {add = true}
      %ge3A_240 = arith.constant 4 : i32
      %ge3A_241 = arith.cmpi sge, %add3A_217, %ge3A_240 : i32
      %convert_element_type3A_242 = arith.extui %ge3A_241 : i1 to i32
      %cond3A_243 = arith.constant 0 : i32
      %cond3A_244 = arith.cmpi ne, %convert_element_type3A_242, %cond3A_243 : i32
      scf.if %cond3A_244 {
        %dma_wait3A_396 = arith.constant 7 : i32
        %dma_wait3A_397 = arith.constant 7 : i32
        %dma_wait3A_398 = arith.constant 0 : i32
        %dma_wait3A_399 = tpu.memref_slice %arg6[%dma_wait3A_396, %dma_wait3A_398] : memref<8x128xi32, #tpu.memory_space<vmem>> -> memref<1x128xi32, #tpu.memory_space<vmem>>
        %dma_wait3A_400 = tpu.memref_squeeze %dma_wait3A_399 : memref<1x128xi32, #tpu.memory_space<vmem>> -> memref<128xi32, #tpu.memory_space<vmem>>
        %dma_wait3A_401 = arith.constant 0 : i32
        %dma_wait3A_402 = arith.constant 0 : i32
        %dma_wait3A_403 = tpu.memref_slice %arg8[%dma_wait3A_401, %dma_wait3A_402] : memref<10112x128xf32, #tpu.memory_space<vmem_shared>> -> memref<10112x128xf32, #tpu.memory_space<vmem_shared>>
        %dma_wait3A_404 = tpu.memref_slice %arg10[%dma_wait3A_397] : memref<8x!tpu.dma_semaphore, #tpu.memory_space<semaphore_mem>> -> memref<1x!tpu.dma_semaphore, #tpu.memory_space<semaphore_mem>>
        %dma_wait3A_405 = tpu.memref_squeeze %dma_wait3A_404 : memref<1x!tpu.dma_semaphore, #tpu.memory_space<semaphore_mem>> -> memref<!tpu.dma_semaphore, #tpu.memory_space<semaphore_mem>>
        tpu.wait_indirect_dma semaphore(%dma_wait3A_405 : memref<!tpu.dma_semaphore, #tpu.memory_space<semaphore_mem>>) src(%arg7 : memref<128x128xf32, #tpu.memory_space<vmem>>) dst(%dma_wait3A_403 : memref<10112x128xf32, #tpu.memory_space<vmem_shared>>)
      } else {
      }
      %add3A_245 = arith.constant 4 : i32
      %add3A_246 = arith.addi %add3A_217, %add3A_245 : i32
      %lt3A_247 = arith.constant 80 : i32
      %lt3A_248 = arith.cmpi slt, %add3A_246, %lt3A_247 : i32
      %convert_element_type3A_249 = arith.extui %lt3A_248 : i1 to i32
      %cond3A_250 = arith.constant 0 : i32
      %cond3A_251 = arith.cmpi ne, %convert_element_type3A_249, %cond3A_250 : i32
      scf.if %cond3A_251 {
        %add3A_396 = arith.constant 4 : i32
        %add3A_397 = arith.addi %add3A_217, %add3A_396 : i32
        %mul3A_398 = arith.constant 128 : i32
        %mul3A_399 = arith.muli %add3A_397, %mul3A_398 : i32
        %add3A_400 = arith.addi %mul3A_2, %mul3A_399 : i32
        %dma_start3A_401 = arith.constant 7 : i32
        %dma_start3A_402 = arith.constant 7 : i32
        %dma_start3A_403 = arith.constant 0 : i32
        %dma_start3A_404 = tpu.memref_slice %arg6[%dma_start3A_401, %dma_start3A_403] : memref<8x128xi32, #tpu.memory_space<vmem>> -> memref<1x128xi32, #tpu.memory_space<vmem>>
        %dma_start3A_405 = tpu.memref_squeeze %dma_start3A_404 : memref<1x128xi32, #tpu.memory_space<vmem>> -> memref<128xi32, #tpu.memory_space<vmem>>
        %dma_start3A_406 = tpu.memref_slice %arg2[%add3A_400] : memref<327680xi32, #tpu.memory_space<hbm>> -> memref<128xi32, #tpu.memory_space<hbm>>
        %dma_start3A_407 = tpu.memref_slice %arg9[%dma_start3A_402] : memref<8x!tpu.dma_semaphore, #tpu.memory_space<semaphore_mem>> -> memref<1x!tpu.dma_semaphore, #tpu.memory_space<semaphore_mem>>
        %dma_start3A_408 = tpu.memref_squeeze %dma_start3A_407 : memref<1x!tpu.dma_semaphore, #tpu.memory_space<semaphore_mem>> -> memref<!tpu.dma_semaphore, #tpu.memory_space<semaphore_mem>>
        %dma_start3A_409 = arith.constant 0 : i32
        %dma_start3A_410 = tpu.memref_slice %arg6[%dma_start3A_401, %dma_start3A_409] : memref<8x128xi32, #tpu.memory_space<vmem>> -> memref<1x128xi32, #tpu.memory_space<vmem>>
        %dma_start3A_411 = tpu.memref_squeeze %dma_start3A_410 : memref<1x128xi32, #tpu.memory_space<vmem>> -> memref<128xi32, #tpu.memory_space<vmem>>
        %dma_start3A_412 = tpu.memref_slice %arg2[%add3A_400] : memref<327680xi32, #tpu.memory_space<hbm>> -> memref<128xi32, #tpu.memory_space<hbm>>
        tpu.enqueue_dma source(%dma_start3A_412 : memref<128xi32, #tpu.memory_space<hbm>>) target(%dma_start3A_411 : memref<128xi32, #tpu.memory_space<vmem>>) target_semaphore(%dma_start3A_408 : memref<!tpu.dma_semaphore, #tpu.memory_space<semaphore_mem>>)
      } else {
      }
      %add3A_252 = arith.constant 4 : i32
      %add3A_253 = arith.addi %add3A_111, %add3A_252 : i32
      %dma_wait3A_254 = arith.constant 4 : i32
      %dma_wait3A_255 = arith.constant 4 : i32
      %dma_wait3A_256 = arith.constant 0 : i32
      %dma_wait3A_257 = tpu.memref_slice %arg6[%dma_wait3A_254, %dma_wait3A_256] : memref<8x128xi32, #tpu.memory_space<vmem>> -> memref<1x128xi32, #tpu.memory_space<vmem>>
      %dma_wait3A_258 = tpu.memref_squeeze %dma_wait3A_257 : memref<1x128xi32, #tpu.memory_space<vmem>> -> memref<128xi32, #tpu.memory_space<vmem>>
      %dma_wait3A_259 = tpu.memref_slice %arg2[%mul3A_2] : memref<327680xi32, #tpu.memory_space<hbm>> -> memref<128xi32, #tpu.memory_space<hbm>>
      %dma_wait3A_260 = tpu.memref_slice %arg9[%dma_wait3A_255] : memref<8x!tpu.dma_semaphore, #tpu.memory_space<semaphore_mem>> -> memref<1x!tpu.dma_semaphore, #tpu.memory_space<semaphore_mem>>
      %dma_wait3A_261 = tpu.memref_squeeze %dma_wait3A_260 : memref<1x!tpu.dma_semaphore, #tpu.memory_space<semaphore_mem>> -> memref<!tpu.dma_semaphore, #tpu.memory_space<semaphore_mem>>
      %dma_wait3A_262 = arith.constant 0 : i32
      %dma_wait3A_263 = tpu.memref_slice %arg6[%dma_wait3A_254, %dma_wait3A_262] : memref<8x128xi32, #tpu.memory_space<vmem>> -> memref<1x128xi32, #tpu.memory_space<vmem>>
      %dma_wait3A_264 = tpu.memref_squeeze %dma_wait3A_263 : memref<1x128xi32, #tpu.memory_space<vmem>> -> memref<128xi32, #tpu.memory_space<vmem>>
      %dma_wait3A_265 = tpu.memref_slice %arg2[%mul3A_2] : memref<327680xi32, #tpu.memory_space<hbm>> -> memref<128xi32, #tpu.memory_space<hbm>>
      tpu.wait_dma2 semaphore(%dma_wait3A_261 : memref<!tpu.dma_semaphore, #tpu.memory_space<semaphore_mem>>) src(%dma_wait3A_265 : memref<128xi32, #tpu.memory_space<hbm>>) dst(%dma_wait3A_264 : memref<128xi32, #tpu.memory_space<vmem>>)
      %dma_start3A_266 = arith.constant 4 : i32
      %dma_start3A_267 = arith.constant 4 : i32
      %dma_start3A_268 = arith.constant 0 : i32
      %dma_start3A_269 = tpu.memref_slice %arg6[%dma_start3A_266, %dma_start3A_268] : memref<8x128xi32, #tpu.memory_space<vmem>> -> memref<1x128xi32, #tpu.memory_space<vmem>>
      %dma_start3A_270 = tpu.memref_squeeze %dma_start3A_269 : memref<1x128xi32, #tpu.memory_space<vmem>> -> memref<128xi32, #tpu.memory_space<vmem>>
      %dma_start3A_271 = arith.constant 0 : i32
      %dma_start3A_272 = arith.constant 0 : i32
      %dma_start3A_273 = tpu.memref_slice %arg8[%dma_start3A_271, %dma_start3A_272] : memref<10112x128xf32, #tpu.memory_space<vmem_shared>> -> memref<10112x128xf32, #tpu.memory_space<vmem_shared>>
      %dma_start3A_274 = tpu.memref_slice %arg10[%dma_start3A_267] : memref<8x!tpu.dma_semaphore, #tpu.memory_space<semaphore_mem>> -> memref<1x!tpu.dma_semaphore, #tpu.memory_space<semaphore_mem>>
      %dma_start3A_275 = tpu.memref_squeeze %dma_start3A_274 : memref<1x!tpu.dma_semaphore, #tpu.memory_space<semaphore_mem>> -> memref<!tpu.dma_semaphore, #tpu.memory_space<semaphore_mem>>
      tpu.enqueue_indirect_dma source(%arg7 : memref<128x128xf32, #tpu.memory_space<vmem>>) target(%dma_start3A_273 : memref<10112x128xf32, #tpu.memory_space<vmem_shared>>) offsets(%dma_start3A_270 : memref<128xi32, #tpu.memory_space<vmem>>) semaphore(%dma_start3A_275 : memref<!tpu.dma_semaphore, #tpu.memory_space<semaphore_mem>>) {add = true}
      %ge3A_276 = arith.constant 4 : i32
      %ge3A_277 = arith.cmpi sge, %add3A_253, %ge3A_276 : i32
      %convert_element_type3A_278 = arith.extui %ge3A_277 : i1 to i32
      %cond3A_279 = arith.constant 0 : i32
      %cond3A_280 = arith.cmpi ne, %convert_element_type3A_278, %cond3A_279 : i32
      scf.if %cond3A_280 {
        %dma_wait3A_396 = arith.constant 0 : i32
        %dma_wait3A_397 = arith.constant 0 : i32
        %dma_wait3A_398 = arith.constant 0 : i32
        %dma_wait3A_399 = tpu.memref_slice %arg6[%dma_wait3A_396, %dma_wait3A_398] : memref<8x128xi32, #tpu.memory_space<vmem>> -> memref<1x128xi32, #tpu.memory_space<vmem>>
        %dma_wait3A_400 = tpu.memref_squeeze %dma_wait3A_399 : memref<1x128xi32, #tpu.memory_space<vmem>> -> memref<128xi32, #tpu.memory_space<vmem>>
        %dma_wait3A_401 = arith.constant 0 : i32
        %dma_wait3A_402 = arith.constant 0 : i32
        %dma_wait3A_403 = tpu.memref_slice %arg8[%dma_wait3A_401, %dma_wait3A_402] : memref<10112x128xf32, #tpu.memory_space<vmem_shared>> -> memref<10112x128xf32, #tpu.memory_space<vmem_shared>>
        %dma_wait3A_404 = tpu.memref_slice %arg10[%dma_wait3A_397] : memref<8x!tpu.dma_semaphore, #tpu.memory_space<semaphore_mem>> -> memref<1x!tpu.dma_semaphore, #tpu.memory_space<semaphore_mem>>
        %dma_wait3A_405 = tpu.memref_squeeze %dma_wait3A_404 : memref<1x!tpu.dma_semaphore, #tpu.memory_space<semaphore_mem>> -> memref<!tpu.dma_semaphore, #tpu.memory_space<semaphore_mem>>
        tpu.wait_indirect_dma semaphore(%dma_wait3A_405 : memref<!tpu.dma_semaphore, #tpu.memory_space<semaphore_mem>>) src(%arg7 : memref<128x128xf32, #tpu.memory_space<vmem>>) dst(%dma_wait3A_403 : memref<10112x128xf32, #tpu.memory_space<vmem_shared>>)
      } else {
      }
      %add3A_281 = arith.constant 4 : i32
      %add3A_282 = arith.addi %add3A_253, %add3A_281 : i32
      %lt3A_283 = arith.constant 80 : i32
      %lt3A_284 = arith.cmpi slt, %add3A_282, %lt3A_283 : i32
      %convert_element_type3A_285 = arith.extui %lt3A_284 : i1 to i32
      %cond3A_286 = arith.constant 0 : i32
      %cond3A_287 = arith.cmpi ne, %convert_element_type3A_285, %cond3A_286 : i32
      scf.if %cond3A_287 {
        %add3A_396 = arith.constant 4 : i32
        %add3A_397 = arith.addi %add3A_253, %add3A_396 : i32
        %mul3A_398 = arith.constant 128 : i32
        %mul3A_399 = arith.muli %add3A_397, %mul3A_398 : i32
        %add3A_400 = arith.addi %mul3A_2, %mul3A_399 : i32
        %dma_start3A_401 = arith.constant 0 : i32
        %dma_start3A_402 = arith.constant 0 : i32
        %dma_start3A_403 = arith.constant 0 : i32
        %dma_start3A_404 = tpu.memref_slice %arg6[%dma_start3A_401, %dma_start3A_403] : memref<8x128xi32, #tpu.memory_space<vmem>> -> memref<1x128xi32, #tpu.memory_space<vmem>>
        %dma_start3A_405 = tpu.memref_squeeze %dma_start3A_404 : memref<1x128xi32, #tpu.memory_space<vmem>> -> memref<128xi32, #tpu.memory_space<vmem>>
        %dma_start3A_406 = tpu.memref_slice %arg2[%add3A_400] : memref<327680xi32, #tpu.memory_space<hbm>> -> memref<128xi32, #tpu.memory_space<hbm>>
        %dma_start3A_407 = tpu.memref_slice %arg9[%dma_start3A_402] : memref<8x!tpu.dma_semaphore, #tpu.memory_space<semaphore_mem>> -> memref<1x!tpu.dma_semaphore, #tpu.memory_space<semaphore_mem>>
        %dma_start3A_408 = tpu.memref_squeeze %dma_start3A_407 : memref<1x!tpu.dma_semaphore, #tpu.memory_space<semaphore_mem>> -> memref<!tpu.dma_semaphore, #tpu.memory_space<semaphore_mem>>
        %dma_start3A_409 = arith.constant 0 : i32
        %dma_start3A_410 = tpu.memref_slice %arg6[%dma_start3A_401, %dma_start3A_409] : memref<8x128xi32, #tpu.memory_space<vmem>> -> memref<1x128xi32, #tpu.memory_space<vmem>>
        %dma_start3A_411 = tpu.memref_squeeze %dma_start3A_410 : memref<1x128xi32, #tpu.memory_space<vmem>> -> memref<128xi32, #tpu.memory_space<vmem>>
        %dma_start3A_412 = tpu.memref_slice %arg2[%add3A_400] : memref<327680xi32, #tpu.memory_space<hbm>> -> memref<128xi32, #tpu.memory_space<hbm>>
        tpu.enqueue_dma source(%dma_start3A_412 : memref<128xi32, #tpu.memory_space<hbm>>) target(%dma_start3A_411 : memref<128xi32, #tpu.memory_space<vmem>>) target_semaphore(%dma_start3A_408 : memref<!tpu.dma_semaphore, #tpu.memory_space<semaphore_mem>>)
      } else {
      }
      %add3A_288 = arith.constant 5 : i32
      %add3A_289 = arith.addi %add3A_111, %add3A_288 : i32
      %dma_wait3A_290 = arith.constant 5 : i32
      %dma_wait3A_291 = arith.constant 5 : i32
      %dma_wait3A_292 = arith.constant 0 : i32
      %dma_wait3A_293 = tpu.memref_slice %arg6[%dma_wait3A_290, %dma_wait3A_292] : memref<8x128xi32, #tpu.memory_space<vmem>> -> memref<1x128xi32, #tpu.memory_space<vmem>>
      %dma_wait3A_294 = tpu.memref_squeeze %dma_wait3A_293 : memref<1x128xi32, #tpu.memory_space<vmem>> -> memref<128xi32, #tpu.memory_space<vmem>>
      %dma_wait3A_295 = tpu.memref_slice %arg2[%mul3A_2] : memref<327680xi32, #tpu.memory_space<hbm>> -> memref<128xi32, #tpu.memory_space<hbm>>
      %dma_wait3A_296 = tpu.memref_slice %arg9[%dma_wait3A_291] : memref<8x!tpu.dma_semaphore, #tpu.memory_space<semaphore_mem>> -> memref<1x!tpu.dma_semaphore, #tpu.memory_space<semaphore_mem>>
      %dma_wait3A_297 = tpu.memref_squeeze %dma_wait3A_296 : memref<1x!tpu.dma_semaphore, #tpu.memory_space<semaphore_mem>> -> memref<!tpu.dma_semaphore, #tpu.memory_space<semaphore_mem>>
      %dma_wait3A_298 = arith.constant 0 : i32
      %dma_wait3A_299 = tpu.memref_slice %arg6[%dma_wait3A_290, %dma_wait3A_298] : memref<8x128xi32, #tpu.memory_space<vmem>> -> memref<1x128xi32, #tpu.memory_space<vmem>>
      %dma_wait3A_300 = tpu.memref_squeeze %dma_wait3A_299 : memref<1x128xi32, #tpu.memory_space<vmem>> -> memref<128xi32, #tpu.memory_space<vmem>>
      %dma_wait3A_301 = tpu.memref_slice %arg2[%mul3A_2] : memref<327680xi32, #tpu.memory_space<hbm>> -> memref<128xi32, #tpu.memory_space<hbm>>
      tpu.wait_dma2 semaphore(%dma_wait3A_297 : memref<!tpu.dma_semaphore, #tpu.memory_space<semaphore_mem>>) src(%dma_wait3A_301 : memref<128xi32, #tpu.memory_space<hbm>>) dst(%dma_wait3A_300 : memref<128xi32, #tpu.memory_space<vmem>>)
      %dma_start3A_302 = arith.constant 5 : i32
      %dma_start3A_303 = arith.constant 5 : i32
      %dma_start3A_304 = arith.constant 0 : i32
      %dma_start3A_305 = tpu.memref_slice %arg6[%dma_start3A_302, %dma_start3A_304] : memref<8x128xi32, #tpu.memory_space<vmem>> -> memref<1x128xi32, #tpu.memory_space<vmem>>
      %dma_start3A_306 = tpu.memref_squeeze %dma_start3A_305 : memref<1x128xi32, #tpu.memory_space<vmem>> -> memref<128xi32, #tpu.memory_space<vmem>>
      %dma_start3A_307 = arith.constant 0 : i32
      %dma_start3A_308 = arith.constant 0 : i32
      %dma_start3A_309 = tpu.memref_slice %arg8[%dma_start3A_307, %dma_start3A_308] : memref<10112x128xf32, #tpu.memory_space<vmem_shared>> -> memref<10112x128xf32, #tpu.memory_space<vmem_shared>>
      %dma_start3A_310 = tpu.memref_slice %arg10[%dma_start3A_303] : memref<8x!tpu.dma_semaphore, #tpu.memory_space<semaphore_mem>> -> memref<1x!tpu.dma_semaphore, #tpu.memory_space<semaphore_mem>>
      %dma_start3A_311 = tpu.memref_squeeze %dma_start3A_310 : memref<1x!tpu.dma_semaphore, #tpu.memory_space<semaphore_mem>> -> memref<!tpu.dma_semaphore, #tpu.memory_space<semaphore_mem>>
      tpu.enqueue_indirect_dma source(%arg7 : memref<128x128xf32, #tpu.memory_space<vmem>>) target(%dma_start3A_309 : memref<10112x128xf32, #tpu.memory_space<vmem_shared>>) offsets(%dma_start3A_306 : memref<128xi32, #tpu.memory_space<vmem>>) semaphore(%dma_start3A_311 : memref<!tpu.dma_semaphore, #tpu.memory_space<semaphore_mem>>) {add = true}
      %ge3A_312 = arith.constant 4 : i32
      %ge3A_313 = arith.cmpi sge, %add3A_289, %ge3A_312 : i32
      %convert_element_type3A_314 = arith.extui %ge3A_313 : i1 to i32
      %cond3A_315 = arith.constant 0 : i32
      %cond3A_316 = arith.cmpi ne, %convert_element_type3A_314, %cond3A_315 : i32
      scf.if %cond3A_316 {
        %dma_wait3A_396 = arith.constant 1 : i32
        %dma_wait3A_397 = arith.constant 1 : i32
        %dma_wait3A_398 = arith.constant 0 : i32
        %dma_wait3A_399 = tpu.memref_slice %arg6[%dma_wait3A_396, %dma_wait3A_398] : memref<8x128xi32, #tpu.memory_space<vmem>> -> memref<1x128xi32, #tpu.memory_space<vmem>>
        %dma_wait3A_400 = tpu.memref_squeeze %dma_wait3A_399 : memref<1x128xi32, #tpu.memory_space<vmem>> -> memref<128xi32, #tpu.memory_space<vmem>>
        %dma_wait3A_401 = arith.constant 0 : i32
        %dma_wait3A_402 = arith.constant 0 : i32
        %dma_wait3A_403 = tpu.memref_slice %arg8[%dma_wait3A_401, %dma_wait3A_402] : memref<10112x128xf32, #tpu.memory_space<vmem_shared>> -> memref<10112x128xf32, #tpu.memory_space<vmem_shared>>
        %dma_wait3A_404 = tpu.memref_slice %arg10[%dma_wait3A_397] : memref<8x!tpu.dma_semaphore, #tpu.memory_space<semaphore_mem>> -> memref<1x!tpu.dma_semaphore, #tpu.memory_space<semaphore_mem>>
        %dma_wait3A_405 = tpu.memref_squeeze %dma_wait3A_404 : memref<1x!tpu.dma_semaphore, #tpu.memory_space<semaphore_mem>> -> memref<!tpu.dma_semaphore, #tpu.memory_space<semaphore_mem>>
        tpu.wait_indirect_dma semaphore(%dma_wait3A_405 : memref<!tpu.dma_semaphore, #tpu.memory_space<semaphore_mem>>) src(%arg7 : memref<128x128xf32, #tpu.memory_space<vmem>>) dst(%dma_wait3A_403 : memref<10112x128xf32, #tpu.memory_space<vmem_shared>>)
      } else {
      }
      %add3A_317 = arith.constant 4 : i32
      %add3A_318 = arith.addi %add3A_289, %add3A_317 : i32
      %lt3A_319 = arith.constant 80 : i32
      %lt3A_320 = arith.cmpi slt, %add3A_318, %lt3A_319 : i32
      %convert_element_type3A_321 = arith.extui %lt3A_320 : i1 to i32
      %cond3A_322 = arith.constant 0 : i32
      %cond3A_323 = arith.cmpi ne, %convert_element_type3A_321, %cond3A_322 : i32
      scf.if %cond3A_323 {
        %add3A_396 = arith.constant 4 : i32
        %add3A_397 = arith.addi %add3A_289, %add3A_396 : i32
        %mul3A_398 = arith.constant 128 : i32
        %mul3A_399 = arith.muli %add3A_397, %mul3A_398 : i32
        %add3A_400 = arith.addi %mul3A_2, %mul3A_399 : i32
        %dma_start3A_401 = arith.constant 1 : i32
        %dma_start3A_402 = arith.constant 1 : i32
        %dma_start3A_403 = arith.constant 0 : i32
        %dma_start3A_404 = tpu.memref_slice %arg6[%dma_start3A_401, %dma_start3A_403] : memref<8x128xi32, #tpu.memory_space<vmem>> -> memref<1x128xi32, #tpu.memory_space<vmem>>
        %dma_start3A_405 = tpu.memref_squeeze %dma_start3A_404 : memref<1x128xi32, #tpu.memory_space<vmem>> -> memref<128xi32, #tpu.memory_space<vmem>>
        %dma_start3A_406 = tpu.memref_slice %arg2[%add3A_400] : memref<327680xi32, #tpu.memory_space<hbm>> -> memref<128xi32, #tpu.memory_space<hbm>>
        %dma_start3A_407 = tpu.memref_slice %arg9[%dma_start3A_402] : memref<8x!tpu.dma_semaphore, #tpu.memory_space<semaphore_mem>> -> memref<1x!tpu.dma_semaphore, #tpu.memory_space<semaphore_mem>>
        %dma_start3A_408 = tpu.memref_squeeze %dma_start3A_407 : memref<1x!tpu.dma_semaphore, #tpu.memory_space<semaphore_mem>> -> memref<!tpu.dma_semaphore, #tpu.memory_space<semaphore_mem>>
        %dma_start3A_409 = arith.constant 0 : i32
        %dma_start3A_410 = tpu.memref_slice %arg6[%dma_start3A_401, %dma_start3A_409] : memref<8x128xi32, #tpu.memory_space<vmem>> -> memref<1x128xi32, #tpu.memory_space<vmem>>
        %dma_start3A_411 = tpu.memref_squeeze %dma_start3A_410 : memref<1x128xi32, #tpu.memory_space<vmem>> -> memref<128xi32, #tpu.memory_space<vmem>>
        %dma_start3A_412 = tpu.memref_slice %arg2[%add3A_400] : memref<327680xi32, #tpu.memory_space<hbm>> -> memref<128xi32, #tpu.memory_space<hbm>>
        tpu.enqueue_dma source(%dma_start3A_412 : memref<128xi32, #tpu.memory_space<hbm>>) target(%dma_start3A_411 : memref<128xi32, #tpu.memory_space<vmem>>) target_semaphore(%dma_start3A_408 : memref<!tpu.dma_semaphore, #tpu.memory_space<semaphore_mem>>)
      } else {
      }
      %add3A_324 = arith.constant 6 : i32
      %add3A_325 = arith.addi %add3A_111, %add3A_324 : i32
      %dma_wait3A_326 = arith.constant 6 : i32
      %dma_wait3A_327 = arith.constant 6 : i32
      %dma_wait3A_328 = arith.constant 0 : i32
      %dma_wait3A_329 = tpu.memref_slice %arg6[%dma_wait3A_326, %dma_wait3A_328] : memref<8x128xi32, #tpu.memory_space<vmem>> -> memref<1x128xi32, #tpu.memory_space<vmem>>
      %dma_wait3A_330 = tpu.memref_squeeze %dma_wait3A_329 : memref<1x128xi32, #tpu.memory_space<vmem>> -> memref<128xi32, #tpu.memory_space<vmem>>
      %dma_wait3A_331 = tpu.memref_slice %arg2[%mul3A_2] : memref<327680xi32, #tpu.memory_space<hbm>> -> memref<128xi32, #tpu.memory_space<hbm>>
      %dma_wait3A_332 = tpu.memref_slice %arg9[%dma_wait3A_327] : memref<8x!tpu.dma_semaphore, #tpu.memory_space<semaphore_mem>> -> memref<1x!tpu.dma_semaphore, #tpu.memory_space<semaphore_mem>>
      %dma_wait3A_333 = tpu.memref_squeeze %dma_wait3A_332 : memref<1x!tpu.dma_semaphore, #tpu.memory_space<semaphore_mem>> -> memref<!tpu.dma_semaphore, #tpu.memory_space<semaphore_mem>>
      %dma_wait3A_334 = arith.constant 0 : i32
      %dma_wait3A_335 = tpu.memref_slice %arg6[%dma_wait3A_326, %dma_wait3A_334] : memref<8x128xi32, #tpu.memory_space<vmem>> -> memref<1x128xi32, #tpu.memory_space<vmem>>
      %dma_wait3A_336 = tpu.memref_squeeze %dma_wait3A_335 : memref<1x128xi32, #tpu.memory_space<vmem>> -> memref<128xi32, #tpu.memory_space<vmem>>
      %dma_wait3A_337 = tpu.memref_slice %arg2[%mul3A_2] : memref<327680xi32, #tpu.memory_space<hbm>> -> memref<128xi32, #tpu.memory_space<hbm>>
      tpu.wait_dma2 semaphore(%dma_wait3A_333 : memref<!tpu.dma_semaphore, #tpu.memory_space<semaphore_mem>>) src(%dma_wait3A_337 : memref<128xi32, #tpu.memory_space<hbm>>) dst(%dma_wait3A_336 : memref<128xi32, #tpu.memory_space<vmem>>)
      %dma_start3A_338 = arith.constant 6 : i32
      %dma_start3A_339 = arith.constant 6 : i32
      %dma_start3A_340 = arith.constant 0 : i32
      %dma_start3A_341 = tpu.memref_slice %arg6[%dma_start3A_338, %dma_start3A_340] : memref<8x128xi32, #tpu.memory_space<vmem>> -> memref<1x128xi32, #tpu.memory_space<vmem>>
      %dma_start3A_342 = tpu.memref_squeeze %dma_start3A_341 : memref<1x128xi32, #tpu.memory_space<vmem>> -> memref<128xi32, #tpu.memory_space<vmem>>
      %dma_start3A_343 = arith.constant 0 : i32
      %dma_start3A_344 = arith.constant 0 : i32
      %dma_start3A_345 = tpu.memref_slice %arg8[%dma_start3A_343, %dma_start3A_344] : memref<10112x128xf32, #tpu.memory_space<vmem_shared>> -> memref<10112x128xf32, #tpu.memory_space<vmem_shared>>
      %dma_start3A_346 = tpu.memref_slice %arg10[%dma_start3A_339] : memref<8x!tpu.dma_semaphore, #tpu.memory_space<semaphore_mem>> -> memref<1x!tpu.dma_semaphore, #tpu.memory_space<semaphore_mem>>
      %dma_start3A_347 = tpu.memref_squeeze %dma_start3A_346 : memref<1x!tpu.dma_semaphore, #tpu.memory_space<semaphore_mem>> -> memref<!tpu.dma_semaphore, #tpu.memory_space<semaphore_mem>>
      tpu.enqueue_indirect_dma source(%arg7 : memref<128x128xf32, #tpu.memory_space<vmem>>) target(%dma_start3A_345 : memref<10112x128xf32, #tpu.memory_space<vmem_shared>>) offsets(%dma_start3A_342 : memref<128xi32, #tpu.memory_space<vmem>>) semaphore(%dma_start3A_347 : memref<!tpu.dma_semaphore, #tpu.memory_space<semaphore_mem>>) {add = true}
      %ge3A_348 = arith.constant 4 : i32
      %ge3A_349 = arith.cmpi sge, %add3A_325, %ge3A_348 : i32
      %convert_element_type3A_350 = arith.extui %ge3A_349 : i1 to i32
      %cond3A_351 = arith.constant 0 : i32
      %cond3A_352 = arith.cmpi ne, %convert_element_type3A_350, %cond3A_351 : i32
      scf.if %cond3A_352 {
        %dma_wait3A_396 = arith.constant 2 : i32
        %dma_wait3A_397 = arith.constant 2 : i32
        %dma_wait3A_398 = arith.constant 0 : i32
        %dma_wait3A_399 = tpu.memref_slice %arg6[%dma_wait3A_396, %dma_wait3A_398] : memref<8x128xi32, #tpu.memory_space<vmem>> -> memref<1x128xi32, #tpu.memory_space<vmem>>
        %dma_wait3A_400 = tpu.memref_squeeze %dma_wait3A_399 : memref<1x128xi32, #tpu.memory_space<vmem>> -> memref<128xi32, #tpu.memory_space<vmem>>
        %dma_wait3A_401 = arith.constant 0 : i32
        %dma_wait3A_402 = arith.constant 0 : i32
        %dma_wait3A_403 = tpu.memref_slice %arg8[%dma_wait3A_401, %dma_wait3A_402] : memref<10112x128xf32, #tpu.memory_space<vmem_shared>> -> memref<10112x128xf32, #tpu.memory_space<vmem_shared>>
        %dma_wait3A_404 = tpu.memref_slice %arg10[%dma_wait3A_397] : memref<8x!tpu.dma_semaphore, #tpu.memory_space<semaphore_mem>> -> memref<1x!tpu.dma_semaphore, #tpu.memory_space<semaphore_mem>>
        %dma_wait3A_405 = tpu.memref_squeeze %dma_wait3A_404 : memref<1x!tpu.dma_semaphore, #tpu.memory_space<semaphore_mem>> -> memref<!tpu.dma_semaphore, #tpu.memory_space<semaphore_mem>>
        tpu.wait_indirect_dma semaphore(%dma_wait3A_405 : memref<!tpu.dma_semaphore, #tpu.memory_space<semaphore_mem>>) src(%arg7 : memref<128x128xf32, #tpu.memory_space<vmem>>) dst(%dma_wait3A_403 : memref<10112x128xf32, #tpu.memory_space<vmem_shared>>)
      } else {
      }
      %add3A_353 = arith.constant 4 : i32
      %add3A_354 = arith.addi %add3A_325, %add3A_353 : i32
      %lt3A_355 = arith.constant 80 : i32
      %lt3A_356 = arith.cmpi slt, %add3A_354, %lt3A_355 : i32
      %convert_element_type3A_357 = arith.extui %lt3A_356 : i1 to i32
      %cond3A_358 = arith.constant 0 : i32
      %cond3A_359 = arith.cmpi ne, %convert_element_type3A_357, %cond3A_358 : i32
      scf.if %cond3A_359 {
        %add3A_396 = arith.constant 4 : i32
        %add3A_397 = arith.addi %add3A_325, %add3A_396 : i32
        %mul3A_398 = arith.constant 128 : i32
        %mul3A_399 = arith.muli %add3A_397, %mul3A_398 : i32
        %add3A_400 = arith.addi %mul3A_2, %mul3A_399 : i32
        %dma_start3A_401 = arith.constant 2 : i32
        %dma_start3A_402 = arith.constant 2 : i32
        %dma_start3A_403 = arith.constant 0 : i32
        %dma_start3A_404 = tpu.memref_slice %arg6[%dma_start3A_401, %dma_start3A_403] : memref<8x128xi32, #tpu.memory_space<vmem>> -> memref<1x128xi32, #tpu.memory_space<vmem>>
        %dma_start3A_405 = tpu.memref_squeeze %dma_start3A_404 : memref<1x128xi32, #tpu.memory_space<vmem>> -> memref<128xi32, #tpu.memory_space<vmem>>
        %dma_start3A_406 = tpu.memref_slice %arg2[%add3A_400] : memref<327680xi32, #tpu.memory_space<hbm>> -> memref<128xi32, #tpu.memory_space<hbm>>
        %dma_start3A_407 = tpu.memref_slice %arg9[%dma_start3A_402] : memref<8x!tpu.dma_semaphore, #tpu.memory_space<semaphore_mem>> -> memref<1x!tpu.dma_semaphore, #tpu.memory_space<semaphore_mem>>
        %dma_start3A_408 = tpu.memref_squeeze %dma_start3A_407 : memref<1x!tpu.dma_semaphore, #tpu.memory_space<semaphore_mem>> -> memref<!tpu.dma_semaphore, #tpu.memory_space<semaphore_mem>>
        %dma_start3A_409 = arith.constant 0 : i32
        %dma_start3A_410 = tpu.memref_slice %arg6[%dma_start3A_401, %dma_start3A_409] : memref<8x128xi32, #tpu.memory_space<vmem>> -> memref<1x128xi32, #tpu.memory_space<vmem>>
        %dma_start3A_411 = tpu.memref_squeeze %dma_start3A_410 : memref<1x128xi32, #tpu.memory_space<vmem>> -> memref<128xi32, #tpu.memory_space<vmem>>
        %dma_start3A_412 = tpu.memref_slice %arg2[%add3A_400] : memref<327680xi32, #tpu.memory_space<hbm>> -> memref<128xi32, #tpu.memory_space<hbm>>
        tpu.enqueue_dma source(%dma_start3A_412 : memref<128xi32, #tpu.memory_space<hbm>>) target(%dma_start3A_411 : memref<128xi32, #tpu.memory_space<vmem>>) target_semaphore(%dma_start3A_408 : memref<!tpu.dma_semaphore, #tpu.memory_space<semaphore_mem>>)
      } else {
      }
      %add3A_360 = arith.constant 7 : i32
      %add3A_361 = arith.addi %add3A_111, %add3A_360 : i32
      %dma_wait3A_362 = arith.constant 7 : i32
      %dma_wait3A_363 = arith.constant 7 : i32
      %dma_wait3A_364 = arith.constant 0 : i32
      %dma_wait3A_365 = tpu.memref_slice %arg6[%dma_wait3A_362, %dma_wait3A_364] : memref<8x128xi32, #tpu.memory_space<vmem>> -> memref<1x128xi32, #tpu.memory_space<vmem>>
      %dma_wait3A_366 = tpu.memref_squeeze %dma_wait3A_365 : memref<1x128xi32, #tpu.memory_space<vmem>> -> memref<128xi32, #tpu.memory_space<vmem>>
      %dma_wait3A_367 = tpu.memref_slice %arg2[%mul3A_2] : memref<327680xi32, #tpu.memory_space<hbm>> -> memref<128xi32, #tpu.memory_space<hbm>>
      %dma_wait3A_368 = tpu.memref_slice %arg9[%dma_wait3A_363] : memref<8x!tpu.dma_semaphore, #tpu.memory_space<semaphore_mem>> -> memref<1x!tpu.dma_semaphore, #tpu.memory_space<semaphore_mem>>
      %dma_wait3A_369 = tpu.memref_squeeze %dma_wait3A_368 : memref<1x!tpu.dma_semaphore, #tpu.memory_space<semaphore_mem>> -> memref<!tpu.dma_semaphore, #tpu.memory_space<semaphore_mem>>
      %dma_wait3A_370 = arith.constant 0 : i32
      %dma_wait3A_371 = tpu.memref_slice %arg6[%dma_wait3A_362, %dma_wait3A_370] : memref<8x128xi32, #tpu.memory_space<vmem>> -> memref<1x128xi32, #tpu.memory_space<vmem>>
      %dma_wait3A_372 = tpu.memref_squeeze %dma_wait3A_371 : memref<1x128xi32, #tpu.memory_space<vmem>> -> memref<128xi32, #tpu.memory_space<vmem>>
      %dma_wait3A_373 = tpu.memref_slice %arg2[%mul3A_2] : memref<327680xi32, #tpu.memory_space<hbm>> -> memref<128xi32, #tpu.memory_space<hbm>>
      tpu.wait_dma2 semaphore(%dma_wait3A_369 : memref<!tpu.dma_semaphore, #tpu.memory_space<semaphore_mem>>) src(%dma_wait3A_373 : memref<128xi32, #tpu.memory_space<hbm>>) dst(%dma_wait3A_372 : memref<128xi32, #tpu.memory_space<vmem>>)
      %dma_start3A_374 = arith.constant 7 : i32
      %dma_start3A_375 = arith.constant 7 : i32
      %dma_start3A_376 = arith.constant 0 : i32
      %dma_start3A_377 = tpu.memref_slice %arg6[%dma_start3A_374, %dma_start3A_376] : memref<8x128xi32, #tpu.memory_space<vmem>> -> memref<1x128xi32, #tpu.memory_space<vmem>>
      %dma_start3A_378 = tpu.memref_squeeze %dma_start3A_377 : memref<1x128xi32, #tpu.memory_space<vmem>> -> memref<128xi32, #tpu.memory_space<vmem>>
      %dma_start3A_379 = arith.constant 0 : i32
      %dma_start3A_380 = arith.constant 0 : i32
      %dma_start3A_381 = tpu.memref_slice %arg8[%dma_start3A_379, %dma_start3A_380] : memref<10112x128xf32, #tpu.memory_space<vmem_shared>> -> memref<10112x128xf32, #tpu.memory_space<vmem_shared>>
      %dma_start3A_382 = tpu.memref_slice %arg10[%dma_start3A_375] : memref<8x!tpu.dma_semaphore, #tpu.memory_space<semaphore_mem>> -> memref<1x!tpu.dma_semaphore, #tpu.memory_space<semaphore_mem>>
      %dma_start3A_383 = tpu.memref_squeeze %dma_start3A_382 : memref<1x!tpu.dma_semaphore, #tpu.memory_space<semaphore_mem>> -> memref<!tpu.dma_semaphore, #tpu.memory_space<semaphore_mem>>
      tpu.enqueue_indirect_dma source(%arg7 : memref<128x128xf32, #tpu.memory_space<vmem>>) target(%dma_start3A_381 : memref<10112x128xf32, #tpu.memory_space<vmem_shared>>) offsets(%dma_start3A_378 : memref<128xi32, #tpu.memory_space<vmem>>) semaphore(%dma_start3A_383 : memref<!tpu.dma_semaphore, #tpu.memory_space<semaphore_mem>>) {add = true}
      %ge3A_384 = arith.constant 4 : i32
      %ge3A_385 = arith.cmpi sge, %add3A_361, %ge3A_384 : i32
      %convert_element_type3A_386 = arith.extui %ge3A_385 : i1 to i32
      %cond3A_387 = arith.constant 0 : i32
      %cond3A_388 = arith.cmpi ne, %convert_element_type3A_386, %cond3A_387 : i32
      scf.if %cond3A_388 {
        %dma_wait3A_396 = arith.constant 3 : i32
        %dma_wait3A_397 = arith.constant 3 : i32
        %dma_wait3A_398 = arith.constant 0 : i32
        %dma_wait3A_399 = tpu.memref_slice %arg6[%dma_wait3A_396, %dma_wait3A_398] : memref<8x128xi32, #tpu.memory_space<vmem>> -> memref<1x128xi32, #tpu.memory_space<vmem>>
        %dma_wait3A_400 = tpu.memref_squeeze %dma_wait3A_399 : memref<1x128xi32, #tpu.memory_space<vmem>> -> memref<128xi32, #tpu.memory_space<vmem>>
        %dma_wait3A_401 = arith.constant 0 : i32
        %dma_wait3A_402 = arith.constant 0 : i32
        %dma_wait3A_403 = tpu.memref_slice %arg8[%dma_wait3A_401, %dma_wait3A_402] : memref<10112x128xf32, #tpu.memory_space<vmem_shared>> -> memref<10112x128xf32, #tpu.memory_space<vmem_shared>>
        %dma_wait3A_404 = tpu.memref_slice %arg10[%dma_wait3A_397] : memref<8x!tpu.dma_semaphore, #tpu.memory_space<semaphore_mem>> -> memref<1x!tpu.dma_semaphore, #tpu.memory_space<semaphore_mem>>
        %dma_wait3A_405 = tpu.memref_squeeze %dma_wait3A_404 : memref<1x!tpu.dma_semaphore, #tpu.memory_space<semaphore_mem>> -> memref<!tpu.dma_semaphore, #tpu.memory_space<semaphore_mem>>
        tpu.wait_indirect_dma semaphore(%dma_wait3A_405 : memref<!tpu.dma_semaphore, #tpu.memory_space<semaphore_mem>>) src(%arg7 : memref<128x128xf32, #tpu.memory_space<vmem>>) dst(%dma_wait3A_403 : memref<10112x128xf32, #tpu.memory_space<vmem_shared>>)
      } else {
      }
      %add3A_389 = arith.constant 4 : i32
      %add3A_390 = arith.addi %add3A_361, %add3A_389 : i32
      %lt3A_391 = arith.constant 80 : i32
      %lt3A_392 = arith.cmpi slt, %add3A_390, %lt3A_391 : i32
      %convert_element_type3A_393 = arith.extui %lt3A_392 : i1 to i32
      %cond3A_394 = arith.constant 0 : i32
      %cond3A_395 = arith.cmpi ne, %convert_element_type3A_393, %cond3A_394 : i32
      scf.if %cond3A_395 {
        %add3A_396 = arith.constant 4 : i32
        %add3A_397 = arith.addi %add3A_361, %add3A_396 : i32
        %mul3A_398 = arith.constant 128 : i32
        %mul3A_399 = arith.muli %add3A_397, %mul3A_398 : i32
        %add3A_400 = arith.addi %mul3A_2, %mul3A_399 : i32
        %dma_start3A_401 = arith.constant 3 : i32
        %dma_start3A_402 = arith.constant 3 : i32
        %dma_start3A_403 = arith.constant 0 : i32
        %dma_start3A_404 = tpu.memref_slice %arg6[%dma_start3A_401, %dma_start3A_403] : memref<8x128xi32, #tpu.memory_space<vmem>> -> memref<1x128xi32, #tpu.memory_space<vmem>>
        %dma_start3A_405 = tpu.memref_squeeze %dma_start3A_404 : memref<1x128xi32, #tpu.memory_space<vmem>> -> memref<128xi32, #tpu.memory_space<vmem>>
        %dma_start3A_406 = tpu.memref_slice %arg2[%add3A_400] : memref<327680xi32, #tpu.memory_space<hbm>> -> memref<128xi32, #tpu.memory_space<hbm>>
        %dma_start3A_407 = tpu.memref_slice %arg9[%dma_start3A_402] : memref<8x!tpu.dma_semaphore, #tpu.memory_space<semaphore_mem>> -> memref<1x!tpu.dma_semaphore, #tpu.memory_space<semaphore_mem>>
        %dma_start3A_408 = tpu.memref_squeeze %dma_start3A_407 : memref<1x!tpu.dma_semaphore, #tpu.memory_space<semaphore_mem>> -> memref<!tpu.dma_semaphore, #tpu.memory_space<semaphore_mem>>
        %dma_start3A_409 = arith.constant 0 : i32
        %dma_start3A_410 = tpu.memref_slice %arg6[%dma_start3A_401, %dma_start3A_409] : memref<8x128xi32, #tpu.memory_space<vmem>> -> memref<1x128xi32, #tpu.memory_space<vmem>>
        %dma_start3A_411 = tpu.memref_squeeze %dma_start3A_410 : memref<1x128xi32, #tpu.memory_space<vmem>> -> memref<128xi32, #tpu.memory_space<vmem>>
        %dma_start3A_412 = tpu.memref_slice %arg2[%add3A_400] : memref<327680xi32, #tpu.memory_space<hbm>> -> memref<128xi32, #tpu.memory_space<hbm>>
        tpu.enqueue_dma source(%dma_start3A_412 : memref<128xi32, #tpu.memory_space<hbm>>) target(%dma_start3A_411 : memref<128xi32, #tpu.memory_space<vmem>>) target_semaphore(%dma_start3A_408 : memref<!tpu.dma_semaphore, #tpu.memory_space<semaphore_mem>>)
      } else {
      }
    }
    %scan3A_63 = arith.constant 10 : i32
    %dma_wait3A = arith.constant 4 : i32
    %dma_wait3A_64 = arith.constant 4 : i32
    %dma_wait3A_65 = arith.constant 0 : i32
    %dma_wait3A_66 = tpu.memref_slice %arg6[%dma_wait3A, %dma_wait3A_65] : memref<8x128xi32, #tpu.memory_space<vmem>> -> memref<1x128xi32, #tpu.memory_space<vmem>>
    %dma_wait3A_67 = tpu.memref_squeeze %dma_wait3A_66 : memref<1x128xi32, #tpu.memory_space<vmem>> -> memref<128xi32, #tpu.memory_space<vmem>>
    %dma_wait3A_68 = arith.constant 0 : i32
    %dma_wait3A_69 = arith.constant 0 : i32
    %dma_wait3A_70 = tpu.memref_slice %arg8[%dma_wait3A_68, %dma_wait3A_69] : memref<10112x128xf32, #tpu.memory_space<vmem_shared>> -> memref<10112x128xf32, #tpu.memory_space<vmem_shared>>
    %dma_wait3A_71 = tpu.memref_slice %arg10[%dma_wait3A_64] : memref<8x!tpu.dma_semaphore, #tpu.memory_space<semaphore_mem>> -> memref<1x!tpu.dma_semaphore, #tpu.memory_space<semaphore_mem>>
    %dma_wait3A_72 = tpu.memref_squeeze %dma_wait3A_71 : memref<1x!tpu.dma_semaphore, #tpu.memory_space<semaphore_mem>> -> memref<!tpu.dma_semaphore, #tpu.memory_space<semaphore_mem>>
    tpu.wait_indirect_dma semaphore(%dma_wait3A_72 : memref<!tpu.dma_semaphore, #tpu.memory_space<semaphore_mem>>) src(%arg7 : memref<128x128xf32, #tpu.memory_space<vmem>>) dst(%dma_wait3A_70 : memref<10112x128xf32, #tpu.memory_space<vmem_shared>>)
    %dma_wait3A_73 = arith.constant 5 : i32
    %dma_wait3A_74 = arith.constant 5 : i32
    %dma_wait3A_75 = arith.constant 0 : i32
    %dma_wait3A_76 = tpu.memref_slice %arg6[%dma_wait3A_73, %dma_wait3A_75] : memref<8x128xi32, #tpu.memory_space<vmem>> -> memref<1x128xi32, #tpu.memory_space<vmem>>
    %dma_wait3A_77 = tpu.memref_squeeze %dma_wait3A_76 : memref<1x128xi32, #tpu.memory_space<vmem>> -> memref<128xi32, #tpu.memory_space<vmem>>
    %dma_wait3A_78 = arith.constant 0 : i32
    %dma_wait3A_79 = arith.constant 0 : i32
    %dma_wait3A_80 = tpu.memref_slice %arg8[%dma_wait3A_78, %dma_wait3A_79] : memref<10112x128xf32, #tpu.memory_space<vmem_shared>> -> memref<10112x128xf32, #tpu.memory_space<vmem_shared>>
    %dma_wait3A_81 = tpu.memref_slice %arg10[%dma_wait3A_74] : memref<8x!tpu.dma_semaphore, #tpu.memory_space<semaphore_mem>> -> memref<1x!tpu.dma_semaphore, #tpu.memory_space<semaphore_mem>>
    %dma_wait3A_82 = tpu.memref_squeeze %dma_wait3A_81 : memref<1x!tpu.dma_semaphore, #tpu.memory_space<semaphore_mem>> -> memref<!tpu.dma_semaphore, #tpu.memory_space<semaphore_mem>>
    tpu.wait_indirect_dma semaphore(%dma_wait3A_82 : memref<!tpu.dma_semaphore, #tpu.memory_space<semaphore_mem>>) src(%arg7 : memref<128x128xf32, #tpu.memory_space<vmem>>) dst(%dma_wait3A_80 : memref<10112x128xf32, #tpu.memory_space<vmem_shared>>)
    %dma_wait3A_83 = arith.constant 6 : i32
    %dma_wait3A_84 = arith.constant 6 : i32
    %dma_wait3A_85 = arith.constant 0 : i32
    %dma_wait3A_86 = tpu.memref_slice %arg6[%dma_wait3A_83, %dma_wait3A_85] : memref<8x128xi32, #tpu.memory_space<vmem>> -> memref<1x128xi32, #tpu.memory_space<vmem>>
    %dma_wait3A_87 = tpu.memref_squeeze %dma_wait3A_86 : memref<1x128xi32, #tpu.memory_space<vmem>> -> memref<128xi32, #tpu.memory_space<vmem>>
    %dma_wait3A_88 = arith.constant 0 : i32
    %dma_wait3A_89 = arith.constant 0 : i32
    %dma_wait3A_90 = tpu.memref_slice %arg8[%dma_wait3A_88, %dma_wait3A_89] : memref<10112x128xf32, #tpu.memory_space<vmem_shared>> -> memref<10112x128xf32, #tpu.memory_space<vmem_shared>>
    %dma_wait3A_91 = tpu.memref_slice %arg10[%dma_wait3A_84] : memref<8x!tpu.dma_semaphore, #tpu.memory_space<semaphore_mem>> -> memref<1x!tpu.dma_semaphore, #tpu.memory_space<semaphore_mem>>
    %dma_wait3A_92 = tpu.memref_squeeze %dma_wait3A_91 : memref<1x!tpu.dma_semaphore, #tpu.memory_space<semaphore_mem>> -> memref<!tpu.dma_semaphore, #tpu.memory_space<semaphore_mem>>
    tpu.wait_indirect_dma semaphore(%dma_wait3A_92 : memref<!tpu.dma_semaphore, #tpu.memory_space<semaphore_mem>>) src(%arg7 : memref<128x128xf32, #tpu.memory_space<vmem>>) dst(%dma_wait3A_90 : memref<10112x128xf32, #tpu.memory_space<vmem_shared>>)
    %dma_wait3A_93 = arith.constant 7 : i32
    %dma_wait3A_94 = arith.constant 7 : i32
    %dma_wait3A_95 = arith.constant 0 : i32
    %dma_wait3A_96 = tpu.memref_slice %arg6[%dma_wait3A_93, %dma_wait3A_95] : memref<8x128xi32, #tpu.memory_space<vmem>> -> memref<1x128xi32, #tpu.memory_space<vmem>>
    %dma_wait3A_97 = tpu.memref_squeeze %dma_wait3A_96 : memref<1x128xi32, #tpu.memory_space<vmem>> -> memref<128xi32, #tpu.memory_space<vmem>>
    %dma_wait3A_98 = arith.constant 0 : i32
    %dma_wait3A_99 = arith.constant 0 : i32
    %dma_wait3A_100 = tpu.memref_slice %arg8[%dma_wait3A_98, %dma_wait3A_99] : memref<10112x128xf32, #tpu.memory_space<vmem_shared>> -> memref<10112x128xf32, #tpu.memory_space<vmem_shared>>
    %dma_wait3A_101 = tpu.memref_slice %arg10[%dma_wait3A_94] : memref<8x!tpu.dma_semaphore, #tpu.memory_space<semaphore_mem>> -> memref<1x!tpu.dma_semaphore, #tpu.memory_space<semaphore_mem>>
    %dma_wait3A_102 = tpu.memref_squeeze %dma_wait3A_101 : memref<1x!tpu.dma_semaphore, #tpu.memory_space<semaphore_mem>> -> memref<!tpu.dma_semaphore, #tpu.memory_space<semaphore_mem>>
    tpu.wait_indirect_dma semaphore(%dma_wait3A_102 : memref<!tpu.dma_semaphore, #tpu.memory_space<semaphore_mem>>) src(%arg7 : memref<128x128xf32, #tpu.memory_space<vmem>>) dst(%dma_wait3A_100 : memref<10112x128xf32, #tpu.memory_space<vmem_shared>>)
    %barrier3A_103 = arith.constant 0 : index
    tpu.barrier barrier_id(%barrier3A_103)
    %mul3A_104 = arith.constant 10112 : i32
    %mul3A_105 = arith.muli %arg0, %mul3A_104 : i32
    %add3A_106 = arith.addi %mul3A_105, %mul3A_4 : i32
    "tpu.region"() ({
      %run_scoped3A = tpu.sem_alloc : memref<!tpu.dma_semaphore, #tpu.memory_space<semaphore_mem>>
      %dma_start3A_107 = arith.constant 0 : i32
      %dma_start3A_108 = tpu.memref_slice %arg5[%add3A_106, %dma_start3A_107] : memref<20224x128xf32, #tpu.memory_space<hbm>> -> memref<632x128xf32, #tpu.memory_space<hbm>>
      %dma_start3A_109 = arith.constant 0 : i32
      %dma_start3A_110 = tpu.memref_slice %arg8[%mul3A_4, %dma_start3A_109] : memref<10112x128xf32, #tpu.memory_space<vmem_shared>> -> memref<632x128xf32, #tpu.memory_space<vmem_shared>>
      tpu.enqueue_dma source(%dma_start3A_110 : memref<632x128xf32, #tpu.memory_space<vmem_shared>>) target(%dma_start3A_108 : memref<632x128xf32, #tpu.memory_space<hbm>>) target_semaphore(%run_scoped3A : memref<!tpu.dma_semaphore, #tpu.memory_space<semaphore_mem>>)
      %dma_wait3A_111 = arith.constant 0 : i32
      %dma_wait3A_112 = tpu.memref_slice %arg5[%add3A_106, %dma_wait3A_111] : memref<20224x128xf32, #tpu.memory_space<hbm>> -> memref<632x128xf32, #tpu.memory_space<hbm>>
      %dma_wait3A_113 = arith.constant 0 : i32
      %dma_wait3A_114 = tpu.memref_slice %arg8[%mul3A_4, %dma_wait3A_113] : memref<10112x128xf32, #tpu.memory_space<vmem_shared>> -> memref<632x128xf32, #tpu.memory_space<vmem_shared>>
      tpu.wait_dma2 semaphore(%run_scoped3A : memref<!tpu.dma_semaphore, #tpu.memory_space<semaphore_mem>>) src(%dma_wait3A_114 : memref<632x128xf32, #tpu.memory_space<vmem_shared>>) dst(%dma_wait3A_112 : memref<632x128xf32, #tpu.memory_space<hbm>>)
      tpu.yield
    }) : () -> ()
    return
  }
}

#map = affine_map<(d0, d1) -> (0, 0)>
#map1 = affine_map<(d0, d1) -> (0)>
module attributes {stable_mosaic.version = 14 : i64} {
  func.func @_agg_body(%arg0: i32, %arg1: i32, %arg2: memref<10000x128xf32, #tpu.memory_space<hbm>>, %arg3: memref<163840xi32, #tpu.memory_space<hbm>>, %arg4: memref<163840xi32, #tpu.memory_space<hbm>>, %arg5: memref<20224x128xf32, #tpu.memory_space<hbm>>, %arg6: memref<20224x128xf32, #tpu.memory_space<hbm>>, %arg7: memref<8x64xi32, #tpu.memory_space<vmem>>, %arg8: memref<8x64xi32, #tpu.memory_space<vmem>>, %arg9: memref<4x64x128xf32, #tpu.memory_space<vmem>>, %arg10: memref<10112x128xf32, #tpu.memory_space<vmem_shared>>, %arg11: memref<8x!tpu.dma_semaphore, #tpu.memory_space<semaphore_mem>>, %arg12: memref<4x!tpu.dma_semaphore, #tpu.memory_space<semaphore_mem>>, %arg13: memref<4x!tpu.dma_semaphore, #tpu.memory_space<semaphore_mem>>) attributes {dimension_semantics = [#tpu.dimension_semantics<core_parallel>, #tpu.dimension_semantics<subcore_parallel>], iteration_bounds = array<i64: 2, 16>, scalar_prefetch = 0 : i64, scratch_operands = 7 : i64, tpu.core_type = #tpu.core_type<sc_vector_subcore>, window_params = [{transform_indices = #map}, {transform_indices = #map1}, {transform_indices = #map1}, {transform_indices = #map}, {transform_indices = #map}]} {
    %mul3A = arith.constant 2 : i32
    %mul3A_0 = arith.muli %arg1, %mul3A : i32
    %add3A = arith.addi %mul3A_0, %arg0 : i32
    %mul3A_1 = arith.constant 5120 : i32
    %mul3A_2 = arith.muli %add3A, %mul3A_1 : i32
    %mul3A_3 = arith.constant 632 : i32
    %mul3A_4 = arith.muli %arg1, %mul3A_3 : i32
    %mul3A_5 = arith.constant 10112 : i32
    %mul3A_6 = arith.muli %arg0, %mul3A_5 : i32
    %add3A_7 = arith.addi %mul3A_6, %mul3A_4 : i32
    "tpu.region"() ({
      %run_scoped3A = tpu.sem_alloc : memref<!tpu.dma_semaphore, #tpu.memory_space<semaphore_mem>>
      %dma_start3A_226 = arith.constant 0 : i32
      %dma_start3A_227 = tpu.memref_slice %arg10[%mul3A_4, %dma_start3A_226] : memref<10112x128xf32, #tpu.memory_space<vmem_shared>> -> memref<632x128xf32, #tpu.memory_space<vmem_shared>>
      %dma_start3A_228 = arith.constant 0 : i32
      %dma_start3A_229 = tpu.memref_slice %arg5[%add3A_7, %dma_start3A_228] : memref<20224x128xf32, #tpu.memory_space<hbm>> -> memref<632x128xf32, #tpu.memory_space<hbm>>
      tpu.enqueue_dma source(%dma_start3A_229 : memref<632x128xf32, #tpu.memory_space<hbm>>) target(%dma_start3A_227 : memref<632x128xf32, #tpu.memory_space<vmem_shared>>) target_semaphore(%run_scoped3A : memref<!tpu.dma_semaphore, #tpu.memory_space<semaphore_mem>>)
      %dma_wait3A_230 = arith.constant 0 : i32
      %dma_wait3A_231 = tpu.memref_slice %arg10[%mul3A_4, %dma_wait3A_230] : memref<10112x128xf32, #tpu.memory_space<vmem_shared>> -> memref<632x128xf32, #tpu.memory_space<vmem_shared>>
      %dma_wait3A_232 = arith.constant 0 : i32
      %dma_wait3A_233 = tpu.memref_slice %arg5[%add3A_7, %dma_wait3A_232] : memref<20224x128xf32, #tpu.memory_space<hbm>> -> memref<632x128xf32, #tpu.memory_space<hbm>>
      tpu.wait_dma2 semaphore(%run_scoped3A : memref<!tpu.dma_semaphore, #tpu.memory_space<semaphore_mem>>) src(%dma_wait3A_233 : memref<632x128xf32, #tpu.memory_space<hbm>>) dst(%dma_wait3A_231 : memref<632x128xf32, #tpu.memory_space<vmem_shared>>)
      tpu.yield
    }) : () -> ()
    %barrier3A = arith.constant 0 : index
    tpu.barrier barrier_id(%barrier3A)
    %add3A_8 = arith.constant 0 : i32
    %add3A_9 = arith.addi %mul3A_2, %add3A_8 : i32
    %dma_start3A = arith.constant 0 : i32
    %dma_start3A_10 = arith.constant 0 : i32
    %dma_start3A_11 = arith.constant 0 : i32
    %dma_start3A_12 = tpu.memref_slice %arg7[%dma_start3A, %dma_start3A_11] : memref<8x64xi32, #tpu.memory_space<vmem>> -> memref<1x64xi32, #tpu.memory_space<vmem>>
    %dma_start3A_13 = tpu.memref_squeeze %dma_start3A_12 : memref<1x64xi32, #tpu.memory_space<vmem>> -> memref<64xi32, #tpu.memory_space<vmem>>
    %dma_start3A_14 = tpu.memref_slice %arg3[%add3A_9] : memref<163840xi32, #tpu.memory_space<hbm>> -> memref<64xi32, #tpu.memory_space<hbm>>
    %dma_start3A_15 = tpu.memref_slice %arg11[%dma_start3A_10] : memref<8x!tpu.dma_semaphore, #tpu.memory_space<semaphore_mem>> -> memref<1x!tpu.dma_semaphore, #tpu.memory_space<semaphore_mem>>
    %dma_start3A_16 = tpu.memref_squeeze %dma_start3A_15 : memref<1x!tpu.dma_semaphore, #tpu.memory_space<semaphore_mem>> -> memref<!tpu.dma_semaphore, #tpu.memory_space<semaphore_mem>>
    %dma_start3A_17 = arith.constant 0 : i32
    %dma_start3A_18 = tpu.memref_slice %arg7[%dma_start3A, %dma_start3A_17] : memref<8x64xi32, #tpu.memory_space<vmem>> -> memref<1x64xi32, #tpu.memory_space<vmem>>
    %dma_start3A_19 = tpu.memref_squeeze %dma_start3A_18 : memref<1x64xi32, #tpu.memory_space<vmem>> -> memref<64xi32, #tpu.memory_space<vmem>>
    %dma_start3A_20 = tpu.memref_slice %arg3[%add3A_9] : memref<163840xi32, #tpu.memory_space<hbm>> -> memref<64xi32, #tpu.memory_space<hbm>>
    tpu.enqueue_dma source(%dma_start3A_20 : memref<64xi32, #tpu.memory_space<hbm>>) target(%dma_start3A_19 : memref<64xi32, #tpu.memory_space<vmem>>) target_semaphore(%dma_start3A_16 : memref<!tpu.dma_semaphore, #tpu.memory_space<semaphore_mem>>)
    %dma_start3A_21 = arith.constant 0 : i32
    %dma_start3A_22 = arith.constant 0 : i32
    %dma_start3A_23 = arith.constant 0 : i32
    %dma_start3A_24 = tpu.memref_slice %arg8[%dma_start3A_21, %dma_start3A_23] : memref<8x64xi32, #tpu.memory_space<vmem>> -> memref<1x64xi32, #tpu.memory_space<vmem>>
    %dma_start3A_25 = tpu.memref_squeeze %dma_start3A_24 : memref<1x64xi32, #tpu.memory_space<vmem>> -> memref<64xi32, #tpu.memory_space<vmem>>
    %dma_start3A_26 = tpu.memref_slice %arg4[%add3A_9] : memref<163840xi32, #tpu.memory_space<hbm>> -> memref<64xi32, #tpu.memory_space<hbm>>
    %dma_start3A_27 = tpu.memref_slice %arg11[%dma_start3A_22] : memref<8x!tpu.dma_semaphore, #tpu.memory_space<semaphore_mem>> -> memref<1x!tpu.dma_semaphore, #tpu.memory_space<semaphore_mem>>
    %dma_start3A_28 = tpu.memref_squeeze %dma_start3A_27 : memref<1x!tpu.dma_semaphore, #tpu.memory_space<semaphore_mem>> -> memref<!tpu.dma_semaphore, #tpu.memory_space<semaphore_mem>>
    %dma_start3A_29 = arith.constant 0 : i32
    %dma_start3A_30 = tpu.memref_slice %arg8[%dma_start3A_21, %dma_start3A_29] : memref<8x64xi32, #tpu.memory_space<vmem>> -> memref<1x64xi32, #tpu.memory_space<vmem>>
    %dma_start3A_31 = tpu.memref_squeeze %dma_start3A_30 : memref<1x64xi32, #tpu.memory_space<vmem>> -> memref<64xi32, #tpu.memory_space<vmem>>
    %dma_start3A_32 = tpu.memref_slice %arg4[%add3A_9] : memref<163840xi32, #tpu.memory_space<hbm>> -> memref<64xi32, #tpu.memory_space<hbm>>
    tpu.enqueue_dma source(%dma_start3A_32 : memref<64xi32, #tpu.memory_space<hbm>>) target(%dma_start3A_31 : memref<64xi32, #tpu.memory_space<vmem>>) target_semaphore(%dma_start3A_28 : memref<!tpu.dma_semaphore, #tpu.memory_space<semaphore_mem>>)
    %add3A_33 = arith.constant 64 : i32
    %add3A_34 = arith.addi %mul3A_2, %add3A_33 : i32
    %dma_start3A_35 = arith.constant 1 : i32
    %dma_start3A_36 = arith.constant 1 : i32
    %dma_start3A_37 = arith.constant 0 : i32
    %dma_start3A_38 = tpu.memref_slice %arg7[%dma_start3A_35, %dma_start3A_37] : memref<8x64xi32, #tpu.memory_space<vmem>> -> memref<1x64xi32, #tpu.memory_space<vmem>>
    %dma_start3A_39 = tpu.memref_squeeze %dma_start3A_38 : memref<1x64xi32, #tpu.memory_space<vmem>> -> memref<64xi32, #tpu.memory_space<vmem>>
    %dma_start3A_40 = tpu.memref_slice %arg3[%add3A_34] : memref<163840xi32, #tpu.memory_space<hbm>> -> memref<64xi32, #tpu.memory_space<hbm>>
    %dma_start3A_41 = tpu.memref_slice %arg11[%dma_start3A_36] : memref<8x!tpu.dma_semaphore, #tpu.memory_space<semaphore_mem>> -> memref<1x!tpu.dma_semaphore, #tpu.memory_space<semaphore_mem>>
    %dma_start3A_42 = tpu.memref_squeeze %dma_start3A_41 : memref<1x!tpu.dma_semaphore, #tpu.memory_space<semaphore_mem>> -> memref<!tpu.dma_semaphore, #tpu.memory_space<semaphore_mem>>
    %dma_start3A_43 = arith.constant 0 : i32
    %dma_start3A_44 = tpu.memref_slice %arg7[%dma_start3A_35, %dma_start3A_43] : memref<8x64xi32, #tpu.memory_space<vmem>> -> memref<1x64xi32, #tpu.memory_space<vmem>>
    %dma_start3A_45 = tpu.memref_squeeze %dma_start3A_44 : memref<1x64xi32, #tpu.memory_space<vmem>> -> memref<64xi32, #tpu.memory_space<vmem>>
    %dma_start3A_46 = tpu.memref_slice %arg3[%add3A_34] : memref<163840xi32, #tpu.memory_space<hbm>> -> memref<64xi32, #tpu.memory_space<hbm>>
    tpu.enqueue_dma source(%dma_start3A_46 : memref<64xi32, #tpu.memory_space<hbm>>) target(%dma_start3A_45 : memref<64xi32, #tpu.memory_space<vmem>>) target_semaphore(%dma_start3A_42 : memref<!tpu.dma_semaphore, #tpu.memory_space<semaphore_mem>>)
    %dma_start3A_47 = arith.constant 1 : i32
    %dma_start3A_48 = arith.constant 1 : i32
    %dma_start3A_49 = arith.constant 0 : i32
    %dma_start3A_50 = tpu.memref_slice %arg8[%dma_start3A_47, %dma_start3A_49] : memref<8x64xi32, #tpu.memory_space<vmem>> -> memref<1x64xi32, #tpu.memory_space<vmem>>
    %dma_start3A_51 = tpu.memref_squeeze %dma_start3A_50 : memref<1x64xi32, #tpu.memory_space<vmem>> -> memref<64xi32, #tpu.memory_space<vmem>>
    %dma_start3A_52 = tpu.memref_slice %arg4[%add3A_34] : memref<163840xi32, #tpu.memory_space<hbm>> -> memref<64xi32, #tpu.memory_space<hbm>>
    %dma_start3A_53 = tpu.memref_slice %arg11[%dma_start3A_48] : memref<8x!tpu.dma_semaphore, #tpu.memory_space<semaphore_mem>> -> memref<1x!tpu.dma_semaphore, #tpu.memory_space<semaphore_mem>>
    %dma_start3A_54 = tpu.memref_squeeze %dma_start3A_53 : memref<1x!tpu.dma_semaphore, #tpu.memory_space<semaphore_mem>> -> memref<!tpu.dma_semaphore, #tpu.memory_space<semaphore_mem>>
    %dma_start3A_55 = arith.constant 0 : i32
    %dma_start3A_56 = tpu.memref_slice %arg8[%dma_start3A_47, %dma_start3A_55] : memref<8x64xi32, #tpu.memory_space<vmem>> -> memref<1x64xi32, #tpu.memory_space<vmem>>
    %dma_start3A_57 = tpu.memref_squeeze %dma_start3A_56 : memref<1x64xi32, #tpu.memory_space<vmem>> -> memref<64xi32, #tpu.memory_space<vmem>>
    %dma_start3A_58 = tpu.memref_slice %arg4[%add3A_34] : memref<163840xi32, #tpu.memory_space<hbm>> -> memref<64xi32, #tpu.memory_space<hbm>>
    tpu.enqueue_dma source(%dma_start3A_58 : memref<64xi32, #tpu.memory_space<hbm>>) target(%dma_start3A_57 : memref<64xi32, #tpu.memory_space<vmem>>) target_semaphore(%dma_start3A_54 : memref<!tpu.dma_semaphore, #tpu.memory_space<semaphore_mem>>)
    %add3A_59 = arith.constant 128 : i32
    %add3A_60 = arith.addi %mul3A_2, %add3A_59 : i32
    %dma_start3A_61 = arith.constant 2 : i32
    %dma_start3A_62 = arith.constant 2 : i32
    %dma_start3A_63 = arith.constant 0 : i32
    %dma_start3A_64 = tpu.memref_slice %arg7[%dma_start3A_61, %dma_start3A_63] : memref<8x64xi32, #tpu.memory_space<vmem>> -> memref<1x64xi32, #tpu.memory_space<vmem>>
    %dma_start3A_65 = tpu.memref_squeeze %dma_start3A_64 : memref<1x64xi32, #tpu.memory_space<vmem>> -> memref<64xi32, #tpu.memory_space<vmem>>
    %dma_start3A_66 = tpu.memref_slice %arg3[%add3A_60] : memref<163840xi32, #tpu.memory_space<hbm>> -> memref<64xi32, #tpu.memory_space<hbm>>
    %dma_start3A_67 = tpu.memref_slice %arg11[%dma_start3A_62] : memref<8x!tpu.dma_semaphore, #tpu.memory_space<semaphore_mem>> -> memref<1x!tpu.dma_semaphore, #tpu.memory_space<semaphore_mem>>
    %dma_start3A_68 = tpu.memref_squeeze %dma_start3A_67 : memref<1x!tpu.dma_semaphore, #tpu.memory_space<semaphore_mem>> -> memref<!tpu.dma_semaphore, #tpu.memory_space<semaphore_mem>>
    %dma_start3A_69 = arith.constant 0 : i32
    %dma_start3A_70 = tpu.memref_slice %arg7[%dma_start3A_61, %dma_start3A_69] : memref<8x64xi32, #tpu.memory_space<vmem>> -> memref<1x64xi32, #tpu.memory_space<vmem>>
    %dma_start3A_71 = tpu.memref_squeeze %dma_start3A_70 : memref<1x64xi32, #tpu.memory_space<vmem>> -> memref<64xi32, #tpu.memory_space<vmem>>
    %dma_start3A_72 = tpu.memref_slice %arg3[%add3A_60] : memref<163840xi32, #tpu.memory_space<hbm>> -> memref<64xi32, #tpu.memory_space<hbm>>
    tpu.enqueue_dma source(%dma_start3A_72 : memref<64xi32, #tpu.memory_space<hbm>>) target(%dma_start3A_71 : memref<64xi32, #tpu.memory_space<vmem>>) target_semaphore(%dma_start3A_68 : memref<!tpu.dma_semaphore, #tpu.memory_space<semaphore_mem>>)
    %dma_start3A_73 = arith.constant 2 : i32
    %dma_start3A_74 = arith.constant 2 : i32
    %dma_start3A_75 = arith.constant 0 : i32
    %dma_start3A_76 = tpu.memref_slice %arg8[%dma_start3A_73, %dma_start3A_75] : memref<8x64xi32, #tpu.memory_space<vmem>> -> memref<1x64xi32, #tpu.memory_space<vmem>>
    %dma_start3A_77 = tpu.memref_squeeze %dma_start3A_76 : memref<1x64xi32, #tpu.memory_space<vmem>> -> memref<64xi32, #tpu.memory_space<vmem>>
    %dma_start3A_78 = tpu.memref_slice %arg4[%add3A_60] : memref<163840xi32, #tpu.memory_space<hbm>> -> memref<64xi32, #tpu.memory_space<hbm>>
    %dma_start3A_79 = tpu.memref_slice %arg11[%dma_start3A_74] : memref<8x!tpu.dma_semaphore, #tpu.memory_space<semaphore_mem>> -> memref<1x!tpu.dma_semaphore, #tpu.memory_space<semaphore_mem>>
    %dma_start3A_80 = tpu.memref_squeeze %dma_start3A_79 : memref<1x!tpu.dma_semaphore, #tpu.memory_space<semaphore_mem>> -> memref<!tpu.dma_semaphore, #tpu.memory_space<semaphore_mem>>
    %dma_start3A_81 = arith.constant 0 : i32
    %dma_start3A_82 = tpu.memref_slice %arg8[%dma_start3A_73, %dma_start3A_81] : memref<8x64xi32, #tpu.memory_space<vmem>> -> memref<1x64xi32, #tpu.memory_space<vmem>>
    %dma_start3A_83 = tpu.memref_squeeze %dma_start3A_82 : memref<1x64xi32, #tpu.memory_space<vmem>> -> memref<64xi32, #tpu.memory_space<vmem>>
    %dma_start3A_84 = tpu.memref_slice %arg4[%add3A_60] : memref<163840xi32, #tpu.memory_space<hbm>> -> memref<64xi32, #tpu.memory_space<hbm>>
    tpu.enqueue_dma source(%dma_start3A_84 : memref<64xi32, #tpu.memory_space<hbm>>) target(%dma_start3A_83 : memref<64xi32, #tpu.memory_space<vmem>>) target_semaphore(%dma_start3A_80 : memref<!tpu.dma_semaphore, #tpu.memory_space<semaphore_mem>>)
    %add3A_85 = arith.constant 192 : i32
    %add3A_86 = arith.addi %mul3A_2, %add3A_85 : i32
    %dma_start3A_87 = arith.constant 3 : i32
    %dma_start3A_88 = arith.constant 3 : i32
    %dma_start3A_89 = arith.constant 0 : i32
    %dma_start3A_90 = tpu.memref_slice %arg7[%dma_start3A_87, %dma_start3A_89] : memref<8x64xi32, #tpu.memory_space<vmem>> -> memref<1x64xi32, #tpu.memory_space<vmem>>
    %dma_start3A_91 = tpu.memref_squeeze %dma_start3A_90 : memref<1x64xi32, #tpu.memory_space<vmem>> -> memref<64xi32, #tpu.memory_space<vmem>>
    %dma_start3A_92 = tpu.memref_slice %arg3[%add3A_86] : memref<163840xi32, #tpu.memory_space<hbm>> -> memref<64xi32, #tpu.memory_space<hbm>>
    %dma_start3A_93 = tpu.memref_slice %arg11[%dma_start3A_88] : memref<8x!tpu.dma_semaphore, #tpu.memory_space<semaphore_mem>> -> memref<1x!tpu.dma_semaphore, #tpu.memory_space<semaphore_mem>>
    %dma_start3A_94 = tpu.memref_squeeze %dma_start3A_93 : memref<1x!tpu.dma_semaphore, #tpu.memory_space<semaphore_mem>> -> memref<!tpu.dma_semaphore, #tpu.memory_space<semaphore_mem>>
    %dma_start3A_95 = arith.constant 0 : i32
    %dma_start3A_96 = tpu.memref_slice %arg7[%dma_start3A_87, %dma_start3A_95] : memref<8x64xi32, #tpu.memory_space<vmem>> -> memref<1x64xi32, #tpu.memory_space<vmem>>
    %dma_start3A_97 = tpu.memref_squeeze %dma_start3A_96 : memref<1x64xi32, #tpu.memory_space<vmem>> -> memref<64xi32, #tpu.memory_space<vmem>>
    %dma_start3A_98 = tpu.memref_slice %arg3[%add3A_86] : memref<163840xi32, #tpu.memory_space<hbm>> -> memref<64xi32, #tpu.memory_space<hbm>>
    tpu.enqueue_dma source(%dma_start3A_98 : memref<64xi32, #tpu.memory_space<hbm>>) target(%dma_start3A_97 : memref<64xi32, #tpu.memory_space<vmem>>) target_semaphore(%dma_start3A_94 : memref<!tpu.dma_semaphore, #tpu.memory_space<semaphore_mem>>)
    %dma_start3A_99 = arith.constant 3 : i32
    %dma_start3A_100 = arith.constant 3 : i32
    %dma_start3A_101 = arith.constant 0 : i32
    %dma_start3A_102 = tpu.memref_slice %arg8[%dma_start3A_99, %dma_start3A_101] : memref<8x64xi32, #tpu.memory_space<vmem>> -> memref<1x64xi32, #tpu.memory_space<vmem>>
    %dma_start3A_103 = tpu.memref_squeeze %dma_start3A_102 : memref<1x64xi32, #tpu.memory_space<vmem>> -> memref<64xi32, #tpu.memory_space<vmem>>
    %dma_start3A_104 = tpu.memref_slice %arg4[%add3A_86] : memref<163840xi32, #tpu.memory_space<hbm>> -> memref<64xi32, #tpu.memory_space<hbm>>
    %dma_start3A_105 = tpu.memref_slice %arg11[%dma_start3A_100] : memref<8x!tpu.dma_semaphore, #tpu.memory_space<semaphore_mem>> -> memref<1x!tpu.dma_semaphore, #tpu.memory_space<semaphore_mem>>
    %dma_start3A_106 = tpu.memref_squeeze %dma_start3A_105 : memref<1x!tpu.dma_semaphore, #tpu.memory_space<semaphore_mem>> -> memref<!tpu.dma_semaphore, #tpu.memory_space<semaphore_mem>>
    %dma_start3A_107 = arith.constant 0 : i32
    %dma_start3A_108 = tpu.memref_slice %arg8[%dma_start3A_99, %dma_start3A_107] : memref<8x64xi32, #tpu.memory_space<vmem>> -> memref<1x64xi32, #tpu.memory_space<vmem>>
    %dma_start3A_109 = tpu.memref_squeeze %dma_start3A_108 : memref<1x64xi32, #tpu.memory_space<vmem>> -> memref<64xi32, #tpu.memory_space<vmem>>
    %dma_start3A_110 = tpu.memref_slice %arg4[%add3A_86] : memref<163840xi32, #tpu.memory_space<hbm>> -> memref<64xi32, #tpu.memory_space<hbm>>
    tpu.enqueue_dma source(%dma_start3A_110 : memref<64xi32, #tpu.memory_space<hbm>>) target(%dma_start3A_109 : memref<64xi32, #tpu.memory_space<vmem>>) target_semaphore(%dma_start3A_106 : memref<!tpu.dma_semaphore, #tpu.memory_space<semaphore_mem>>)
    %dma_wait3A = arith.constant 0 : i32
    %dma_wait3A_111 = arith.constant 0 : i32
    %dma_wait3A_112 = arith.constant 0 : i32
    %dma_wait3A_113 = tpu.memref_slice %arg7[%dma_wait3A, %dma_wait3A_112] : memref<8x64xi32, #tpu.memory_space<vmem>> -> memref<1x64xi32, #tpu.memory_space<vmem>>
    %dma_wait3A_114 = tpu.memref_squeeze %dma_wait3A_113 : memref<1x64xi32, #tpu.memory_space<vmem>> -> memref<64xi32, #tpu.memory_space<vmem>>
    %dma_wait3A_115 = tpu.memref_slice %arg3[%mul3A_2] : memref<163840xi32, #tpu.memory_space<hbm>> -> memref<64xi32, #tpu.memory_space<hbm>>
    %dma_wait3A_116 = tpu.memref_slice %arg11[%dma_wait3A_111] : memref<8x!tpu.dma_semaphore, #tpu.memory_space<semaphore_mem>> -> memref<1x!tpu.dma_semaphore, #tpu.memory_space<semaphore_mem>>
    %dma_wait3A_117 = tpu.memref_squeeze %dma_wait3A_116 : memref<1x!tpu.dma_semaphore, #tpu.memory_space<semaphore_mem>> -> memref<!tpu.dma_semaphore, #tpu.memory_space<semaphore_mem>>
    %dma_wait3A_118 = arith.constant 0 : i32
    %dma_wait3A_119 = tpu.memref_slice %arg7[%dma_wait3A, %dma_wait3A_118] : memref<8x64xi32, #tpu.memory_space<vmem>> -> memref<1x64xi32, #tpu.memory_space<vmem>>
    %dma_wait3A_120 = tpu.memref_squeeze %dma_wait3A_119 : memref<1x64xi32, #tpu.memory_space<vmem>> -> memref<64xi32, #tpu.memory_space<vmem>>
    %dma_wait3A_121 = tpu.memref_slice %arg3[%mul3A_2] : memref<163840xi32, #tpu.memory_space<hbm>> -> memref<64xi32, #tpu.memory_space<hbm>>
    tpu.wait_dma2 semaphore(%dma_wait3A_117 : memref<!tpu.dma_semaphore, #tpu.memory_space<semaphore_mem>>) src(%dma_wait3A_121 : memref<64xi32, #tpu.memory_space<hbm>>) dst(%dma_wait3A_120 : memref<64xi32, #tpu.memory_space<vmem>>)
    %dma_wait3A_122 = arith.constant 0 : i32
    %dma_wait3A_123 = arith.constant 0 : i32
    %dma_wait3A_124 = arith.constant 0 : i32
    %dma_wait3A_125 = tpu.memref_slice %arg8[%dma_wait3A_122, %dma_wait3A_124] : memref<8x64xi32, #tpu.memory_space<vmem>> -> memref<1x64xi32, #tpu.memory_space<vmem>>
    %dma_wait3A_126 = tpu.memref_squeeze %dma_wait3A_125 : memref<1x64xi32, #tpu.memory_space<vmem>> -> memref<64xi32, #tpu.memory_space<vmem>>
    %dma_wait3A_127 = tpu.memref_slice %arg4[%mul3A_2] : memref<163840xi32, #tpu.memory_space<hbm>> -> memref<64xi32, #tpu.memory_space<hbm>>
    %dma_wait3A_128 = tpu.memref_slice %arg11[%dma_wait3A_123] : memref<8x!tpu.dma_semaphore, #tpu.memory_space<semaphore_mem>> -> memref<1x!tpu.dma_semaphore, #tpu.memory_space<semaphore_mem>>
    %dma_wait3A_129 = tpu.memref_squeeze %dma_wait3A_128 : memref<1x!tpu.dma_semaphore, #tpu.memory_space<semaphore_mem>> -> memref<!tpu.dma_semaphore, #tpu.memory_space<semaphore_mem>>
    %dma_wait3A_130 = arith.constant 0 : i32
    %dma_wait3A_131 = tpu.memref_slice %arg8[%dma_wait3A_122, %dma_wait3A_130] : memref<8x64xi32, #tpu.memory_space<vmem>> -> memref<1x64xi32, #tpu.memory_space<vmem>>
    %dma_wait3A_132 = tpu.memref_squeeze %dma_wait3A_131 : memref<1x64xi32, #tpu.memory_space<vmem>> -> memref<64xi32, #tpu.memory_space<vmem>>
    %dma_wait3A_133 = tpu.memref_slice %arg4[%mul3A_2] : memref<163840xi32, #tpu.memory_space<hbm>> -> memref<64xi32, #tpu.memory_space<hbm>>
    tpu.wait_dma2 semaphore(%dma_wait3A_129 : memref<!tpu.dma_semaphore, #tpu.memory_space<semaphore_mem>>) src(%dma_wait3A_133 : memref<64xi32, #tpu.memory_space<hbm>>) dst(%dma_wait3A_132 : memref<64xi32, #tpu.memory_space<vmem>>)
    %dma_start3A_134 = arith.constant 0 : i32
    %dma_start3A_135 = arith.constant 0 : i32
    %dma_start3A_136 = arith.constant 0 : i32
    %dma_start3A_137 = arith.constant 0 : i32
    %dma_start3A_138 = arith.constant 0 : i32
    %dma_start3A_139 = tpu.memref_slice %arg9[%dma_start3A_135, %dma_start3A_137, %dma_start3A_138] : memref<4x64x128xf32, #tpu.memory_space<vmem>> -> memref<1x64x128xf32, #tpu.memory_space<vmem>>
    %dma_start3A_140 = tpu.memref_squeeze %dma_start3A_139 : memref<1x64x128xf32, #tpu.memory_space<vmem>> -> memref<64x128xf32, #tpu.memory_space<vmem>>
    %dma_start3A_141 = arith.constant 0 : i32
    %dma_start3A_142 = tpu.memref_slice %arg8[%dma_start3A_134, %dma_start3A_141] : memref<8x64xi32, #tpu.memory_space<vmem>> -> memref<1x64xi32, #tpu.memory_space<vmem>>
    %dma_start3A_143 = tpu.memref_squeeze %dma_start3A_142 : memref<1x64xi32, #tpu.memory_space<vmem>> -> memref<64xi32, #tpu.memory_space<vmem>>
    %dma_start3A_144 = arith.constant 0 : i32
    %dma_start3A_145 = arith.constant 0 : i32
    %dma_start3A_146 = tpu.memref_slice %arg2[%dma_start3A_144, %dma_start3A_145] : memref<10000x128xf32, #tpu.memory_space<hbm>> -> memref<10000x128xf32, #tpu.memory_space<hbm>>
    %dma_start3A_147 = tpu.memref_slice %arg12[%dma_start3A_136] : memref<4x!tpu.dma_semaphore, #tpu.memory_space<semaphore_mem>> -> memref<1x!tpu.dma_semaphore, #tpu.memory_space<semaphore_mem>>
    %dma_start3A_148 = tpu.memref_squeeze %dma_start3A_147 : memref<1x!tpu.dma_semaphore, #tpu.memory_space<semaphore_mem>> -> memref<!tpu.dma_semaphore, #tpu.memory_space<semaphore_mem>>
    tpu.enqueue_indirect_dma source(%dma_start3A_146 : memref<10000x128xf32, #tpu.memory_space<hbm>>) target(%dma_start3A_140 : memref<64x128xf32, #tpu.memory_space<vmem>>) offsets(%dma_start3A_143 : memref<64xi32, #tpu.memory_space<vmem>>) semaphore(%dma_start3A_148 : memref<!tpu.dma_semaphore, #tpu.memory_space<semaphore_mem>>)
    %dma_wait3A_149 = arith.constant 1 : i32
    %dma_wait3A_150 = arith.constant 1 : i32
    %dma_wait3A_151 = arith.constant 0 : i32
    %dma_wait3A_152 = tpu.memref_slice %arg7[%dma_wait3A_149, %dma_wait3A_151] : memref<8x64xi32, #tpu.memory_space<vmem>> -> memref<1x64xi32, #tpu.memory_space<vmem>>
    %dma_wait3A_153 = tpu.memref_squeeze %dma_wait3A_152 : memref<1x64xi32, #tpu.memory_space<vmem>> -> memref<64xi32, #tpu.memory_space<vmem>>
    %dma_wait3A_154 = tpu.memref_slice %arg3[%mul3A_2] : memref<163840xi32, #tpu.memory_space<hbm>> -> memref<64xi32, #tpu.memory_space<hbm>>
    %dma_wait3A_155 = tpu.memref_slice %arg11[%dma_wait3A_150] : memref<8x!tpu.dma_semaphore, #tpu.memory_space<semaphore_mem>> -> memref<1x!tpu.dma_semaphore, #tpu.memory_space<semaphore_mem>>
    %dma_wait3A_156 = tpu.memref_squeeze %dma_wait3A_155 : memref<1x!tpu.dma_semaphore, #tpu.memory_space<semaphore_mem>> -> memref<!tpu.dma_semaphore, #tpu.memory_space<semaphore_mem>>
    %dma_wait3A_157 = arith.constant 0 : i32
    %dma_wait3A_158 = tpu.memref_slice %arg7[%dma_wait3A_149, %dma_wait3A_157] : memref<8x64xi32, #tpu.memory_space<vmem>> -> memref<1x64xi32, #tpu.memory_space<vmem>>
    %dma_wait3A_159 = tpu.memref_squeeze %dma_wait3A_158 : memref<1x64xi32, #tpu.memory_space<vmem>> -> memref<64xi32, #tpu.memory_space<vmem>>
    %dma_wait3A_160 = tpu.memref_slice %arg3[%mul3A_2] : memref<163840xi32, #tpu.memory_space<hbm>> -> memref<64xi32, #tpu.memory_space<hbm>>
    tpu.wait_dma2 semaphore(%dma_wait3A_156 : memref<!tpu.dma_semaphore, #tpu.memory_space<semaphore_mem>>) src(%dma_wait3A_160 : memref<64xi32, #tpu.memory_space<hbm>>) dst(%dma_wait3A_159 : memref<64xi32, #tpu.memory_space<vmem>>)
    %dma_wait3A_161 = arith.constant 1 : i32
    %dma_wait3A_162 = arith.constant 1 : i32
    %dma_wait3A_163 = arith.constant 0 : i32
    %dma_wait3A_164 = tpu.memref_slice %arg8[%dma_wait3A_161, %dma_wait3A_163] : memref<8x64xi32, #tpu.memory_space<vmem>> -> memref<1x64xi32, #tpu.memory_space<vmem>>
    %dma_wait3A_165 = tpu.memref_squeeze %dma_wait3A_164 : memref<1x64xi32, #tpu.memory_space<vmem>> -> memref<64xi32, #tpu.memory_space<vmem>>
    %dma_wait3A_166 = tpu.memref_slice %arg4[%mul3A_2] : memref<163840xi32, #tpu.memory_space<hbm>> -> memref<64xi32, #tpu.memory_space<hbm>>
    %dma_wait3A_167 = tpu.memref_slice %arg11[%dma_wait3A_162] : memref<8x!tpu.dma_semaphore, #tpu.memory_space<semaphore_mem>> -> memref<1x!tpu.dma_semaphore, #tpu.memory_space<semaphore_mem>>
    %dma_wait3A_168 = tpu.memref_squeeze %dma_wait3A_167 : memref<1x!tpu.dma_semaphore, #tpu.memory_space<semaphore_mem>> -> memref<!tpu.dma_semaphore, #tpu.memory_space<semaphore_mem>>
    %dma_wait3A_169 = arith.constant 0 : i32
    %dma_wait3A_170 = tpu.memref_slice %arg8[%dma_wait3A_161, %dma_wait3A_169] : memref<8x64xi32, #tpu.memory_space<vmem>> -> memref<1x64xi32, #tpu.memory_space<vmem>>
    %dma_wait3A_171 = tpu.memref_squeeze %dma_wait3A_170 : memref<1x64xi32, #tpu.memory_space<vmem>> -> memref<64xi32, #tpu.memory_space<vmem>>
    %dma_wait3A_172 = tpu.memref_slice %arg4[%mul3A_2] : memref<163840xi32, #tpu.memory_space<hbm>> -> memref<64xi32, #tpu.memory_space<hbm>>
    tpu.wait_dma2 semaphore(%dma_wait3A_168 : memref<!tpu.dma_semaphore, #tpu.memory_space<semaphore_mem>>) src(%dma_wait3A_172 : memref<64xi32, #tpu.memory_space<hbm>>) dst(%dma_wait3A_171 : memref<64xi32, #tpu.memory_space<vmem>>)
    %dma_start3A_173 = arith.constant 1 : i32
    %dma_start3A_174 = arith.constant 1 : i32
    %dma_start3A_175 = arith.constant 1 : i32
    %dma_start3A_176 = arith.constant 0 : i32
    %dma_start3A_177 = arith.constant 0 : i32
    %dma_start3A_178 = tpu.memref_slice %arg9[%dma_start3A_174, %dma_start3A_176, %dma_start3A_177] : memref<4x64x128xf32, #tpu.memory_space<vmem>> -> memref<1x64x128xf32, #tpu.memory_space<vmem>>
    %dma_start3A_179 = tpu.memref_squeeze %dma_start3A_178 : memref<1x64x128xf32, #tpu.memory_space<vmem>> -> memref<64x128xf32, #tpu.memory_space<vmem>>
    %dma_start3A_180 = arith.constant 0 : i32
    %dma_start3A_181 = tpu.memref_slice %arg8[%dma_start3A_173, %dma_start3A_180] : memref<8x64xi32, #tpu.memory_space<vmem>> -> memref<1x64xi32, #tpu.memory_space<vmem>>
    %dma_start3A_182 = tpu.memref_squeeze %dma_start3A_181 : memref<1x64xi32, #tpu.memory_space<vmem>> -> memref<64xi32, #tpu.memory_space<vmem>>
    %dma_start3A_183 = arith.constant 0 : i32
    %dma_start3A_184 = arith.constant 0 : i32
    %dma_start3A_185 = tpu.memref_slice %arg2[%dma_start3A_183, %dma_start3A_184] : memref<10000x128xf32, #tpu.memory_space<hbm>> -> memref<10000x128xf32, #tpu.memory_space<hbm>>
    %dma_start3A_186 = tpu.memref_slice %arg12[%dma_start3A_175] : memref<4x!tpu.dma_semaphore, #tpu.memory_space<semaphore_mem>> -> memref<1x!tpu.dma_semaphore, #tpu.memory_space<semaphore_mem>>
    %dma_start3A_187 = tpu.memref_squeeze %dma_start3A_186 : memref<1x!tpu.dma_semaphore, #tpu.memory_space<semaphore_mem>> -> memref<!tpu.dma_semaphore, #tpu.memory_space<semaphore_mem>>
    tpu.enqueue_indirect_dma source(%dma_start3A_185 : memref<10000x128xf32, #tpu.memory_space<hbm>>) target(%dma_start3A_179 : memref<64x128xf32, #tpu.memory_space<vmem>>) offsets(%dma_start3A_182 : memref<64xi32, #tpu.memory_space<vmem>>) semaphore(%dma_start3A_187 : memref<!tpu.dma_semaphore, #tpu.memory_space<semaphore_mem>>)
    %scan3A = arith.constant 0 : i32
    %scan3A_188 = arith.constant 10 : i32
    %scan3A_189 = arith.addi %scan3A, %scan3A_188 : i32
    %scan3A_190 = arith.constant 1 : i32
    scf.for %scan3A_226 = %scan3A to %scan3A_189 step %scan3A_190  : i32 {
      %mul3A_227 = arith.constant 8 : i32
      %mul3A_228 = arith.muli %scan3A_226, %mul3A_227 : i32
      %add3A_229 = arith.constant 0 : i32
      %add3A_230 = arith.addi %add3A_229, %mul3A_228 : i32
      %add3A_231 = arith.constant 0 : i32
      %add3A_232 = arith.addi %add3A_230, %add3A_231 : i32
      %dma_wait3A_233 = arith.constant 0 : i32
      %dma_wait3A_234 = arith.constant 0 : i32
      %dma_wait3A_235 = arith.constant 0 : i32
      %dma_wait3A_236 = arith.constant 0 : i32
      %dma_wait3A_237 = arith.constant 0 : i32
      %dma_wait3A_238 = tpu.memref_slice %arg9[%dma_wait3A_234, %dma_wait3A_236, %dma_wait3A_237] : memref<4x64x128xf32, #tpu.memory_space<vmem>> -> memref<1x64x128xf32, #tpu.memory_space<vmem>>
      %dma_wait3A_239 = tpu.memref_squeeze %dma_wait3A_238 : memref<1x64x128xf32, #tpu.memory_space<vmem>> -> memref<64x128xf32, #tpu.memory_space<vmem>>
      %dma_wait3A_240 = arith.constant 0 : i32
      %dma_wait3A_241 = tpu.memref_slice %arg8[%dma_wait3A_233, %dma_wait3A_240] : memref<8x64xi32, #tpu.memory_space<vmem>> -> memref<1x64xi32, #tpu.memory_space<vmem>>
      %dma_wait3A_242 = tpu.memref_squeeze %dma_wait3A_241 : memref<1x64xi32, #tpu.memory_space<vmem>> -> memref<64xi32, #tpu.memory_space<vmem>>
      %dma_wait3A_243 = arith.constant 0 : i32
      %dma_wait3A_244 = arith.constant 0 : i32
      %dma_wait3A_245 = tpu.memref_slice %arg2[%dma_wait3A_243, %dma_wait3A_244] : memref<10000x128xf32, #tpu.memory_space<hbm>> -> memref<10000x128xf32, #tpu.memory_space<hbm>>
      %dma_wait3A_246 = tpu.memref_slice %arg12[%dma_wait3A_235] : memref<4x!tpu.dma_semaphore, #tpu.memory_space<semaphore_mem>> -> memref<1x!tpu.dma_semaphore, #tpu.memory_space<semaphore_mem>>
      %dma_wait3A_247 = tpu.memref_squeeze %dma_wait3A_246 : memref<1x!tpu.dma_semaphore, #tpu.memory_space<semaphore_mem>> -> memref<!tpu.dma_semaphore, #tpu.memory_space<semaphore_mem>>
      tpu.wait_indirect_dma semaphore(%dma_wait3A_247 : memref<!tpu.dma_semaphore, #tpu.memory_space<semaphore_mem>>) src(%dma_wait3A_245 : memref<10000x128xf32, #tpu.memory_space<hbm>>) dst(%dma_wait3A_239 : memref<64x128xf32, #tpu.memory_space<vmem>>)
      %dma_start3A_248 = arith.constant 0 : i32
      %dma_start3A_249 = arith.constant 0 : i32
      %dma_start3A_250 = arith.constant 0 : i32
      %dma_start3A_251 = arith.constant 0 : i32
      %dma_start3A_252 = arith.constant 0 : i32
      %dma_start3A_253 = tpu.memref_slice %arg9[%dma_start3A_248, %dma_start3A_251, %dma_start3A_252] : memref<4x64x128xf32, #tpu.memory_space<vmem>> -> memref<1x64x128xf32, #tpu.memory_space<vmem>>
      %dma_start3A_254 = tpu.memref_squeeze %dma_start3A_253 : memref<1x64x128xf32, #tpu.memory_space<vmem>> -> memref<64x128xf32, #tpu.memory_space<vmem>>
      %dma_start3A_255 = arith.constant 0 : i32
      %dma_start3A_256 = tpu.memref_slice %arg7[%dma_start3A_249, %dma_start3A_255] : memref<8x64xi32, #tpu.memory_space<vmem>> -> memref<1x64xi32, #tpu.memory_space<vmem>>
      %dma_start3A_257 = tpu.memref_squeeze %dma_start3A_256 : memref<1x64xi32, #tpu.memory_space<vmem>> -> memref<64xi32, #tpu.memory_space<vmem>>
      %dma_start3A_258 = arith.constant 0 : i32
      %dma_start3A_259 = arith.constant 0 : i32
      %dma_start3A_260 = tpu.memref_slice %arg10[%dma_start3A_258, %dma_start3A_259] : memref<10112x128xf32, #tpu.memory_space<vmem_shared>> -> memref<10112x128xf32, #tpu.memory_space<vmem_shared>>
      %dma_start3A_261 = tpu.memref_slice %arg13[%dma_start3A_250] : memref<4x!tpu.dma_semaphore, #tpu.memory_space<semaphore_mem>> -> memref<1x!tpu.dma_semaphore, #tpu.memory_space<semaphore_mem>>
      %dma_start3A_262 = tpu.memref_squeeze %dma_start3A_261 : memref<1x!tpu.dma_semaphore, #tpu.memory_space<semaphore_mem>> -> memref<!tpu.dma_semaphore, #tpu.memory_space<semaphore_mem>>
      tpu.enqueue_indirect_dma source(%dma_start3A_254 : memref<64x128xf32, #tpu.memory_space<vmem>>) target(%dma_start3A_260 : memref<10112x128xf32, #tpu.memory_space<vmem_shared>>) offsets(%dma_start3A_257 : memref<64xi32, #tpu.memory_space<vmem>>) semaphore(%dma_start3A_262 : memref<!tpu.dma_semaphore, #tpu.memory_space<semaphore_mem>>) {add = true}
      %ge3A = arith.constant 2 : i32
      %ge3A_263 = arith.cmpi sge, %add3A_232, %ge3A : i32
      %convert_element_type3A = arith.extui %ge3A_263 : i1 to i32
      %cond3A = arith.constant 0 : i32
      %cond3A_264 = arith.cmpi ne, %convert_element_type3A, %cond3A : i32
      scf.if %cond3A_264 {
        %dma_wait3A_635 = arith.constant 2 : i32
        %dma_wait3A_636 = arith.constant 2 : i32
        %dma_wait3A_637 = arith.constant 2 : i32
        %dma_wait3A_638 = arith.constant 0 : i32
        %dma_wait3A_639 = arith.constant 0 : i32
        %dma_wait3A_640 = tpu.memref_slice %arg9[%dma_wait3A_635, %dma_wait3A_638, %dma_wait3A_639] : memref<4x64x128xf32, #tpu.memory_space<vmem>> -> memref<1x64x128xf32, #tpu.memory_space<vmem>>
        %dma_wait3A_641 = tpu.memref_squeeze %dma_wait3A_640 : memref<1x64x128xf32, #tpu.memory_space<vmem>> -> memref<64x128xf32, #tpu.memory_space<vmem>>
        %dma_wait3A_642 = arith.constant 0 : i32
        %dma_wait3A_643 = tpu.memref_slice %arg7[%dma_wait3A_636, %dma_wait3A_642] : memref<8x64xi32, #tpu.memory_space<vmem>> -> memref<1x64xi32, #tpu.memory_space<vmem>>
        %dma_wait3A_644 = tpu.memref_squeeze %dma_wait3A_643 : memref<1x64xi32, #tpu.memory_space<vmem>> -> memref<64xi32, #tpu.memory_space<vmem>>
        %dma_wait3A_645 = arith.constant 0 : i32
        %dma_wait3A_646 = arith.constant 0 : i32
        %dma_wait3A_647 = tpu.memref_slice %arg10[%dma_wait3A_645, %dma_wait3A_646] : memref<10112x128xf32, #tpu.memory_space<vmem_shared>> -> memref<10112x128xf32, #tpu.memory_space<vmem_shared>>
        %dma_wait3A_648 = tpu.memref_slice %arg13[%dma_wait3A_637] : memref<4x!tpu.dma_semaphore, #tpu.memory_space<semaphore_mem>> -> memref<1x!tpu.dma_semaphore, #tpu.memory_space<semaphore_mem>>
        %dma_wait3A_649 = tpu.memref_squeeze %dma_wait3A_648 : memref<1x!tpu.dma_semaphore, #tpu.memory_space<semaphore_mem>> -> memref<!tpu.dma_semaphore, #tpu.memory_space<semaphore_mem>>
        tpu.wait_indirect_dma semaphore(%dma_wait3A_649 : memref<!tpu.dma_semaphore, #tpu.memory_space<semaphore_mem>>) src(%dma_wait3A_641 : memref<64x128xf32, #tpu.memory_space<vmem>>) dst(%dma_wait3A_647 : memref<10112x128xf32, #tpu.memory_space<vmem_shared>>)
      } else {
      }
      %add3A_265 = arith.constant 2 : i32
      %add3A_266 = arith.addi %add3A_232, %add3A_265 : i32
      %lt3A = arith.constant 80 : i32
      %lt3A_267 = arith.cmpi slt, %add3A_266, %lt3A : i32
      %convert_element_type3A_268 = arith.extui %lt3A_267 : i1 to i32
      %cond3A_269 = arith.constant 0 : i32
      %cond3A_270 = arith.cmpi ne, %convert_element_type3A_268, %cond3A_269 : i32
      scf.if %cond3A_270 {
        %dma_wait3A_635 = arith.constant 2 : i32
        %dma_wait3A_636 = arith.constant 2 : i32
        %dma_wait3A_637 = arith.constant 0 : i32
        %dma_wait3A_638 = tpu.memref_slice %arg7[%dma_wait3A_635, %dma_wait3A_637] : memref<8x64xi32, #tpu.memory_space<vmem>> -> memref<1x64xi32, #tpu.memory_space<vmem>>
        %dma_wait3A_639 = tpu.memref_squeeze %dma_wait3A_638 : memref<1x64xi32, #tpu.memory_space<vmem>> -> memref<64xi32, #tpu.memory_space<vmem>>
        %dma_wait3A_640 = tpu.memref_slice %arg3[%mul3A_2] : memref<163840xi32, #tpu.memory_space<hbm>> -> memref<64xi32, #tpu.memory_space<hbm>>
        %dma_wait3A_641 = tpu.memref_slice %arg11[%dma_wait3A_636] : memref<8x!tpu.dma_semaphore, #tpu.memory_space<semaphore_mem>> -> memref<1x!tpu.dma_semaphore, #tpu.memory_space<semaphore_mem>>
        %dma_wait3A_642 = tpu.memref_squeeze %dma_wait3A_641 : memref<1x!tpu.dma_semaphore, #tpu.memory_space<semaphore_mem>> -> memref<!tpu.dma_semaphore, #tpu.memory_space<semaphore_mem>>
        %dma_wait3A_643 = arith.constant 0 : i32
        %dma_wait3A_644 = tpu.memref_slice %arg7[%dma_wait3A_635, %dma_wait3A_643] : memref<8x64xi32, #tpu.memory_space<vmem>> -> memref<1x64xi32, #tpu.memory_space<vmem>>
        %dma_wait3A_645 = tpu.memref_squeeze %dma_wait3A_644 : memref<1x64xi32, #tpu.memory_space<vmem>> -> memref<64xi32, #tpu.memory_space<vmem>>
        %dma_wait3A_646 = tpu.memref_slice %arg3[%mul3A_2] : memref<163840xi32, #tpu.memory_space<hbm>> -> memref<64xi32, #tpu.memory_space<hbm>>
        tpu.wait_dma2 semaphore(%dma_wait3A_642 : memref<!tpu.dma_semaphore, #tpu.memory_space<semaphore_mem>>) src(%dma_wait3A_646 : memref<64xi32, #tpu.memory_space<hbm>>) dst(%dma_wait3A_645 : memref<64xi32, #tpu.memory_space<vmem>>)
        %dma_wait3A_647 = arith.constant 2 : i32
        %dma_wait3A_648 = arith.constant 2 : i32
        %dma_wait3A_649 = arith.constant 0 : i32
        %dma_wait3A_650 = tpu.memref_slice %arg8[%dma_wait3A_647, %dma_wait3A_649] : memref<8x64xi32, #tpu.memory_space<vmem>> -> memref<1x64xi32, #tpu.memory_space<vmem>>
        %dma_wait3A_651 = tpu.memref_squeeze %dma_wait3A_650 : memref<1x64xi32, #tpu.memory_space<vmem>> -> memref<64xi32, #tpu.memory_space<vmem>>
        %dma_wait3A_652 = tpu.memref_slice %arg4[%mul3A_2] : memref<163840xi32, #tpu.memory_space<hbm>> -> memref<64xi32, #tpu.memory_space<hbm>>
        %dma_wait3A_653 = tpu.memref_slice %arg11[%dma_wait3A_648] : memref<8x!tpu.dma_semaphore, #tpu.memory_space<semaphore_mem>> -> memref<1x!tpu.dma_semaphore, #tpu.memory_space<semaphore_mem>>
        %dma_wait3A_654 = tpu.memref_squeeze %dma_wait3A_653 : memref<1x!tpu.dma_semaphore, #tpu.memory_space<semaphore_mem>> -> memref<!tpu.dma_semaphore, #tpu.memory_space<semaphore_mem>>
        %dma_wait3A_655 = arith.constant 0 : i32
        %dma_wait3A_656 = tpu.memref_slice %arg8[%dma_wait3A_647, %dma_wait3A_655] : memref<8x64xi32, #tpu.memory_space<vmem>> -> memref<1x64xi32, #tpu.memory_space<vmem>>
        %dma_wait3A_657 = tpu.memref_squeeze %dma_wait3A_656 : memref<1x64xi32, #tpu.memory_space<vmem>> -> memref<64xi32, #tpu.memory_space<vmem>>
        %dma_wait3A_658 = tpu.memref_slice %arg4[%mul3A_2] : memref<163840xi32, #tpu.memory_space<hbm>> -> memref<64xi32, #tpu.memory_space<hbm>>
        tpu.wait_dma2 semaphore(%dma_wait3A_654 : memref<!tpu.dma_semaphore, #tpu.memory_space<semaphore_mem>>) src(%dma_wait3A_658 : memref<64xi32, #tpu.memory_space<hbm>>) dst(%dma_wait3A_657 : memref<64xi32, #tpu.memory_space<vmem>>)
        %dma_start3A_659 = arith.constant 2 : i32
        %dma_start3A_660 = arith.constant 2 : i32
        %dma_start3A_661 = arith.constant 2 : i32
        %dma_start3A_662 = arith.constant 0 : i32
        %dma_start3A_663 = arith.constant 0 : i32
        %dma_start3A_664 = tpu.memref_slice %arg9[%dma_start3A_660, %dma_start3A_662, %dma_start3A_663] : memref<4x64x128xf32, #tpu.memory_space<vmem>> -> memref<1x64x128xf32, #tpu.memory_space<vmem>>
        %dma_start3A_665 = tpu.memref_squeeze %dma_start3A_664 : memref<1x64x128xf32, #tpu.memory_space<vmem>> -> memref<64x128xf32, #tpu.memory_space<vmem>>
        %dma_start3A_666 = arith.constant 0 : i32
        %dma_start3A_667 = tpu.memref_slice %arg8[%dma_start3A_659, %dma_start3A_666] : memref<8x64xi32, #tpu.memory_space<vmem>> -> memref<1x64xi32, #tpu.memory_space<vmem>>
        %dma_start3A_668 = tpu.memref_squeeze %dma_start3A_667 : memref<1x64xi32, #tpu.memory_space<vmem>> -> memref<64xi32, #tpu.memory_space<vmem>>
        %dma_start3A_669 = arith.constant 0 : i32
        %dma_start3A_670 = arith.constant 0 : i32
        %dma_start3A_671 = tpu.memref_slice %arg2[%dma_start3A_669, %dma_start3A_670] : memref<10000x128xf32, #tpu.memory_space<hbm>> -> memref<10000x128xf32, #tpu.memory_space<hbm>>
        %dma_start3A_672 = tpu.memref_slice %arg12[%dma_start3A_661] : memref<4x!tpu.dma_semaphore, #tpu.memory_space<semaphore_mem>> -> memref<1x!tpu.dma_semaphore, #tpu.memory_space<semaphore_mem>>
        %dma_start3A_673 = tpu.memref_squeeze %dma_start3A_672 : memref<1x!tpu.dma_semaphore, #tpu.memory_space<semaphore_mem>> -> memref<!tpu.dma_semaphore, #tpu.memory_space<semaphore_mem>>
        tpu.enqueue_indirect_dma source(%dma_start3A_671 : memref<10000x128xf32, #tpu.memory_space<hbm>>) target(%dma_start3A_665 : memref<64x128xf32, #tpu.memory_space<vmem>>) offsets(%dma_start3A_668 : memref<64xi32, #tpu.memory_space<vmem>>) semaphore(%dma_start3A_673 : memref<!tpu.dma_semaphore, #tpu.memory_space<semaphore_mem>>)
      } else {
      }
      %add3A_271 = arith.constant 4 : i32
      %add3A_272 = arith.addi %add3A_232, %add3A_271 : i32
      %lt3A_273 = arith.constant 80 : i32
      %lt3A_274 = arith.cmpi slt, %add3A_272, %lt3A_273 : i32
      %convert_element_type3A_275 = arith.extui %lt3A_274 : i1 to i32
      %cond3A_276 = arith.constant 0 : i32
      %cond3A_277 = arith.cmpi ne, %convert_element_type3A_275, %cond3A_276 : i32
      scf.if %cond3A_277 {
        %add3A_635 = arith.constant 4 : i32
        %add3A_636 = arith.addi %add3A_232, %add3A_635 : i32
        %mul3A_637 = arith.constant 64 : i32
        %mul3A_638 = arith.muli %add3A_636, %mul3A_637 : i32
        %add3A_639 = arith.addi %mul3A_2, %mul3A_638 : i32
        %dma_start3A_640 = arith.constant 4 : i32
        %dma_start3A_641 = arith.constant 4 : i32
        %dma_start3A_642 = arith.constant 0 : i32
        %dma_start3A_643 = tpu.memref_slice %arg7[%dma_start3A_640, %dma_start3A_642] : memref<8x64xi32, #tpu.memory_space<vmem>> -> memref<1x64xi32, #tpu.memory_space<vmem>>
        %dma_start3A_644 = tpu.memref_squeeze %dma_start3A_643 : memref<1x64xi32, #tpu.memory_space<vmem>> -> memref<64xi32, #tpu.memory_space<vmem>>
        %dma_start3A_645 = tpu.memref_slice %arg3[%add3A_639] : memref<163840xi32, #tpu.memory_space<hbm>> -> memref<64xi32, #tpu.memory_space<hbm>>
        %dma_start3A_646 = tpu.memref_slice %arg11[%dma_start3A_641] : memref<8x!tpu.dma_semaphore, #tpu.memory_space<semaphore_mem>> -> memref<1x!tpu.dma_semaphore, #tpu.memory_space<semaphore_mem>>
        %dma_start3A_647 = tpu.memref_squeeze %dma_start3A_646 : memref<1x!tpu.dma_semaphore, #tpu.memory_space<semaphore_mem>> -> memref<!tpu.dma_semaphore, #tpu.memory_space<semaphore_mem>>
        %dma_start3A_648 = arith.constant 0 : i32
        %dma_start3A_649 = tpu.memref_slice %arg7[%dma_start3A_640, %dma_start3A_648] : memref<8x64xi32, #tpu.memory_space<vmem>> -> memref<1x64xi32, #tpu.memory_space<vmem>>
        %dma_start3A_650 = tpu.memref_squeeze %dma_start3A_649 : memref<1x64xi32, #tpu.memory_space<vmem>> -> memref<64xi32, #tpu.memory_space<vmem>>
        %dma_start3A_651 = tpu.memref_slice %arg3[%add3A_639] : memref<163840xi32, #tpu.memory_space<hbm>> -> memref<64xi32, #tpu.memory_space<hbm>>
        tpu.enqueue_dma source(%dma_start3A_651 : memref<64xi32, #tpu.memory_space<hbm>>) target(%dma_start3A_650 : memref<64xi32, #tpu.memory_space<vmem>>) target_semaphore(%dma_start3A_647 : memref<!tpu.dma_semaphore, #tpu.memory_space<semaphore_mem>>)
        %dma_start3A_652 = arith.constant 4 : i32
        %dma_start3A_653 = arith.constant 4 : i32
        %dma_start3A_654 = arith.constant 0 : i32
        %dma_start3A_655 = tpu.memref_slice %arg8[%dma_start3A_652, %dma_start3A_654] : memref<8x64xi32, #tpu.memory_space<vmem>> -> memref<1x64xi32, #tpu.memory_space<vmem>>
        %dma_start3A_656 = tpu.memref_squeeze %dma_start3A_655 : memref<1x64xi32, #tpu.memory_space<vmem>> -> memref<64xi32, #tpu.memory_space<vmem>>
        %dma_start3A_657 = tpu.memref_slice %arg4[%add3A_639] : memref<163840xi32, #tpu.memory_space<hbm>> -> memref<64xi32, #tpu.memory_space<hbm>>
        %dma_start3A_658 = tpu.memref_slice %arg11[%dma_start3A_653] : memref<8x!tpu.dma_semaphore, #tpu.memory_space<semaphore_mem>> -> memref<1x!tpu.dma_semaphore, #tpu.memory_space<semaphore_mem>>
        %dma_start3A_659 = tpu.memref_squeeze %dma_start3A_658 : memref<1x!tpu.dma_semaphore, #tpu.memory_space<semaphore_mem>> -> memref<!tpu.dma_semaphore, #tpu.memory_space<semaphore_mem>>
        %dma_start3A_660 = arith.constant 0 : i32
        %dma_start3A_661 = tpu.memref_slice %arg8[%dma_start3A_652, %dma_start3A_660] : memref<8x64xi32, #tpu.memory_space<vmem>> -> memref<1x64xi32, #tpu.memory_space<vmem>>
        %dma_start3A_662 = tpu.memref_squeeze %dma_start3A_661 : memref<1x64xi32, #tpu.memory_space<vmem>> -> memref<64xi32, #tpu.memory_space<vmem>>
        %dma_start3A_663 = tpu.memref_slice %arg4[%add3A_639] : memref<163840xi32, #tpu.memory_space<hbm>> -> memref<64xi32, #tpu.memory_space<hbm>>
        tpu.enqueue_dma source(%dma_start3A_663 : memref<64xi32, #tpu.memory_space<hbm>>) target(%dma_start3A_662 : memref<64xi32, #tpu.memory_space<vmem>>) target_semaphore(%dma_start3A_659 : memref<!tpu.dma_semaphore, #tpu.memory_space<semaphore_mem>>)
      } else {
      }
      %add3A_278 = arith.constant 1 : i32
      %add3A_279 = arith.addi %add3A_230, %add3A_278 : i32
      %dma_wait3A_280 = arith.constant 1 : i32
      %dma_wait3A_281 = arith.constant 1 : i32
      %dma_wait3A_282 = arith.constant 1 : i32
      %dma_wait3A_283 = arith.constant 0 : i32
      %dma_wait3A_284 = arith.constant 0 : i32
      %dma_wait3A_285 = tpu.memref_slice %arg9[%dma_wait3A_281, %dma_wait3A_283, %dma_wait3A_284] : memref<4x64x128xf32, #tpu.memory_space<vmem>> -> memref<1x64x128xf32, #tpu.memory_space<vmem>>
      %dma_wait3A_286 = tpu.memref_squeeze %dma_wait3A_285 : memref<1x64x128xf32, #tpu.memory_space<vmem>> -> memref<64x128xf32, #tpu.memory_space<vmem>>
      %dma_wait3A_287 = arith.constant 0 : i32
      %dma_wait3A_288 = tpu.memref_slice %arg8[%dma_wait3A_280, %dma_wait3A_287] : memref<8x64xi32, #tpu.memory_space<vmem>> -> memref<1x64xi32, #tpu.memory_space<vmem>>
      %dma_wait3A_289 = tpu.memref_squeeze %dma_wait3A_288 : memref<1x64xi32, #tpu.memory_space<vmem>> -> memref<64xi32, #tpu.memory_space<vmem>>
      %dma_wait3A_290 = arith.constant 0 : i32
      %dma_wait3A_291 = arith.constant 0 : i32
      %dma_wait3A_292 = tpu.memref_slice %arg2[%dma_wait3A_290, %dma_wait3A_291] : memref<10000x128xf32, #tpu.memory_space<hbm>> -> memref<10000x128xf32, #tpu.memory_space<hbm>>
      %dma_wait3A_293 = tpu.memref_slice %arg12[%dma_wait3A_282] : memref<4x!tpu.dma_semaphore, #tpu.memory_space<semaphore_mem>> -> memref<1x!tpu.dma_semaphore, #tpu.memory_space<semaphore_mem>>
      %dma_wait3A_294 = tpu.memref_squeeze %dma_wait3A_293 : memref<1x!tpu.dma_semaphore, #tpu.memory_space<semaphore_mem>> -> memref<!tpu.dma_semaphore, #tpu.memory_space<semaphore_mem>>
      tpu.wait_indirect_dma semaphore(%dma_wait3A_294 : memref<!tpu.dma_semaphore, #tpu.memory_space<semaphore_mem>>) src(%dma_wait3A_292 : memref<10000x128xf32, #tpu.memory_space<hbm>>) dst(%dma_wait3A_286 : memref<64x128xf32, #tpu.memory_space<vmem>>)
      %dma_start3A_295 = arith.constant 1 : i32
      %dma_start3A_296 = arith.constant 1 : i32
      %dma_start3A_297 = arith.constant 1 : i32
      %dma_start3A_298 = arith.constant 0 : i32
      %dma_start3A_299 = arith.constant 0 : i32
      %dma_start3A_300 = tpu.memref_slice %arg9[%dma_start3A_295, %dma_start3A_298, %dma_start3A_299] : memref<4x64x128xf32, #tpu.memory_space<vmem>> -> memref<1x64x128xf32, #tpu.memory_space<vmem>>
      %dma_start3A_301 = tpu.memref_squeeze %dma_start3A_300 : memref<1x64x128xf32, #tpu.memory_space<vmem>> -> memref<64x128xf32, #tpu.memory_space<vmem>>
      %dma_start3A_302 = arith.constant 0 : i32
      %dma_start3A_303 = tpu.memref_slice %arg7[%dma_start3A_296, %dma_start3A_302] : memref<8x64xi32, #tpu.memory_space<vmem>> -> memref<1x64xi32, #tpu.memory_space<vmem>>
      %dma_start3A_304 = tpu.memref_squeeze %dma_start3A_303 : memref<1x64xi32, #tpu.memory_space<vmem>> -> memref<64xi32, #tpu.memory_space<vmem>>
      %dma_start3A_305 = arith.constant 0 : i32
      %dma_start3A_306 = arith.constant 0 : i32
      %dma_start3A_307 = tpu.memref_slice %arg10[%dma_start3A_305, %dma_start3A_306] : memref<10112x128xf32, #tpu.memory_space<vmem_shared>> -> memref<10112x128xf32, #tpu.memory_space<vmem_shared>>
      %dma_start3A_308 = tpu.memref_slice %arg13[%dma_start3A_297] : memref<4x!tpu.dma_semaphore, #tpu.memory_space<semaphore_mem>> -> memref<1x!tpu.dma_semaphore, #tpu.memory_space<semaphore_mem>>
      %dma_start3A_309 = tpu.memref_squeeze %dma_start3A_308 : memref<1x!tpu.dma_semaphore, #tpu.memory_space<semaphore_mem>> -> memref<!tpu.dma_semaphore, #tpu.memory_space<semaphore_mem>>
      tpu.enqueue_indirect_dma source(%dma_start3A_301 : memref<64x128xf32, #tpu.memory_space<vmem>>) target(%dma_start3A_307 : memref<10112x128xf32, #tpu.memory_space<vmem_shared>>) offsets(%dma_start3A_304 : memref<64xi32, #tpu.memory_space<vmem>>) semaphore(%dma_start3A_309 : memref<!tpu.dma_semaphore, #tpu.memory_space<semaphore_mem>>) {add = true}
      %ge3A_310 = arith.constant 2 : i32
      %ge3A_311 = arith.cmpi sge, %add3A_279, %ge3A_310 : i32
      %convert_element_type3A_312 = arith.extui %ge3A_311 : i1 to i32
      %cond3A_313 = arith.constant 0 : i32
      %cond3A_314 = arith.cmpi ne, %convert_element_type3A_312, %cond3A_313 : i32
      scf.if %cond3A_314 {
        %dma_wait3A_635 = arith.constant 3 : i32
        %dma_wait3A_636 = arith.constant 3 : i32
        %dma_wait3A_637 = arith.constant 3 : i32
        %dma_wait3A_638 = arith.constant 0 : i32
        %dma_wait3A_639 = arith.constant 0 : i32
        %dma_wait3A_640 = tpu.memref_slice %arg9[%dma_wait3A_635, %dma_wait3A_638, %dma_wait3A_639] : memref<4x64x128xf32, #tpu.memory_space<vmem>> -> memref<1x64x128xf32, #tpu.memory_space<vmem>>
        %dma_wait3A_641 = tpu.memref_squeeze %dma_wait3A_640 : memref<1x64x128xf32, #tpu.memory_space<vmem>> -> memref<64x128xf32, #tpu.memory_space<vmem>>
        %dma_wait3A_642 = arith.constant 0 : i32
        %dma_wait3A_643 = tpu.memref_slice %arg7[%dma_wait3A_636, %dma_wait3A_642] : memref<8x64xi32, #tpu.memory_space<vmem>> -> memref<1x64xi32, #tpu.memory_space<vmem>>
        %dma_wait3A_644 = tpu.memref_squeeze %dma_wait3A_643 : memref<1x64xi32, #tpu.memory_space<vmem>> -> memref<64xi32, #tpu.memory_space<vmem>>
        %dma_wait3A_645 = arith.constant 0 : i32
        %dma_wait3A_646 = arith.constant 0 : i32
        %dma_wait3A_647 = tpu.memref_slice %arg10[%dma_wait3A_645, %dma_wait3A_646] : memref<10112x128xf32, #tpu.memory_space<vmem_shared>> -> memref<10112x128xf32, #tpu.memory_space<vmem_shared>>
        %dma_wait3A_648 = tpu.memref_slice %arg13[%dma_wait3A_637] : memref<4x!tpu.dma_semaphore, #tpu.memory_space<semaphore_mem>> -> memref<1x!tpu.dma_semaphore, #tpu.memory_space<semaphore_mem>>
        %dma_wait3A_649 = tpu.memref_squeeze %dma_wait3A_648 : memref<1x!tpu.dma_semaphore, #tpu.memory_space<semaphore_mem>> -> memref<!tpu.dma_semaphore, #tpu.memory_space<semaphore_mem>>
        tpu.wait_indirect_dma semaphore(%dma_wait3A_649 : memref<!tpu.dma_semaphore, #tpu.memory_space<semaphore_mem>>) src(%dma_wait3A_641 : memref<64x128xf32, #tpu.memory_space<vmem>>) dst(%dma_wait3A_647 : memref<10112x128xf32, #tpu.memory_space<vmem_shared>>)
      } else {
      }
      %add3A_315 = arith.constant 2 : i32
      %add3A_316 = arith.addi %add3A_279, %add3A_315 : i32
      %lt3A_317 = arith.constant 80 : i32
      %lt3A_318 = arith.cmpi slt, %add3A_316, %lt3A_317 : i32
      %convert_element_type3A_319 = arith.extui %lt3A_318 : i1 to i32
      %cond3A_320 = arith.constant 0 : i32
      %cond3A_321 = arith.cmpi ne, %convert_element_type3A_319, %cond3A_320 : i32
      scf.if %cond3A_321 {
        %dma_wait3A_635 = arith.constant 3 : i32
        %dma_wait3A_636 = arith.constant 3 : i32
        %dma_wait3A_637 = arith.constant 0 : i32
        %dma_wait3A_638 = tpu.memref_slice %arg7[%dma_wait3A_635, %dma_wait3A_637] : memref<8x64xi32, #tpu.memory_space<vmem>> -> memref<1x64xi32, #tpu.memory_space<vmem>>
        %dma_wait3A_639 = tpu.memref_squeeze %dma_wait3A_638 : memref<1x64xi32, #tpu.memory_space<vmem>> -> memref<64xi32, #tpu.memory_space<vmem>>
        %dma_wait3A_640 = tpu.memref_slice %arg3[%mul3A_2] : memref<163840xi32, #tpu.memory_space<hbm>> -> memref<64xi32, #tpu.memory_space<hbm>>
        %dma_wait3A_641 = tpu.memref_slice %arg11[%dma_wait3A_636] : memref<8x!tpu.dma_semaphore, #tpu.memory_space<semaphore_mem>> -> memref<1x!tpu.dma_semaphore, #tpu.memory_space<semaphore_mem>>
        %dma_wait3A_642 = tpu.memref_squeeze %dma_wait3A_641 : memref<1x!tpu.dma_semaphore, #tpu.memory_space<semaphore_mem>> -> memref<!tpu.dma_semaphore, #tpu.memory_space<semaphore_mem>>
        %dma_wait3A_643 = arith.constant 0 : i32
        %dma_wait3A_644 = tpu.memref_slice %arg7[%dma_wait3A_635, %dma_wait3A_643] : memref<8x64xi32, #tpu.memory_space<vmem>> -> memref<1x64xi32, #tpu.memory_space<vmem>>
        %dma_wait3A_645 = tpu.memref_squeeze %dma_wait3A_644 : memref<1x64xi32, #tpu.memory_space<vmem>> -> memref<64xi32, #tpu.memory_space<vmem>>
        %dma_wait3A_646 = tpu.memref_slice %arg3[%mul3A_2] : memref<163840xi32, #tpu.memory_space<hbm>> -> memref<64xi32, #tpu.memory_space<hbm>>
        tpu.wait_dma2 semaphore(%dma_wait3A_642 : memref<!tpu.dma_semaphore, #tpu.memory_space<semaphore_mem>>) src(%dma_wait3A_646 : memref<64xi32, #tpu.memory_space<hbm>>) dst(%dma_wait3A_645 : memref<64xi32, #tpu.memory_space<vmem>>)
        %dma_wait3A_647 = arith.constant 3 : i32
        %dma_wait3A_648 = arith.constant 3 : i32
        %dma_wait3A_649 = arith.constant 0 : i32
        %dma_wait3A_650 = tpu.memref_slice %arg8[%dma_wait3A_647, %dma_wait3A_649] : memref<8x64xi32, #tpu.memory_space<vmem>> -> memref<1x64xi32, #tpu.memory_space<vmem>>
        %dma_wait3A_651 = tpu.memref_squeeze %dma_wait3A_650 : memref<1x64xi32, #tpu.memory_space<vmem>> -> memref<64xi32, #tpu.memory_space<vmem>>
        %dma_wait3A_652 = tpu.memref_slice %arg4[%mul3A_2] : memref<163840xi32, #tpu.memory_space<hbm>> -> memref<64xi32, #tpu.memory_space<hbm>>
        %dma_wait3A_653 = tpu.memref_slice %arg11[%dma_wait3A_648] : memref<8x!tpu.dma_semaphore, #tpu.memory_space<semaphore_mem>> -> memref<1x!tpu.dma_semaphore, #tpu.memory_space<semaphore_mem>>
        %dma_wait3A_654 = tpu.memref_squeeze %dma_wait3A_653 : memref<1x!tpu.dma_semaphore, #tpu.memory_space<semaphore_mem>> -> memref<!tpu.dma_semaphore, #tpu.memory_space<semaphore_mem>>
        %dma_wait3A_655 = arith.constant 0 : i32
        %dma_wait3A_656 = tpu.memref_slice %arg8[%dma_wait3A_647, %dma_wait3A_655] : memref<8x64xi32, #tpu.memory_space<vmem>> -> memref<1x64xi32, #tpu.memory_space<vmem>>
        %dma_wait3A_657 = tpu.memref_squeeze %dma_wait3A_656 : memref<1x64xi32, #tpu.memory_space<vmem>> -> memref<64xi32, #tpu.memory_space<vmem>>
        %dma_wait3A_658 = tpu.memref_slice %arg4[%mul3A_2] : memref<163840xi32, #tpu.memory_space<hbm>> -> memref<64xi32, #tpu.memory_space<hbm>>
        tpu.wait_dma2 semaphore(%dma_wait3A_654 : memref<!tpu.dma_semaphore, #tpu.memory_space<semaphore_mem>>) src(%dma_wait3A_658 : memref<64xi32, #tpu.memory_space<hbm>>) dst(%dma_wait3A_657 : memref<64xi32, #tpu.memory_space<vmem>>)
        %dma_start3A_659 = arith.constant 3 : i32
        %dma_start3A_660 = arith.constant 3 : i32
        %dma_start3A_661 = arith.constant 3 : i32
        %dma_start3A_662 = arith.constant 0 : i32
        %dma_start3A_663 = arith.constant 0 : i32
        %dma_start3A_664 = tpu.memref_slice %arg9[%dma_start3A_660, %dma_start3A_662, %dma_start3A_663] : memref<4x64x128xf32, #tpu.memory_space<vmem>> -> memref<1x64x128xf32, #tpu.memory_space<vmem>>
        %dma_start3A_665 = tpu.memref_squeeze %dma_start3A_664 : memref<1x64x128xf32, #tpu.memory_space<vmem>> -> memref<64x128xf32, #tpu.memory_space<vmem>>
        %dma_start3A_666 = arith.constant 0 : i32
        %dma_start3A_667 = tpu.memref_slice %arg8[%dma_start3A_659, %dma_start3A_666] : memref<8x64xi32, #tpu.memory_space<vmem>> -> memref<1x64xi32, #tpu.memory_space<vmem>>
        %dma_start3A_668 = tpu.memref_squeeze %dma_start3A_667 : memref<1x64xi32, #tpu.memory_space<vmem>> -> memref<64xi32, #tpu.memory_space<vmem>>
        %dma_start3A_669 = arith.constant 0 : i32
        %dma_start3A_670 = arith.constant 0 : i32
        %dma_start3A_671 = tpu.memref_slice %arg2[%dma_start3A_669, %dma_start3A_670] : memref<10000x128xf32, #tpu.memory_space<hbm>> -> memref<10000x128xf32, #tpu.memory_space<hbm>>
        %dma_start3A_672 = tpu.memref_slice %arg12[%dma_start3A_661] : memref<4x!tpu.dma_semaphore, #tpu.memory_space<semaphore_mem>> -> memref<1x!tpu.dma_semaphore, #tpu.memory_space<semaphore_mem>>
        %dma_start3A_673 = tpu.memref_squeeze %dma_start3A_672 : memref<1x!tpu.dma_semaphore, #tpu.memory_space<semaphore_mem>> -> memref<!tpu.dma_semaphore, #tpu.memory_space<semaphore_mem>>
        tpu.enqueue_indirect_dma source(%dma_start3A_671 : memref<10000x128xf32, #tpu.memory_space<hbm>>) target(%dma_start3A_665 : memref<64x128xf32, #tpu.memory_space<vmem>>) offsets(%dma_start3A_668 : memref<64xi32, #tpu.memory_space<vmem>>) semaphore(%dma_start3A_673 : memref<!tpu.dma_semaphore, #tpu.memory_space<semaphore_mem>>)
      } else {
      }
      %add3A_322 = arith.constant 4 : i32
      %add3A_323 = arith.addi %add3A_279, %add3A_322 : i32
      %lt3A_324 = arith.constant 80 : i32
      %lt3A_325 = arith.cmpi slt, %add3A_323, %lt3A_324 : i32
      %convert_element_type3A_326 = arith.extui %lt3A_325 : i1 to i32
      %cond3A_327 = arith.constant 0 : i32
      %cond3A_328 = arith.cmpi ne, %convert_element_type3A_326, %cond3A_327 : i32
      scf.if %cond3A_328 {
        %add3A_635 = arith.constant 4 : i32
        %add3A_636 = arith.addi %add3A_279, %add3A_635 : i32
        %mul3A_637 = arith.constant 64 : i32
        %mul3A_638 = arith.muli %add3A_636, %mul3A_637 : i32
        %add3A_639 = arith.addi %mul3A_2, %mul3A_638 : i32
        %dma_start3A_640 = arith.constant 5 : i32
        %dma_start3A_641 = arith.constant 5 : i32
        %dma_start3A_642 = arith.constant 0 : i32
        %dma_start3A_643 = tpu.memref_slice %arg7[%dma_start3A_640, %dma_start3A_642] : memref<8x64xi32, #tpu.memory_space<vmem>> -> memref<1x64xi32, #tpu.memory_space<vmem>>
        %dma_start3A_644 = tpu.memref_squeeze %dma_start3A_643 : memref<1x64xi32, #tpu.memory_space<vmem>> -> memref<64xi32, #tpu.memory_space<vmem>>
        %dma_start3A_645 = tpu.memref_slice %arg3[%add3A_639] : memref<163840xi32, #tpu.memory_space<hbm>> -> memref<64xi32, #tpu.memory_space<hbm>>
        %dma_start3A_646 = tpu.memref_slice %arg11[%dma_start3A_641] : memref<8x!tpu.dma_semaphore, #tpu.memory_space<semaphore_mem>> -> memref<1x!tpu.dma_semaphore, #tpu.memory_space<semaphore_mem>>
        %dma_start3A_647 = tpu.memref_squeeze %dma_start3A_646 : memref<1x!tpu.dma_semaphore, #tpu.memory_space<semaphore_mem>> -> memref<!tpu.dma_semaphore, #tpu.memory_space<semaphore_mem>>
        %dma_start3A_648 = arith.constant 0 : i32
        %dma_start3A_649 = tpu.memref_slice %arg7[%dma_start3A_640, %dma_start3A_648] : memref<8x64xi32, #tpu.memory_space<vmem>> -> memref<1x64xi32, #tpu.memory_space<vmem>>
        %dma_start3A_650 = tpu.memref_squeeze %dma_start3A_649 : memref<1x64xi32, #tpu.memory_space<vmem>> -> memref<64xi32, #tpu.memory_space<vmem>>
        %dma_start3A_651 = tpu.memref_slice %arg3[%add3A_639] : memref<163840xi32, #tpu.memory_space<hbm>> -> memref<64xi32, #tpu.memory_space<hbm>>
        tpu.enqueue_dma source(%dma_start3A_651 : memref<64xi32, #tpu.memory_space<hbm>>) target(%dma_start3A_650 : memref<64xi32, #tpu.memory_space<vmem>>) target_semaphore(%dma_start3A_647 : memref<!tpu.dma_semaphore, #tpu.memory_space<semaphore_mem>>)
        %dma_start3A_652 = arith.constant 5 : i32
        %dma_start3A_653 = arith.constant 5 : i32
        %dma_start3A_654 = arith.constant 0 : i32
        %dma_start3A_655 = tpu.memref_slice %arg8[%dma_start3A_652, %dma_start3A_654] : memref<8x64xi32, #tpu.memory_space<vmem>> -> memref<1x64xi32, #tpu.memory_space<vmem>>
        %dma_start3A_656 = tpu.memref_squeeze %dma_start3A_655 : memref<1x64xi32, #tpu.memory_space<vmem>> -> memref<64xi32, #tpu.memory_space<vmem>>
        %dma_start3A_657 = tpu.memref_slice %arg4[%add3A_639] : memref<163840xi32, #tpu.memory_space<hbm>> -> memref<64xi32, #tpu.memory_space<hbm>>
        %dma_start3A_658 = tpu.memref_slice %arg11[%dma_start3A_653] : memref<8x!tpu.dma_semaphore, #tpu.memory_space<semaphore_mem>> -> memref<1x!tpu.dma_semaphore, #tpu.memory_space<semaphore_mem>>
        %dma_start3A_659 = tpu.memref_squeeze %dma_start3A_658 : memref<1x!tpu.dma_semaphore, #tpu.memory_space<semaphore_mem>> -> memref<!tpu.dma_semaphore, #tpu.memory_space<semaphore_mem>>
        %dma_start3A_660 = arith.constant 0 : i32
        %dma_start3A_661 = tpu.memref_slice %arg8[%dma_start3A_652, %dma_start3A_660] : memref<8x64xi32, #tpu.memory_space<vmem>> -> memref<1x64xi32, #tpu.memory_space<vmem>>
        %dma_start3A_662 = tpu.memref_squeeze %dma_start3A_661 : memref<1x64xi32, #tpu.memory_space<vmem>> -> memref<64xi32, #tpu.memory_space<vmem>>
        %dma_start3A_663 = tpu.memref_slice %arg4[%add3A_639] : memref<163840xi32, #tpu.memory_space<hbm>> -> memref<64xi32, #tpu.memory_space<hbm>>
        tpu.enqueue_dma source(%dma_start3A_663 : memref<64xi32, #tpu.memory_space<hbm>>) target(%dma_start3A_662 : memref<64xi32, #tpu.memory_space<vmem>>) target_semaphore(%dma_start3A_659 : memref<!tpu.dma_semaphore, #tpu.memory_space<semaphore_mem>>)
      } else {
      }
      %add3A_329 = arith.constant 2 : i32
      %add3A_330 = arith.addi %add3A_230, %add3A_329 : i32
      %dma_wait3A_331 = arith.constant 2 : i32
      %dma_wait3A_332 = arith.constant 2 : i32
      %dma_wait3A_333 = arith.constant 2 : i32
      %dma_wait3A_334 = arith.constant 0 : i32
      %dma_wait3A_335 = arith.constant 0 : i32
      %dma_wait3A_336 = tpu.memref_slice %arg9[%dma_wait3A_332, %dma_wait3A_334, %dma_wait3A_335] : memref<4x64x128xf32, #tpu.memory_space<vmem>> -> memref<1x64x128xf32, #tpu.memory_space<vmem>>
      %dma_wait3A_337 = tpu.memref_squeeze %dma_wait3A_336 : memref<1x64x128xf32, #tpu.memory_space<vmem>> -> memref<64x128xf32, #tpu.memory_space<vmem>>
      %dma_wait3A_338 = arith.constant 0 : i32
      %dma_wait3A_339 = tpu.memref_slice %arg8[%dma_wait3A_331, %dma_wait3A_338] : memref<8x64xi32, #tpu.memory_space<vmem>> -> memref<1x64xi32, #tpu.memory_space<vmem>>
      %dma_wait3A_340 = tpu.memref_squeeze %dma_wait3A_339 : memref<1x64xi32, #tpu.memory_space<vmem>> -> memref<64xi32, #tpu.memory_space<vmem>>
      %dma_wait3A_341 = arith.constant 0 : i32
      %dma_wait3A_342 = arith.constant 0 : i32
      %dma_wait3A_343 = tpu.memref_slice %arg2[%dma_wait3A_341, %dma_wait3A_342] : memref<10000x128xf32, #tpu.memory_space<hbm>> -> memref<10000x128xf32, #tpu.memory_space<hbm>>
      %dma_wait3A_344 = tpu.memref_slice %arg12[%dma_wait3A_333] : memref<4x!tpu.dma_semaphore, #tpu.memory_space<semaphore_mem>> -> memref<1x!tpu.dma_semaphore, #tpu.memory_space<semaphore_mem>>
      %dma_wait3A_345 = tpu.memref_squeeze %dma_wait3A_344 : memref<1x!tpu.dma_semaphore, #tpu.memory_space<semaphore_mem>> -> memref<!tpu.dma_semaphore, #tpu.memory_space<semaphore_mem>>
      tpu.wait_indirect_dma semaphore(%dma_wait3A_345 : memref<!tpu.dma_semaphore, #tpu.memory_space<semaphore_mem>>) src(%dma_wait3A_343 : memref<10000x128xf32, #tpu.memory_space<hbm>>) dst(%dma_wait3A_337 : memref<64x128xf32, #tpu.memory_space<vmem>>)
      %dma_start3A_346 = arith.constant 2 : i32
      %dma_start3A_347 = arith.constant 2 : i32
      %dma_start3A_348 = arith.constant 2 : i32
      %dma_start3A_349 = arith.constant 0 : i32
      %dma_start3A_350 = arith.constant 0 : i32
      %dma_start3A_351 = tpu.memref_slice %arg9[%dma_start3A_346, %dma_start3A_349, %dma_start3A_350] : memref<4x64x128xf32, #tpu.memory_space<vmem>> -> memref<1x64x128xf32, #tpu.memory_space<vmem>>
      %dma_start3A_352 = tpu.memref_squeeze %dma_start3A_351 : memref<1x64x128xf32, #tpu.memory_space<vmem>> -> memref<64x128xf32, #tpu.memory_space<vmem>>
      %dma_start3A_353 = arith.constant 0 : i32
      %dma_start3A_354 = tpu.memref_slice %arg7[%dma_start3A_347, %dma_start3A_353] : memref<8x64xi32, #tpu.memory_space<vmem>> -> memref<1x64xi32, #tpu.memory_space<vmem>>
      %dma_start3A_355 = tpu.memref_squeeze %dma_start3A_354 : memref<1x64xi32, #tpu.memory_space<vmem>> -> memref<64xi32, #tpu.memory_space<vmem>>
      %dma_start3A_356 = arith.constant 0 : i32
      %dma_start3A_357 = arith.constant 0 : i32
      %dma_start3A_358 = tpu.memref_slice %arg10[%dma_start3A_356, %dma_start3A_357] : memref<10112x128xf32, #tpu.memory_space<vmem_shared>> -> memref<10112x128xf32, #tpu.memory_space<vmem_shared>>
      %dma_start3A_359 = tpu.memref_slice %arg13[%dma_start3A_348] : memref<4x!tpu.dma_semaphore, #tpu.memory_space<semaphore_mem>> -> memref<1x!tpu.dma_semaphore, #tpu.memory_space<semaphore_mem>>
      %dma_start3A_360 = tpu.memref_squeeze %dma_start3A_359 : memref<1x!tpu.dma_semaphore, #tpu.memory_space<semaphore_mem>> -> memref<!tpu.dma_semaphore, #tpu.memory_space<semaphore_mem>>
      tpu.enqueue_indirect_dma source(%dma_start3A_352 : memref<64x128xf32, #tpu.memory_space<vmem>>) target(%dma_start3A_358 : memref<10112x128xf32, #tpu.memory_space<vmem_shared>>) offsets(%dma_start3A_355 : memref<64xi32, #tpu.memory_space<vmem>>) semaphore(%dma_start3A_360 : memref<!tpu.dma_semaphore, #tpu.memory_space<semaphore_mem>>) {add = true}
      %ge3A_361 = arith.constant 2 : i32
      %ge3A_362 = arith.cmpi sge, %add3A_330, %ge3A_361 : i32
      %convert_element_type3A_363 = arith.extui %ge3A_362 : i1 to i32
      %cond3A_364 = arith.constant 0 : i32
      %cond3A_365 = arith.cmpi ne, %convert_element_type3A_363, %cond3A_364 : i32
      scf.if %cond3A_365 {
        %dma_wait3A_635 = arith.constant 0 : i32
        %dma_wait3A_636 = arith.constant 4 : i32
        %dma_wait3A_637 = arith.constant 0 : i32
        %dma_wait3A_638 = arith.constant 0 : i32
        %dma_wait3A_639 = arith.constant 0 : i32
        %dma_wait3A_640 = tpu.memref_slice %arg9[%dma_wait3A_635, %dma_wait3A_638, %dma_wait3A_639] : memref<4x64x128xf32, #tpu.memory_space<vmem>> -> memref<1x64x128xf32, #tpu.memory_space<vmem>>
        %dma_wait3A_641 = tpu.memref_squeeze %dma_wait3A_640 : memref<1x64x128xf32, #tpu.memory_space<vmem>> -> memref<64x128xf32, #tpu.memory_space<vmem>>
        %dma_wait3A_642 = arith.constant 0 : i32
        %dma_wait3A_643 = tpu.memref_slice %arg7[%dma_wait3A_636, %dma_wait3A_642] : memref<8x64xi32, #tpu.memory_space<vmem>> -> memref<1x64xi32, #tpu.memory_space<vmem>>
        %dma_wait3A_644 = tpu.memref_squeeze %dma_wait3A_643 : memref<1x64xi32, #tpu.memory_space<vmem>> -> memref<64xi32, #tpu.memory_space<vmem>>
        %dma_wait3A_645 = arith.constant 0 : i32
        %dma_wait3A_646 = arith.constant 0 : i32
        %dma_wait3A_647 = tpu.memref_slice %arg10[%dma_wait3A_645, %dma_wait3A_646] : memref<10112x128xf32, #tpu.memory_space<vmem_shared>> -> memref<10112x128xf32, #tpu.memory_space<vmem_shared>>
        %dma_wait3A_648 = tpu.memref_slice %arg13[%dma_wait3A_637] : memref<4x!tpu.dma_semaphore, #tpu.memory_space<semaphore_mem>> -> memref<1x!tpu.dma_semaphore, #tpu.memory_space<semaphore_mem>>
        %dma_wait3A_649 = tpu.memref_squeeze %dma_wait3A_648 : memref<1x!tpu.dma_semaphore, #tpu.memory_space<semaphore_mem>> -> memref<!tpu.dma_semaphore, #tpu.memory_space<semaphore_mem>>
        tpu.wait_indirect_dma semaphore(%dma_wait3A_649 : memref<!tpu.dma_semaphore, #tpu.memory_space<semaphore_mem>>) src(%dma_wait3A_641 : memref<64x128xf32, #tpu.memory_space<vmem>>) dst(%dma_wait3A_647 : memref<10112x128xf32, #tpu.memory_space<vmem_shared>>)
      } else {
      }
      %add3A_366 = arith.constant 2 : i32
      %add3A_367 = arith.addi %add3A_330, %add3A_366 : i32
      %lt3A_368 = arith.constant 80 : i32
      %lt3A_369 = arith.cmpi slt, %add3A_367, %lt3A_368 : i32
      %convert_element_type3A_370 = arith.extui %lt3A_369 : i1 to i32
      %cond3A_371 = arith.constant 0 : i32
      %cond3A_372 = arith.cmpi ne, %convert_element_type3A_370, %cond3A_371 : i32
      scf.if %cond3A_372 {
        %dma_wait3A_635 = arith.constant 4 : i32
        %dma_wait3A_636 = arith.constant 4 : i32
        %dma_wait3A_637 = arith.constant 0 : i32
        %dma_wait3A_638 = tpu.memref_slice %arg7[%dma_wait3A_635, %dma_wait3A_637] : memref<8x64xi32, #tpu.memory_space<vmem>> -> memref<1x64xi32, #tpu.memory_space<vmem>>
        %dma_wait3A_639 = tpu.memref_squeeze %dma_wait3A_638 : memref<1x64xi32, #tpu.memory_space<vmem>> -> memref<64xi32, #tpu.memory_space<vmem>>
        %dma_wait3A_640 = tpu.memref_slice %arg3[%mul3A_2] : memref<163840xi32, #tpu.memory_space<hbm>> -> memref<64xi32, #tpu.memory_space<hbm>>
        %dma_wait3A_641 = tpu.memref_slice %arg11[%dma_wait3A_636] : memref<8x!tpu.dma_semaphore, #tpu.memory_space<semaphore_mem>> -> memref<1x!tpu.dma_semaphore, #tpu.memory_space<semaphore_mem>>
        %dma_wait3A_642 = tpu.memref_squeeze %dma_wait3A_641 : memref<1x!tpu.dma_semaphore, #tpu.memory_space<semaphore_mem>> -> memref<!tpu.dma_semaphore, #tpu.memory_space<semaphore_mem>>
        %dma_wait3A_643 = arith.constant 0 : i32
        %dma_wait3A_644 = tpu.memref_slice %arg7[%dma_wait3A_635, %dma_wait3A_643] : memref<8x64xi32, #tpu.memory_space<vmem>> -> memref<1x64xi32, #tpu.memory_space<vmem>>
        %dma_wait3A_645 = tpu.memref_squeeze %dma_wait3A_644 : memref<1x64xi32, #tpu.memory_space<vmem>> -> memref<64xi32, #tpu.memory_space<vmem>>
        %dma_wait3A_646 = tpu.memref_slice %arg3[%mul3A_2] : memref<163840xi32, #tpu.memory_space<hbm>> -> memref<64xi32, #tpu.memory_space<hbm>>
        tpu.wait_dma2 semaphore(%dma_wait3A_642 : memref<!tpu.dma_semaphore, #tpu.memory_space<semaphore_mem>>) src(%dma_wait3A_646 : memref<64xi32, #tpu.memory_space<hbm>>) dst(%dma_wait3A_645 : memref<64xi32, #tpu.memory_space<vmem>>)
        %dma_wait3A_647 = arith.constant 4 : i32
        %dma_wait3A_648 = arith.constant 4 : i32
        %dma_wait3A_649 = arith.constant 0 : i32
        %dma_wait3A_650 = tpu.memref_slice %arg8[%dma_wait3A_647, %dma_wait3A_649] : memref<8x64xi32, #tpu.memory_space<vmem>> -> memref<1x64xi32, #tpu.memory_space<vmem>>
        %dma_wait3A_651 = tpu.memref_squeeze %dma_wait3A_650 : memref<1x64xi32, #tpu.memory_space<vmem>> -> memref<64xi32, #tpu.memory_space<vmem>>
        %dma_wait3A_652 = tpu.memref_slice %arg4[%mul3A_2] : memref<163840xi32, #tpu.memory_space<hbm>> -> memref<64xi32, #tpu.memory_space<hbm>>
        %dma_wait3A_653 = tpu.memref_slice %arg11[%dma_wait3A_648] : memref<8x!tpu.dma_semaphore, #tpu.memory_space<semaphore_mem>> -> memref<1x!tpu.dma_semaphore, #tpu.memory_space<semaphore_mem>>
        %dma_wait3A_654 = tpu.memref_squeeze %dma_wait3A_653 : memref<1x!tpu.dma_semaphore, #tpu.memory_space<semaphore_mem>> -> memref<!tpu.dma_semaphore, #tpu.memory_space<semaphore_mem>>
        %dma_wait3A_655 = arith.constant 0 : i32
        %dma_wait3A_656 = tpu.memref_slice %arg8[%dma_wait3A_647, %dma_wait3A_655] : memref<8x64xi32, #tpu.memory_space<vmem>> -> memref<1x64xi32, #tpu.memory_space<vmem>>
        %dma_wait3A_657 = tpu.memref_squeeze %dma_wait3A_656 : memref<1x64xi32, #tpu.memory_space<vmem>> -> memref<64xi32, #tpu.memory_space<vmem>>
        %dma_wait3A_658 = tpu.memref_slice %arg4[%mul3A_2] : memref<163840xi32, #tpu.memory_space<hbm>> -> memref<64xi32, #tpu.memory_space<hbm>>
        tpu.wait_dma2 semaphore(%dma_wait3A_654 : memref<!tpu.dma_semaphore, #tpu.memory_space<semaphore_mem>>) src(%dma_wait3A_658 : memref<64xi32, #tpu.memory_space<hbm>>) dst(%dma_wait3A_657 : memref<64xi32, #tpu.memory_space<vmem>>)
        %dma_start3A_659 = arith.constant 4 : i32
        %dma_start3A_660 = arith.constant 0 : i32
        %dma_start3A_661 = arith.constant 0 : i32
        %dma_start3A_662 = arith.constant 0 : i32
        %dma_start3A_663 = arith.constant 0 : i32
        %dma_start3A_664 = tpu.memref_slice %arg9[%dma_start3A_660, %dma_start3A_662, %dma_start3A_663] : memref<4x64x128xf32, #tpu.memory_space<vmem>> -> memref<1x64x128xf32, #tpu.memory_space<vmem>>
        %dma_start3A_665 = tpu.memref_squeeze %dma_start3A_664 : memref<1x64x128xf32, #tpu.memory_space<vmem>> -> memref<64x128xf32, #tpu.memory_space<vmem>>
        %dma_start3A_666 = arith.constant 0 : i32
        %dma_start3A_667 = tpu.memref_slice %arg8[%dma_start3A_659, %dma_start3A_666] : memref<8x64xi32, #tpu.memory_space<vmem>> -> memref<1x64xi32, #tpu.memory_space<vmem>>
        %dma_start3A_668 = tpu.memref_squeeze %dma_start3A_667 : memref<1x64xi32, #tpu.memory_space<vmem>> -> memref<64xi32, #tpu.memory_space<vmem>>
        %dma_start3A_669 = arith.constant 0 : i32
        %dma_start3A_670 = arith.constant 0 : i32
        %dma_start3A_671 = tpu.memref_slice %arg2[%dma_start3A_669, %dma_start3A_670] : memref<10000x128xf32, #tpu.memory_space<hbm>> -> memref<10000x128xf32, #tpu.memory_space<hbm>>
        %dma_start3A_672 = tpu.memref_slice %arg12[%dma_start3A_661] : memref<4x!tpu.dma_semaphore, #tpu.memory_space<semaphore_mem>> -> memref<1x!tpu.dma_semaphore, #tpu.memory_space<semaphore_mem>>
        %dma_start3A_673 = tpu.memref_squeeze %dma_start3A_672 : memref<1x!tpu.dma_semaphore, #tpu.memory_space<semaphore_mem>> -> memref<!tpu.dma_semaphore, #tpu.memory_space<semaphore_mem>>
        tpu.enqueue_indirect_dma source(%dma_start3A_671 : memref<10000x128xf32, #tpu.memory_space<hbm>>) target(%dma_start3A_665 : memref<64x128xf32, #tpu.memory_space<vmem>>) offsets(%dma_start3A_668 : memref<64xi32, #tpu.memory_space<vmem>>) semaphore(%dma_start3A_673 : memref<!tpu.dma_semaphore, #tpu.memory_space<semaphore_mem>>)
      } else {
      }
      %add3A_373 = arith.constant 4 : i32
      %add3A_374 = arith.addi %add3A_330, %add3A_373 : i32
      %lt3A_375 = arith.constant 80 : i32
      %lt3A_376 = arith.cmpi slt, %add3A_374, %lt3A_375 : i32
      %convert_element_type3A_377 = arith.extui %lt3A_376 : i1 to i32
      %cond3A_378 = arith.constant 0 : i32
      %cond3A_379 = arith.cmpi ne, %convert_element_type3A_377, %cond3A_378 : i32
      scf.if %cond3A_379 {
        %add3A_635 = arith.constant 4 : i32
        %add3A_636 = arith.addi %add3A_330, %add3A_635 : i32
        %mul3A_637 = arith.constant 64 : i32
        %mul3A_638 = arith.muli %add3A_636, %mul3A_637 : i32
        %add3A_639 = arith.addi %mul3A_2, %mul3A_638 : i32
        %dma_start3A_640 = arith.constant 6 : i32
        %dma_start3A_641 = arith.constant 6 : i32
        %dma_start3A_642 = arith.constant 0 : i32
        %dma_start3A_643 = tpu.memref_slice %arg7[%dma_start3A_640, %dma_start3A_642] : memref<8x64xi32, #tpu.memory_space<vmem>> -> memref<1x64xi32, #tpu.memory_space<vmem>>
        %dma_start3A_644 = tpu.memref_squeeze %dma_start3A_643 : memref<1x64xi32, #tpu.memory_space<vmem>> -> memref<64xi32, #tpu.memory_space<vmem>>
        %dma_start3A_645 = tpu.memref_slice %arg3[%add3A_639] : memref<163840xi32, #tpu.memory_space<hbm>> -> memref<64xi32, #tpu.memory_space<hbm>>
        %dma_start3A_646 = tpu.memref_slice %arg11[%dma_start3A_641] : memref<8x!tpu.dma_semaphore, #tpu.memory_space<semaphore_mem>> -> memref<1x!tpu.dma_semaphore, #tpu.memory_space<semaphore_mem>>
        %dma_start3A_647 = tpu.memref_squeeze %dma_start3A_646 : memref<1x!tpu.dma_semaphore, #tpu.memory_space<semaphore_mem>> -> memref<!tpu.dma_semaphore, #tpu.memory_space<semaphore_mem>>
        %dma_start3A_648 = arith.constant 0 : i32
        %dma_start3A_649 = tpu.memref_slice %arg7[%dma_start3A_640, %dma_start3A_648] : memref<8x64xi32, #tpu.memory_space<vmem>> -> memref<1x64xi32, #tpu.memory_space<vmem>>
        %dma_start3A_650 = tpu.memref_squeeze %dma_start3A_649 : memref<1x64xi32, #tpu.memory_space<vmem>> -> memref<64xi32, #tpu.memory_space<vmem>>
        %dma_start3A_651 = tpu.memref_slice %arg3[%add3A_639] : memref<163840xi32, #tpu.memory_space<hbm>> -> memref<64xi32, #tpu.memory_space<hbm>>
        tpu.enqueue_dma source(%dma_start3A_651 : memref<64xi32, #tpu.memory_space<hbm>>) target(%dma_start3A_650 : memref<64xi32, #tpu.memory_space<vmem>>) target_semaphore(%dma_start3A_647 : memref<!tpu.dma_semaphore, #tpu.memory_space<semaphore_mem>>)
        %dma_start3A_652 = arith.constant 6 : i32
        %dma_start3A_653 = arith.constant 6 : i32
        %dma_start3A_654 = arith.constant 0 : i32
        %dma_start3A_655 = tpu.memref_slice %arg8[%dma_start3A_652, %dma_start3A_654] : memref<8x64xi32, #tpu.memory_space<vmem>> -> memref<1x64xi32, #tpu.memory_space<vmem>>
        %dma_start3A_656 = tpu.memref_squeeze %dma_start3A_655 : memref<1x64xi32, #tpu.memory_space<vmem>> -> memref<64xi32, #tpu.memory_space<vmem>>
        %dma_start3A_657 = tpu.memref_slice %arg4[%add3A_639] : memref<163840xi32, #tpu.memory_space<hbm>> -> memref<64xi32, #tpu.memory_space<hbm>>
        %dma_start3A_658 = tpu.memref_slice %arg11[%dma_start3A_653] : memref<8x!tpu.dma_semaphore, #tpu.memory_space<semaphore_mem>> -> memref<1x!tpu.dma_semaphore, #tpu.memory_space<semaphore_mem>>
        %dma_start3A_659 = tpu.memref_squeeze %dma_start3A_658 : memref<1x!tpu.dma_semaphore, #tpu.memory_space<semaphore_mem>> -> memref<!tpu.dma_semaphore, #tpu.memory_space<semaphore_mem>>
        %dma_start3A_660 = arith.constant 0 : i32
        %dma_start3A_661 = tpu.memref_slice %arg8[%dma_start3A_652, %dma_start3A_660] : memref<8x64xi32, #tpu.memory_space<vmem>> -> memref<1x64xi32, #tpu.memory_space<vmem>>
        %dma_start3A_662 = tpu.memref_squeeze %dma_start3A_661 : memref<1x64xi32, #tpu.memory_space<vmem>> -> memref<64xi32, #tpu.memory_space<vmem>>
        %dma_start3A_663 = tpu.memref_slice %arg4[%add3A_639] : memref<163840xi32, #tpu.memory_space<hbm>> -> memref<64xi32, #tpu.memory_space<hbm>>
        tpu.enqueue_dma source(%dma_start3A_663 : memref<64xi32, #tpu.memory_space<hbm>>) target(%dma_start3A_662 : memref<64xi32, #tpu.memory_space<vmem>>) target_semaphore(%dma_start3A_659 : memref<!tpu.dma_semaphore, #tpu.memory_space<semaphore_mem>>)
      } else {
      }
      %add3A_380 = arith.constant 3 : i32
      %add3A_381 = arith.addi %add3A_230, %add3A_380 : i32
      %dma_wait3A_382 = arith.constant 3 : i32
      %dma_wait3A_383 = arith.constant 3 : i32
      %dma_wait3A_384 = arith.constant 3 : i32
      %dma_wait3A_385 = arith.constant 0 : i32
      %dma_wait3A_386 = arith.constant 0 : i32
      %dma_wait3A_387 = tpu.memref_slice %arg9[%dma_wait3A_383, %dma_wait3A_385, %dma_wait3A_386] : memref<4x64x128xf32, #tpu.memory_space<vmem>> -> memref<1x64x128xf32, #tpu.memory_space<vmem>>
      %dma_wait3A_388 = tpu.memref_squeeze %dma_wait3A_387 : memref<1x64x128xf32, #tpu.memory_space<vmem>> -> memref<64x128xf32, #tpu.memory_space<vmem>>
      %dma_wait3A_389 = arith.constant 0 : i32
      %dma_wait3A_390 = tpu.memref_slice %arg8[%dma_wait3A_382, %dma_wait3A_389] : memref<8x64xi32, #tpu.memory_space<vmem>> -> memref<1x64xi32, #tpu.memory_space<vmem>>
      %dma_wait3A_391 = tpu.memref_squeeze %dma_wait3A_390 : memref<1x64xi32, #tpu.memory_space<vmem>> -> memref<64xi32, #tpu.memory_space<vmem>>
      %dma_wait3A_392 = arith.constant 0 : i32
      %dma_wait3A_393 = arith.constant 0 : i32
      %dma_wait3A_394 = tpu.memref_slice %arg2[%dma_wait3A_392, %dma_wait3A_393] : memref<10000x128xf32, #tpu.memory_space<hbm>> -> memref<10000x128xf32, #tpu.memory_space<hbm>>
      %dma_wait3A_395 = tpu.memref_slice %arg12[%dma_wait3A_384] : memref<4x!tpu.dma_semaphore, #tpu.memory_space<semaphore_mem>> -> memref<1x!tpu.dma_semaphore, #tpu.memory_space<semaphore_mem>>
      %dma_wait3A_396 = tpu.memref_squeeze %dma_wait3A_395 : memref<1x!tpu.dma_semaphore, #tpu.memory_space<semaphore_mem>> -> memref<!tpu.dma_semaphore, #tpu.memory_space<semaphore_mem>>
      tpu.wait_indirect_dma semaphore(%dma_wait3A_396 : memref<!tpu.dma_semaphore, #tpu.memory_space<semaphore_mem>>) src(%dma_wait3A_394 : memref<10000x128xf32, #tpu.memory_space<hbm>>) dst(%dma_wait3A_388 : memref<64x128xf32, #tpu.memory_space<vmem>>)
      %dma_start3A_397 = arith.constant 3 : i32
      %dma_start3A_398 = arith.constant 3 : i32
      %dma_start3A_399 = arith.constant 3 : i32
      %dma_start3A_400 = arith.constant 0 : i32
      %dma_start3A_401 = arith.constant 0 : i32
      %dma_start3A_402 = tpu.memref_slice %arg9[%dma_start3A_397, %dma_start3A_400, %dma_start3A_401] : memref<4x64x128xf32, #tpu.memory_space<vmem>> -> memref<1x64x128xf32, #tpu.memory_space<vmem>>
      %dma_start3A_403 = tpu.memref_squeeze %dma_start3A_402 : memref<1x64x128xf32, #tpu.memory_space<vmem>> -> memref<64x128xf32, #tpu.memory_space<vmem>>
      %dma_start3A_404 = arith.constant 0 : i32
      %dma_start3A_405 = tpu.memref_slice %arg7[%dma_start3A_398, %dma_start3A_404] : memref<8x64xi32, #tpu.memory_space<vmem>> -> memref<1x64xi32, #tpu.memory_space<vmem>>
      %dma_start3A_406 = tpu.memref_squeeze %dma_start3A_405 : memref<1x64xi32, #tpu.memory_space<vmem>> -> memref<64xi32, #tpu.memory_space<vmem>>
      %dma_start3A_407 = arith.constant 0 : i32
      %dma_start3A_408 = arith.constant 0 : i32
      %dma_start3A_409 = tpu.memref_slice %arg10[%dma_start3A_407, %dma_start3A_408] : memref<10112x128xf32, #tpu.memory_space<vmem_shared>> -> memref<10112x128xf32, #tpu.memory_space<vmem_shared>>
      %dma_start3A_410 = tpu.memref_slice %arg13[%dma_start3A_399] : memref<4x!tpu.dma_semaphore, #tpu.memory_space<semaphore_mem>> -> memref<1x!tpu.dma_semaphore, #tpu.memory_space<semaphore_mem>>
      %dma_start3A_411 = tpu.memref_squeeze %dma_start3A_410 : memref<1x!tpu.dma_semaphore, #tpu.memory_space<semaphore_mem>> -> memref<!tpu.dma_semaphore, #tpu.memory_space<semaphore_mem>>
      tpu.enqueue_indirect_dma source(%dma_start3A_403 : memref<64x128xf32, #tpu.memory_space<vmem>>) target(%dma_start3A_409 : memref<10112x128xf32, #tpu.memory_space<vmem_shared>>) offsets(%dma_start3A_406 : memref<64xi32, #tpu.memory_space<vmem>>) semaphore(%dma_start3A_411 : memref<!tpu.dma_semaphore, #tpu.memory_space<semaphore_mem>>) {add = true}
      %ge3A_412 = arith.constant 2 : i32
      %ge3A_413 = arith.cmpi sge, %add3A_381, %ge3A_412 : i32
      %convert_element_type3A_414 = arith.extui %ge3A_413 : i1 to i32
      %cond3A_415 = arith.constant 0 : i32
      %cond3A_416 = arith.cmpi ne, %convert_element_type3A_414, %cond3A_415 : i32
      scf.if %cond3A_416 {
        %dma_wait3A_635 = arith.constant 1 : i32
        %dma_wait3A_636 = arith.constant 5 : i32
        %dma_wait3A_637 = arith.constant 1 : i32
        %dma_wait3A_638 = arith.constant 0 : i32
        %dma_wait3A_639 = arith.constant 0 : i32
        %dma_wait3A_640 = tpu.memref_slice %arg9[%dma_wait3A_635, %dma_wait3A_638, %dma_wait3A_639] : memref<4x64x128xf32, #tpu.memory_space<vmem>> -> memref<1x64x128xf32, #tpu.memory_space<vmem>>
        %dma_wait3A_641 = tpu.memref_squeeze %dma_wait3A_640 : memref<1x64x128xf32, #tpu.memory_space<vmem>> -> memref<64x128xf32, #tpu.memory_space<vmem>>
        %dma_wait3A_642 = arith.constant 0 : i32
        %dma_wait3A_643 = tpu.memref_slice %arg7[%dma_wait3A_636, %dma_wait3A_642] : memref<8x64xi32, #tpu.memory_space<vmem>> -> memref<1x64xi32, #tpu.memory_space<vmem>>
        %dma_wait3A_644 = tpu.memref_squeeze %dma_wait3A_643 : memref<1x64xi32, #tpu.memory_space<vmem>> -> memref<64xi32, #tpu.memory_space<vmem>>
        %dma_wait3A_645 = arith.constant 0 : i32
        %dma_wait3A_646 = arith.constant 0 : i32
        %dma_wait3A_647 = tpu.memref_slice %arg10[%dma_wait3A_645, %dma_wait3A_646] : memref<10112x128xf32, #tpu.memory_space<vmem_shared>> -> memref<10112x128xf32, #tpu.memory_space<vmem_shared>>
        %dma_wait3A_648 = tpu.memref_slice %arg13[%dma_wait3A_637] : memref<4x!tpu.dma_semaphore, #tpu.memory_space<semaphore_mem>> -> memref<1x!tpu.dma_semaphore, #tpu.memory_space<semaphore_mem>>
        %dma_wait3A_649 = tpu.memref_squeeze %dma_wait3A_648 : memref<1x!tpu.dma_semaphore, #tpu.memory_space<semaphore_mem>> -> memref<!tpu.dma_semaphore, #tpu.memory_space<semaphore_mem>>
        tpu.wait_indirect_dma semaphore(%dma_wait3A_649 : memref<!tpu.dma_semaphore, #tpu.memory_space<semaphore_mem>>) src(%dma_wait3A_641 : memref<64x128xf32, #tpu.memory_space<vmem>>) dst(%dma_wait3A_647 : memref<10112x128xf32, #tpu.memory_space<vmem_shared>>)
      } else {
      }
      %add3A_417 = arith.constant 2 : i32
      %add3A_418 = arith.addi %add3A_381, %add3A_417 : i32
      %lt3A_419 = arith.constant 80 : i32
      %lt3A_420 = arith.cmpi slt, %add3A_418, %lt3A_419 : i32
      %convert_element_type3A_421 = arith.extui %lt3A_420 : i1 to i32
      %cond3A_422 = arith.constant 0 : i32
      %cond3A_423 = arith.cmpi ne, %convert_element_type3A_421, %cond3A_422 : i32
      scf.if %cond3A_423 {
        %dma_wait3A_635 = arith.constant 5 : i32
        %dma_wait3A_636 = arith.constant 5 : i32
        %dma_wait3A_637 = arith.constant 0 : i32
        %dma_wait3A_638 = tpu.memref_slice %arg7[%dma_wait3A_635, %dma_wait3A_637] : memref<8x64xi32, #tpu.memory_space<vmem>> -> memref<1x64xi32, #tpu.memory_space<vmem>>
        %dma_wait3A_639 = tpu.memref_squeeze %dma_wait3A_638 : memref<1x64xi32, #tpu.memory_space<vmem>> -> memref<64xi32, #tpu.memory_space<vmem>>
        %dma_wait3A_640 = tpu.memref_slice %arg3[%mul3A_2] : memref<163840xi32, #tpu.memory_space<hbm>> -> memref<64xi32, #tpu.memory_space<hbm>>
        %dma_wait3A_641 = tpu.memref_slice %arg11[%dma_wait3A_636] : memref<8x!tpu.dma_semaphore, #tpu.memory_space<semaphore_mem>> -> memref<1x!tpu.dma_semaphore, #tpu.memory_space<semaphore_mem>>
        %dma_wait3A_642 = tpu.memref_squeeze %dma_wait3A_641 : memref<1x!tpu.dma_semaphore, #tpu.memory_space<semaphore_mem>> -> memref<!tpu.dma_semaphore, #tpu.memory_space<semaphore_mem>>
        %dma_wait3A_643 = arith.constant 0 : i32
        %dma_wait3A_644 = tpu.memref_slice %arg7[%dma_wait3A_635, %dma_wait3A_643] : memref<8x64xi32, #tpu.memory_space<vmem>> -> memref<1x64xi32, #tpu.memory_space<vmem>>
        %dma_wait3A_645 = tpu.memref_squeeze %dma_wait3A_644 : memref<1x64xi32, #tpu.memory_space<vmem>> -> memref<64xi32, #tpu.memory_space<vmem>>
        %dma_wait3A_646 = tpu.memref_slice %arg3[%mul3A_2] : memref<163840xi32, #tpu.memory_space<hbm>> -> memref<64xi32, #tpu.memory_space<hbm>>
        tpu.wait_dma2 semaphore(%dma_wait3A_642 : memref<!tpu.dma_semaphore, #tpu.memory_space<semaphore_mem>>) src(%dma_wait3A_646 : memref<64xi32, #tpu.memory_space<hbm>>) dst(%dma_wait3A_645 : memref<64xi32, #tpu.memory_space<vmem>>)
        %dma_wait3A_647 = arith.constant 5 : i32
        %dma_wait3A_648 = arith.constant 5 : i32
        %dma_wait3A_649 = arith.constant 0 : i32
        %dma_wait3A_650 = tpu.memref_slice %arg8[%dma_wait3A_647, %dma_wait3A_649] : memref<8x64xi32, #tpu.memory_space<vmem>> -> memref<1x64xi32, #tpu.memory_space<vmem>>
        %dma_wait3A_651 = tpu.memref_squeeze %dma_wait3A_650 : memref<1x64xi32, #tpu.memory_space<vmem>> -> memref<64xi32, #tpu.memory_space<vmem>>
        %dma_wait3A_652 = tpu.memref_slice %arg4[%mul3A_2] : memref<163840xi32, #tpu.memory_space<hbm>> -> memref<64xi32, #tpu.memory_space<hbm>>
        %dma_wait3A_653 = tpu.memref_slice %arg11[%dma_wait3A_648] : memref<8x!tpu.dma_semaphore, #tpu.memory_space<semaphore_mem>> -> memref<1x!tpu.dma_semaphore, #tpu.memory_space<semaphore_mem>>
        %dma_wait3A_654 = tpu.memref_squeeze %dma_wait3A_653 : memref<1x!tpu.dma_semaphore, #tpu.memory_space<semaphore_mem>> -> memref<!tpu.dma_semaphore, #tpu.memory_space<semaphore_mem>>
        %dma_wait3A_655 = arith.constant 0 : i32
        %dma_wait3A_656 = tpu.memref_slice %arg8[%dma_wait3A_647, %dma_wait3A_655] : memref<8x64xi32, #tpu.memory_space<vmem>> -> memref<1x64xi32, #tpu.memory_space<vmem>>
        %dma_wait3A_657 = tpu.memref_squeeze %dma_wait3A_656 : memref<1x64xi32, #tpu.memory_space<vmem>> -> memref<64xi32, #tpu.memory_space<vmem>>
        %dma_wait3A_658 = tpu.memref_slice %arg4[%mul3A_2] : memref<163840xi32, #tpu.memory_space<hbm>> -> memref<64xi32, #tpu.memory_space<hbm>>
        tpu.wait_dma2 semaphore(%dma_wait3A_654 : memref<!tpu.dma_semaphore, #tpu.memory_space<semaphore_mem>>) src(%dma_wait3A_658 : memref<64xi32, #tpu.memory_space<hbm>>) dst(%dma_wait3A_657 : memref<64xi32, #tpu.memory_space<vmem>>)
        %dma_start3A_659 = arith.constant 5 : i32
        %dma_start3A_660 = arith.constant 1 : i32
        %dma_start3A_661 = arith.constant 1 : i32
        %dma_start3A_662 = arith.constant 0 : i32
        %dma_start3A_663 = arith.constant 0 : i32
        %dma_start3A_664 = tpu.memref_slice %arg9[%dma_start3A_660, %dma_start3A_662, %dma_start3A_663] : memref<4x64x128xf32, #tpu.memory_space<vmem>> -> memref<1x64x128xf32, #tpu.memory_space<vmem>>
        %dma_start3A_665 = tpu.memref_squeeze %dma_start3A_664 : memref<1x64x128xf32, #tpu.memory_space<vmem>> -> memref<64x128xf32, #tpu.memory_space<vmem>>
        %dma_start3A_666 = arith.constant 0 : i32
        %dma_start3A_667 = tpu.memref_slice %arg8[%dma_start3A_659, %dma_start3A_666] : memref<8x64xi32, #tpu.memory_space<vmem>> -> memref<1x64xi32, #tpu.memory_space<vmem>>
        %dma_start3A_668 = tpu.memref_squeeze %dma_start3A_667 : memref<1x64xi32, #tpu.memory_space<vmem>> -> memref<64xi32, #tpu.memory_space<vmem>>
        %dma_start3A_669 = arith.constant 0 : i32
        %dma_start3A_670 = arith.constant 0 : i32
        %dma_start3A_671 = tpu.memref_slice %arg2[%dma_start3A_669, %dma_start3A_670] : memref<10000x128xf32, #tpu.memory_space<hbm>> -> memref<10000x128xf32, #tpu.memory_space<hbm>>
        %dma_start3A_672 = tpu.memref_slice %arg12[%dma_start3A_661] : memref<4x!tpu.dma_semaphore, #tpu.memory_space<semaphore_mem>> -> memref<1x!tpu.dma_semaphore, #tpu.memory_space<semaphore_mem>>
        %dma_start3A_673 = tpu.memref_squeeze %dma_start3A_672 : memref<1x!tpu.dma_semaphore, #tpu.memory_space<semaphore_mem>> -> memref<!tpu.dma_semaphore, #tpu.memory_space<semaphore_mem>>
        tpu.enqueue_indirect_dma source(%dma_start3A_671 : memref<10000x128xf32, #tpu.memory_space<hbm>>) target(%dma_start3A_665 : memref<64x128xf32, #tpu.memory_space<vmem>>) offsets(%dma_start3A_668 : memref<64xi32, #tpu.memory_space<vmem>>) semaphore(%dma_start3A_673 : memref<!tpu.dma_semaphore, #tpu.memory_space<semaphore_mem>>)
      } else {
      }
      %add3A_424 = arith.constant 4 : i32
      %add3A_425 = arith.addi %add3A_381, %add3A_424 : i32
      %lt3A_426 = arith.constant 80 : i32
      %lt3A_427 = arith.cmpi slt, %add3A_425, %lt3A_426 : i32
      %convert_element_type3A_428 = arith.extui %lt3A_427 : i1 to i32
      %cond3A_429 = arith.constant 0 : i32
      %cond3A_430 = arith.cmpi ne, %convert_element_type3A_428, %cond3A_429 : i32
      scf.if %cond3A_430 {
        %add3A_635 = arith.constant 4 : i32
        %add3A_636 = arith.addi %add3A_381, %add3A_635 : i32
        %mul3A_637 = arith.constant 64 : i32
        %mul3A_638 = arith.muli %add3A_636, %mul3A_637 : i32
        %add3A_639 = arith.addi %mul3A_2, %mul3A_638 : i32
        %dma_start3A_640 = arith.constant 7 : i32
        %dma_start3A_641 = arith.constant 7 : i32
        %dma_start3A_642 = arith.constant 0 : i32
        %dma_start3A_643 = tpu.memref_slice %arg7[%dma_start3A_640, %dma_start3A_642] : memref<8x64xi32, #tpu.memory_space<vmem>> -> memref<1x64xi32, #tpu.memory_space<vmem>>
        %dma_start3A_644 = tpu.memref_squeeze %dma_start3A_643 : memref<1x64xi32, #tpu.memory_space<vmem>> -> memref<64xi32, #tpu.memory_space<vmem>>
        %dma_start3A_645 = tpu.memref_slice %arg3[%add3A_639] : memref<163840xi32, #tpu.memory_space<hbm>> -> memref<64xi32, #tpu.memory_space<hbm>>
        %dma_start3A_646 = tpu.memref_slice %arg11[%dma_start3A_641] : memref<8x!tpu.dma_semaphore, #tpu.memory_space<semaphore_mem>> -> memref<1x!tpu.dma_semaphore, #tpu.memory_space<semaphore_mem>>
        %dma_start3A_647 = tpu.memref_squeeze %dma_start3A_646 : memref<1x!tpu.dma_semaphore, #tpu.memory_space<semaphore_mem>> -> memref<!tpu.dma_semaphore, #tpu.memory_space<semaphore_mem>>
        %dma_start3A_648 = arith.constant 0 : i32
        %dma_start3A_649 = tpu.memref_slice %arg7[%dma_start3A_640, %dma_start3A_648] : memref<8x64xi32, #tpu.memory_space<vmem>> -> memref<1x64xi32, #tpu.memory_space<vmem>>
        %dma_start3A_650 = tpu.memref_squeeze %dma_start3A_649 : memref<1x64xi32, #tpu.memory_space<vmem>> -> memref<64xi32, #tpu.memory_space<vmem>>
        %dma_start3A_651 = tpu.memref_slice %arg3[%add3A_639] : memref<163840xi32, #tpu.memory_space<hbm>> -> memref<64xi32, #tpu.memory_space<hbm>>
        tpu.enqueue_dma source(%dma_start3A_651 : memref<64xi32, #tpu.memory_space<hbm>>) target(%dma_start3A_650 : memref<64xi32, #tpu.memory_space<vmem>>) target_semaphore(%dma_start3A_647 : memref<!tpu.dma_semaphore, #tpu.memory_space<semaphore_mem>>)
        %dma_start3A_652 = arith.constant 7 : i32
        %dma_start3A_653 = arith.constant 7 : i32
        %dma_start3A_654 = arith.constant 0 : i32
        %dma_start3A_655 = tpu.memref_slice %arg8[%dma_start3A_652, %dma_start3A_654] : memref<8x64xi32, #tpu.memory_space<vmem>> -> memref<1x64xi32, #tpu.memory_space<vmem>>
        %dma_start3A_656 = tpu.memref_squeeze %dma_start3A_655 : memref<1x64xi32, #tpu.memory_space<vmem>> -> memref<64xi32, #tpu.memory_space<vmem>>
        %dma_start3A_657 = tpu.memref_slice %arg4[%add3A_639] : memref<163840xi32, #tpu.memory_space<hbm>> -> memref<64xi32, #tpu.memory_space<hbm>>
        %dma_start3A_658 = tpu.memref_slice %arg11[%dma_start3A_653] : memref<8x!tpu.dma_semaphore, #tpu.memory_space<semaphore_mem>> -> memref<1x!tpu.dma_semaphore, #tpu.memory_space<semaphore_mem>>
        %dma_start3A_659 = tpu.memref_squeeze %dma_start3A_658 : memref<1x!tpu.dma_semaphore, #tpu.memory_space<semaphore_mem>> -> memref<!tpu.dma_semaphore, #tpu.memory_space<semaphore_mem>>
        %dma_start3A_660 = arith.constant 0 : i32
        %dma_start3A_661 = tpu.memref_slice %arg8[%dma_start3A_652, %dma_start3A_660] : memref<8x64xi32, #tpu.memory_space<vmem>> -> memref<1x64xi32, #tpu.memory_space<vmem>>
        %dma_start3A_662 = tpu.memref_squeeze %dma_start3A_661 : memref<1x64xi32, #tpu.memory_space<vmem>> -> memref<64xi32, #tpu.memory_space<vmem>>
        %dma_start3A_663 = tpu.memref_slice %arg4[%add3A_639] : memref<163840xi32, #tpu.memory_space<hbm>> -> memref<64xi32, #tpu.memory_space<hbm>>
        tpu.enqueue_dma source(%dma_start3A_663 : memref<64xi32, #tpu.memory_space<hbm>>) target(%dma_start3A_662 : memref<64xi32, #tpu.memory_space<vmem>>) target_semaphore(%dma_start3A_659 : memref<!tpu.dma_semaphore, #tpu.memory_space<semaphore_mem>>)
      } else {
      }
      %add3A_431 = arith.constant 4 : i32
      %add3A_432 = arith.addi %add3A_230, %add3A_431 : i32
      %dma_wait3A_433 = arith.constant 4 : i32
      %dma_wait3A_434 = arith.constant 0 : i32
      %dma_wait3A_435 = arith.constant 0 : i32
      %dma_wait3A_436 = arith.constant 0 : i32
      %dma_wait3A_437 = arith.constant 0 : i32
      %dma_wait3A_438 = tpu.memref_slice %arg9[%dma_wait3A_434, %dma_wait3A_436, %dma_wait3A_437] : memref<4x64x128xf32, #tpu.memory_space<vmem>> -> memref<1x64x128xf32, #tpu.memory_space<vmem>>
      %dma_wait3A_439 = tpu.memref_squeeze %dma_wait3A_438 : memref<1x64x128xf32, #tpu.memory_space<vmem>> -> memref<64x128xf32, #tpu.memory_space<vmem>>
      %dma_wait3A_440 = arith.constant 0 : i32
      %dma_wait3A_441 = tpu.memref_slice %arg8[%dma_wait3A_433, %dma_wait3A_440] : memref<8x64xi32, #tpu.memory_space<vmem>> -> memref<1x64xi32, #tpu.memory_space<vmem>>
      %dma_wait3A_442 = tpu.memref_squeeze %dma_wait3A_441 : memref<1x64xi32, #tpu.memory_space<vmem>> -> memref<64xi32, #tpu.memory_space<vmem>>
      %dma_wait3A_443 = arith.constant 0 : i32
      %dma_wait3A_444 = arith.constant 0 : i32
      %dma_wait3A_445 = tpu.memref_slice %arg2[%dma_wait3A_443, %dma_wait3A_444] : memref<10000x128xf32, #tpu.memory_space<hbm>> -> memref<10000x128xf32, #tpu.memory_space<hbm>>
      %dma_wait3A_446 = tpu.memref_slice %arg12[%dma_wait3A_435] : memref<4x!tpu.dma_semaphore, #tpu.memory_space<semaphore_mem>> -> memref<1x!tpu.dma_semaphore, #tpu.memory_space<semaphore_mem>>
      %dma_wait3A_447 = tpu.memref_squeeze %dma_wait3A_446 : memref<1x!tpu.dma_semaphore, #tpu.memory_space<semaphore_mem>> -> memref<!tpu.dma_semaphore, #tpu.memory_space<semaphore_mem>>
      tpu.wait_indirect_dma semaphore(%dma_wait3A_447 : memref<!tpu.dma_semaphore, #tpu.memory_space<semaphore_mem>>) src(%dma_wait3A_445 : memref<10000x128xf32, #tpu.memory_space<hbm>>) dst(%dma_wait3A_439 : memref<64x128xf32, #tpu.memory_space<vmem>>)
      %dma_start3A_448 = arith.constant 0 : i32
      %dma_start3A_449 = arith.constant 4 : i32
      %dma_start3A_450 = arith.constant 0 : i32
      %dma_start3A_451 = arith.constant 0 : i32
      %dma_start3A_452 = arith.constant 0 : i32
      %dma_start3A_453 = tpu.memref_slice %arg9[%dma_start3A_448, %dma_start3A_451, %dma_start3A_452] : memref<4x64x128xf32, #tpu.memory_space<vmem>> -> memref<1x64x128xf32, #tpu.memory_space<vmem>>
      %dma_start3A_454 = tpu.memref_squeeze %dma_start3A_453 : memref<1x64x128xf32, #tpu.memory_space<vmem>> -> memref<64x128xf32, #tpu.memory_space<vmem>>
      %dma_start3A_455 = arith.constant 0 : i32
      %dma_start3A_456 = tpu.memref_slice %arg7[%dma_start3A_449, %dma_start3A_455] : memref<8x64xi32, #tpu.memory_space<vmem>> -> memref<1x64xi32, #tpu.memory_space<vmem>>
      %dma_start3A_457 = tpu.memref_squeeze %dma_start3A_456 : memref<1x64xi32, #tpu.memory_space<vmem>> -> memref<64xi32, #tpu.memory_space<vmem>>
      %dma_start3A_458 = arith.constant 0 : i32
      %dma_start3A_459 = arith.constant 0 : i32
      %dma_start3A_460 = tpu.memref_slice %arg10[%dma_start3A_458, %dma_start3A_459] : memref<10112x128xf32, #tpu.memory_space<vmem_shared>> -> memref<10112x128xf32, #tpu.memory_space<vmem_shared>>
      %dma_start3A_461 = tpu.memref_slice %arg13[%dma_start3A_450] : memref<4x!tpu.dma_semaphore, #tpu.memory_space<semaphore_mem>> -> memref<1x!tpu.dma_semaphore, #tpu.memory_space<semaphore_mem>>
      %dma_start3A_462 = tpu.memref_squeeze %dma_start3A_461 : memref<1x!tpu.dma_semaphore, #tpu.memory_space<semaphore_mem>> -> memref<!tpu.dma_semaphore, #tpu.memory_space<semaphore_mem>>
      tpu.enqueue_indirect_dma source(%dma_start3A_454 : memref<64x128xf32, #tpu.memory_space<vmem>>) target(%dma_start3A_460 : memref<10112x128xf32, #tpu.memory_space<vmem_shared>>) offsets(%dma_start3A_457 : memref<64xi32, #tpu.memory_space<vmem>>) semaphore(%dma_start3A_462 : memref<!tpu.dma_semaphore, #tpu.memory_space<semaphore_mem>>) {add = true}
      %ge3A_463 = arith.constant 2 : i32
      %ge3A_464 = arith.cmpi sge, %add3A_432, %ge3A_463 : i32
      %convert_element_type3A_465 = arith.extui %ge3A_464 : i1 to i32
      %cond3A_466 = arith.constant 0 : i32
      %cond3A_467 = arith.cmpi ne, %convert_element_type3A_465, %cond3A_466 : i32
      scf.if %cond3A_467 {
        %dma_wait3A_635 = arith.constant 2 : i32
        %dma_wait3A_636 = arith.constant 6 : i32
        %dma_wait3A_637 = arith.constant 2 : i32
        %dma_wait3A_638 = arith.constant 0 : i32
        %dma_wait3A_639 = arith.constant 0 : i32
        %dma_wait3A_640 = tpu.memref_slice %arg9[%dma_wait3A_635, %dma_wait3A_638, %dma_wait3A_639] : memref<4x64x128xf32, #tpu.memory_space<vmem>> -> memref<1x64x128xf32, #tpu.memory_space<vmem>>
        %dma_wait3A_641 = tpu.memref_squeeze %dma_wait3A_640 : memref<1x64x128xf32, #tpu.memory_space<vmem>> -> memref<64x128xf32, #tpu.memory_space<vmem>>
        %dma_wait3A_642 = arith.constant 0 : i32
        %dma_wait3A_643 = tpu.memref_slice %arg7[%dma_wait3A_636, %dma_wait3A_642] : memref<8x64xi32, #tpu.memory_space<vmem>> -> memref<1x64xi32, #tpu.memory_space<vmem>>
        %dma_wait3A_644 = tpu.memref_squeeze %dma_wait3A_643 : memref<1x64xi32, #tpu.memory_space<vmem>> -> memref<64xi32, #tpu.memory_space<vmem>>
        %dma_wait3A_645 = arith.constant 0 : i32
        %dma_wait3A_646 = arith.constant 0 : i32
        %dma_wait3A_647 = tpu.memref_slice %arg10[%dma_wait3A_645, %dma_wait3A_646] : memref<10112x128xf32, #tpu.memory_space<vmem_shared>> -> memref<10112x128xf32, #tpu.memory_space<vmem_shared>>
        %dma_wait3A_648 = tpu.memref_slice %arg13[%dma_wait3A_637] : memref<4x!tpu.dma_semaphore, #tpu.memory_space<semaphore_mem>> -> memref<1x!tpu.dma_semaphore, #tpu.memory_space<semaphore_mem>>
        %dma_wait3A_649 = tpu.memref_squeeze %dma_wait3A_648 : memref<1x!tpu.dma_semaphore, #tpu.memory_space<semaphore_mem>> -> memref<!tpu.dma_semaphore, #tpu.memory_space<semaphore_mem>>
        tpu.wait_indirect_dma semaphore(%dma_wait3A_649 : memref<!tpu.dma_semaphore, #tpu.memory_space<semaphore_mem>>) src(%dma_wait3A_641 : memref<64x128xf32, #tpu.memory_space<vmem>>) dst(%dma_wait3A_647 : memref<10112x128xf32, #tpu.memory_space<vmem_shared>>)
      } else {
      }
      %add3A_468 = arith.constant 2 : i32
      %add3A_469 = arith.addi %add3A_432, %add3A_468 : i32
      %lt3A_470 = arith.constant 80 : i32
      %lt3A_471 = arith.cmpi slt, %add3A_469, %lt3A_470 : i32
      %convert_element_type3A_472 = arith.extui %lt3A_471 : i1 to i32
      %cond3A_473 = arith.constant 0 : i32
      %cond3A_474 = arith.cmpi ne, %convert_element_type3A_472, %cond3A_473 : i32
      scf.if %cond3A_474 {
        %dma_wait3A_635 = arith.constant 6 : i32
        %dma_wait3A_636 = arith.constant 6 : i32
        %dma_wait3A_637 = arith.constant 0 : i32
        %dma_wait3A_638 = tpu.memref_slice %arg7[%dma_wait3A_635, %dma_wait3A_637] : memref<8x64xi32, #tpu.memory_space<vmem>> -> memref<1x64xi32, #tpu.memory_space<vmem>>
        %dma_wait3A_639 = tpu.memref_squeeze %dma_wait3A_638 : memref<1x64xi32, #tpu.memory_space<vmem>> -> memref<64xi32, #tpu.memory_space<vmem>>
        %dma_wait3A_640 = tpu.memref_slice %arg3[%mul3A_2] : memref<163840xi32, #tpu.memory_space<hbm>> -> memref<64xi32, #tpu.memory_space<hbm>>
        %dma_wait3A_641 = tpu.memref_slice %arg11[%dma_wait3A_636] : memref<8x!tpu.dma_semaphore, #tpu.memory_space<semaphore_mem>> -> memref<1x!tpu.dma_semaphore, #tpu.memory_space<semaphore_mem>>
        %dma_wait3A_642 = tpu.memref_squeeze %dma_wait3A_641 : memref<1x!tpu.dma_semaphore, #tpu.memory_space<semaphore_mem>> -> memref<!tpu.dma_semaphore, #tpu.memory_space<semaphore_mem>>
        %dma_wait3A_643 = arith.constant 0 : i32
        %dma_wait3A_644 = tpu.memref_slice %arg7[%dma_wait3A_635, %dma_wait3A_643] : memref<8x64xi32, #tpu.memory_space<vmem>> -> memref<1x64xi32, #tpu.memory_space<vmem>>
        %dma_wait3A_645 = tpu.memref_squeeze %dma_wait3A_644 : memref<1x64xi32, #tpu.memory_space<vmem>> -> memref<64xi32, #tpu.memory_space<vmem>>
        %dma_wait3A_646 = tpu.memref_slice %arg3[%mul3A_2] : memref<163840xi32, #tpu.memory_space<hbm>> -> memref<64xi32, #tpu.memory_space<hbm>>
        tpu.wait_dma2 semaphore(%dma_wait3A_642 : memref<!tpu.dma_semaphore, #tpu.memory_space<semaphore_mem>>) src(%dma_wait3A_646 : memref<64xi32, #tpu.memory_space<hbm>>) dst(%dma_wait3A_645 : memref<64xi32, #tpu.memory_space<vmem>>)
        %dma_wait3A_647 = arith.constant 6 : i32
        %dma_wait3A_648 = arith.constant 6 : i32
        %dma_wait3A_649 = arith.constant 0 : i32
        %dma_wait3A_650 = tpu.memref_slice %arg8[%dma_wait3A_647, %dma_wait3A_649] : memref<8x64xi32, #tpu.memory_space<vmem>> -> memref<1x64xi32, #tpu.memory_space<vmem>>
        %dma_wait3A_651 = tpu.memref_squeeze %dma_wait3A_650 : memref<1x64xi32, #tpu.memory_space<vmem>> -> memref<64xi32, #tpu.memory_space<vmem>>
        %dma_wait3A_652 = tpu.memref_slice %arg4[%mul3A_2] : memref<163840xi32, #tpu.memory_space<hbm>> -> memref<64xi32, #tpu.memory_space<hbm>>
        %dma_wait3A_653 = tpu.memref_slice %arg11[%dma_wait3A_648] : memref<8x!tpu.dma_semaphore, #tpu.memory_space<semaphore_mem>> -> memref<1x!tpu.dma_semaphore, #tpu.memory_space<semaphore_mem>>
        %dma_wait3A_654 = tpu.memref_squeeze %dma_wait3A_653 : memref<1x!tpu.dma_semaphore, #tpu.memory_space<semaphore_mem>> -> memref<!tpu.dma_semaphore, #tpu.memory_space<semaphore_mem>>
        %dma_wait3A_655 = arith.constant 0 : i32
        %dma_wait3A_656 = tpu.memref_slice %arg8[%dma_wait3A_647, %dma_wait3A_655] : memref<8x64xi32, #tpu.memory_space<vmem>> -> memref<1x64xi32, #tpu.memory_space<vmem>>
        %dma_wait3A_657 = tpu.memref_squeeze %dma_wait3A_656 : memref<1x64xi32, #tpu.memory_space<vmem>> -> memref<64xi32, #tpu.memory_space<vmem>>
        %dma_wait3A_658 = tpu.memref_slice %arg4[%mul3A_2] : memref<163840xi32, #tpu.memory_space<hbm>> -> memref<64xi32, #tpu.memory_space<hbm>>
        tpu.wait_dma2 semaphore(%dma_wait3A_654 : memref<!tpu.dma_semaphore, #tpu.memory_space<semaphore_mem>>) src(%dma_wait3A_658 : memref<64xi32, #tpu.memory_space<hbm>>) dst(%dma_wait3A_657 : memref<64xi32, #tpu.memory_space<vmem>>)
        %dma_start3A_659 = arith.constant 6 : i32
        %dma_start3A_660 = arith.constant 2 : i32
        %dma_start3A_661 = arith.constant 2 : i32
        %dma_start3A_662 = arith.constant 0 : i32
        %dma_start3A_663 = arith.constant 0 : i32
        %dma_start3A_664 = tpu.memref_slice %arg9[%dma_start3A_660, %dma_start3A_662, %dma_start3A_663] : memref<4x64x128xf32, #tpu.memory_space<vmem>> -> memref<1x64x128xf32, #tpu.memory_space<vmem>>
        %dma_start3A_665 = tpu.memref_squeeze %dma_start3A_664 : memref<1x64x128xf32, #tpu.memory_space<vmem>> -> memref<64x128xf32, #tpu.memory_space<vmem>>
        %dma_start3A_666 = arith.constant 0 : i32
        %dma_start3A_667 = tpu.memref_slice %arg8[%dma_start3A_659, %dma_start3A_666] : memref<8x64xi32, #tpu.memory_space<vmem>> -> memref<1x64xi32, #tpu.memory_space<vmem>>
        %dma_start3A_668 = tpu.memref_squeeze %dma_start3A_667 : memref<1x64xi32, #tpu.memory_space<vmem>> -> memref<64xi32, #tpu.memory_space<vmem>>
        %dma_start3A_669 = arith.constant 0 : i32
        %dma_start3A_670 = arith.constant 0 : i32
        %dma_start3A_671 = tpu.memref_slice %arg2[%dma_start3A_669, %dma_start3A_670] : memref<10000x128xf32, #tpu.memory_space<hbm>> -> memref<10000x128xf32, #tpu.memory_space<hbm>>
        %dma_start3A_672 = tpu.memref_slice %arg12[%dma_start3A_661] : memref<4x!tpu.dma_semaphore, #tpu.memory_space<semaphore_mem>> -> memref<1x!tpu.dma_semaphore, #tpu.memory_space<semaphore_mem>>
        %dma_start3A_673 = tpu.memref_squeeze %dma_start3A_672 : memref<1x!tpu.dma_semaphore, #tpu.memory_space<semaphore_mem>> -> memref<!tpu.dma_semaphore, #tpu.memory_space<semaphore_mem>>
        tpu.enqueue_indirect_dma source(%dma_start3A_671 : memref<10000x128xf32, #tpu.memory_space<hbm>>) target(%dma_start3A_665 : memref<64x128xf32, #tpu.memory_space<vmem>>) offsets(%dma_start3A_668 : memref<64xi32, #tpu.memory_space<vmem>>) semaphore(%dma_start3A_673 : memref<!tpu.dma_semaphore, #tpu.memory_space<semaphore_mem>>)
      } else {
      }
      %add3A_475 = arith.constant 4 : i32
      %add3A_476 = arith.addi %add3A_432, %add3A_475 : i32
      %lt3A_477 = arith.constant 80 : i32
      %lt3A_478 = arith.cmpi slt, %add3A_476, %lt3A_477 : i32
      %convert_element_type3A_479 = arith.extui %lt3A_478 : i1 to i32
      %cond3A_480 = arith.constant 0 : i32
      %cond3A_481 = arith.cmpi ne, %convert_element_type3A_479, %cond3A_480 : i32
      scf.if %cond3A_481 {
        %add3A_635 = arith.constant 4 : i32
        %add3A_636 = arith.addi %add3A_432, %add3A_635 : i32
        %mul3A_637 = arith.constant 64 : i32
        %mul3A_638 = arith.muli %add3A_636, %mul3A_637 : i32
        %add3A_639 = arith.addi %mul3A_2, %mul3A_638 : i32
        %dma_start3A_640 = arith.constant 0 : i32
        %dma_start3A_641 = arith.constant 0 : i32
        %dma_start3A_642 = arith.constant 0 : i32
        %dma_start3A_643 = tpu.memref_slice %arg7[%dma_start3A_640, %dma_start3A_642] : memref<8x64xi32, #tpu.memory_space<vmem>> -> memref<1x64xi32, #tpu.memory_space<vmem>>
        %dma_start3A_644 = tpu.memref_squeeze %dma_start3A_643 : memref<1x64xi32, #tpu.memory_space<vmem>> -> memref<64xi32, #tpu.memory_space<vmem>>
        %dma_start3A_645 = tpu.memref_slice %arg3[%add3A_639] : memref<163840xi32, #tpu.memory_space<hbm>> -> memref<64xi32, #tpu.memory_space<hbm>>
        %dma_start3A_646 = tpu.memref_slice %arg11[%dma_start3A_641] : memref<8x!tpu.dma_semaphore, #tpu.memory_space<semaphore_mem>> -> memref<1x!tpu.dma_semaphore, #tpu.memory_space<semaphore_mem>>
        %dma_start3A_647 = tpu.memref_squeeze %dma_start3A_646 : memref<1x!tpu.dma_semaphore, #tpu.memory_space<semaphore_mem>> -> memref<!tpu.dma_semaphore, #tpu.memory_space<semaphore_mem>>
        %dma_start3A_648 = arith.constant 0 : i32
        %dma_start3A_649 = tpu.memref_slice %arg7[%dma_start3A_640, %dma_start3A_648] : memref<8x64xi32, #tpu.memory_space<vmem>> -> memref<1x64xi32, #tpu.memory_space<vmem>>
        %dma_start3A_650 = tpu.memref_squeeze %dma_start3A_649 : memref<1x64xi32, #tpu.memory_space<vmem>> -> memref<64xi32, #tpu.memory_space<vmem>>
        %dma_start3A_651 = tpu.memref_slice %arg3[%add3A_639] : memref<163840xi32, #tpu.memory_space<hbm>> -> memref<64xi32, #tpu.memory_space<hbm>>
        tpu.enqueue_dma source(%dma_start3A_651 : memref<64xi32, #tpu.memory_space<hbm>>) target(%dma_start3A_650 : memref<64xi32, #tpu.memory_space<vmem>>) target_semaphore(%dma_start3A_647 : memref<!tpu.dma_semaphore, #tpu.memory_space<semaphore_mem>>)
        %dma_start3A_652 = arith.constant 0 : i32
        %dma_start3A_653 = arith.constant 0 : i32
        %dma_start3A_654 = arith.constant 0 : i32
        %dma_start3A_655 = tpu.memref_slice %arg8[%dma_start3A_652, %dma_start3A_654] : memref<8x64xi32, #tpu.memory_space<vmem>> -> memref<1x64xi32, #tpu.memory_space<vmem>>
        %dma_start3A_656 = tpu.memref_squeeze %dma_start3A_655 : memref<1x64xi32, #tpu.memory_space<vmem>> -> memref<64xi32, #tpu.memory_space<vmem>>
        %dma_start3A_657 = tpu.memref_slice %arg4[%add3A_639] : memref<163840xi32, #tpu.memory_space<hbm>> -> memref<64xi32, #tpu.memory_space<hbm>>
        %dma_start3A_658 = tpu.memref_slice %arg11[%dma_start3A_653] : memref<8x!tpu.dma_semaphore, #tpu.memory_space<semaphore_mem>> -> memref<1x!tpu.dma_semaphore, #tpu.memory_space<semaphore_mem>>
        %dma_start3A_659 = tpu.memref_squeeze %dma_start3A_658 : memref<1x!tpu.dma_semaphore, #tpu.memory_space<semaphore_mem>> -> memref<!tpu.dma_semaphore, #tpu.memory_space<semaphore_mem>>
        %dma_start3A_660 = arith.constant 0 : i32
        %dma_start3A_661 = tpu.memref_slice %arg8[%dma_start3A_652, %dma_start3A_660] : memref<8x64xi32, #tpu.memory_space<vmem>> -> memref<1x64xi32, #tpu.memory_space<vmem>>
        %dma_start3A_662 = tpu.memref_squeeze %dma_start3A_661 : memref<1x64xi32, #tpu.memory_space<vmem>> -> memref<64xi32, #tpu.memory_space<vmem>>
        %dma_start3A_663 = tpu.memref_slice %arg4[%add3A_639] : memref<163840xi32, #tpu.memory_space<hbm>> -> memref<64xi32, #tpu.memory_space<hbm>>
        tpu.enqueue_dma source(%dma_start3A_663 : memref<64xi32, #tpu.memory_space<hbm>>) target(%dma_start3A_662 : memref<64xi32, #tpu.memory_space<vmem>>) target_semaphore(%dma_start3A_659 : memref<!tpu.dma_semaphore, #tpu.memory_space<semaphore_mem>>)
      } else {
      }
      %add3A_482 = arith.constant 5 : i32
      %add3A_483 = arith.addi %add3A_230, %add3A_482 : i32
      %dma_wait3A_484 = arith.constant 5 : i32
      %dma_wait3A_485 = arith.constant 1 : i32
      %dma_wait3A_486 = arith.constant 1 : i32
      %dma_wait3A_487 = arith.constant 0 : i32
      %dma_wait3A_488 = arith.constant 0 : i32
      %dma_wait3A_489 = tpu.memref_slice %arg9[%dma_wait3A_485, %dma_wait3A_487, %dma_wait3A_488] : memref<4x64x128xf32, #tpu.memory_space<vmem>> -> memref<1x64x128xf32, #tpu.memory_space<vmem>>
      %dma_wait3A_490 = tpu.memref_squeeze %dma_wait3A_489 : memref<1x64x128xf32, #tpu.memory_space<vmem>> -> memref<64x128xf32, #tpu.memory_space<vmem>>
      %dma_wait3A_491 = arith.constant 0 : i32
      %dma_wait3A_492 = tpu.memref_slice %arg8[%dma_wait3A_484, %dma_wait3A_491] : memref<8x64xi32, #tpu.memory_space<vmem>> -> memref<1x64xi32, #tpu.memory_space<vmem>>
      %dma_wait3A_493 = tpu.memref_squeeze %dma_wait3A_492 : memref<1x64xi32, #tpu.memory_space<vmem>> -> memref<64xi32, #tpu.memory_space<vmem>>
      %dma_wait3A_494 = arith.constant 0 : i32
      %dma_wait3A_495 = arith.constant 0 : i32
      %dma_wait3A_496 = tpu.memref_slice %arg2[%dma_wait3A_494, %dma_wait3A_495] : memref<10000x128xf32, #tpu.memory_space<hbm>> -> memref<10000x128xf32, #tpu.memory_space<hbm>>
      %dma_wait3A_497 = tpu.memref_slice %arg12[%dma_wait3A_486] : memref<4x!tpu.dma_semaphore, #tpu.memory_space<semaphore_mem>> -> memref<1x!tpu.dma_semaphore, #tpu.memory_space<semaphore_mem>>
      %dma_wait3A_498 = tpu.memref_squeeze %dma_wait3A_497 : memref<1x!tpu.dma_semaphore, #tpu.memory_space<semaphore_mem>> -> memref<!tpu.dma_semaphore, #tpu.memory_space<semaphore_mem>>
      tpu.wait_indirect_dma semaphore(%dma_wait3A_498 : memref<!tpu.dma_semaphore, #tpu.memory_space<semaphore_mem>>) src(%dma_wait3A_496 : memref<10000x128xf32, #tpu.memory_space<hbm>>) dst(%dma_wait3A_490 : memref<64x128xf32, #tpu.memory_space<vmem>>)
      %dma_start3A_499 = arith.constant 1 : i32
      %dma_start3A_500 = arith.constant 5 : i32
      %dma_start3A_501 = arith.constant 1 : i32
      %dma_start3A_502 = arith.constant 0 : i32
      %dma_start3A_503 = arith.constant 0 : i32
      %dma_start3A_504 = tpu.memref_slice %arg9[%dma_start3A_499, %dma_start3A_502, %dma_start3A_503] : memref<4x64x128xf32, #tpu.memory_space<vmem>> -> memref<1x64x128xf32, #tpu.memory_space<vmem>>
      %dma_start3A_505 = tpu.memref_squeeze %dma_start3A_504 : memref<1x64x128xf32, #tpu.memory_space<vmem>> -> memref<64x128xf32, #tpu.memory_space<vmem>>
      %dma_start3A_506 = arith.constant 0 : i32
      %dma_start3A_507 = tpu.memref_slice %arg7[%dma_start3A_500, %dma_start3A_506] : memref<8x64xi32, #tpu.memory_space<vmem>> -> memref<1x64xi32, #tpu.memory_space<vmem>>
      %dma_start3A_508 = tpu.memref_squeeze %dma_start3A_507 : memref<1x64xi32, #tpu.memory_space<vmem>> -> memref<64xi32, #tpu.memory_space<vmem>>
      %dma_start3A_509 = arith.constant 0 : i32
      %dma_start3A_510 = arith.constant 0 : i32
      %dma_start3A_511 = tpu.memref_slice %arg10[%dma_start3A_509, %dma_start3A_510] : memref<10112x128xf32, #tpu.memory_space<vmem_shared>> -> memref<10112x128xf32, #tpu.memory_space<vmem_shared>>
      %dma_start3A_512 = tpu.memref_slice %arg13[%dma_start3A_501] : memref<4x!tpu.dma_semaphore, #tpu.memory_space<semaphore_mem>> -> memref<1x!tpu.dma_semaphore, #tpu.memory_space<semaphore_mem>>
      %dma_start3A_513 = tpu.memref_squeeze %dma_start3A_512 : memref<1x!tpu.dma_semaphore, #tpu.memory_space<semaphore_mem>> -> memref<!tpu.dma_semaphore, #tpu.memory_space<semaphore_mem>>
      tpu.enqueue_indirect_dma source(%dma_start3A_505 : memref<64x128xf32, #tpu.memory_space<vmem>>) target(%dma_start3A_511 : memref<10112x128xf32, #tpu.memory_space<vmem_shared>>) offsets(%dma_start3A_508 : memref<64xi32, #tpu.memory_space<vmem>>) semaphore(%dma_start3A_513 : memref<!tpu.dma_semaphore, #tpu.memory_space<semaphore_mem>>) {add = true}
      %ge3A_514 = arith.constant 2 : i32
      %ge3A_515 = arith.cmpi sge, %add3A_483, %ge3A_514 : i32
      %convert_element_type3A_516 = arith.extui %ge3A_515 : i1 to i32
      %cond3A_517 = arith.constant 0 : i32
      %cond3A_518 = arith.cmpi ne, %convert_element_type3A_516, %cond3A_517 : i32
      scf.if %cond3A_518 {
        %dma_wait3A_635 = arith.constant 3 : i32
        %dma_wait3A_636 = arith.constant 7 : i32
        %dma_wait3A_637 = arith.constant 3 : i32
        %dma_wait3A_638 = arith.constant 0 : i32
        %dma_wait3A_639 = arith.constant 0 : i32
        %dma_wait3A_640 = tpu.memref_slice %arg9[%dma_wait3A_635, %dma_wait3A_638, %dma_wait3A_639] : memref<4x64x128xf32, #tpu.memory_space<vmem>> -> memref<1x64x128xf32, #tpu.memory_space<vmem>>
        %dma_wait3A_641 = tpu.memref_squeeze %dma_wait3A_640 : memref<1x64x128xf32, #tpu.memory_space<vmem>> -> memref<64x128xf32, #tpu.memory_space<vmem>>
        %dma_wait3A_642 = arith.constant 0 : i32
        %dma_wait3A_643 = tpu.memref_slice %arg7[%dma_wait3A_636, %dma_wait3A_642] : memref<8x64xi32, #tpu.memory_space<vmem>> -> memref<1x64xi32, #tpu.memory_space<vmem>>
        %dma_wait3A_644 = tpu.memref_squeeze %dma_wait3A_643 : memref<1x64xi32, #tpu.memory_space<vmem>> -> memref<64xi32, #tpu.memory_space<vmem>>
        %dma_wait3A_645 = arith.constant 0 : i32
        %dma_wait3A_646 = arith.constant 0 : i32
        %dma_wait3A_647 = tpu.memref_slice %arg10[%dma_wait3A_645, %dma_wait3A_646] : memref<10112x128xf32, #tpu.memory_space<vmem_shared>> -> memref<10112x128xf32, #tpu.memory_space<vmem_shared>>
        %dma_wait3A_648 = tpu.memref_slice %arg13[%dma_wait3A_637] : memref<4x!tpu.dma_semaphore, #tpu.memory_space<semaphore_mem>> -> memref<1x!tpu.dma_semaphore, #tpu.memory_space<semaphore_mem>>
        %dma_wait3A_649 = tpu.memref_squeeze %dma_wait3A_648 : memref<1x!tpu.dma_semaphore, #tpu.memory_space<semaphore_mem>> -> memref<!tpu.dma_semaphore, #tpu.memory_space<semaphore_mem>>
        tpu.wait_indirect_dma semaphore(%dma_wait3A_649 : memref<!tpu.dma_semaphore, #tpu.memory_space<semaphore_mem>>) src(%dma_wait3A_641 : memref<64x128xf32, #tpu.memory_space<vmem>>) dst(%dma_wait3A_647 : memref<10112x128xf32, #tpu.memory_space<vmem_shared>>)
      } else {
      }
      %add3A_519 = arith.constant 2 : i32
      %add3A_520 = arith.addi %add3A_483, %add3A_519 : i32
      %lt3A_521 = arith.constant 80 : i32
      %lt3A_522 = arith.cmpi slt, %add3A_520, %lt3A_521 : i32
      %convert_element_type3A_523 = arith.extui %lt3A_522 : i1 to i32
      %cond3A_524 = arith.constant 0 : i32
      %cond3A_525 = arith.cmpi ne, %convert_element_type3A_523, %cond3A_524 : i32
      scf.if %cond3A_525 {
        %dma_wait3A_635 = arith.constant 7 : i32
        %dma_wait3A_636 = arith.constant 7 : i32
        %dma_wait3A_637 = arith.constant 0 : i32
        %dma_wait3A_638 = tpu.memref_slice %arg7[%dma_wait3A_635, %dma_wait3A_637] : memref<8x64xi32, #tpu.memory_space<vmem>> -> memref<1x64xi32, #tpu.memory_space<vmem>>
        %dma_wait3A_639 = tpu.memref_squeeze %dma_wait3A_638 : memref<1x64xi32, #tpu.memory_space<vmem>> -> memref<64xi32, #tpu.memory_space<vmem>>
        %dma_wait3A_640 = tpu.memref_slice %arg3[%mul3A_2] : memref<163840xi32, #tpu.memory_space<hbm>> -> memref<64xi32, #tpu.memory_space<hbm>>
        %dma_wait3A_641 = tpu.memref_slice %arg11[%dma_wait3A_636] : memref<8x!tpu.dma_semaphore, #tpu.memory_space<semaphore_mem>> -> memref<1x!tpu.dma_semaphore, #tpu.memory_space<semaphore_mem>>
        %dma_wait3A_642 = tpu.memref_squeeze %dma_wait3A_641 : memref<1x!tpu.dma_semaphore, #tpu.memory_space<semaphore_mem>> -> memref<!tpu.dma_semaphore, #tpu.memory_space<semaphore_mem>>
        %dma_wait3A_643 = arith.constant 0 : i32
        %dma_wait3A_644 = tpu.memref_slice %arg7[%dma_wait3A_635, %dma_wait3A_643] : memref<8x64xi32, #tpu.memory_space<vmem>> -> memref<1x64xi32, #tpu.memory_space<vmem>>
        %dma_wait3A_645 = tpu.memref_squeeze %dma_wait3A_644 : memref<1x64xi32, #tpu.memory_space<vmem>> -> memref<64xi32, #tpu.memory_space<vmem>>
        %dma_wait3A_646 = tpu.memref_slice %arg3[%mul3A_2] : memref<163840xi32, #tpu.memory_space<hbm>> -> memref<64xi32, #tpu.memory_space<hbm>>
        tpu.wait_dma2 semaphore(%dma_wait3A_642 : memref<!tpu.dma_semaphore, #tpu.memory_space<semaphore_mem>>) src(%dma_wait3A_646 : memref<64xi32, #tpu.memory_space<hbm>>) dst(%dma_wait3A_645 : memref<64xi32, #tpu.memory_space<vmem>>)
        %dma_wait3A_647 = arith.constant 7 : i32
        %dma_wait3A_648 = arith.constant 7 : i32
        %dma_wait3A_649 = arith.constant 0 : i32
        %dma_wait3A_650 = tpu.memref_slice %arg8[%dma_wait3A_647, %dma_wait3A_649] : memref<8x64xi32, #tpu.memory_space<vmem>> -> memref<1x64xi32, #tpu.memory_space<vmem>>
        %dma_wait3A_651 = tpu.memref_squeeze %dma_wait3A_650 : memref<1x64xi32, #tpu.memory_space<vmem>> -> memref<64xi32, #tpu.memory_space<vmem>>
        %dma_wait3A_652 = tpu.memref_slice %arg4[%mul3A_2] : memref<163840xi32, #tpu.memory_space<hbm>> -> memref<64xi32, #tpu.memory_space<hbm>>
        %dma_wait3A_653 = tpu.memref_slice %arg11[%dma_wait3A_648] : memref<8x!tpu.dma_semaphore, #tpu.memory_space<semaphore_mem>> -> memref<1x!tpu.dma_semaphore, #tpu.memory_space<semaphore_mem>>
        %dma_wait3A_654 = tpu.memref_squeeze %dma_wait3A_653 : memref<1x!tpu.dma_semaphore, #tpu.memory_space<semaphore_mem>> -> memref<!tpu.dma_semaphore, #tpu.memory_space<semaphore_mem>>
        %dma_wait3A_655 = arith.constant 0 : i32
        %dma_wait3A_656 = tpu.memref_slice %arg8[%dma_wait3A_647, %dma_wait3A_655] : memref<8x64xi32, #tpu.memory_space<vmem>> -> memref<1x64xi32, #tpu.memory_space<vmem>>
        %dma_wait3A_657 = tpu.memref_squeeze %dma_wait3A_656 : memref<1x64xi32, #tpu.memory_space<vmem>> -> memref<64xi32, #tpu.memory_space<vmem>>
        %dma_wait3A_658 = tpu.memref_slice %arg4[%mul3A_2] : memref<163840xi32, #tpu.memory_space<hbm>> -> memref<64xi32, #tpu.memory_space<hbm>>
        tpu.wait_dma2 semaphore(%dma_wait3A_654 : memref<!tpu.dma_semaphore, #tpu.memory_space<semaphore_mem>>) src(%dma_wait3A_658 : memref<64xi32, #tpu.memory_space<hbm>>) dst(%dma_wait3A_657 : memref<64xi32, #tpu.memory_space<vmem>>)
        %dma_start3A_659 = arith.constant 7 : i32
        %dma_start3A_660 = arith.constant 3 : i32
        %dma_start3A_661 = arith.constant 3 : i32
        %dma_start3A_662 = arith.constant 0 : i32
        %dma_start3A_663 = arith.constant 0 : i32
        %dma_start3A_664 = tpu.memref_slice %arg9[%dma_start3A_660, %dma_start3A_662, %dma_start3A_663] : memref<4x64x128xf32, #tpu.memory_space<vmem>> -> memref<1x64x128xf32, #tpu.memory_space<vmem>>
        %dma_start3A_665 = tpu.memref_squeeze %dma_start3A_664 : memref<1x64x128xf32, #tpu.memory_space<vmem>> -> memref<64x128xf32, #tpu.memory_space<vmem>>
        %dma_start3A_666 = arith.constant 0 : i32
        %dma_start3A_667 = tpu.memref_slice %arg8[%dma_start3A_659, %dma_start3A_666] : memref<8x64xi32, #tpu.memory_space<vmem>> -> memref<1x64xi32, #tpu.memory_space<vmem>>
        %dma_start3A_668 = tpu.memref_squeeze %dma_start3A_667 : memref<1x64xi32, #tpu.memory_space<vmem>> -> memref<64xi32, #tpu.memory_space<vmem>>
        %dma_start3A_669 = arith.constant 0 : i32
        %dma_start3A_670 = arith.constant 0 : i32
        %dma_start3A_671 = tpu.memref_slice %arg2[%dma_start3A_669, %dma_start3A_670] : memref<10000x128xf32, #tpu.memory_space<hbm>> -> memref<10000x128xf32, #tpu.memory_space<hbm>>
        %dma_start3A_672 = tpu.memref_slice %arg12[%dma_start3A_661] : memref<4x!tpu.dma_semaphore, #tpu.memory_space<semaphore_mem>> -> memref<1x!tpu.dma_semaphore, #tpu.memory_space<semaphore_mem>>
        %dma_start3A_673 = tpu.memref_squeeze %dma_start3A_672 : memref<1x!tpu.dma_semaphore, #tpu.memory_space<semaphore_mem>> -> memref<!tpu.dma_semaphore, #tpu.memory_space<semaphore_mem>>
        tpu.enqueue_indirect_dma source(%dma_start3A_671 : memref<10000x128xf32, #tpu.memory_space<hbm>>) target(%dma_start3A_665 : memref<64x128xf32, #tpu.memory_space<vmem>>) offsets(%dma_start3A_668 : memref<64xi32, #tpu.memory_space<vmem>>) semaphore(%dma_start3A_673 : memref<!tpu.dma_semaphore, #tpu.memory_space<semaphore_mem>>)
      } else {
      }
      %add3A_526 = arith.constant 4 : i32
      %add3A_527 = arith.addi %add3A_483, %add3A_526 : i32
      %lt3A_528 = arith.constant 80 : i32
      %lt3A_529 = arith.cmpi slt, %add3A_527, %lt3A_528 : i32
      %convert_element_type3A_530 = arith.extui %lt3A_529 : i1 to i32
      %cond3A_531 = arith.constant 0 : i32
      %cond3A_532 = arith.cmpi ne, %convert_element_type3A_530, %cond3A_531 : i32
      scf.if %cond3A_532 {
        %add3A_635 = arith.constant 4 : i32
        %add3A_636 = arith.addi %add3A_483, %add3A_635 : i32
        %mul3A_637 = arith.constant 64 : i32
        %mul3A_638 = arith.muli %add3A_636, %mul3A_637 : i32
        %add3A_639 = arith.addi %mul3A_2, %mul3A_638 : i32
        %dma_start3A_640 = arith.constant 1 : i32
        %dma_start3A_641 = arith.constant 1 : i32
        %dma_start3A_642 = arith.constant 0 : i32
        %dma_start3A_643 = tpu.memref_slice %arg7[%dma_start3A_640, %dma_start3A_642] : memref<8x64xi32, #tpu.memory_space<vmem>> -> memref<1x64xi32, #tpu.memory_space<vmem>>
        %dma_start3A_644 = tpu.memref_squeeze %dma_start3A_643 : memref<1x64xi32, #tpu.memory_space<vmem>> -> memref<64xi32, #tpu.memory_space<vmem>>
        %dma_start3A_645 = tpu.memref_slice %arg3[%add3A_639] : memref<163840xi32, #tpu.memory_space<hbm>> -> memref<64xi32, #tpu.memory_space<hbm>>
        %dma_start3A_646 = tpu.memref_slice %arg11[%dma_start3A_641] : memref<8x!tpu.dma_semaphore, #tpu.memory_space<semaphore_mem>> -> memref<1x!tpu.dma_semaphore, #tpu.memory_space<semaphore_mem>>
        %dma_start3A_647 = tpu.memref_squeeze %dma_start3A_646 : memref<1x!tpu.dma_semaphore, #tpu.memory_space<semaphore_mem>> -> memref<!tpu.dma_semaphore, #tpu.memory_space<semaphore_mem>>
        %dma_start3A_648 = arith.constant 0 : i32
        %dma_start3A_649 = tpu.memref_slice %arg7[%dma_start3A_640, %dma_start3A_648] : memref<8x64xi32, #tpu.memory_space<vmem>> -> memref<1x64xi32, #tpu.memory_space<vmem>>
        %dma_start3A_650 = tpu.memref_squeeze %dma_start3A_649 : memref<1x64xi32, #tpu.memory_space<vmem>> -> memref<64xi32, #tpu.memory_space<vmem>>
        %dma_start3A_651 = tpu.memref_slice %arg3[%add3A_639] : memref<163840xi32, #tpu.memory_space<hbm>> -> memref<64xi32, #tpu.memory_space<hbm>>
        tpu.enqueue_dma source(%dma_start3A_651 : memref<64xi32, #tpu.memory_space<hbm>>) target(%dma_start3A_650 : memref<64xi32, #tpu.memory_space<vmem>>) target_semaphore(%dma_start3A_647 : memref<!tpu.dma_semaphore, #tpu.memory_space<semaphore_mem>>)
        %dma_start3A_652 = arith.constant 1 : i32
        %dma_start3A_653 = arith.constant 1 : i32
        %dma_start3A_654 = arith.constant 0 : i32
        %dma_start3A_655 = tpu.memref_slice %arg8[%dma_start3A_652, %dma_start3A_654] : memref<8x64xi32, #tpu.memory_space<vmem>> -> memref<1x64xi32, #tpu.memory_space<vmem>>
        %dma_start3A_656 = tpu.memref_squeeze %dma_start3A_655 : memref<1x64xi32, #tpu.memory_space<vmem>> -> memref<64xi32, #tpu.memory_space<vmem>>
        %dma_start3A_657 = tpu.memref_slice %arg4[%add3A_639] : memref<163840xi32, #tpu.memory_space<hbm>> -> memref<64xi32, #tpu.memory_space<hbm>>
        %dma_start3A_658 = tpu.memref_slice %arg11[%dma_start3A_653] : memref<8x!tpu.dma_semaphore, #tpu.memory_space<semaphore_mem>> -> memref<1x!tpu.dma_semaphore, #tpu.memory_space<semaphore_mem>>
        %dma_start3A_659 = tpu.memref_squeeze %dma_start3A_658 : memref<1x!tpu.dma_semaphore, #tpu.memory_space<semaphore_mem>> -> memref<!tpu.dma_semaphore, #tpu.memory_space<semaphore_mem>>
        %dma_start3A_660 = arith.constant 0 : i32
        %dma_start3A_661 = tpu.memref_slice %arg8[%dma_start3A_652, %dma_start3A_660] : memref<8x64xi32, #tpu.memory_space<vmem>> -> memref<1x64xi32, #tpu.memory_space<vmem>>
        %dma_start3A_662 = tpu.memref_squeeze %dma_start3A_661 : memref<1x64xi32, #tpu.memory_space<vmem>> -> memref<64xi32, #tpu.memory_space<vmem>>
        %dma_start3A_663 = tpu.memref_slice %arg4[%add3A_639] : memref<163840xi32, #tpu.memory_space<hbm>> -> memref<64xi32, #tpu.memory_space<hbm>>
        tpu.enqueue_dma source(%dma_start3A_663 : memref<64xi32, #tpu.memory_space<hbm>>) target(%dma_start3A_662 : memref<64xi32, #tpu.memory_space<vmem>>) target_semaphore(%dma_start3A_659 : memref<!tpu.dma_semaphore, #tpu.memory_space<semaphore_mem>>)
      } else {
      }
      %add3A_533 = arith.constant 6 : i32
      %add3A_534 = arith.addi %add3A_230, %add3A_533 : i32
      %dma_wait3A_535 = arith.constant 6 : i32
      %dma_wait3A_536 = arith.constant 2 : i32
      %dma_wait3A_537 = arith.constant 2 : i32
      %dma_wait3A_538 = arith.constant 0 : i32
      %dma_wait3A_539 = arith.constant 0 : i32
      %dma_wait3A_540 = tpu.memref_slice %arg9[%dma_wait3A_536, %dma_wait3A_538, %dma_wait3A_539] : memref<4x64x128xf32, #tpu.memory_space<vmem>> -> memref<1x64x128xf32, #tpu.memory_space<vmem>>
      %dma_wait3A_541 = tpu.memref_squeeze %dma_wait3A_540 : memref<1x64x128xf32, #tpu.memory_space<vmem>> -> memref<64x128xf32, #tpu.memory_space<vmem>>
      %dma_wait3A_542 = arith.constant 0 : i32
      %dma_wait3A_543 = tpu.memref_slice %arg8[%dma_wait3A_535, %dma_wait3A_542] : memref<8x64xi32, #tpu.memory_space<vmem>> -> memref<1x64xi32, #tpu.memory_space<vmem>>
      %dma_wait3A_544 = tpu.memref_squeeze %dma_wait3A_543 : memref<1x64xi32, #tpu.memory_space<vmem>> -> memref<64xi32, #tpu.memory_space<vmem>>
      %dma_wait3A_545 = arith.constant 0 : i32
      %dma_wait3A_546 = arith.constant 0 : i32
      %dma_wait3A_547 = tpu.memref_slice %arg2[%dma_wait3A_545, %dma_wait3A_546] : memref<10000x128xf32, #tpu.memory_space<hbm>> -> memref<10000x128xf32, #tpu.memory_space<hbm>>
      %dma_wait3A_548 = tpu.memref_slice %arg12[%dma_wait3A_537] : memref<4x!tpu.dma_semaphore, #tpu.memory_space<semaphore_mem>> -> memref<1x!tpu.dma_semaphore, #tpu.memory_space<semaphore_mem>>
      %dma_wait3A_549 = tpu.memref_squeeze %dma_wait3A_548 : memref<1x!tpu.dma_semaphore, #tpu.memory_space<semaphore_mem>> -> memref<!tpu.dma_semaphore, #tpu.memory_space<semaphore_mem>>
      tpu.wait_indirect_dma semaphore(%dma_wait3A_549 : memref<!tpu.dma_semaphore, #tpu.memory_space<semaphore_mem>>) src(%dma_wait3A_547 : memref<10000x128xf32, #tpu.memory_space<hbm>>) dst(%dma_wait3A_541 : memref<64x128xf32, #tpu.memory_space<vmem>>)
      %dma_start3A_550 = arith.constant 2 : i32
      %dma_start3A_551 = arith.constant 6 : i32
      %dma_start3A_552 = arith.constant 2 : i32
      %dma_start3A_553 = arith.constant 0 : i32
      %dma_start3A_554 = arith.constant 0 : i32
      %dma_start3A_555 = tpu.memref_slice %arg9[%dma_start3A_550, %dma_start3A_553, %dma_start3A_554] : memref<4x64x128xf32, #tpu.memory_space<vmem>> -> memref<1x64x128xf32, #tpu.memory_space<vmem>>
      %dma_start3A_556 = tpu.memref_squeeze %dma_start3A_555 : memref<1x64x128xf32, #tpu.memory_space<vmem>> -> memref<64x128xf32, #tpu.memory_space<vmem>>
      %dma_start3A_557 = arith.constant 0 : i32
      %dma_start3A_558 = tpu.memref_slice %arg7[%dma_start3A_551, %dma_start3A_557] : memref<8x64xi32, #tpu.memory_space<vmem>> -> memref<1x64xi32, #tpu.memory_space<vmem>>
      %dma_start3A_559 = tpu.memref_squeeze %dma_start3A_558 : memref<1x64xi32, #tpu.memory_space<vmem>> -> memref<64xi32, #tpu.memory_space<vmem>>
      %dma_start3A_560 = arith.constant 0 : i32
      %dma_start3A_561 = arith.constant 0 : i32
      %dma_start3A_562 = tpu.memref_slice %arg10[%dma_start3A_560, %dma_start3A_561] : memref<10112x128xf32, #tpu.memory_space<vmem_shared>> -> memref<10112x128xf32, #tpu.memory_space<vmem_shared>>
      %dma_start3A_563 = tpu.memref_slice %arg13[%dma_start3A_552] : memref<4x!tpu.dma_semaphore, #tpu.memory_space<semaphore_mem>> -> memref<1x!tpu.dma_semaphore, #tpu.memory_space<semaphore_mem>>
      %dma_start3A_564 = tpu.memref_squeeze %dma_start3A_563 : memref<1x!tpu.dma_semaphore, #tpu.memory_space<semaphore_mem>> -> memref<!tpu.dma_semaphore, #tpu.memory_space<semaphore_mem>>
      tpu.enqueue_indirect_dma source(%dma_start3A_556 : memref<64x128xf32, #tpu.memory_space<vmem>>) target(%dma_start3A_562 : memref<10112x128xf32, #tpu.memory_space<vmem_shared>>) offsets(%dma_start3A_559 : memref<64xi32, #tpu.memory_space<vmem>>) semaphore(%dma_start3A_564 : memref<!tpu.dma_semaphore, #tpu.memory_space<semaphore_mem>>) {add = true}
      %ge3A_565 = arith.constant 2 : i32
      %ge3A_566 = arith.cmpi sge, %add3A_534, %ge3A_565 : i32
      %convert_element_type3A_567 = arith.extui %ge3A_566 : i1 to i32
      %cond3A_568 = arith.constant 0 : i32
      %cond3A_569 = arith.cmpi ne, %convert_element_type3A_567, %cond3A_568 : i32
      scf.if %cond3A_569 {
        %dma_wait3A_635 = arith.constant 0 : i32
        %dma_wait3A_636 = arith.constant 0 : i32
        %dma_wait3A_637 = arith.constant 0 : i32
        %dma_wait3A_638 = arith.constant 0 : i32
        %dma_wait3A_639 = arith.constant 0 : i32
        %dma_wait3A_640 = tpu.memref_slice %arg9[%dma_wait3A_635, %dma_wait3A_638, %dma_wait3A_639] : memref<4x64x128xf32, #tpu.memory_space<vmem>> -> memref<1x64x128xf32, #tpu.memory_space<vmem>>
        %dma_wait3A_641 = tpu.memref_squeeze %dma_wait3A_640 : memref<1x64x128xf32, #tpu.memory_space<vmem>> -> memref<64x128xf32, #tpu.memory_space<vmem>>
        %dma_wait3A_642 = arith.constant 0 : i32
        %dma_wait3A_643 = tpu.memref_slice %arg7[%dma_wait3A_636, %dma_wait3A_642] : memref<8x64xi32, #tpu.memory_space<vmem>> -> memref<1x64xi32, #tpu.memory_space<vmem>>
        %dma_wait3A_644 = tpu.memref_squeeze %dma_wait3A_643 : memref<1x64xi32, #tpu.memory_space<vmem>> -> memref<64xi32, #tpu.memory_space<vmem>>
        %dma_wait3A_645 = arith.constant 0 : i32
        %dma_wait3A_646 = arith.constant 0 : i32
        %dma_wait3A_647 = tpu.memref_slice %arg10[%dma_wait3A_645, %dma_wait3A_646] : memref<10112x128xf32, #tpu.memory_space<vmem_shared>> -> memref<10112x128xf32, #tpu.memory_space<vmem_shared>>
        %dma_wait3A_648 = tpu.memref_slice %arg13[%dma_wait3A_637] : memref<4x!tpu.dma_semaphore, #tpu.memory_space<semaphore_mem>> -> memref<1x!tpu.dma_semaphore, #tpu.memory_space<semaphore_mem>>
        %dma_wait3A_649 = tpu.memref_squeeze %dma_wait3A_648 : memref<1x!tpu.dma_semaphore, #tpu.memory_space<semaphore_mem>> -> memref<!tpu.dma_semaphore, #tpu.memory_space<semaphore_mem>>
        tpu.wait_indirect_dma semaphore(%dma_wait3A_649 : memref<!tpu.dma_semaphore, #tpu.memory_space<semaphore_mem>>) src(%dma_wait3A_641 : memref<64x128xf32, #tpu.memory_space<vmem>>) dst(%dma_wait3A_647 : memref<10112x128xf32, #tpu.memory_space<vmem_shared>>)
      } else {
      }
      %add3A_570 = arith.constant 2 : i32
      %add3A_571 = arith.addi %add3A_534, %add3A_570 : i32
      %lt3A_572 = arith.constant 80 : i32
      %lt3A_573 = arith.cmpi slt, %add3A_571, %lt3A_572 : i32
      %convert_element_type3A_574 = arith.extui %lt3A_573 : i1 to i32
      %cond3A_575 = arith.constant 0 : i32
      %cond3A_576 = arith.cmpi ne, %convert_element_type3A_574, %cond3A_575 : i32
      scf.if %cond3A_576 {
        %dma_wait3A_635 = arith.constant 0 : i32
        %dma_wait3A_636 = arith.constant 0 : i32
        %dma_wait3A_637 = arith.constant 0 : i32
        %dma_wait3A_638 = tpu.memref_slice %arg7[%dma_wait3A_635, %dma_wait3A_637] : memref<8x64xi32, #tpu.memory_space<vmem>> -> memref<1x64xi32, #tpu.memory_space<vmem>>
        %dma_wait3A_639 = tpu.memref_squeeze %dma_wait3A_638 : memref<1x64xi32, #tpu.memory_space<vmem>> -> memref<64xi32, #tpu.memory_space<vmem>>
        %dma_wait3A_640 = tpu.memref_slice %arg3[%mul3A_2] : memref<163840xi32, #tpu.memory_space<hbm>> -> memref<64xi32, #tpu.memory_space<hbm>>
        %dma_wait3A_641 = tpu.memref_slice %arg11[%dma_wait3A_636] : memref<8x!tpu.dma_semaphore, #tpu.memory_space<semaphore_mem>> -> memref<1x!tpu.dma_semaphore, #tpu.memory_space<semaphore_mem>>
        %dma_wait3A_642 = tpu.memref_squeeze %dma_wait3A_641 : memref<1x!tpu.dma_semaphore, #tpu.memory_space<semaphore_mem>> -> memref<!tpu.dma_semaphore, #tpu.memory_space<semaphore_mem>>
        %dma_wait3A_643 = arith.constant 0 : i32
        %dma_wait3A_644 = tpu.memref_slice %arg7[%dma_wait3A_635, %dma_wait3A_643] : memref<8x64xi32, #tpu.memory_space<vmem>> -> memref<1x64xi32, #tpu.memory_space<vmem>>
        %dma_wait3A_645 = tpu.memref_squeeze %dma_wait3A_644 : memref<1x64xi32, #tpu.memory_space<vmem>> -> memref<64xi32, #tpu.memory_space<vmem>>
        %dma_wait3A_646 = tpu.memref_slice %arg3[%mul3A_2] : memref<163840xi32, #tpu.memory_space<hbm>> -> memref<64xi32, #tpu.memory_space<hbm>>
        tpu.wait_dma2 semaphore(%dma_wait3A_642 : memref<!tpu.dma_semaphore, #tpu.memory_space<semaphore_mem>>) src(%dma_wait3A_646 : memref<64xi32, #tpu.memory_space<hbm>>) dst(%dma_wait3A_645 : memref<64xi32, #tpu.memory_space<vmem>>)
        %dma_wait3A_647 = arith.constant 0 : i32
        %dma_wait3A_648 = arith.constant 0 : i32
        %dma_wait3A_649 = arith.constant 0 : i32
        %dma_wait3A_650 = tpu.memref_slice %arg8[%dma_wait3A_647, %dma_wait3A_649] : memref<8x64xi32, #tpu.memory_space<vmem>> -> memref<1x64xi32, #tpu.memory_space<vmem>>
        %dma_wait3A_651 = tpu.memref_squeeze %dma_wait3A_650 : memref<1x64xi32, #tpu.memory_space<vmem>> -> memref<64xi32, #tpu.memory_space<vmem>>
        %dma_wait3A_652 = tpu.memref_slice %arg4[%mul3A_2] : memref<163840xi32, #tpu.memory_space<hbm>> -> memref<64xi32, #tpu.memory_space<hbm>>
        %dma_wait3A_653 = tpu.memref_slice %arg11[%dma_wait3A_648] : memref<8x!tpu.dma_semaphore, #tpu.memory_space<semaphore_mem>> -> memref<1x!tpu.dma_semaphore, #tpu.memory_space<semaphore_mem>>
        %dma_wait3A_654 = tpu.memref_squeeze %dma_wait3A_653 : memref<1x!tpu.dma_semaphore, #tpu.memory_space<semaphore_mem>> -> memref<!tpu.dma_semaphore, #tpu.memory_space<semaphore_mem>>
        %dma_wait3A_655 = arith.constant 0 : i32
        %dma_wait3A_656 = tpu.memref_slice %arg8[%dma_wait3A_647, %dma_wait3A_655] : memref<8x64xi32, #tpu.memory_space<vmem>> -> memref<1x64xi32, #tpu.memory_space<vmem>>
        %dma_wait3A_657 = tpu.memref_squeeze %dma_wait3A_656 : memref<1x64xi32, #tpu.memory_space<vmem>> -> memref<64xi32, #tpu.memory_space<vmem>>
        %dma_wait3A_658 = tpu.memref_slice %arg4[%mul3A_2] : memref<163840xi32, #tpu.memory_space<hbm>> -> memref<64xi32, #tpu.memory_space<hbm>>
        tpu.wait_dma2 semaphore(%dma_wait3A_654 : memref<!tpu.dma_semaphore, #tpu.memory_space<semaphore_mem>>) src(%dma_wait3A_658 : memref<64xi32, #tpu.memory_space<hbm>>) dst(%dma_wait3A_657 : memref<64xi32, #tpu.memory_space<vmem>>)
        %dma_start3A_659 = arith.constant 0 : i32
        %dma_start3A_660 = arith.constant 0 : i32
        %dma_start3A_661 = arith.constant 0 : i32
        %dma_start3A_662 = arith.constant 0 : i32
        %dma_start3A_663 = arith.constant 0 : i32
        %dma_start3A_664 = tpu.memref_slice %arg9[%dma_start3A_660, %dma_start3A_662, %dma_start3A_663] : memref<4x64x128xf32, #tpu.memory_space<vmem>> -> memref<1x64x128xf32, #tpu.memory_space<vmem>>
        %dma_start3A_665 = tpu.memref_squeeze %dma_start3A_664 : memref<1x64x128xf32, #tpu.memory_space<vmem>> -> memref<64x128xf32, #tpu.memory_space<vmem>>
        %dma_start3A_666 = arith.constant 0 : i32
        %dma_start3A_667 = tpu.memref_slice %arg8[%dma_start3A_659, %dma_start3A_666] : memref<8x64xi32, #tpu.memory_space<vmem>> -> memref<1x64xi32, #tpu.memory_space<vmem>>
        %dma_start3A_668 = tpu.memref_squeeze %dma_start3A_667 : memref<1x64xi32, #tpu.memory_space<vmem>> -> memref<64xi32, #tpu.memory_space<vmem>>
        %dma_start3A_669 = arith.constant 0 : i32
        %dma_start3A_670 = arith.constant 0 : i32
        %dma_start3A_671 = tpu.memref_slice %arg2[%dma_start3A_669, %dma_start3A_670] : memref<10000x128xf32, #tpu.memory_space<hbm>> -> memref<10000x128xf32, #tpu.memory_space<hbm>>
        %dma_start3A_672 = tpu.memref_slice %arg12[%dma_start3A_661] : memref<4x!tpu.dma_semaphore, #tpu.memory_space<semaphore_mem>> -> memref<1x!tpu.dma_semaphore, #tpu.memory_space<semaphore_mem>>
        %dma_start3A_673 = tpu.memref_squeeze %dma_start3A_672 : memref<1x!tpu.dma_semaphore, #tpu.memory_space<semaphore_mem>> -> memref<!tpu.dma_semaphore, #tpu.memory_space<semaphore_mem>>
        tpu.enqueue_indirect_dma source(%dma_start3A_671 : memref<10000x128xf32, #tpu.memory_space<hbm>>) target(%dma_start3A_665 : memref<64x128xf32, #tpu.memory_space<vmem>>) offsets(%dma_start3A_668 : memref<64xi32, #tpu.memory_space<vmem>>) semaphore(%dma_start3A_673 : memref<!tpu.dma_semaphore, #tpu.memory_space<semaphore_mem>>)
      } else {
      }
      %add3A_577 = arith.constant 4 : i32
      %add3A_578 = arith.addi %add3A_534, %add3A_577 : i32
      %lt3A_579 = arith.constant 80 : i32
      %lt3A_580 = arith.cmpi slt, %add3A_578, %lt3A_579 : i32
      %convert_element_type3A_581 = arith.extui %lt3A_580 : i1 to i32
      %cond3A_582 = arith.constant 0 : i32
      %cond3A_583 = arith.cmpi ne, %convert_element_type3A_581, %cond3A_582 : i32
      scf.if %cond3A_583 {
        %add3A_635 = arith.constant 4 : i32
        %add3A_636 = arith.addi %add3A_534, %add3A_635 : i32
        %mul3A_637 = arith.constant 64 : i32
        %mul3A_638 = arith.muli %add3A_636, %mul3A_637 : i32
        %add3A_639 = arith.addi %mul3A_2, %mul3A_638 : i32
        %dma_start3A_640 = arith.constant 2 : i32
        %dma_start3A_641 = arith.constant 2 : i32
        %dma_start3A_642 = arith.constant 0 : i32
        %dma_start3A_643 = tpu.memref_slice %arg7[%dma_start3A_640, %dma_start3A_642] : memref<8x64xi32, #tpu.memory_space<vmem>> -> memref<1x64xi32, #tpu.memory_space<vmem>>
        %dma_start3A_644 = tpu.memref_squeeze %dma_start3A_643 : memref<1x64xi32, #tpu.memory_space<vmem>> -> memref<64xi32, #tpu.memory_space<vmem>>
        %dma_start3A_645 = tpu.memref_slice %arg3[%add3A_639] : memref<163840xi32, #tpu.memory_space<hbm>> -> memref<64xi32, #tpu.memory_space<hbm>>
        %dma_start3A_646 = tpu.memref_slice %arg11[%dma_start3A_641] : memref<8x!tpu.dma_semaphore, #tpu.memory_space<semaphore_mem>> -> memref<1x!tpu.dma_semaphore, #tpu.memory_space<semaphore_mem>>
        %dma_start3A_647 = tpu.memref_squeeze %dma_start3A_646 : memref<1x!tpu.dma_semaphore, #tpu.memory_space<semaphore_mem>> -> memref<!tpu.dma_semaphore, #tpu.memory_space<semaphore_mem>>
        %dma_start3A_648 = arith.constant 0 : i32
        %dma_start3A_649 = tpu.memref_slice %arg7[%dma_start3A_640, %dma_start3A_648] : memref<8x64xi32, #tpu.memory_space<vmem>> -> memref<1x64xi32, #tpu.memory_space<vmem>>
        %dma_start3A_650 = tpu.memref_squeeze %dma_start3A_649 : memref<1x64xi32, #tpu.memory_space<vmem>> -> memref<64xi32, #tpu.memory_space<vmem>>
        %dma_start3A_651 = tpu.memref_slice %arg3[%add3A_639] : memref<163840xi32, #tpu.memory_space<hbm>> -> memref<64xi32, #tpu.memory_space<hbm>>
        tpu.enqueue_dma source(%dma_start3A_651 : memref<64xi32, #tpu.memory_space<hbm>>) target(%dma_start3A_650 : memref<64xi32, #tpu.memory_space<vmem>>) target_semaphore(%dma_start3A_647 : memref<!tpu.dma_semaphore, #tpu.memory_space<semaphore_mem>>)
        %dma_start3A_652 = arith.constant 2 : i32
        %dma_start3A_653 = arith.constant 2 : i32
        %dma_start3A_654 = arith.constant 0 : i32
        %dma_start3A_655 = tpu.memref_slice %arg8[%dma_start3A_652, %dma_start3A_654] : memref<8x64xi32, #tpu.memory_space<vmem>> -> memref<1x64xi32, #tpu.memory_space<vmem>>
        %dma_start3A_656 = tpu.memref_squeeze %dma_start3A_655 : memref<1x64xi32, #tpu.memory_space<vmem>> -> memref<64xi32, #tpu.memory_space<vmem>>
        %dma_start3A_657 = tpu.memref_slice %arg4[%add3A_639] : memref<163840xi32, #tpu.memory_space<hbm>> -> memref<64xi32, #tpu.memory_space<hbm>>
        %dma_start3A_658 = tpu.memref_slice %arg11[%dma_start3A_653] : memref<8x!tpu.dma_semaphore, #tpu.memory_space<semaphore_mem>> -> memref<1x!tpu.dma_semaphore, #tpu.memory_space<semaphore_mem>>
        %dma_start3A_659 = tpu.memref_squeeze %dma_start3A_658 : memref<1x!tpu.dma_semaphore, #tpu.memory_space<semaphore_mem>> -> memref<!tpu.dma_semaphore, #tpu.memory_space<semaphore_mem>>
        %dma_start3A_660 = arith.constant 0 : i32
        %dma_start3A_661 = tpu.memref_slice %arg8[%dma_start3A_652, %dma_start3A_660] : memref<8x64xi32, #tpu.memory_space<vmem>> -> memref<1x64xi32, #tpu.memory_space<vmem>>
        %dma_start3A_662 = tpu.memref_squeeze %dma_start3A_661 : memref<1x64xi32, #tpu.memory_space<vmem>> -> memref<64xi32, #tpu.memory_space<vmem>>
        %dma_start3A_663 = tpu.memref_slice %arg4[%add3A_639] : memref<163840xi32, #tpu.memory_space<hbm>> -> memref<64xi32, #tpu.memory_space<hbm>>
        tpu.enqueue_dma source(%dma_start3A_663 : memref<64xi32, #tpu.memory_space<hbm>>) target(%dma_start3A_662 : memref<64xi32, #tpu.memory_space<vmem>>) target_semaphore(%dma_start3A_659 : memref<!tpu.dma_semaphore, #tpu.memory_space<semaphore_mem>>)
      } else {
      }
      %add3A_584 = arith.constant 7 : i32
      %add3A_585 = arith.addi %add3A_230, %add3A_584 : i32
      %dma_wait3A_586 = arith.constant 7 : i32
      %dma_wait3A_587 = arith.constant 3 : i32
      %dma_wait3A_588 = arith.constant 3 : i32
      %dma_wait3A_589 = arith.constant 0 : i32
      %dma_wait3A_590 = arith.constant 0 : i32
      %dma_wait3A_591 = tpu.memref_slice %arg9[%dma_wait3A_587, %dma_wait3A_589, %dma_wait3A_590] : memref<4x64x128xf32, #tpu.memory_space<vmem>> -> memref<1x64x128xf32, #tpu.memory_space<vmem>>
      %dma_wait3A_592 = tpu.memref_squeeze %dma_wait3A_591 : memref<1x64x128xf32, #tpu.memory_space<vmem>> -> memref<64x128xf32, #tpu.memory_space<vmem>>
      %dma_wait3A_593 = arith.constant 0 : i32
      %dma_wait3A_594 = tpu.memref_slice %arg8[%dma_wait3A_586, %dma_wait3A_593] : memref<8x64xi32, #tpu.memory_space<vmem>> -> memref<1x64xi32, #tpu.memory_space<vmem>>
      %dma_wait3A_595 = tpu.memref_squeeze %dma_wait3A_594 : memref<1x64xi32, #tpu.memory_space<vmem>> -> memref<64xi32, #tpu.memory_space<vmem>>
      %dma_wait3A_596 = arith.constant 0 : i32
      %dma_wait3A_597 = arith.constant 0 : i32
      %dma_wait3A_598 = tpu.memref_slice %arg2[%dma_wait3A_596, %dma_wait3A_597] : memref<10000x128xf32, #tpu.memory_space<hbm>> -> memref<10000x128xf32, #tpu.memory_space<hbm>>
      %dma_wait3A_599 = tpu.memref_slice %arg12[%dma_wait3A_588] : memref<4x!tpu.dma_semaphore, #tpu.memory_space<semaphore_mem>> -> memref<1x!tpu.dma_semaphore, #tpu.memory_space<semaphore_mem>>
      %dma_wait3A_600 = tpu.memref_squeeze %dma_wait3A_599 : memref<1x!tpu.dma_semaphore, #tpu.memory_space<semaphore_mem>> -> memref<!tpu.dma_semaphore, #tpu.memory_space<semaphore_mem>>
      tpu.wait_indirect_dma semaphore(%dma_wait3A_600 : memref<!tpu.dma_semaphore, #tpu.memory_space<semaphore_mem>>) src(%dma_wait3A_598 : memref<10000x128xf32, #tpu.memory_space<hbm>>) dst(%dma_wait3A_592 : memref<64x128xf32, #tpu.memory_space<vmem>>)
      %dma_start3A_601 = arith.constant 3 : i32
      %dma_start3A_602 = arith.constant 7 : i32
      %dma_start3A_603 = arith.constant 3 : i32
      %dma_start3A_604 = arith.constant 0 : i32
      %dma_start3A_605 = arith.constant 0 : i32
      %dma_start3A_606 = tpu.memref_slice %arg9[%dma_start3A_601, %dma_start3A_604, %dma_start3A_605] : memref<4x64x128xf32, #tpu.memory_space<vmem>> -> memref<1x64x128xf32, #tpu.memory_space<vmem>>
      %dma_start3A_607 = tpu.memref_squeeze %dma_start3A_606 : memref<1x64x128xf32, #tpu.memory_space<vmem>> -> memref<64x128xf32, #tpu.memory_space<vmem>>
      %dma_start3A_608 = arith.constant 0 : i32
      %dma_start3A_609 = tpu.memref_slice %arg7[%dma_start3A_602, %dma_start3A_608] : memref<8x64xi32, #tpu.memory_space<vmem>> -> memref<1x64xi32, #tpu.memory_space<vmem>>
      %dma_start3A_610 = tpu.memref_squeeze %dma_start3A_609 : memref<1x64xi32, #tpu.memory_space<vmem>> -> memref<64xi32, #tpu.memory_space<vmem>>
      %dma_start3A_611 = arith.constant 0 : i32
      %dma_start3A_612 = arith.constant 0 : i32
      %dma_start3A_613 = tpu.memref_slice %arg10[%dma_start3A_611, %dma_start3A_612] : memref<10112x128xf32, #tpu.memory_space<vmem_shared>> -> memref<10112x128xf32, #tpu.memory_space<vmem_shared>>
      %dma_start3A_614 = tpu.memref_slice %arg13[%dma_start3A_603] : memref<4x!tpu.dma_semaphore, #tpu.memory_space<semaphore_mem>> -> memref<1x!tpu.dma_semaphore, #tpu.memory_space<semaphore_mem>>
      %dma_start3A_615 = tpu.memref_squeeze %dma_start3A_614 : memref<1x!tpu.dma_semaphore, #tpu.memory_space<semaphore_mem>> -> memref<!tpu.dma_semaphore, #tpu.memory_space<semaphore_mem>>
      tpu.enqueue_indirect_dma source(%dma_start3A_607 : memref<64x128xf32, #tpu.memory_space<vmem>>) target(%dma_start3A_613 : memref<10112x128xf32, #tpu.memory_space<vmem_shared>>) offsets(%dma_start3A_610 : memref<64xi32, #tpu.memory_space<vmem>>) semaphore(%dma_start3A_615 : memref<!tpu.dma_semaphore, #tpu.memory_space<semaphore_mem>>) {add = true}
      %ge3A_616 = arith.constant 2 : i32
      %ge3A_617 = arith.cmpi sge, %add3A_585, %ge3A_616 : i32
      %convert_element_type3A_618 = arith.extui %ge3A_617 : i1 to i32
      %cond3A_619 = arith.constant 0 : i32
      %cond3A_620 = arith.cmpi ne, %convert_element_type3A_618, %cond3A_619 : i32
      scf.if %cond3A_620 {
        %dma_wait3A_635 = arith.constant 1 : i32
        %dma_wait3A_636 = arith.constant 1 : i32
        %dma_wait3A_637 = arith.constant 1 : i32
        %dma_wait3A_638 = arith.constant 0 : i32
        %dma_wait3A_639 = arith.constant 0 : i32
        %dma_wait3A_640 = tpu.memref_slice %arg9[%dma_wait3A_635, %dma_wait3A_638, %dma_wait3A_639] : memref<4x64x128xf32, #tpu.memory_space<vmem>> -> memref<1x64x128xf32, #tpu.memory_space<vmem>>
        %dma_wait3A_641 = tpu.memref_squeeze %dma_wait3A_640 : memref<1x64x128xf32, #tpu.memory_space<vmem>> -> memref<64x128xf32, #tpu.memory_space<vmem>>
        %dma_wait3A_642 = arith.constant 0 : i32
        %dma_wait3A_643 = tpu.memref_slice %arg7[%dma_wait3A_636, %dma_wait3A_642] : memref<8x64xi32, #tpu.memory_space<vmem>> -> memref<1x64xi32, #tpu.memory_space<vmem>>
        %dma_wait3A_644 = tpu.memref_squeeze %dma_wait3A_643 : memref<1x64xi32, #tpu.memory_space<vmem>> -> memref<64xi32, #tpu.memory_space<vmem>>
        %dma_wait3A_645 = arith.constant 0 : i32
        %dma_wait3A_646 = arith.constant 0 : i32
        %dma_wait3A_647 = tpu.memref_slice %arg10[%dma_wait3A_645, %dma_wait3A_646] : memref<10112x128xf32, #tpu.memory_space<vmem_shared>> -> memref<10112x128xf32, #tpu.memory_space<vmem_shared>>
        %dma_wait3A_648 = tpu.memref_slice %arg13[%dma_wait3A_637] : memref<4x!tpu.dma_semaphore, #tpu.memory_space<semaphore_mem>> -> memref<1x!tpu.dma_semaphore, #tpu.memory_space<semaphore_mem>>
        %dma_wait3A_649 = tpu.memref_squeeze %dma_wait3A_648 : memref<1x!tpu.dma_semaphore, #tpu.memory_space<semaphore_mem>> -> memref<!tpu.dma_semaphore, #tpu.memory_space<semaphore_mem>>
        tpu.wait_indirect_dma semaphore(%dma_wait3A_649 : memref<!tpu.dma_semaphore, #tpu.memory_space<semaphore_mem>>) src(%dma_wait3A_641 : memref<64x128xf32, #tpu.memory_space<vmem>>) dst(%dma_wait3A_647 : memref<10112x128xf32, #tpu.memory_space<vmem_shared>>)
      } else {
      }
      %add3A_621 = arith.constant 2 : i32
      %add3A_622 = arith.addi %add3A_585, %add3A_621 : i32
      %lt3A_623 = arith.constant 80 : i32
      %lt3A_624 = arith.cmpi slt, %add3A_622, %lt3A_623 : i32
      %convert_element_type3A_625 = arith.extui %lt3A_624 : i1 to i32
      %cond3A_626 = arith.constant 0 : i32
      %cond3A_627 = arith.cmpi ne, %convert_element_type3A_625, %cond3A_626 : i32
      scf.if %cond3A_627 {
        %dma_wait3A_635 = arith.constant 1 : i32
        %dma_wait3A_636 = arith.constant 1 : i32
        %dma_wait3A_637 = arith.constant 0 : i32
        %dma_wait3A_638 = tpu.memref_slice %arg7[%dma_wait3A_635, %dma_wait3A_637] : memref<8x64xi32, #tpu.memory_space<vmem>> -> memref<1x64xi32, #tpu.memory_space<vmem>>
        %dma_wait3A_639 = tpu.memref_squeeze %dma_wait3A_638 : memref<1x64xi32, #tpu.memory_space<vmem>> -> memref<64xi32, #tpu.memory_space<vmem>>
        %dma_wait3A_640 = tpu.memref_slice %arg3[%mul3A_2] : memref<163840xi32, #tpu.memory_space<hbm>> -> memref<64xi32, #tpu.memory_space<hbm>>
        %dma_wait3A_641 = tpu.memref_slice %arg11[%dma_wait3A_636] : memref<8x!tpu.dma_semaphore, #tpu.memory_space<semaphore_mem>> -> memref<1x!tpu.dma_semaphore, #tpu.memory_space<semaphore_mem>>
        %dma_wait3A_642 = tpu.memref_squeeze %dma_wait3A_641 : memref<1x!tpu.dma_semaphore, #tpu.memory_space<semaphore_mem>> -> memref<!tpu.dma_semaphore, #tpu.memory_space<semaphore_mem>>
        %dma_wait3A_643 = arith.constant 0 : i32
        %dma_wait3A_644 = tpu.memref_slice %arg7[%dma_wait3A_635, %dma_wait3A_643] : memref<8x64xi32, #tpu.memory_space<vmem>> -> memref<1x64xi32, #tpu.memory_space<vmem>>
        %dma_wait3A_645 = tpu.memref_squeeze %dma_wait3A_644 : memref<1x64xi32, #tpu.memory_space<vmem>> -> memref<64xi32, #tpu.memory_space<vmem>>
        %dma_wait3A_646 = tpu.memref_slice %arg3[%mul3A_2] : memref<163840xi32, #tpu.memory_space<hbm>> -> memref<64xi32, #tpu.memory_space<hbm>>
        tpu.wait_dma2 semaphore(%dma_wait3A_642 : memref<!tpu.dma_semaphore, #tpu.memory_space<semaphore_mem>>) src(%dma_wait3A_646 : memref<64xi32, #tpu.memory_space<hbm>>) dst(%dma_wait3A_645 : memref<64xi32, #tpu.memory_space<vmem>>)
        %dma_wait3A_647 = arith.constant 1 : i32
        %dma_wait3A_648 = arith.constant 1 : i32
        %dma_wait3A_649 = arith.constant 0 : i32
        %dma_wait3A_650 = tpu.memref_slice %arg8[%dma_wait3A_647, %dma_wait3A_649] : memref<8x64xi32, #tpu.memory_space<vmem>> -> memref<1x64xi32, #tpu.memory_space<vmem>>
        %dma_wait3A_651 = tpu.memref_squeeze %dma_wait3A_650 : memref<1x64xi32, #tpu.memory_space<vmem>> -> memref<64xi32, #tpu.memory_space<vmem>>
        %dma_wait3A_652 = tpu.memref_slice %arg4[%mul3A_2] : memref<163840xi32, #tpu.memory_space<hbm>> -> memref<64xi32, #tpu.memory_space<hbm>>
        %dma_wait3A_653 = tpu.memref_slice %arg11[%dma_wait3A_648] : memref<8x!tpu.dma_semaphore, #tpu.memory_space<semaphore_mem>> -> memref<1x!tpu.dma_semaphore, #tpu.memory_space<semaphore_mem>>
        %dma_wait3A_654 = tpu.memref_squeeze %dma_wait3A_653 : memref<1x!tpu.dma_semaphore, #tpu.memory_space<semaphore_mem>> -> memref<!tpu.dma_semaphore, #tpu.memory_space<semaphore_mem>>
        %dma_wait3A_655 = arith.constant 0 : i32
        %dma_wait3A_656 = tpu.memref_slice %arg8[%dma_wait3A_647, %dma_wait3A_655] : memref<8x64xi32, #tpu.memory_space<vmem>> -> memref<1x64xi32, #tpu.memory_space<vmem>>
        %dma_wait3A_657 = tpu.memref_squeeze %dma_wait3A_656 : memref<1x64xi32, #tpu.memory_space<vmem>> -> memref<64xi32, #tpu.memory_space<vmem>>
        %dma_wait3A_658 = tpu.memref_slice %arg4[%mul3A_2] : memref<163840xi32, #tpu.memory_space<hbm>> -> memref<64xi32, #tpu.memory_space<hbm>>
        tpu.wait_dma2 semaphore(%dma_wait3A_654 : memref<!tpu.dma_semaphore, #tpu.memory_space<semaphore_mem>>) src(%dma_wait3A_658 : memref<64xi32, #tpu.memory_space<hbm>>) dst(%dma_wait3A_657 : memref<64xi32, #tpu.memory_space<vmem>>)
        %dma_start3A_659 = arith.constant 1 : i32
        %dma_start3A_660 = arith.constant 1 : i32
        %dma_start3A_661 = arith.constant 1 : i32
        %dma_start3A_662 = arith.constant 0 : i32
        %dma_start3A_663 = arith.constant 0 : i32
        %dma_start3A_664 = tpu.memref_slice %arg9[%dma_start3A_660, %dma_start3A_662, %dma_start3A_663] : memref<4x64x128xf32, #tpu.memory_space<vmem>> -> memref<1x64x128xf32, #tpu.memory_space<vmem>>
        %dma_start3A_665 = tpu.memref_squeeze %dma_start3A_664 : memref<1x64x128xf32, #tpu.memory_space<vmem>> -> memref<64x128xf32, #tpu.memory_space<vmem>>
        %dma_start3A_666 = arith.constant 0 : i32
        %dma_start3A_667 = tpu.memref_slice %arg8[%dma_start3A_659, %dma_start3A_666] : memref<8x64xi32, #tpu.memory_space<vmem>> -> memref<1x64xi32, #tpu.memory_space<vmem>>
        %dma_start3A_668 = tpu.memref_squeeze %dma_start3A_667 : memref<1x64xi32, #tpu.memory_space<vmem>> -> memref<64xi32, #tpu.memory_space<vmem>>
        %dma_start3A_669 = arith.constant 0 : i32
        %dma_start3A_670 = arith.constant 0 : i32
        %dma_start3A_671 = tpu.memref_slice %arg2[%dma_start3A_669, %dma_start3A_670] : memref<10000x128xf32, #tpu.memory_space<hbm>> -> memref<10000x128xf32, #tpu.memory_space<hbm>>
        %dma_start3A_672 = tpu.memref_slice %arg12[%dma_start3A_661] : memref<4x!tpu.dma_semaphore, #tpu.memory_space<semaphore_mem>> -> memref<1x!tpu.dma_semaphore, #tpu.memory_space<semaphore_mem>>
        %dma_start3A_673 = tpu.memref_squeeze %dma_start3A_672 : memref<1x!tpu.dma_semaphore, #tpu.memory_space<semaphore_mem>> -> memref<!tpu.dma_semaphore, #tpu.memory_space<semaphore_mem>>
        tpu.enqueue_indirect_dma source(%dma_start3A_671 : memref<10000x128xf32, #tpu.memory_space<hbm>>) target(%dma_start3A_665 : memref<64x128xf32, #tpu.memory_space<vmem>>) offsets(%dma_start3A_668 : memref<64xi32, #tpu.memory_space<vmem>>) semaphore(%dma_start3A_673 : memref<!tpu.dma_semaphore, #tpu.memory_space<semaphore_mem>>)
      } else {
      }
      %add3A_628 = arith.constant 4 : i32
      %add3A_629 = arith.addi %add3A_585, %add3A_628 : i32
      %lt3A_630 = arith.constant 80 : i32
      %lt3A_631 = arith.cmpi slt, %add3A_629, %lt3A_630 : i32
      %convert_element_type3A_632 = arith.extui %lt3A_631 : i1 to i32
      %cond3A_633 = arith.constant 0 : i32
      %cond3A_634 = arith.cmpi ne, %convert_element_type3A_632, %cond3A_633 : i32
      scf.if %cond3A_634 {
        %add3A_635 = arith.constant 4 : i32
        %add3A_636 = arith.addi %add3A_585, %add3A_635 : i32
        %mul3A_637 = arith.constant 64 : i32
        %mul3A_638 = arith.muli %add3A_636, %mul3A_637 : i32
        %add3A_639 = arith.addi %mul3A_2, %mul3A_638 : i32
        %dma_start3A_640 = arith.constant 3 : i32
        %dma_start3A_641 = arith.constant 3 : i32
        %dma_start3A_642 = arith.constant 0 : i32
        %dma_start3A_643 = tpu.memref_slice %arg7[%dma_start3A_640, %dma_start3A_642] : memref<8x64xi32, #tpu.memory_space<vmem>> -> memref<1x64xi32, #tpu.memory_space<vmem>>
        %dma_start3A_644 = tpu.memref_squeeze %dma_start3A_643 : memref<1x64xi32, #tpu.memory_space<vmem>> -> memref<64xi32, #tpu.memory_space<vmem>>
        %dma_start3A_645 = tpu.memref_slice %arg3[%add3A_639] : memref<163840xi32, #tpu.memory_space<hbm>> -> memref<64xi32, #tpu.memory_space<hbm>>
        %dma_start3A_646 = tpu.memref_slice %arg11[%dma_start3A_641] : memref<8x!tpu.dma_semaphore, #tpu.memory_space<semaphore_mem>> -> memref<1x!tpu.dma_semaphore, #tpu.memory_space<semaphore_mem>>
        %dma_start3A_647 = tpu.memref_squeeze %dma_start3A_646 : memref<1x!tpu.dma_semaphore, #tpu.memory_space<semaphore_mem>> -> memref<!tpu.dma_semaphore, #tpu.memory_space<semaphore_mem>>
        %dma_start3A_648 = arith.constant 0 : i32
        %dma_start3A_649 = tpu.memref_slice %arg7[%dma_start3A_640, %dma_start3A_648] : memref<8x64xi32, #tpu.memory_space<vmem>> -> memref<1x64xi32, #tpu.memory_space<vmem>>
        %dma_start3A_650 = tpu.memref_squeeze %dma_start3A_649 : memref<1x64xi32, #tpu.memory_space<vmem>> -> memref<64xi32, #tpu.memory_space<vmem>>
        %dma_start3A_651 = tpu.memref_slice %arg3[%add3A_639] : memref<163840xi32, #tpu.memory_space<hbm>> -> memref<64xi32, #tpu.memory_space<hbm>>
        tpu.enqueue_dma source(%dma_start3A_651 : memref<64xi32, #tpu.memory_space<hbm>>) target(%dma_start3A_650 : memref<64xi32, #tpu.memory_space<vmem>>) target_semaphore(%dma_start3A_647 : memref<!tpu.dma_semaphore, #tpu.memory_space<semaphore_mem>>)
        %dma_start3A_652 = arith.constant 3 : i32
        %dma_start3A_653 = arith.constant 3 : i32
        %dma_start3A_654 = arith.constant 0 : i32
        %dma_start3A_655 = tpu.memref_slice %arg8[%dma_start3A_652, %dma_start3A_654] : memref<8x64xi32, #tpu.memory_space<vmem>> -> memref<1x64xi32, #tpu.memory_space<vmem>>
        %dma_start3A_656 = tpu.memref_squeeze %dma_start3A_655 : memref<1x64xi32, #tpu.memory_space<vmem>> -> memref<64xi32, #tpu.memory_space<vmem>>
        %dma_start3A_657 = tpu.memref_slice %arg4[%add3A_639] : memref<163840xi32, #tpu.memory_space<hbm>> -> memref<64xi32, #tpu.memory_space<hbm>>
        %dma_start3A_658 = tpu.memref_slice %arg11[%dma_start3A_653] : memref<8x!tpu.dma_semaphore, #tpu.memory_space<semaphore_mem>> -> memref<1x!tpu.dma_semaphore, #tpu.memory_space<semaphore_mem>>
        %dma_start3A_659 = tpu.memref_squeeze %dma_start3A_658 : memref<1x!tpu.dma_semaphore, #tpu.memory_space<semaphore_mem>> -> memref<!tpu.dma_semaphore, #tpu.memory_space<semaphore_mem>>
        %dma_start3A_660 = arith.constant 0 : i32
        %dma_start3A_661 = tpu.memref_slice %arg8[%dma_start3A_652, %dma_start3A_660] : memref<8x64xi32, #tpu.memory_space<vmem>> -> memref<1x64xi32, #tpu.memory_space<vmem>>
        %dma_start3A_662 = tpu.memref_squeeze %dma_start3A_661 : memref<1x64xi32, #tpu.memory_space<vmem>> -> memref<64xi32, #tpu.memory_space<vmem>>
        %dma_start3A_663 = tpu.memref_slice %arg4[%add3A_639] : memref<163840xi32, #tpu.memory_space<hbm>> -> memref<64xi32, #tpu.memory_space<hbm>>
        tpu.enqueue_dma source(%dma_start3A_663 : memref<64xi32, #tpu.memory_space<hbm>>) target(%dma_start3A_662 : memref<64xi32, #tpu.memory_space<vmem>>) target_semaphore(%dma_start3A_659 : memref<!tpu.dma_semaphore, #tpu.memory_space<semaphore_mem>>)
      } else {
      }
    }
    %scan3A_191 = arith.constant 10 : i32
    %dma_wait3A_192 = arith.constant 2 : i32
    %dma_wait3A_193 = arith.constant 2 : i32
    %dma_wait3A_194 = arith.constant 2 : i32
    %dma_wait3A_195 = arith.constant 0 : i32
    %dma_wait3A_196 = arith.constant 0 : i32
    %dma_wait3A_197 = tpu.memref_slice %arg9[%dma_wait3A_192, %dma_wait3A_195, %dma_wait3A_196] : memref<4x64x128xf32, #tpu.memory_space<vmem>> -> memref<1x64x128xf32, #tpu.memory_space<vmem>>
    %dma_wait3A_198 = tpu.memref_squeeze %dma_wait3A_197 : memref<1x64x128xf32, #tpu.memory_space<vmem>> -> memref<64x128xf32, #tpu.memory_space<vmem>>
    %dma_wait3A_199 = arith.constant 0 : i32
    %dma_wait3A_200 = tpu.memref_slice %arg7[%dma_wait3A_193, %dma_wait3A_199] : memref<8x64xi32, #tpu.memory_space<vmem>> -> memref<1x64xi32, #tpu.memory_space<vmem>>
    %dma_wait3A_201 = tpu.memref_squeeze %dma_wait3A_200 : memref<1x64xi32, #tpu.memory_space<vmem>> -> memref<64xi32, #tpu.memory_space<vmem>>
    %dma_wait3A_202 = arith.constant 0 : i32
    %dma_wait3A_203 = arith.constant 0 : i32
    %dma_wait3A_204 = tpu.memref_slice %arg10[%dma_wait3A_202, %dma_wait3A_203] : memref<10112x128xf32, #tpu.memory_space<vmem_shared>> -> memref<10112x128xf32, #tpu.memory_space<vmem_shared>>
    %dma_wait3A_205 = tpu.memref_slice %arg13[%dma_wait3A_194] : memref<4x!tpu.dma_semaphore, #tpu.memory_space<semaphore_mem>> -> memref<1x!tpu.dma_semaphore, #tpu.memory_space<semaphore_mem>>
    %dma_wait3A_206 = tpu.memref_squeeze %dma_wait3A_205 : memref<1x!tpu.dma_semaphore, #tpu.memory_space<semaphore_mem>> -> memref<!tpu.dma_semaphore, #tpu.memory_space<semaphore_mem>>
    tpu.wait_indirect_dma semaphore(%dma_wait3A_206 : memref<!tpu.dma_semaphore, #tpu.memory_space<semaphore_mem>>) src(%dma_wait3A_198 : memref<64x128xf32, #tpu.memory_space<vmem>>) dst(%dma_wait3A_204 : memref<10112x128xf32, #tpu.memory_space<vmem_shared>>)
    %dma_wait3A_207 = arith.constant 3 : i32
    %dma_wait3A_208 = arith.constant 3 : i32
    %dma_wait3A_209 = arith.constant 3 : i32
    %dma_wait3A_210 = arith.constant 0 : i32
    %dma_wait3A_211 = arith.constant 0 : i32
    %dma_wait3A_212 = tpu.memref_slice %arg9[%dma_wait3A_207, %dma_wait3A_210, %dma_wait3A_211] : memref<4x64x128xf32, #tpu.memory_space<vmem>> -> memref<1x64x128xf32, #tpu.memory_space<vmem>>
    %dma_wait3A_213 = tpu.memref_squeeze %dma_wait3A_212 : memref<1x64x128xf32, #tpu.memory_space<vmem>> -> memref<64x128xf32, #tpu.memory_space<vmem>>
    %dma_wait3A_214 = arith.constant 0 : i32
    %dma_wait3A_215 = tpu.memref_slice %arg7[%dma_wait3A_208, %dma_wait3A_214] : memref<8x64xi32, #tpu.memory_space<vmem>> -> memref<1x64xi32, #tpu.memory_space<vmem>>
    %dma_wait3A_216 = tpu.memref_squeeze %dma_wait3A_215 : memref<1x64xi32, #tpu.memory_space<vmem>> -> memref<64xi32, #tpu.memory_space<vmem>>
    %dma_wait3A_217 = arith.constant 0 : i32
    %dma_wait3A_218 = arith.constant 0 : i32
    %dma_wait3A_219 = tpu.memref_slice %arg10[%dma_wait3A_217, %dma_wait3A_218] : memref<10112x128xf32, #tpu.memory_space<vmem_shared>> -> memref<10112x128xf32, #tpu.memory_space<vmem_shared>>
    %dma_wait3A_220 = tpu.memref_slice %arg13[%dma_wait3A_209] : memref<4x!tpu.dma_semaphore, #tpu.memory_space<semaphore_mem>> -> memref<1x!tpu.dma_semaphore, #tpu.memory_space<semaphore_mem>>
    %dma_wait3A_221 = tpu.memref_squeeze %dma_wait3A_220 : memref<1x!tpu.dma_semaphore, #tpu.memory_space<semaphore_mem>> -> memref<!tpu.dma_semaphore, #tpu.memory_space<semaphore_mem>>
    tpu.wait_indirect_dma semaphore(%dma_wait3A_221 : memref<!tpu.dma_semaphore, #tpu.memory_space<semaphore_mem>>) src(%dma_wait3A_213 : memref<64x128xf32, #tpu.memory_space<vmem>>) dst(%dma_wait3A_219 : memref<10112x128xf32, #tpu.memory_space<vmem_shared>>)
    %barrier3A_222 = arith.constant 0 : index
    tpu.barrier barrier_id(%barrier3A_222)
    %mul3A_223 = arith.constant 10112 : i32
    %mul3A_224 = arith.muli %arg0, %mul3A_223 : i32
    %add3A_225 = arith.addi %mul3A_224, %mul3A_4 : i32
    "tpu.region"() ({
      %run_scoped3A = tpu.sem_alloc : memref<!tpu.dma_semaphore, #tpu.memory_space<semaphore_mem>>
      %dma_start3A_226 = arith.constant 0 : i32
      %dma_start3A_227 = tpu.memref_slice %arg6[%add3A_225, %dma_start3A_226] : memref<20224x128xf32, #tpu.memory_space<hbm>> -> memref<632x128xf32, #tpu.memory_space<hbm>>
      %dma_start3A_228 = arith.constant 0 : i32
      %dma_start3A_229 = tpu.memref_slice %arg10[%mul3A_4, %dma_start3A_228] : memref<10112x128xf32, #tpu.memory_space<vmem_shared>> -> memref<632x128xf32, #tpu.memory_space<vmem_shared>>
      tpu.enqueue_dma source(%dma_start3A_229 : memref<632x128xf32, #tpu.memory_space<vmem_shared>>) target(%dma_start3A_227 : memref<632x128xf32, #tpu.memory_space<hbm>>) target_semaphore(%run_scoped3A : memref<!tpu.dma_semaphore, #tpu.memory_space<semaphore_mem>>)
      %dma_wait3A_230 = arith.constant 0 : i32
      %dma_wait3A_231 = tpu.memref_slice %arg6[%add3A_225, %dma_wait3A_230] : memref<20224x128xf32, #tpu.memory_space<hbm>> -> memref<632x128xf32, #tpu.memory_space<hbm>>
      %dma_wait3A_232 = arith.constant 0 : i32
      %dma_wait3A_233 = tpu.memref_slice %arg10[%mul3A_4, %dma_wait3A_232] : memref<10112x128xf32, #tpu.memory_space<vmem_shared>> -> memref<632x128xf32, #tpu.memory_space<vmem_shared>>
      tpu.wait_dma2 semaphore(%run_scoped3A : memref<!tpu.dma_semaphore, #tpu.memory_space<semaphore_mem>>) src(%dma_wait3A_233 : memref<632x128xf32, #tpu.memory_space<vmem_shared>>) dst(%dma_wait3A_231 : memref<632x128xf32, #tpu.memory_space<hbm>>)
      tpu.yield
    }) : () -> ()
    return
  }
}

#map = affine_map<(d0, d1) -> (0, 0)>
#map1 = affine_map<(d0, d1) -> (0)>
module attributes {stable_mosaic.version = 14 : i64} {
  func.func @_agg_body(%arg0: i32, %arg1: i32, %arg2: memref<10000x128xf32, #tpu.memory_space<hbm>>, %arg3: memref<163840xi32, #tpu.memory_space<hbm>>, %arg4: memref<163840xi32, #tpu.memory_space<hbm>>, %arg5: memref<632x128xf32, #tpu.memory_space<hbm>>, %arg6: memref<20224x128xf32, #tpu.memory_space<hbm>>, %arg7: memref<8x64xi32, #tpu.memory_space<vmem>>, %arg8: memref<8x64xi32, #tpu.memory_space<vmem>>, %arg9: memref<4x64x128xf32, #tpu.memory_space<vmem>>, %arg10: memref<10112x128xf32, #tpu.memory_space<vmem_shared>>, %arg11: memref<8x!tpu.dma_semaphore, #tpu.memory_space<semaphore_mem>>, %arg12: memref<4x!tpu.dma_semaphore, #tpu.memory_space<semaphore_mem>>, %arg13: memref<4x!tpu.dma_semaphore, #tpu.memory_space<semaphore_mem>>) attributes {dimension_semantics = [#tpu.dimension_semantics<core_parallel>, #tpu.dimension_semantics<subcore_parallel>], iteration_bounds = array<i64: 2, 16>, scalar_prefetch = 0 : i64, scratch_operands = 7 : i64, tpu.core_type = #tpu.core_type<sc_vector_subcore>, window_params = [{transform_indices = #map}, {transform_indices = #map1}, {transform_indices = #map1}, {transform_indices = #map}, {transform_indices = #map}]} {
    %mul3A = arith.constant 2 : i32
    %mul3A_0 = arith.muli %arg1, %mul3A : i32
    %add3A = arith.addi %mul3A_0, %arg0 : i32
    %mul3A_1 = arith.constant 5120 : i32
    %mul3A_2 = arith.muli %add3A, %mul3A_1 : i32
    %mul3A_3 = arith.constant 632 : i32
    %mul3A_4 = arith.muli %arg1, %mul3A_3 : i32
    "tpu.region"() ({
      %run_scoped3A = tpu.sem_alloc : memref<!tpu.dma_semaphore, #tpu.memory_space<semaphore_mem>>
      %dma_start3A_223 = arith.constant 0 : i32
      %dma_start3A_224 = tpu.memref_slice %arg10[%mul3A_4, %dma_start3A_223] : memref<10112x128xf32, #tpu.memory_space<vmem_shared>> -> memref<632x128xf32, #tpu.memory_space<vmem_shared>>
      tpu.enqueue_dma source(%arg5 : memref<632x128xf32, #tpu.memory_space<hbm>>) target(%dma_start3A_224 : memref<632x128xf32, #tpu.memory_space<vmem_shared>>) target_semaphore(%run_scoped3A : memref<!tpu.dma_semaphore, #tpu.memory_space<semaphore_mem>>)
      %dma_wait3A_225 = arith.constant 0 : i32
      %dma_wait3A_226 = tpu.memref_slice %arg10[%mul3A_4, %dma_wait3A_225] : memref<10112x128xf32, #tpu.memory_space<vmem_shared>> -> memref<632x128xf32, #tpu.memory_space<vmem_shared>>
      tpu.wait_dma2 semaphore(%run_scoped3A : memref<!tpu.dma_semaphore, #tpu.memory_space<semaphore_mem>>) src(%arg5 : memref<632x128xf32, #tpu.memory_space<hbm>>) dst(%dma_wait3A_226 : memref<632x128xf32, #tpu.memory_space<vmem_shared>>)
      tpu.yield
    }) : () -> ()
    %barrier3A = arith.constant 0 : index
    tpu.barrier barrier_id(%barrier3A)
    %add3A_5 = arith.constant 0 : i32
    %add3A_6 = arith.addi %mul3A_2, %add3A_5 : i32
    %dma_start3A = arith.constant 0 : i32
    %dma_start3A_7 = arith.constant 0 : i32
    %dma_start3A_8 = arith.constant 0 : i32
    %dma_start3A_9 = tpu.memref_slice %arg7[%dma_start3A, %dma_start3A_8] : memref<8x64xi32, #tpu.memory_space<vmem>> -> memref<1x64xi32, #tpu.memory_space<vmem>>
    %dma_start3A_10 = tpu.memref_squeeze %dma_start3A_9 : memref<1x64xi32, #tpu.memory_space<vmem>> -> memref<64xi32, #tpu.memory_space<vmem>>
    %dma_start3A_11 = tpu.memref_slice %arg3[%add3A_6] : memref<163840xi32, #tpu.memory_space<hbm>> -> memref<64xi32, #tpu.memory_space<hbm>>
    %dma_start3A_12 = tpu.memref_slice %arg11[%dma_start3A_7] : memref<8x!tpu.dma_semaphore, #tpu.memory_space<semaphore_mem>> -> memref<1x!tpu.dma_semaphore, #tpu.memory_space<semaphore_mem>>
    %dma_start3A_13 = tpu.memref_squeeze %dma_start3A_12 : memref<1x!tpu.dma_semaphore, #tpu.memory_space<semaphore_mem>> -> memref<!tpu.dma_semaphore, #tpu.memory_space<semaphore_mem>>
    %dma_start3A_14 = arith.constant 0 : i32
    %dma_start3A_15 = tpu.memref_slice %arg7[%dma_start3A, %dma_start3A_14] : memref<8x64xi32, #tpu.memory_space<vmem>> -> memref<1x64xi32, #tpu.memory_space<vmem>>
    %dma_start3A_16 = tpu.memref_squeeze %dma_start3A_15 : memref<1x64xi32, #tpu.memory_space<vmem>> -> memref<64xi32, #tpu.memory_space<vmem>>
    %dma_start3A_17 = tpu.memref_slice %arg3[%add3A_6] : memref<163840xi32, #tpu.memory_space<hbm>> -> memref<64xi32, #tpu.memory_space<hbm>>
    tpu.enqueue_dma source(%dma_start3A_17 : memref<64xi32, #tpu.memory_space<hbm>>) target(%dma_start3A_16 : memref<64xi32, #tpu.memory_space<vmem>>) target_semaphore(%dma_start3A_13 : memref<!tpu.dma_semaphore, #tpu.memory_space<semaphore_mem>>)
    %dma_start3A_18 = arith.constant 0 : i32
    %dma_start3A_19 = arith.constant 0 : i32
    %dma_start3A_20 = arith.constant 0 : i32
    %dma_start3A_21 = tpu.memref_slice %arg8[%dma_start3A_18, %dma_start3A_20] : memref<8x64xi32, #tpu.memory_space<vmem>> -> memref<1x64xi32, #tpu.memory_space<vmem>>
    %dma_start3A_22 = tpu.memref_squeeze %dma_start3A_21 : memref<1x64xi32, #tpu.memory_space<vmem>> -> memref<64xi32, #tpu.memory_space<vmem>>
    %dma_start3A_23 = tpu.memref_slice %arg4[%add3A_6] : memref<163840xi32, #tpu.memory_space<hbm>> -> memref<64xi32, #tpu.memory_space<hbm>>
    %dma_start3A_24 = tpu.memref_slice %arg11[%dma_start3A_19] : memref<8x!tpu.dma_semaphore, #tpu.memory_space<semaphore_mem>> -> memref<1x!tpu.dma_semaphore, #tpu.memory_space<semaphore_mem>>
    %dma_start3A_25 = tpu.memref_squeeze %dma_start3A_24 : memref<1x!tpu.dma_semaphore, #tpu.memory_space<semaphore_mem>> -> memref<!tpu.dma_semaphore, #tpu.memory_space<semaphore_mem>>
    %dma_start3A_26 = arith.constant 0 : i32
    %dma_start3A_27 = tpu.memref_slice %arg8[%dma_start3A_18, %dma_start3A_26] : memref<8x64xi32, #tpu.memory_space<vmem>> -> memref<1x64xi32, #tpu.memory_space<vmem>>
    %dma_start3A_28 = tpu.memref_squeeze %dma_start3A_27 : memref<1x64xi32, #tpu.memory_space<vmem>> -> memref<64xi32, #tpu.memory_space<vmem>>
    %dma_start3A_29 = tpu.memref_slice %arg4[%add3A_6] : memref<163840xi32, #tpu.memory_space<hbm>> -> memref<64xi32, #tpu.memory_space<hbm>>
    tpu.enqueue_dma source(%dma_start3A_29 : memref<64xi32, #tpu.memory_space<hbm>>) target(%dma_start3A_28 : memref<64xi32, #tpu.memory_space<vmem>>) target_semaphore(%dma_start3A_25 : memref<!tpu.dma_semaphore, #tpu.memory_space<semaphore_mem>>)
    %add3A_30 = arith.constant 64 : i32
    %add3A_31 = arith.addi %mul3A_2, %add3A_30 : i32
    %dma_start3A_32 = arith.constant 1 : i32
    %dma_start3A_33 = arith.constant 1 : i32
    %dma_start3A_34 = arith.constant 0 : i32
    %dma_start3A_35 = tpu.memref_slice %arg7[%dma_start3A_32, %dma_start3A_34] : memref<8x64xi32, #tpu.memory_space<vmem>> -> memref<1x64xi32, #tpu.memory_space<vmem>>
    %dma_start3A_36 = tpu.memref_squeeze %dma_start3A_35 : memref<1x64xi32, #tpu.memory_space<vmem>> -> memref<64xi32, #tpu.memory_space<vmem>>
    %dma_start3A_37 = tpu.memref_slice %arg3[%add3A_31] : memref<163840xi32, #tpu.memory_space<hbm>> -> memref<64xi32, #tpu.memory_space<hbm>>
    %dma_start3A_38 = tpu.memref_slice %arg11[%dma_start3A_33] : memref<8x!tpu.dma_semaphore, #tpu.memory_space<semaphore_mem>> -> memref<1x!tpu.dma_semaphore, #tpu.memory_space<semaphore_mem>>
    %dma_start3A_39 = tpu.memref_squeeze %dma_start3A_38 : memref<1x!tpu.dma_semaphore, #tpu.memory_space<semaphore_mem>> -> memref<!tpu.dma_semaphore, #tpu.memory_space<semaphore_mem>>
    %dma_start3A_40 = arith.constant 0 : i32
    %dma_start3A_41 = tpu.memref_slice %arg7[%dma_start3A_32, %dma_start3A_40] : memref<8x64xi32, #tpu.memory_space<vmem>> -> memref<1x64xi32, #tpu.memory_space<vmem>>
    %dma_start3A_42 = tpu.memref_squeeze %dma_start3A_41 : memref<1x64xi32, #tpu.memory_space<vmem>> -> memref<64xi32, #tpu.memory_space<vmem>>
    %dma_start3A_43 = tpu.memref_slice %arg3[%add3A_31] : memref<163840xi32, #tpu.memory_space<hbm>> -> memref<64xi32, #tpu.memory_space<hbm>>
    tpu.enqueue_dma source(%dma_start3A_43 : memref<64xi32, #tpu.memory_space<hbm>>) target(%dma_start3A_42 : memref<64xi32, #tpu.memory_space<vmem>>) target_semaphore(%dma_start3A_39 : memref<!tpu.dma_semaphore, #tpu.memory_space<semaphore_mem>>)
    %dma_start3A_44 = arith.constant 1 : i32
    %dma_start3A_45 = arith.constant 1 : i32
    %dma_start3A_46 = arith.constant 0 : i32
    %dma_start3A_47 = tpu.memref_slice %arg8[%dma_start3A_44, %dma_start3A_46] : memref<8x64xi32, #tpu.memory_space<vmem>> -> memref<1x64xi32, #tpu.memory_space<vmem>>
    %dma_start3A_48 = tpu.memref_squeeze %dma_start3A_47 : memref<1x64xi32, #tpu.memory_space<vmem>> -> memref<64xi32, #tpu.memory_space<vmem>>
    %dma_start3A_49 = tpu.memref_slice %arg4[%add3A_31] : memref<163840xi32, #tpu.memory_space<hbm>> -> memref<64xi32, #tpu.memory_space<hbm>>
    %dma_start3A_50 = tpu.memref_slice %arg11[%dma_start3A_45] : memref<8x!tpu.dma_semaphore, #tpu.memory_space<semaphore_mem>> -> memref<1x!tpu.dma_semaphore, #tpu.memory_space<semaphore_mem>>
    %dma_start3A_51 = tpu.memref_squeeze %dma_start3A_50 : memref<1x!tpu.dma_semaphore, #tpu.memory_space<semaphore_mem>> -> memref<!tpu.dma_semaphore, #tpu.memory_space<semaphore_mem>>
    %dma_start3A_52 = arith.constant 0 : i32
    %dma_start3A_53 = tpu.memref_slice %arg8[%dma_start3A_44, %dma_start3A_52] : memref<8x64xi32, #tpu.memory_space<vmem>> -> memref<1x64xi32, #tpu.memory_space<vmem>>
    %dma_start3A_54 = tpu.memref_squeeze %dma_start3A_53 : memref<1x64xi32, #tpu.memory_space<vmem>> -> memref<64xi32, #tpu.memory_space<vmem>>
    %dma_start3A_55 = tpu.memref_slice %arg4[%add3A_31] : memref<163840xi32, #tpu.memory_space<hbm>> -> memref<64xi32, #tpu.memory_space<hbm>>
    tpu.enqueue_dma source(%dma_start3A_55 : memref<64xi32, #tpu.memory_space<hbm>>) target(%dma_start3A_54 : memref<64xi32, #tpu.memory_space<vmem>>) target_semaphore(%dma_start3A_51 : memref<!tpu.dma_semaphore, #tpu.memory_space<semaphore_mem>>)
    %add3A_56 = arith.constant 128 : i32
    %add3A_57 = arith.addi %mul3A_2, %add3A_56 : i32
    %dma_start3A_58 = arith.constant 2 : i32
    %dma_start3A_59 = arith.constant 2 : i32
    %dma_start3A_60 = arith.constant 0 : i32
    %dma_start3A_61 = tpu.memref_slice %arg7[%dma_start3A_58, %dma_start3A_60] : memref<8x64xi32, #tpu.memory_space<vmem>> -> memref<1x64xi32, #tpu.memory_space<vmem>>
    %dma_start3A_62 = tpu.memref_squeeze %dma_start3A_61 : memref<1x64xi32, #tpu.memory_space<vmem>> -> memref<64xi32, #tpu.memory_space<vmem>>
    %dma_start3A_63 = tpu.memref_slice %arg3[%add3A_57] : memref<163840xi32, #tpu.memory_space<hbm>> -> memref<64xi32, #tpu.memory_space<hbm>>
    %dma_start3A_64 = tpu.memref_slice %arg11[%dma_start3A_59] : memref<8x!tpu.dma_semaphore, #tpu.memory_space<semaphore_mem>> -> memref<1x!tpu.dma_semaphore, #tpu.memory_space<semaphore_mem>>
    %dma_start3A_65 = tpu.memref_squeeze %dma_start3A_64 : memref<1x!tpu.dma_semaphore, #tpu.memory_space<semaphore_mem>> -> memref<!tpu.dma_semaphore, #tpu.memory_space<semaphore_mem>>
    %dma_start3A_66 = arith.constant 0 : i32
    %dma_start3A_67 = tpu.memref_slice %arg7[%dma_start3A_58, %dma_start3A_66] : memref<8x64xi32, #tpu.memory_space<vmem>> -> memref<1x64xi32, #tpu.memory_space<vmem>>
    %dma_start3A_68 = tpu.memref_squeeze %dma_start3A_67 : memref<1x64xi32, #tpu.memory_space<vmem>> -> memref<64xi32, #tpu.memory_space<vmem>>
    %dma_start3A_69 = tpu.memref_slice %arg3[%add3A_57] : memref<163840xi32, #tpu.memory_space<hbm>> -> memref<64xi32, #tpu.memory_space<hbm>>
    tpu.enqueue_dma source(%dma_start3A_69 : memref<64xi32, #tpu.memory_space<hbm>>) target(%dma_start3A_68 : memref<64xi32, #tpu.memory_space<vmem>>) target_semaphore(%dma_start3A_65 : memref<!tpu.dma_semaphore, #tpu.memory_space<semaphore_mem>>)
    %dma_start3A_70 = arith.constant 2 : i32
    %dma_start3A_71 = arith.constant 2 : i32
    %dma_start3A_72 = arith.constant 0 : i32
    %dma_start3A_73 = tpu.memref_slice %arg8[%dma_start3A_70, %dma_start3A_72] : memref<8x64xi32, #tpu.memory_space<vmem>> -> memref<1x64xi32, #tpu.memory_space<vmem>>
    %dma_start3A_74 = tpu.memref_squeeze %dma_start3A_73 : memref<1x64xi32, #tpu.memory_space<vmem>> -> memref<64xi32, #tpu.memory_space<vmem>>
    %dma_start3A_75 = tpu.memref_slice %arg4[%add3A_57] : memref<163840xi32, #tpu.memory_space<hbm>> -> memref<64xi32, #tpu.memory_space<hbm>>
    %dma_start3A_76 = tpu.memref_slice %arg11[%dma_start3A_71] : memref<8x!tpu.dma_semaphore, #tpu.memory_space<semaphore_mem>> -> memref<1x!tpu.dma_semaphore, #tpu.memory_space<semaphore_mem>>
    %dma_start3A_77 = tpu.memref_squeeze %dma_start3A_76 : memref<1x!tpu.dma_semaphore, #tpu.memory_space<semaphore_mem>> -> memref<!tpu.dma_semaphore, #tpu.memory_space<semaphore_mem>>
    %dma_start3A_78 = arith.constant 0 : i32
    %dma_start3A_79 = tpu.memref_slice %arg8[%dma_start3A_70, %dma_start3A_78] : memref<8x64xi32, #tpu.memory_space<vmem>> -> memref<1x64xi32, #tpu.memory_space<vmem>>
    %dma_start3A_80 = tpu.memref_squeeze %dma_start3A_79 : memref<1x64xi32, #tpu.memory_space<vmem>> -> memref<64xi32, #tpu.memory_space<vmem>>
    %dma_start3A_81 = tpu.memref_slice %arg4[%add3A_57] : memref<163840xi32, #tpu.memory_space<hbm>> -> memref<64xi32, #tpu.memory_space<hbm>>
    tpu.enqueue_dma source(%dma_start3A_81 : memref<64xi32, #tpu.memory_space<hbm>>) target(%dma_start3A_80 : memref<64xi32, #tpu.memory_space<vmem>>) target_semaphore(%dma_start3A_77 : memref<!tpu.dma_semaphore, #tpu.memory_space<semaphore_mem>>)
    %add3A_82 = arith.constant 192 : i32
    %add3A_83 = arith.addi %mul3A_2, %add3A_82 : i32
    %dma_start3A_84 = arith.constant 3 : i32
    %dma_start3A_85 = arith.constant 3 : i32
    %dma_start3A_86 = arith.constant 0 : i32
    %dma_start3A_87 = tpu.memref_slice %arg7[%dma_start3A_84, %dma_start3A_86] : memref<8x64xi32, #tpu.memory_space<vmem>> -> memref<1x64xi32, #tpu.memory_space<vmem>>
    %dma_start3A_88 = tpu.memref_squeeze %dma_start3A_87 : memref<1x64xi32, #tpu.memory_space<vmem>> -> memref<64xi32, #tpu.memory_space<vmem>>
    %dma_start3A_89 = tpu.memref_slice %arg3[%add3A_83] : memref<163840xi32, #tpu.memory_space<hbm>> -> memref<64xi32, #tpu.memory_space<hbm>>
    %dma_start3A_90 = tpu.memref_slice %arg11[%dma_start3A_85] : memref<8x!tpu.dma_semaphore, #tpu.memory_space<semaphore_mem>> -> memref<1x!tpu.dma_semaphore, #tpu.memory_space<semaphore_mem>>
    %dma_start3A_91 = tpu.memref_squeeze %dma_start3A_90 : memref<1x!tpu.dma_semaphore, #tpu.memory_space<semaphore_mem>> -> memref<!tpu.dma_semaphore, #tpu.memory_space<semaphore_mem>>
    %dma_start3A_92 = arith.constant 0 : i32
    %dma_start3A_93 = tpu.memref_slice %arg7[%dma_start3A_84, %dma_start3A_92] : memref<8x64xi32, #tpu.memory_space<vmem>> -> memref<1x64xi32, #tpu.memory_space<vmem>>
    %dma_start3A_94 = tpu.memref_squeeze %dma_start3A_93 : memref<1x64xi32, #tpu.memory_space<vmem>> -> memref<64xi32, #tpu.memory_space<vmem>>
    %dma_start3A_95 = tpu.memref_slice %arg3[%add3A_83] : memref<163840xi32, #tpu.memory_space<hbm>> -> memref<64xi32, #tpu.memory_space<hbm>>
    tpu.enqueue_dma source(%dma_start3A_95 : memref<64xi32, #tpu.memory_space<hbm>>) target(%dma_start3A_94 : memref<64xi32, #tpu.memory_space<vmem>>) target_semaphore(%dma_start3A_91 : memref<!tpu.dma_semaphore, #tpu.memory_space<semaphore_mem>>)
    %dma_start3A_96 = arith.constant 3 : i32
    %dma_start3A_97 = arith.constant 3 : i32
    %dma_start3A_98 = arith.constant 0 : i32
    %dma_start3A_99 = tpu.memref_slice %arg8[%dma_start3A_96, %dma_start3A_98] : memref<8x64xi32, #tpu.memory_space<vmem>> -> memref<1x64xi32, #tpu.memory_space<vmem>>
    %dma_start3A_100 = tpu.memref_squeeze %dma_start3A_99 : memref<1x64xi32, #tpu.memory_space<vmem>> -> memref<64xi32, #tpu.memory_space<vmem>>
    %dma_start3A_101 = tpu.memref_slice %arg4[%add3A_83] : memref<163840xi32, #tpu.memory_space<hbm>> -> memref<64xi32, #tpu.memory_space<hbm>>
    %dma_start3A_102 = tpu.memref_slice %arg11[%dma_start3A_97] : memref<8x!tpu.dma_semaphore, #tpu.memory_space<semaphore_mem>> -> memref<1x!tpu.dma_semaphore, #tpu.memory_space<semaphore_mem>>
    %dma_start3A_103 = tpu.memref_squeeze %dma_start3A_102 : memref<1x!tpu.dma_semaphore, #tpu.memory_space<semaphore_mem>> -> memref<!tpu.dma_semaphore, #tpu.memory_space<semaphore_mem>>
    %dma_start3A_104 = arith.constant 0 : i32
    %dma_start3A_105 = tpu.memref_slice %arg8[%dma_start3A_96, %dma_start3A_104] : memref<8x64xi32, #tpu.memory_space<vmem>> -> memref<1x64xi32, #tpu.memory_space<vmem>>
    %dma_start3A_106 = tpu.memref_squeeze %dma_start3A_105 : memref<1x64xi32, #tpu.memory_space<vmem>> -> memref<64xi32, #tpu.memory_space<vmem>>
    %dma_start3A_107 = tpu.memref_slice %arg4[%add3A_83] : memref<163840xi32, #tpu.memory_space<hbm>> -> memref<64xi32, #tpu.memory_space<hbm>>
    tpu.enqueue_dma source(%dma_start3A_107 : memref<64xi32, #tpu.memory_space<hbm>>) target(%dma_start3A_106 : memref<64xi32, #tpu.memory_space<vmem>>) target_semaphore(%dma_start3A_103 : memref<!tpu.dma_semaphore, #tpu.memory_space<semaphore_mem>>)
    %dma_wait3A = arith.constant 0 : i32
    %dma_wait3A_108 = arith.constant 0 : i32
    %dma_wait3A_109 = arith.constant 0 : i32
    %dma_wait3A_110 = tpu.memref_slice %arg7[%dma_wait3A, %dma_wait3A_109] : memref<8x64xi32, #tpu.memory_space<vmem>> -> memref<1x64xi32, #tpu.memory_space<vmem>>
    %dma_wait3A_111 = tpu.memref_squeeze %dma_wait3A_110 : memref<1x64xi32, #tpu.memory_space<vmem>> -> memref<64xi32, #tpu.memory_space<vmem>>
    %dma_wait3A_112 = tpu.memref_slice %arg3[%mul3A_2] : memref<163840xi32, #tpu.memory_space<hbm>> -> memref<64xi32, #tpu.memory_space<hbm>>
    %dma_wait3A_113 = tpu.memref_slice %arg11[%dma_wait3A_108] : memref<8x!tpu.dma_semaphore, #tpu.memory_space<semaphore_mem>> -> memref<1x!tpu.dma_semaphore, #tpu.memory_space<semaphore_mem>>
    %dma_wait3A_114 = tpu.memref_squeeze %dma_wait3A_113 : memref<1x!tpu.dma_semaphore, #tpu.memory_space<semaphore_mem>> -> memref<!tpu.dma_semaphore, #tpu.memory_space<semaphore_mem>>
    %dma_wait3A_115 = arith.constant 0 : i32
    %dma_wait3A_116 = tpu.memref_slice %arg7[%dma_wait3A, %dma_wait3A_115] : memref<8x64xi32, #tpu.memory_space<vmem>> -> memref<1x64xi32, #tpu.memory_space<vmem>>
    %dma_wait3A_117 = tpu.memref_squeeze %dma_wait3A_116 : memref<1x64xi32, #tpu.memory_space<vmem>> -> memref<64xi32, #tpu.memory_space<vmem>>
    %dma_wait3A_118 = tpu.memref_slice %arg3[%mul3A_2] : memref<163840xi32, #tpu.memory_space<hbm>> -> memref<64xi32, #tpu.memory_space<hbm>>
    tpu.wait_dma2 semaphore(%dma_wait3A_114 : memref<!tpu.dma_semaphore, #tpu.memory_space<semaphore_mem>>) src(%dma_wait3A_118 : memref<64xi32, #tpu.memory_space<hbm>>) dst(%dma_wait3A_117 : memref<64xi32, #tpu.memory_space<vmem>>)
    %dma_wait3A_119 = arith.constant 0 : i32
    %dma_wait3A_120 = arith.constant 0 : i32
    %dma_wait3A_121 = arith.constant 0 : i32
    %dma_wait3A_122 = tpu.memref_slice %arg8[%dma_wait3A_119, %dma_wait3A_121] : memref<8x64xi32, #tpu.memory_space<vmem>> -> memref<1x64xi32, #tpu.memory_space<vmem>>
    %dma_wait3A_123 = tpu.memref_squeeze %dma_wait3A_122 : memref<1x64xi32, #tpu.memory_space<vmem>> -> memref<64xi32, #tpu.memory_space<vmem>>
    %dma_wait3A_124 = tpu.memref_slice %arg4[%mul3A_2] : memref<163840xi32, #tpu.memory_space<hbm>> -> memref<64xi32, #tpu.memory_space<hbm>>
    %dma_wait3A_125 = tpu.memref_slice %arg11[%dma_wait3A_120] : memref<8x!tpu.dma_semaphore, #tpu.memory_space<semaphore_mem>> -> memref<1x!tpu.dma_semaphore, #tpu.memory_space<semaphore_mem>>
    %dma_wait3A_126 = tpu.memref_squeeze %dma_wait3A_125 : memref<1x!tpu.dma_semaphore, #tpu.memory_space<semaphore_mem>> -> memref<!tpu.dma_semaphore, #tpu.memory_space<semaphore_mem>>
    %dma_wait3A_127 = arith.constant 0 : i32
    %dma_wait3A_128 = tpu.memref_slice %arg8[%dma_wait3A_119, %dma_wait3A_127] : memref<8x64xi32, #tpu.memory_space<vmem>> -> memref<1x64xi32, #tpu.memory_space<vmem>>
    %dma_wait3A_129 = tpu.memref_squeeze %dma_wait3A_128 : memref<1x64xi32, #tpu.memory_space<vmem>> -> memref<64xi32, #tpu.memory_space<vmem>>
    %dma_wait3A_130 = tpu.memref_slice %arg4[%mul3A_2] : memref<163840xi32, #tpu.memory_space<hbm>> -> memref<64xi32, #tpu.memory_space<hbm>>
    tpu.wait_dma2 semaphore(%dma_wait3A_126 : memref<!tpu.dma_semaphore, #tpu.memory_space<semaphore_mem>>) src(%dma_wait3A_130 : memref<64xi32, #tpu.memory_space<hbm>>) dst(%dma_wait3A_129 : memref<64xi32, #tpu.memory_space<vmem>>)
    %dma_start3A_131 = arith.constant 0 : i32
    %dma_start3A_132 = arith.constant 0 : i32
    %dma_start3A_133 = arith.constant 0 : i32
    %dma_start3A_134 = arith.constant 0 : i32
    %dma_start3A_135 = arith.constant 0 : i32
    %dma_start3A_136 = tpu.memref_slice %arg9[%dma_start3A_132, %dma_start3A_134, %dma_start3A_135] : memref<4x64x128xf32, #tpu.memory_space<vmem>> -> memref<1x64x128xf32, #tpu.memory_space<vmem>>
    %dma_start3A_137 = tpu.memref_squeeze %dma_start3A_136 : memref<1x64x128xf32, #tpu.memory_space<vmem>> -> memref<64x128xf32, #tpu.memory_space<vmem>>
    %dma_start3A_138 = arith.constant 0 : i32
    %dma_start3A_139 = tpu.memref_slice %arg8[%dma_start3A_131, %dma_start3A_138] : memref<8x64xi32, #tpu.memory_space<vmem>> -> memref<1x64xi32, #tpu.memory_space<vmem>>
    %dma_start3A_140 = tpu.memref_squeeze %dma_start3A_139 : memref<1x64xi32, #tpu.memory_space<vmem>> -> memref<64xi32, #tpu.memory_space<vmem>>
    %dma_start3A_141 = arith.constant 0 : i32
    %dma_start3A_142 = arith.constant 0 : i32
    %dma_start3A_143 = tpu.memref_slice %arg2[%dma_start3A_141, %dma_start3A_142] : memref<10000x128xf32, #tpu.memory_space<hbm>> -> memref<10000x128xf32, #tpu.memory_space<hbm>>
    %dma_start3A_144 = tpu.memref_slice %arg12[%dma_start3A_133] : memref<4x!tpu.dma_semaphore, #tpu.memory_space<semaphore_mem>> -> memref<1x!tpu.dma_semaphore, #tpu.memory_space<semaphore_mem>>
    %dma_start3A_145 = tpu.memref_squeeze %dma_start3A_144 : memref<1x!tpu.dma_semaphore, #tpu.memory_space<semaphore_mem>> -> memref<!tpu.dma_semaphore, #tpu.memory_space<semaphore_mem>>
    tpu.enqueue_indirect_dma source(%dma_start3A_143 : memref<10000x128xf32, #tpu.memory_space<hbm>>) target(%dma_start3A_137 : memref<64x128xf32, #tpu.memory_space<vmem>>) offsets(%dma_start3A_140 : memref<64xi32, #tpu.memory_space<vmem>>) semaphore(%dma_start3A_145 : memref<!tpu.dma_semaphore, #tpu.memory_space<semaphore_mem>>)
    %dma_wait3A_146 = arith.constant 1 : i32
    %dma_wait3A_147 = arith.constant 1 : i32
    %dma_wait3A_148 = arith.constant 0 : i32
    %dma_wait3A_149 = tpu.memref_slice %arg7[%dma_wait3A_146, %dma_wait3A_148] : memref<8x64xi32, #tpu.memory_space<vmem>> -> memref<1x64xi32, #tpu.memory_space<vmem>>
    %dma_wait3A_150 = tpu.memref_squeeze %dma_wait3A_149 : memref<1x64xi32, #tpu.memory_space<vmem>> -> memref<64xi32, #tpu.memory_space<vmem>>
    %dma_wait3A_151 = tpu.memref_slice %arg3[%mul3A_2] : memref<163840xi32, #tpu.memory_space<hbm>> -> memref<64xi32, #tpu.memory_space<hbm>>
    %dma_wait3A_152 = tpu.memref_slice %arg11[%dma_wait3A_147] : memref<8x!tpu.dma_semaphore, #tpu.memory_space<semaphore_mem>> -> memref<1x!tpu.dma_semaphore, #tpu.memory_space<semaphore_mem>>
    %dma_wait3A_153 = tpu.memref_squeeze %dma_wait3A_152 : memref<1x!tpu.dma_semaphore, #tpu.memory_space<semaphore_mem>> -> memref<!tpu.dma_semaphore, #tpu.memory_space<semaphore_mem>>
    %dma_wait3A_154 = arith.constant 0 : i32
    %dma_wait3A_155 = tpu.memref_slice %arg7[%dma_wait3A_146, %dma_wait3A_154] : memref<8x64xi32, #tpu.memory_space<vmem>> -> memref<1x64xi32, #tpu.memory_space<vmem>>
    %dma_wait3A_156 = tpu.memref_squeeze %dma_wait3A_155 : memref<1x64xi32, #tpu.memory_space<vmem>> -> memref<64xi32, #tpu.memory_space<vmem>>
    %dma_wait3A_157 = tpu.memref_slice %arg3[%mul3A_2] : memref<163840xi32, #tpu.memory_space<hbm>> -> memref<64xi32, #tpu.memory_space<hbm>>
    tpu.wait_dma2 semaphore(%dma_wait3A_153 : memref<!tpu.dma_semaphore, #tpu.memory_space<semaphore_mem>>) src(%dma_wait3A_157 : memref<64xi32, #tpu.memory_space<hbm>>) dst(%dma_wait3A_156 : memref<64xi32, #tpu.memory_space<vmem>>)
    %dma_wait3A_158 = arith.constant 1 : i32
    %dma_wait3A_159 = arith.constant 1 : i32
    %dma_wait3A_160 = arith.constant 0 : i32
    %dma_wait3A_161 = tpu.memref_slice %arg8[%dma_wait3A_158, %dma_wait3A_160] : memref<8x64xi32, #tpu.memory_space<vmem>> -> memref<1x64xi32, #tpu.memory_space<vmem>>
    %dma_wait3A_162 = tpu.memref_squeeze %dma_wait3A_161 : memref<1x64xi32, #tpu.memory_space<vmem>> -> memref<64xi32, #tpu.memory_space<vmem>>
    %dma_wait3A_163 = tpu.memref_slice %arg4[%mul3A_2] : memref<163840xi32, #tpu.memory_space<hbm>> -> memref<64xi32, #tpu.memory_space<hbm>>
    %dma_wait3A_164 = tpu.memref_slice %arg11[%dma_wait3A_159] : memref<8x!tpu.dma_semaphore, #tpu.memory_space<semaphore_mem>> -> memref<1x!tpu.dma_semaphore, #tpu.memory_space<semaphore_mem>>
    %dma_wait3A_165 = tpu.memref_squeeze %dma_wait3A_164 : memref<1x!tpu.dma_semaphore, #tpu.memory_space<semaphore_mem>> -> memref<!tpu.dma_semaphore, #tpu.memory_space<semaphore_mem>>
    %dma_wait3A_166 = arith.constant 0 : i32
    %dma_wait3A_167 = tpu.memref_slice %arg8[%dma_wait3A_158, %dma_wait3A_166] : memref<8x64xi32, #tpu.memory_space<vmem>> -> memref<1x64xi32, #tpu.memory_space<vmem>>
    %dma_wait3A_168 = tpu.memref_squeeze %dma_wait3A_167 : memref<1x64xi32, #tpu.memory_space<vmem>> -> memref<64xi32, #tpu.memory_space<vmem>>
    %dma_wait3A_169 = tpu.memref_slice %arg4[%mul3A_2] : memref<163840xi32, #tpu.memory_space<hbm>> -> memref<64xi32, #tpu.memory_space<hbm>>
    tpu.wait_dma2 semaphore(%dma_wait3A_165 : memref<!tpu.dma_semaphore, #tpu.memory_space<semaphore_mem>>) src(%dma_wait3A_169 : memref<64xi32, #tpu.memory_space<hbm>>) dst(%dma_wait3A_168 : memref<64xi32, #tpu.memory_space<vmem>>)
    %dma_start3A_170 = arith.constant 1 : i32
    %dma_start3A_171 = arith.constant 1 : i32
    %dma_start3A_172 = arith.constant 1 : i32
    %dma_start3A_173 = arith.constant 0 : i32
    %dma_start3A_174 = arith.constant 0 : i32
    %dma_start3A_175 = tpu.memref_slice %arg9[%dma_start3A_171, %dma_start3A_173, %dma_start3A_174] : memref<4x64x128xf32, #tpu.memory_space<vmem>> -> memref<1x64x128xf32, #tpu.memory_space<vmem>>
    %dma_start3A_176 = tpu.memref_squeeze %dma_start3A_175 : memref<1x64x128xf32, #tpu.memory_space<vmem>> -> memref<64x128xf32, #tpu.memory_space<vmem>>
    %dma_start3A_177 = arith.constant 0 : i32
    %dma_start3A_178 = tpu.memref_slice %arg8[%dma_start3A_170, %dma_start3A_177] : memref<8x64xi32, #tpu.memory_space<vmem>> -> memref<1x64xi32, #tpu.memory_space<vmem>>
    %dma_start3A_179 = tpu.memref_squeeze %dma_start3A_178 : memref<1x64xi32, #tpu.memory_space<vmem>> -> memref<64xi32, #tpu.memory_space<vmem>>
    %dma_start3A_180 = arith.constant 0 : i32
    %dma_start3A_181 = arith.constant 0 : i32
    %dma_start3A_182 = tpu.memref_slice %arg2[%dma_start3A_180, %dma_start3A_181] : memref<10000x128xf32, #tpu.memory_space<hbm>> -> memref<10000x128xf32, #tpu.memory_space<hbm>>
    %dma_start3A_183 = tpu.memref_slice %arg12[%dma_start3A_172] : memref<4x!tpu.dma_semaphore, #tpu.memory_space<semaphore_mem>> -> memref<1x!tpu.dma_semaphore, #tpu.memory_space<semaphore_mem>>
    %dma_start3A_184 = tpu.memref_squeeze %dma_start3A_183 : memref<1x!tpu.dma_semaphore, #tpu.memory_space<semaphore_mem>> -> memref<!tpu.dma_semaphore, #tpu.memory_space<semaphore_mem>>
    tpu.enqueue_indirect_dma source(%dma_start3A_182 : memref<10000x128xf32, #tpu.memory_space<hbm>>) target(%dma_start3A_176 : memref<64x128xf32, #tpu.memory_space<vmem>>) offsets(%dma_start3A_179 : memref<64xi32, #tpu.memory_space<vmem>>) semaphore(%dma_start3A_184 : memref<!tpu.dma_semaphore, #tpu.memory_space<semaphore_mem>>)
    %scan3A = arith.constant 0 : i32
    %scan3A_185 = arith.constant 10 : i32
    %scan3A_186 = arith.addi %scan3A, %scan3A_185 : i32
    %scan3A_187 = arith.constant 1 : i32
    scf.for %scan3A_223 = %scan3A to %scan3A_186 step %scan3A_187  : i32 {
      %mul3A_224 = arith.constant 8 : i32
      %mul3A_225 = arith.muli %scan3A_223, %mul3A_224 : i32
      %add3A_226 = arith.constant 0 : i32
      %add3A_227 = arith.addi %add3A_226, %mul3A_225 : i32
      %add3A_228 = arith.constant 0 : i32
      %add3A_229 = arith.addi %add3A_227, %add3A_228 : i32
      %dma_wait3A_230 = arith.constant 0 : i32
      %dma_wait3A_231 = arith.constant 0 : i32
      %dma_wait3A_232 = arith.constant 0 : i32
      %dma_wait3A_233 = arith.constant 0 : i32
      %dma_wait3A_234 = arith.constant 0 : i32
      %dma_wait3A_235 = tpu.memref_slice %arg9[%dma_wait3A_231, %dma_wait3A_233, %dma_wait3A_234] : memref<4x64x128xf32, #tpu.memory_space<vmem>> -> memref<1x64x128xf32, #tpu.memory_space<vmem>>
      %dma_wait3A_236 = tpu.memref_squeeze %dma_wait3A_235 : memref<1x64x128xf32, #tpu.memory_space<vmem>> -> memref<64x128xf32, #tpu.memory_space<vmem>>
      %dma_wait3A_237 = arith.constant 0 : i32
      %dma_wait3A_238 = tpu.memref_slice %arg8[%dma_wait3A_230, %dma_wait3A_237] : memref<8x64xi32, #tpu.memory_space<vmem>> -> memref<1x64xi32, #tpu.memory_space<vmem>>
      %dma_wait3A_239 = tpu.memref_squeeze %dma_wait3A_238 : memref<1x64xi32, #tpu.memory_space<vmem>> -> memref<64xi32, #tpu.memory_space<vmem>>
      %dma_wait3A_240 = arith.constant 0 : i32
      %dma_wait3A_241 = arith.constant 0 : i32
      %dma_wait3A_242 = tpu.memref_slice %arg2[%dma_wait3A_240, %dma_wait3A_241] : memref<10000x128xf32, #tpu.memory_space<hbm>> -> memref<10000x128xf32, #tpu.memory_space<hbm>>
      %dma_wait3A_243 = tpu.memref_slice %arg12[%dma_wait3A_232] : memref<4x!tpu.dma_semaphore, #tpu.memory_space<semaphore_mem>> -> memref<1x!tpu.dma_semaphore, #tpu.memory_space<semaphore_mem>>
      %dma_wait3A_244 = tpu.memref_squeeze %dma_wait3A_243 : memref<1x!tpu.dma_semaphore, #tpu.memory_space<semaphore_mem>> -> memref<!tpu.dma_semaphore, #tpu.memory_space<semaphore_mem>>
      tpu.wait_indirect_dma semaphore(%dma_wait3A_244 : memref<!tpu.dma_semaphore, #tpu.memory_space<semaphore_mem>>) src(%dma_wait3A_242 : memref<10000x128xf32, #tpu.memory_space<hbm>>) dst(%dma_wait3A_236 : memref<64x128xf32, #tpu.memory_space<vmem>>)
      %dma_start3A_245 = arith.constant 0 : i32
      %dma_start3A_246 = arith.constant 0 : i32
      %dma_start3A_247 = arith.constant 0 : i32
      %dma_start3A_248 = arith.constant 0 : i32
      %dma_start3A_249 = arith.constant 0 : i32
      %dma_start3A_250 = tpu.memref_slice %arg9[%dma_start3A_245, %dma_start3A_248, %dma_start3A_249] : memref<4x64x128xf32, #tpu.memory_space<vmem>> -> memref<1x64x128xf32, #tpu.memory_space<vmem>>
      %dma_start3A_251 = tpu.memref_squeeze %dma_start3A_250 : memref<1x64x128xf32, #tpu.memory_space<vmem>> -> memref<64x128xf32, #tpu.memory_space<vmem>>
      %dma_start3A_252 = arith.constant 0 : i32
      %dma_start3A_253 = tpu.memref_slice %arg7[%dma_start3A_246, %dma_start3A_252] : memref<8x64xi32, #tpu.memory_space<vmem>> -> memref<1x64xi32, #tpu.memory_space<vmem>>
      %dma_start3A_254 = tpu.memref_squeeze %dma_start3A_253 : memref<1x64xi32, #tpu.memory_space<vmem>> -> memref<64xi32, #tpu.memory_space<vmem>>
      %dma_start3A_255 = arith.constant 0 : i32
      %dma_start3A_256 = arith.constant 0 : i32
      %dma_start3A_257 = tpu.memref_slice %arg10[%dma_start3A_255, %dma_start3A_256] : memref<10112x128xf32, #tpu.memory_space<vmem_shared>> -> memref<10112x128xf32, #tpu.memory_space<vmem_shared>>
      %dma_start3A_258 = tpu.memref_slice %arg13[%dma_start3A_247] : memref<4x!tpu.dma_semaphore, #tpu.memory_space<semaphore_mem>> -> memref<1x!tpu.dma_semaphore, #tpu.memory_space<semaphore_mem>>
      %dma_start3A_259 = tpu.memref_squeeze %dma_start3A_258 : memref<1x!tpu.dma_semaphore, #tpu.memory_space<semaphore_mem>> -> memref<!tpu.dma_semaphore, #tpu.memory_space<semaphore_mem>>
      tpu.enqueue_indirect_dma source(%dma_start3A_251 : memref<64x128xf32, #tpu.memory_space<vmem>>) target(%dma_start3A_257 : memref<10112x128xf32, #tpu.memory_space<vmem_shared>>) offsets(%dma_start3A_254 : memref<64xi32, #tpu.memory_space<vmem>>) semaphore(%dma_start3A_259 : memref<!tpu.dma_semaphore, #tpu.memory_space<semaphore_mem>>) {add = true}
      %ge3A = arith.constant 2 : i32
      %ge3A_260 = arith.cmpi sge, %add3A_229, %ge3A : i32
      %convert_element_type3A = arith.extui %ge3A_260 : i1 to i32
      %cond3A = arith.constant 0 : i32
      %cond3A_261 = arith.cmpi ne, %convert_element_type3A, %cond3A : i32
      scf.if %cond3A_261 {
        %dma_wait3A_632 = arith.constant 2 : i32
        %dma_wait3A_633 = arith.constant 2 : i32
        %dma_wait3A_634 = arith.constant 2 : i32
        %dma_wait3A_635 = arith.constant 0 : i32
        %dma_wait3A_636 = arith.constant 0 : i32
        %dma_wait3A_637 = tpu.memref_slice %arg9[%dma_wait3A_632, %dma_wait3A_635, %dma_wait3A_636] : memref<4x64x128xf32, #tpu.memory_space<vmem>> -> memref<1x64x128xf32, #tpu.memory_space<vmem>>
        %dma_wait3A_638 = tpu.memref_squeeze %dma_wait3A_637 : memref<1x64x128xf32, #tpu.memory_space<vmem>> -> memref<64x128xf32, #tpu.memory_space<vmem>>
        %dma_wait3A_639 = arith.constant 0 : i32
        %dma_wait3A_640 = tpu.memref_slice %arg7[%dma_wait3A_633, %dma_wait3A_639] : memref<8x64xi32, #tpu.memory_space<vmem>> -> memref<1x64xi32, #tpu.memory_space<vmem>>
        %dma_wait3A_641 = tpu.memref_squeeze %dma_wait3A_640 : memref<1x64xi32, #tpu.memory_space<vmem>> -> memref<64xi32, #tpu.memory_space<vmem>>
        %dma_wait3A_642 = arith.constant 0 : i32
        %dma_wait3A_643 = arith.constant 0 : i32
        %dma_wait3A_644 = tpu.memref_slice %arg10[%dma_wait3A_642, %dma_wait3A_643] : memref<10112x128xf32, #tpu.memory_space<vmem_shared>> -> memref<10112x128xf32, #tpu.memory_space<vmem_shared>>
        %dma_wait3A_645 = tpu.memref_slice %arg13[%dma_wait3A_634] : memref<4x!tpu.dma_semaphore, #tpu.memory_space<semaphore_mem>> -> memref<1x!tpu.dma_semaphore, #tpu.memory_space<semaphore_mem>>
        %dma_wait3A_646 = tpu.memref_squeeze %dma_wait3A_645 : memref<1x!tpu.dma_semaphore, #tpu.memory_space<semaphore_mem>> -> memref<!tpu.dma_semaphore, #tpu.memory_space<semaphore_mem>>
        tpu.wait_indirect_dma semaphore(%dma_wait3A_646 : memref<!tpu.dma_semaphore, #tpu.memory_space<semaphore_mem>>) src(%dma_wait3A_638 : memref<64x128xf32, #tpu.memory_space<vmem>>) dst(%dma_wait3A_644 : memref<10112x128xf32, #tpu.memory_space<vmem_shared>>)
      } else {
      }
      %add3A_262 = arith.constant 2 : i32
      %add3A_263 = arith.addi %add3A_229, %add3A_262 : i32
      %lt3A = arith.constant 80 : i32
      %lt3A_264 = arith.cmpi slt, %add3A_263, %lt3A : i32
      %convert_element_type3A_265 = arith.extui %lt3A_264 : i1 to i32
      %cond3A_266 = arith.constant 0 : i32
      %cond3A_267 = arith.cmpi ne, %convert_element_type3A_265, %cond3A_266 : i32
      scf.if %cond3A_267 {
        %dma_wait3A_632 = arith.constant 2 : i32
        %dma_wait3A_633 = arith.constant 2 : i32
        %dma_wait3A_634 = arith.constant 0 : i32
        %dma_wait3A_635 = tpu.memref_slice %arg7[%dma_wait3A_632, %dma_wait3A_634] : memref<8x64xi32, #tpu.memory_space<vmem>> -> memref<1x64xi32, #tpu.memory_space<vmem>>
        %dma_wait3A_636 = tpu.memref_squeeze %dma_wait3A_635 : memref<1x64xi32, #tpu.memory_space<vmem>> -> memref<64xi32, #tpu.memory_space<vmem>>
        %dma_wait3A_637 = tpu.memref_slice %arg3[%mul3A_2] : memref<163840xi32, #tpu.memory_space<hbm>> -> memref<64xi32, #tpu.memory_space<hbm>>
        %dma_wait3A_638 = tpu.memref_slice %arg11[%dma_wait3A_633] : memref<8x!tpu.dma_semaphore, #tpu.memory_space<semaphore_mem>> -> memref<1x!tpu.dma_semaphore, #tpu.memory_space<semaphore_mem>>
        %dma_wait3A_639 = tpu.memref_squeeze %dma_wait3A_638 : memref<1x!tpu.dma_semaphore, #tpu.memory_space<semaphore_mem>> -> memref<!tpu.dma_semaphore, #tpu.memory_space<semaphore_mem>>
        %dma_wait3A_640 = arith.constant 0 : i32
        %dma_wait3A_641 = tpu.memref_slice %arg7[%dma_wait3A_632, %dma_wait3A_640] : memref<8x64xi32, #tpu.memory_space<vmem>> -> memref<1x64xi32, #tpu.memory_space<vmem>>
        %dma_wait3A_642 = tpu.memref_squeeze %dma_wait3A_641 : memref<1x64xi32, #tpu.memory_space<vmem>> -> memref<64xi32, #tpu.memory_space<vmem>>
        %dma_wait3A_643 = tpu.memref_slice %arg3[%mul3A_2] : memref<163840xi32, #tpu.memory_space<hbm>> -> memref<64xi32, #tpu.memory_space<hbm>>
        tpu.wait_dma2 semaphore(%dma_wait3A_639 : memref<!tpu.dma_semaphore, #tpu.memory_space<semaphore_mem>>) src(%dma_wait3A_643 : memref<64xi32, #tpu.memory_space<hbm>>) dst(%dma_wait3A_642 : memref<64xi32, #tpu.memory_space<vmem>>)
        %dma_wait3A_644 = arith.constant 2 : i32
        %dma_wait3A_645 = arith.constant 2 : i32
        %dma_wait3A_646 = arith.constant 0 : i32
        %dma_wait3A_647 = tpu.memref_slice %arg8[%dma_wait3A_644, %dma_wait3A_646] : memref<8x64xi32, #tpu.memory_space<vmem>> -> memref<1x64xi32, #tpu.memory_space<vmem>>
        %dma_wait3A_648 = tpu.memref_squeeze %dma_wait3A_647 : memref<1x64xi32, #tpu.memory_space<vmem>> -> memref<64xi32, #tpu.memory_space<vmem>>
        %dma_wait3A_649 = tpu.memref_slice %arg4[%mul3A_2] : memref<163840xi32, #tpu.memory_space<hbm>> -> memref<64xi32, #tpu.memory_space<hbm>>
        %dma_wait3A_650 = tpu.memref_slice %arg11[%dma_wait3A_645] : memref<8x!tpu.dma_semaphore, #tpu.memory_space<semaphore_mem>> -> memref<1x!tpu.dma_semaphore, #tpu.memory_space<semaphore_mem>>
        %dma_wait3A_651 = tpu.memref_squeeze %dma_wait3A_650 : memref<1x!tpu.dma_semaphore, #tpu.memory_space<semaphore_mem>> -> memref<!tpu.dma_semaphore, #tpu.memory_space<semaphore_mem>>
        %dma_wait3A_652 = arith.constant 0 : i32
        %dma_wait3A_653 = tpu.memref_slice %arg8[%dma_wait3A_644, %dma_wait3A_652] : memref<8x64xi32, #tpu.memory_space<vmem>> -> memref<1x64xi32, #tpu.memory_space<vmem>>
        %dma_wait3A_654 = tpu.memref_squeeze %dma_wait3A_653 : memref<1x64xi32, #tpu.memory_space<vmem>> -> memref<64xi32, #tpu.memory_space<vmem>>
        %dma_wait3A_655 = tpu.memref_slice %arg4[%mul3A_2] : memref<163840xi32, #tpu.memory_space<hbm>> -> memref<64xi32, #tpu.memory_space<hbm>>
        tpu.wait_dma2 semaphore(%dma_wait3A_651 : memref<!tpu.dma_semaphore, #tpu.memory_space<semaphore_mem>>) src(%dma_wait3A_655 : memref<64xi32, #tpu.memory_space<hbm>>) dst(%dma_wait3A_654 : memref<64xi32, #tpu.memory_space<vmem>>)
        %dma_start3A_656 = arith.constant 2 : i32
        %dma_start3A_657 = arith.constant 2 : i32
        %dma_start3A_658 = arith.constant 2 : i32
        %dma_start3A_659 = arith.constant 0 : i32
        %dma_start3A_660 = arith.constant 0 : i32
        %dma_start3A_661 = tpu.memref_slice %arg9[%dma_start3A_657, %dma_start3A_659, %dma_start3A_660] : memref<4x64x128xf32, #tpu.memory_space<vmem>> -> memref<1x64x128xf32, #tpu.memory_space<vmem>>
        %dma_start3A_662 = tpu.memref_squeeze %dma_start3A_661 : memref<1x64x128xf32, #tpu.memory_space<vmem>> -> memref<64x128xf32, #tpu.memory_space<vmem>>
        %dma_start3A_663 = arith.constant 0 : i32
        %dma_start3A_664 = tpu.memref_slice %arg8[%dma_start3A_656, %dma_start3A_663] : memref<8x64xi32, #tpu.memory_space<vmem>> -> memref<1x64xi32, #tpu.memory_space<vmem>>
        %dma_start3A_665 = tpu.memref_squeeze %dma_start3A_664 : memref<1x64xi32, #tpu.memory_space<vmem>> -> memref<64xi32, #tpu.memory_space<vmem>>
        %dma_start3A_666 = arith.constant 0 : i32
        %dma_start3A_667 = arith.constant 0 : i32
        %dma_start3A_668 = tpu.memref_slice %arg2[%dma_start3A_666, %dma_start3A_667] : memref<10000x128xf32, #tpu.memory_space<hbm>> -> memref<10000x128xf32, #tpu.memory_space<hbm>>
        %dma_start3A_669 = tpu.memref_slice %arg12[%dma_start3A_658] : memref<4x!tpu.dma_semaphore, #tpu.memory_space<semaphore_mem>> -> memref<1x!tpu.dma_semaphore, #tpu.memory_space<semaphore_mem>>
        %dma_start3A_670 = tpu.memref_squeeze %dma_start3A_669 : memref<1x!tpu.dma_semaphore, #tpu.memory_space<semaphore_mem>> -> memref<!tpu.dma_semaphore, #tpu.memory_space<semaphore_mem>>
        tpu.enqueue_indirect_dma source(%dma_start3A_668 : memref<10000x128xf32, #tpu.memory_space<hbm>>) target(%dma_start3A_662 : memref<64x128xf32, #tpu.memory_space<vmem>>) offsets(%dma_start3A_665 : memref<64xi32, #tpu.memory_space<vmem>>) semaphore(%dma_start3A_670 : memref<!tpu.dma_semaphore, #tpu.memory_space<semaphore_mem>>)
      } else {
      }
      %add3A_268 = arith.constant 4 : i32
      %add3A_269 = arith.addi %add3A_229, %add3A_268 : i32
      %lt3A_270 = arith.constant 80 : i32
      %lt3A_271 = arith.cmpi slt, %add3A_269, %lt3A_270 : i32
      %convert_element_type3A_272 = arith.extui %lt3A_271 : i1 to i32
      %cond3A_273 = arith.constant 0 : i32
      %cond3A_274 = arith.cmpi ne, %convert_element_type3A_272, %cond3A_273 : i32
      scf.if %cond3A_274 {
        %add3A_632 = arith.constant 4 : i32
        %add3A_633 = arith.addi %add3A_229, %add3A_632 : i32
        %mul3A_634 = arith.constant 64 : i32
        %mul3A_635 = arith.muli %add3A_633, %mul3A_634 : i32
        %add3A_636 = arith.addi %mul3A_2, %mul3A_635 : i32
        %dma_start3A_637 = arith.constant 4 : i32
        %dma_start3A_638 = arith.constant 4 : i32
        %dma_start3A_639 = arith.constant 0 : i32
        %dma_start3A_640 = tpu.memref_slice %arg7[%dma_start3A_637, %dma_start3A_639] : memref<8x64xi32, #tpu.memory_space<vmem>> -> memref<1x64xi32, #tpu.memory_space<vmem>>
        %dma_start3A_641 = tpu.memref_squeeze %dma_start3A_640 : memref<1x64xi32, #tpu.memory_space<vmem>> -> memref<64xi32, #tpu.memory_space<vmem>>
        %dma_start3A_642 = tpu.memref_slice %arg3[%add3A_636] : memref<163840xi32, #tpu.memory_space<hbm>> -> memref<64xi32, #tpu.memory_space<hbm>>
        %dma_start3A_643 = tpu.memref_slice %arg11[%dma_start3A_638] : memref<8x!tpu.dma_semaphore, #tpu.memory_space<semaphore_mem>> -> memref<1x!tpu.dma_semaphore, #tpu.memory_space<semaphore_mem>>
        %dma_start3A_644 = tpu.memref_squeeze %dma_start3A_643 : memref<1x!tpu.dma_semaphore, #tpu.memory_space<semaphore_mem>> -> memref<!tpu.dma_semaphore, #tpu.memory_space<semaphore_mem>>
        %dma_start3A_645 = arith.constant 0 : i32
        %dma_start3A_646 = tpu.memref_slice %arg7[%dma_start3A_637, %dma_start3A_645] : memref<8x64xi32, #tpu.memory_space<vmem>> -> memref<1x64xi32, #tpu.memory_space<vmem>>
        %dma_start3A_647 = tpu.memref_squeeze %dma_start3A_646 : memref<1x64xi32, #tpu.memory_space<vmem>> -> memref<64xi32, #tpu.memory_space<vmem>>
        %dma_start3A_648 = tpu.memref_slice %arg3[%add3A_636] : memref<163840xi32, #tpu.memory_space<hbm>> -> memref<64xi32, #tpu.memory_space<hbm>>
        tpu.enqueue_dma source(%dma_start3A_648 : memref<64xi32, #tpu.memory_space<hbm>>) target(%dma_start3A_647 : memref<64xi32, #tpu.memory_space<vmem>>) target_semaphore(%dma_start3A_644 : memref<!tpu.dma_semaphore, #tpu.memory_space<semaphore_mem>>)
        %dma_start3A_649 = arith.constant 4 : i32
        %dma_start3A_650 = arith.constant 4 : i32
        %dma_start3A_651 = arith.constant 0 : i32
        %dma_start3A_652 = tpu.memref_slice %arg8[%dma_start3A_649, %dma_start3A_651] : memref<8x64xi32, #tpu.memory_space<vmem>> -> memref<1x64xi32, #tpu.memory_space<vmem>>
        %dma_start3A_653 = tpu.memref_squeeze %dma_start3A_652 : memref<1x64xi32, #tpu.memory_space<vmem>> -> memref<64xi32, #tpu.memory_space<vmem>>
        %dma_start3A_654 = tpu.memref_slice %arg4[%add3A_636] : memref<163840xi32, #tpu.memory_space<hbm>> -> memref<64xi32, #tpu.memory_space<hbm>>
        %dma_start3A_655 = tpu.memref_slice %arg11[%dma_start3A_650] : memref<8x!tpu.dma_semaphore, #tpu.memory_space<semaphore_mem>> -> memref<1x!tpu.dma_semaphore, #tpu.memory_space<semaphore_mem>>
        %dma_start3A_656 = tpu.memref_squeeze %dma_start3A_655 : memref<1x!tpu.dma_semaphore, #tpu.memory_space<semaphore_mem>> -> memref<!tpu.dma_semaphore, #tpu.memory_space<semaphore_mem>>
        %dma_start3A_657 = arith.constant 0 : i32
        %dma_start3A_658 = tpu.memref_slice %arg8[%dma_start3A_649, %dma_start3A_657] : memref<8x64xi32, #tpu.memory_space<vmem>> -> memref<1x64xi32, #tpu.memory_space<vmem>>
        %dma_start3A_659 = tpu.memref_squeeze %dma_start3A_658 : memref<1x64xi32, #tpu.memory_space<vmem>> -> memref<64xi32, #tpu.memory_space<vmem>>
        %dma_start3A_660 = tpu.memref_slice %arg4[%add3A_636] : memref<163840xi32, #tpu.memory_space<hbm>> -> memref<64xi32, #tpu.memory_space<hbm>>
        tpu.enqueue_dma source(%dma_start3A_660 : memref<64xi32, #tpu.memory_space<hbm>>) target(%dma_start3A_659 : memref<64xi32, #tpu.memory_space<vmem>>) target_semaphore(%dma_start3A_656 : memref<!tpu.dma_semaphore, #tpu.memory_space<semaphore_mem>>)
      } else {
      }
      %add3A_275 = arith.constant 1 : i32
      %add3A_276 = arith.addi %add3A_227, %add3A_275 : i32
      %dma_wait3A_277 = arith.constant 1 : i32
      %dma_wait3A_278 = arith.constant 1 : i32
      %dma_wait3A_279 = arith.constant 1 : i32
      %dma_wait3A_280 = arith.constant 0 : i32
      %dma_wait3A_281 = arith.constant 0 : i32
      %dma_wait3A_282 = tpu.memref_slice %arg9[%dma_wait3A_278, %dma_wait3A_280, %dma_wait3A_281] : memref<4x64x128xf32, #tpu.memory_space<vmem>> -> memref<1x64x128xf32, #tpu.memory_space<vmem>>
      %dma_wait3A_283 = tpu.memref_squeeze %dma_wait3A_282 : memref<1x64x128xf32, #tpu.memory_space<vmem>> -> memref<64x128xf32, #tpu.memory_space<vmem>>
      %dma_wait3A_284 = arith.constant 0 : i32
      %dma_wait3A_285 = tpu.memref_slice %arg8[%dma_wait3A_277, %dma_wait3A_284] : memref<8x64xi32, #tpu.memory_space<vmem>> -> memref<1x64xi32, #tpu.memory_space<vmem>>
      %dma_wait3A_286 = tpu.memref_squeeze %dma_wait3A_285 : memref<1x64xi32, #tpu.memory_space<vmem>> -> memref<64xi32, #tpu.memory_space<vmem>>
      %dma_wait3A_287 = arith.constant 0 : i32
      %dma_wait3A_288 = arith.constant 0 : i32
      %dma_wait3A_289 = tpu.memref_slice %arg2[%dma_wait3A_287, %dma_wait3A_288] : memref<10000x128xf32, #tpu.memory_space<hbm>> -> memref<10000x128xf32, #tpu.memory_space<hbm>>
      %dma_wait3A_290 = tpu.memref_slice %arg12[%dma_wait3A_279] : memref<4x!tpu.dma_semaphore, #tpu.memory_space<semaphore_mem>> -> memref<1x!tpu.dma_semaphore, #tpu.memory_space<semaphore_mem>>
      %dma_wait3A_291 = tpu.memref_squeeze %dma_wait3A_290 : memref<1x!tpu.dma_semaphore, #tpu.memory_space<semaphore_mem>> -> memref<!tpu.dma_semaphore, #tpu.memory_space<semaphore_mem>>
      tpu.wait_indirect_dma semaphore(%dma_wait3A_291 : memref<!tpu.dma_semaphore, #tpu.memory_space<semaphore_mem>>) src(%dma_wait3A_289 : memref<10000x128xf32, #tpu.memory_space<hbm>>) dst(%dma_wait3A_283 : memref<64x128xf32, #tpu.memory_space<vmem>>)
      %dma_start3A_292 = arith.constant 1 : i32
      %dma_start3A_293 = arith.constant 1 : i32
      %dma_start3A_294 = arith.constant 1 : i32
      %dma_start3A_295 = arith.constant 0 : i32
      %dma_start3A_296 = arith.constant 0 : i32
      %dma_start3A_297 = tpu.memref_slice %arg9[%dma_start3A_292, %dma_start3A_295, %dma_start3A_296] : memref<4x64x128xf32, #tpu.memory_space<vmem>> -> memref<1x64x128xf32, #tpu.memory_space<vmem>>
      %dma_start3A_298 = tpu.memref_squeeze %dma_start3A_297 : memref<1x64x128xf32, #tpu.memory_space<vmem>> -> memref<64x128xf32, #tpu.memory_space<vmem>>
      %dma_start3A_299 = arith.constant 0 : i32
      %dma_start3A_300 = tpu.memref_slice %arg7[%dma_start3A_293, %dma_start3A_299] : memref<8x64xi32, #tpu.memory_space<vmem>> -> memref<1x64xi32, #tpu.memory_space<vmem>>
      %dma_start3A_301 = tpu.memref_squeeze %dma_start3A_300 : memref<1x64xi32, #tpu.memory_space<vmem>> -> memref<64xi32, #tpu.memory_space<vmem>>
      %dma_start3A_302 = arith.constant 0 : i32
      %dma_start3A_303 = arith.constant 0 : i32
      %dma_start3A_304 = tpu.memref_slice %arg10[%dma_start3A_302, %dma_start3A_303] : memref<10112x128xf32, #tpu.memory_space<vmem_shared>> -> memref<10112x128xf32, #tpu.memory_space<vmem_shared>>
      %dma_start3A_305 = tpu.memref_slice %arg13[%dma_start3A_294] : memref<4x!tpu.dma_semaphore, #tpu.memory_space<semaphore_mem>> -> memref<1x!tpu.dma_semaphore, #tpu.memory_space<semaphore_mem>>
      %dma_start3A_306 = tpu.memref_squeeze %dma_start3A_305 : memref<1x!tpu.dma_semaphore, #tpu.memory_space<semaphore_mem>> -> memref<!tpu.dma_semaphore, #tpu.memory_space<semaphore_mem>>
      tpu.enqueue_indirect_dma source(%dma_start3A_298 : memref<64x128xf32, #tpu.memory_space<vmem>>) target(%dma_start3A_304 : memref<10112x128xf32, #tpu.memory_space<vmem_shared>>) offsets(%dma_start3A_301 : memref<64xi32, #tpu.memory_space<vmem>>) semaphore(%dma_start3A_306 : memref<!tpu.dma_semaphore, #tpu.memory_space<semaphore_mem>>) {add = true}
      %ge3A_307 = arith.constant 2 : i32
      %ge3A_308 = arith.cmpi sge, %add3A_276, %ge3A_307 : i32
      %convert_element_type3A_309 = arith.extui %ge3A_308 : i1 to i32
      %cond3A_310 = arith.constant 0 : i32
      %cond3A_311 = arith.cmpi ne, %convert_element_type3A_309, %cond3A_310 : i32
      scf.if %cond3A_311 {
        %dma_wait3A_632 = arith.constant 3 : i32
        %dma_wait3A_633 = arith.constant 3 : i32
        %dma_wait3A_634 = arith.constant 3 : i32
        %dma_wait3A_635 = arith.constant 0 : i32
        %dma_wait3A_636 = arith.constant 0 : i32
        %dma_wait3A_637 = tpu.memref_slice %arg9[%dma_wait3A_632, %dma_wait3A_635, %dma_wait3A_636] : memref<4x64x128xf32, #tpu.memory_space<vmem>> -> memref<1x64x128xf32, #tpu.memory_space<vmem>>
        %dma_wait3A_638 = tpu.memref_squeeze %dma_wait3A_637 : memref<1x64x128xf32, #tpu.memory_space<vmem>> -> memref<64x128xf32, #tpu.memory_space<vmem>>
        %dma_wait3A_639 = arith.constant 0 : i32
        %dma_wait3A_640 = tpu.memref_slice %arg7[%dma_wait3A_633, %dma_wait3A_639] : memref<8x64xi32, #tpu.memory_space<vmem>> -> memref<1x64xi32, #tpu.memory_space<vmem>>
        %dma_wait3A_641 = tpu.memref_squeeze %dma_wait3A_640 : memref<1x64xi32, #tpu.memory_space<vmem>> -> memref<64xi32, #tpu.memory_space<vmem>>
        %dma_wait3A_642 = arith.constant 0 : i32
        %dma_wait3A_643 = arith.constant 0 : i32
        %dma_wait3A_644 = tpu.memref_slice %arg10[%dma_wait3A_642, %dma_wait3A_643] : memref<10112x128xf32, #tpu.memory_space<vmem_shared>> -> memref<10112x128xf32, #tpu.memory_space<vmem_shared>>
        %dma_wait3A_645 = tpu.memref_slice %arg13[%dma_wait3A_634] : memref<4x!tpu.dma_semaphore, #tpu.memory_space<semaphore_mem>> -> memref<1x!tpu.dma_semaphore, #tpu.memory_space<semaphore_mem>>
        %dma_wait3A_646 = tpu.memref_squeeze %dma_wait3A_645 : memref<1x!tpu.dma_semaphore, #tpu.memory_space<semaphore_mem>> -> memref<!tpu.dma_semaphore, #tpu.memory_space<semaphore_mem>>
        tpu.wait_indirect_dma semaphore(%dma_wait3A_646 : memref<!tpu.dma_semaphore, #tpu.memory_space<semaphore_mem>>) src(%dma_wait3A_638 : memref<64x128xf32, #tpu.memory_space<vmem>>) dst(%dma_wait3A_644 : memref<10112x128xf32, #tpu.memory_space<vmem_shared>>)
      } else {
      }
      %add3A_312 = arith.constant 2 : i32
      %add3A_313 = arith.addi %add3A_276, %add3A_312 : i32
      %lt3A_314 = arith.constant 80 : i32
      %lt3A_315 = arith.cmpi slt, %add3A_313, %lt3A_314 : i32
      %convert_element_type3A_316 = arith.extui %lt3A_315 : i1 to i32
      %cond3A_317 = arith.constant 0 : i32
      %cond3A_318 = arith.cmpi ne, %convert_element_type3A_316, %cond3A_317 : i32
      scf.if %cond3A_318 {
        %dma_wait3A_632 = arith.constant 3 : i32
        %dma_wait3A_633 = arith.constant 3 : i32
        %dma_wait3A_634 = arith.constant 0 : i32
        %dma_wait3A_635 = tpu.memref_slice %arg7[%dma_wait3A_632, %dma_wait3A_634] : memref<8x64xi32, #tpu.memory_space<vmem>> -> memref<1x64xi32, #tpu.memory_space<vmem>>
        %dma_wait3A_636 = tpu.memref_squeeze %dma_wait3A_635 : memref<1x64xi32, #tpu.memory_space<vmem>> -> memref<64xi32, #tpu.memory_space<vmem>>
        %dma_wait3A_637 = tpu.memref_slice %arg3[%mul3A_2] : memref<163840xi32, #tpu.memory_space<hbm>> -> memref<64xi32, #tpu.memory_space<hbm>>
        %dma_wait3A_638 = tpu.memref_slice %arg11[%dma_wait3A_633] : memref<8x!tpu.dma_semaphore, #tpu.memory_space<semaphore_mem>> -> memref<1x!tpu.dma_semaphore, #tpu.memory_space<semaphore_mem>>
        %dma_wait3A_639 = tpu.memref_squeeze %dma_wait3A_638 : memref<1x!tpu.dma_semaphore, #tpu.memory_space<semaphore_mem>> -> memref<!tpu.dma_semaphore, #tpu.memory_space<semaphore_mem>>
        %dma_wait3A_640 = arith.constant 0 : i32
        %dma_wait3A_641 = tpu.memref_slice %arg7[%dma_wait3A_632, %dma_wait3A_640] : memref<8x64xi32, #tpu.memory_space<vmem>> -> memref<1x64xi32, #tpu.memory_space<vmem>>
        %dma_wait3A_642 = tpu.memref_squeeze %dma_wait3A_641 : memref<1x64xi32, #tpu.memory_space<vmem>> -> memref<64xi32, #tpu.memory_space<vmem>>
        %dma_wait3A_643 = tpu.memref_slice %arg3[%mul3A_2] : memref<163840xi32, #tpu.memory_space<hbm>> -> memref<64xi32, #tpu.memory_space<hbm>>
        tpu.wait_dma2 semaphore(%dma_wait3A_639 : memref<!tpu.dma_semaphore, #tpu.memory_space<semaphore_mem>>) src(%dma_wait3A_643 : memref<64xi32, #tpu.memory_space<hbm>>) dst(%dma_wait3A_642 : memref<64xi32, #tpu.memory_space<vmem>>)
        %dma_wait3A_644 = arith.constant 3 : i32
        %dma_wait3A_645 = arith.constant 3 : i32
        %dma_wait3A_646 = arith.constant 0 : i32
        %dma_wait3A_647 = tpu.memref_slice %arg8[%dma_wait3A_644, %dma_wait3A_646] : memref<8x64xi32, #tpu.memory_space<vmem>> -> memref<1x64xi32, #tpu.memory_space<vmem>>
        %dma_wait3A_648 = tpu.memref_squeeze %dma_wait3A_647 : memref<1x64xi32, #tpu.memory_space<vmem>> -> memref<64xi32, #tpu.memory_space<vmem>>
        %dma_wait3A_649 = tpu.memref_slice %arg4[%mul3A_2] : memref<163840xi32, #tpu.memory_space<hbm>> -> memref<64xi32, #tpu.memory_space<hbm>>
        %dma_wait3A_650 = tpu.memref_slice %arg11[%dma_wait3A_645] : memref<8x!tpu.dma_semaphore, #tpu.memory_space<semaphore_mem>> -> memref<1x!tpu.dma_semaphore, #tpu.memory_space<semaphore_mem>>
        %dma_wait3A_651 = tpu.memref_squeeze %dma_wait3A_650 : memref<1x!tpu.dma_semaphore, #tpu.memory_space<semaphore_mem>> -> memref<!tpu.dma_semaphore, #tpu.memory_space<semaphore_mem>>
        %dma_wait3A_652 = arith.constant 0 : i32
        %dma_wait3A_653 = tpu.memref_slice %arg8[%dma_wait3A_644, %dma_wait3A_652] : memref<8x64xi32, #tpu.memory_space<vmem>> -> memref<1x64xi32, #tpu.memory_space<vmem>>
        %dma_wait3A_654 = tpu.memref_squeeze %dma_wait3A_653 : memref<1x64xi32, #tpu.memory_space<vmem>> -> memref<64xi32, #tpu.memory_space<vmem>>
        %dma_wait3A_655 = tpu.memref_slice %arg4[%mul3A_2] : memref<163840xi32, #tpu.memory_space<hbm>> -> memref<64xi32, #tpu.memory_space<hbm>>
        tpu.wait_dma2 semaphore(%dma_wait3A_651 : memref<!tpu.dma_semaphore, #tpu.memory_space<semaphore_mem>>) src(%dma_wait3A_655 : memref<64xi32, #tpu.memory_space<hbm>>) dst(%dma_wait3A_654 : memref<64xi32, #tpu.memory_space<vmem>>)
        %dma_start3A_656 = arith.constant 3 : i32
        %dma_start3A_657 = arith.constant 3 : i32
        %dma_start3A_658 = arith.constant 3 : i32
        %dma_start3A_659 = arith.constant 0 : i32
        %dma_start3A_660 = arith.constant 0 : i32
        %dma_start3A_661 = tpu.memref_slice %arg9[%dma_start3A_657, %dma_start3A_659, %dma_start3A_660] : memref<4x64x128xf32, #tpu.memory_space<vmem>> -> memref<1x64x128xf32, #tpu.memory_space<vmem>>
        %dma_start3A_662 = tpu.memref_squeeze %dma_start3A_661 : memref<1x64x128xf32, #tpu.memory_space<vmem>> -> memref<64x128xf32, #tpu.memory_space<vmem>>
        %dma_start3A_663 = arith.constant 0 : i32
        %dma_start3A_664 = tpu.memref_slice %arg8[%dma_start3A_656, %dma_start3A_663] : memref<8x64xi32, #tpu.memory_space<vmem>> -> memref<1x64xi32, #tpu.memory_space<vmem>>
        %dma_start3A_665 = tpu.memref_squeeze %dma_start3A_664 : memref<1x64xi32, #tpu.memory_space<vmem>> -> memref<64xi32, #tpu.memory_space<vmem>>
        %dma_start3A_666 = arith.constant 0 : i32
        %dma_start3A_667 = arith.constant 0 : i32
        %dma_start3A_668 = tpu.memref_slice %arg2[%dma_start3A_666, %dma_start3A_667] : memref<10000x128xf32, #tpu.memory_space<hbm>> -> memref<10000x128xf32, #tpu.memory_space<hbm>>
        %dma_start3A_669 = tpu.memref_slice %arg12[%dma_start3A_658] : memref<4x!tpu.dma_semaphore, #tpu.memory_space<semaphore_mem>> -> memref<1x!tpu.dma_semaphore, #tpu.memory_space<semaphore_mem>>
        %dma_start3A_670 = tpu.memref_squeeze %dma_start3A_669 : memref<1x!tpu.dma_semaphore, #tpu.memory_space<semaphore_mem>> -> memref<!tpu.dma_semaphore, #tpu.memory_space<semaphore_mem>>
        tpu.enqueue_indirect_dma source(%dma_start3A_668 : memref<10000x128xf32, #tpu.memory_space<hbm>>) target(%dma_start3A_662 : memref<64x128xf32, #tpu.memory_space<vmem>>) offsets(%dma_start3A_665 : memref<64xi32, #tpu.memory_space<vmem>>) semaphore(%dma_start3A_670 : memref<!tpu.dma_semaphore, #tpu.memory_space<semaphore_mem>>)
      } else {
      }
      %add3A_319 = arith.constant 4 : i32
      %add3A_320 = arith.addi %add3A_276, %add3A_319 : i32
      %lt3A_321 = arith.constant 80 : i32
      %lt3A_322 = arith.cmpi slt, %add3A_320, %lt3A_321 : i32
      %convert_element_type3A_323 = arith.extui %lt3A_322 : i1 to i32
      %cond3A_324 = arith.constant 0 : i32
      %cond3A_325 = arith.cmpi ne, %convert_element_type3A_323, %cond3A_324 : i32
      scf.if %cond3A_325 {
        %add3A_632 = arith.constant 4 : i32
        %add3A_633 = arith.addi %add3A_276, %add3A_632 : i32
        %mul3A_634 = arith.constant 64 : i32
        %mul3A_635 = arith.muli %add3A_633, %mul3A_634 : i32
        %add3A_636 = arith.addi %mul3A_2, %mul3A_635 : i32
        %dma_start3A_637 = arith.constant 5 : i32
        %dma_start3A_638 = arith.constant 5 : i32
        %dma_start3A_639 = arith.constant 0 : i32
        %dma_start3A_640 = tpu.memref_slice %arg7[%dma_start3A_637, %dma_start3A_639] : memref<8x64xi32, #tpu.memory_space<vmem>> -> memref<1x64xi32, #tpu.memory_space<vmem>>
        %dma_start3A_641 = tpu.memref_squeeze %dma_start3A_640 : memref<1x64xi32, #tpu.memory_space<vmem>> -> memref<64xi32, #tpu.memory_space<vmem>>
        %dma_start3A_642 = tpu.memref_slice %arg3[%add3A_636] : memref<163840xi32, #tpu.memory_space<hbm>> -> memref<64xi32, #tpu.memory_space<hbm>>
        %dma_start3A_643 = tpu.memref_slice %arg11[%dma_start3A_638] : memref<8x!tpu.dma_semaphore, #tpu.memory_space<semaphore_mem>> -> memref<1x!tpu.dma_semaphore, #tpu.memory_space<semaphore_mem>>
        %dma_start3A_644 = tpu.memref_squeeze %dma_start3A_643 : memref<1x!tpu.dma_semaphore, #tpu.memory_space<semaphore_mem>> -> memref<!tpu.dma_semaphore, #tpu.memory_space<semaphore_mem>>
        %dma_start3A_645 = arith.constant 0 : i32
        %dma_start3A_646 = tpu.memref_slice %arg7[%dma_start3A_637, %dma_start3A_645] : memref<8x64xi32, #tpu.memory_space<vmem>> -> memref<1x64xi32, #tpu.memory_space<vmem>>
        %dma_start3A_647 = tpu.memref_squeeze %dma_start3A_646 : memref<1x64xi32, #tpu.memory_space<vmem>> -> memref<64xi32, #tpu.memory_space<vmem>>
        %dma_start3A_648 = tpu.memref_slice %arg3[%add3A_636] : memref<163840xi32, #tpu.memory_space<hbm>> -> memref<64xi32, #tpu.memory_space<hbm>>
        tpu.enqueue_dma source(%dma_start3A_648 : memref<64xi32, #tpu.memory_space<hbm>>) target(%dma_start3A_647 : memref<64xi32, #tpu.memory_space<vmem>>) target_semaphore(%dma_start3A_644 : memref<!tpu.dma_semaphore, #tpu.memory_space<semaphore_mem>>)
        %dma_start3A_649 = arith.constant 5 : i32
        %dma_start3A_650 = arith.constant 5 : i32
        %dma_start3A_651 = arith.constant 0 : i32
        %dma_start3A_652 = tpu.memref_slice %arg8[%dma_start3A_649, %dma_start3A_651] : memref<8x64xi32, #tpu.memory_space<vmem>> -> memref<1x64xi32, #tpu.memory_space<vmem>>
        %dma_start3A_653 = tpu.memref_squeeze %dma_start3A_652 : memref<1x64xi32, #tpu.memory_space<vmem>> -> memref<64xi32, #tpu.memory_space<vmem>>
        %dma_start3A_654 = tpu.memref_slice %arg4[%add3A_636] : memref<163840xi32, #tpu.memory_space<hbm>> -> memref<64xi32, #tpu.memory_space<hbm>>
        %dma_start3A_655 = tpu.memref_slice %arg11[%dma_start3A_650] : memref<8x!tpu.dma_semaphore, #tpu.memory_space<semaphore_mem>> -> memref<1x!tpu.dma_semaphore, #tpu.memory_space<semaphore_mem>>
        %dma_start3A_656 = tpu.memref_squeeze %dma_start3A_655 : memref<1x!tpu.dma_semaphore, #tpu.memory_space<semaphore_mem>> -> memref<!tpu.dma_semaphore, #tpu.memory_space<semaphore_mem>>
        %dma_start3A_657 = arith.constant 0 : i32
        %dma_start3A_658 = tpu.memref_slice %arg8[%dma_start3A_649, %dma_start3A_657] : memref<8x64xi32, #tpu.memory_space<vmem>> -> memref<1x64xi32, #tpu.memory_space<vmem>>
        %dma_start3A_659 = tpu.memref_squeeze %dma_start3A_658 : memref<1x64xi32, #tpu.memory_space<vmem>> -> memref<64xi32, #tpu.memory_space<vmem>>
        %dma_start3A_660 = tpu.memref_slice %arg4[%add3A_636] : memref<163840xi32, #tpu.memory_space<hbm>> -> memref<64xi32, #tpu.memory_space<hbm>>
        tpu.enqueue_dma source(%dma_start3A_660 : memref<64xi32, #tpu.memory_space<hbm>>) target(%dma_start3A_659 : memref<64xi32, #tpu.memory_space<vmem>>) target_semaphore(%dma_start3A_656 : memref<!tpu.dma_semaphore, #tpu.memory_space<semaphore_mem>>)
      } else {
      }
      %add3A_326 = arith.constant 2 : i32
      %add3A_327 = arith.addi %add3A_227, %add3A_326 : i32
      %dma_wait3A_328 = arith.constant 2 : i32
      %dma_wait3A_329 = arith.constant 2 : i32
      %dma_wait3A_330 = arith.constant 2 : i32
      %dma_wait3A_331 = arith.constant 0 : i32
      %dma_wait3A_332 = arith.constant 0 : i32
      %dma_wait3A_333 = tpu.memref_slice %arg9[%dma_wait3A_329, %dma_wait3A_331, %dma_wait3A_332] : memref<4x64x128xf32, #tpu.memory_space<vmem>> -> memref<1x64x128xf32, #tpu.memory_space<vmem>>
      %dma_wait3A_334 = tpu.memref_squeeze %dma_wait3A_333 : memref<1x64x128xf32, #tpu.memory_space<vmem>> -> memref<64x128xf32, #tpu.memory_space<vmem>>
      %dma_wait3A_335 = arith.constant 0 : i32
      %dma_wait3A_336 = tpu.memref_slice %arg8[%dma_wait3A_328, %dma_wait3A_335] : memref<8x64xi32, #tpu.memory_space<vmem>> -> memref<1x64xi32, #tpu.memory_space<vmem>>
      %dma_wait3A_337 = tpu.memref_squeeze %dma_wait3A_336 : memref<1x64xi32, #tpu.memory_space<vmem>> -> memref<64xi32, #tpu.memory_space<vmem>>
      %dma_wait3A_338 = arith.constant 0 : i32
      %dma_wait3A_339 = arith.constant 0 : i32
      %dma_wait3A_340 = tpu.memref_slice %arg2[%dma_wait3A_338, %dma_wait3A_339] : memref<10000x128xf32, #tpu.memory_space<hbm>> -> memref<10000x128xf32, #tpu.memory_space<hbm>>
      %dma_wait3A_341 = tpu.memref_slice %arg12[%dma_wait3A_330] : memref<4x!tpu.dma_semaphore, #tpu.memory_space<semaphore_mem>> -> memref<1x!tpu.dma_semaphore, #tpu.memory_space<semaphore_mem>>
      %dma_wait3A_342 = tpu.memref_squeeze %dma_wait3A_341 : memref<1x!tpu.dma_semaphore, #tpu.memory_space<semaphore_mem>> -> memref<!tpu.dma_semaphore, #tpu.memory_space<semaphore_mem>>
      tpu.wait_indirect_dma semaphore(%dma_wait3A_342 : memref<!tpu.dma_semaphore, #tpu.memory_space<semaphore_mem>>) src(%dma_wait3A_340 : memref<10000x128xf32, #tpu.memory_space<hbm>>) dst(%dma_wait3A_334 : memref<64x128xf32, #tpu.memory_space<vmem>>)
      %dma_start3A_343 = arith.constant 2 : i32
      %dma_start3A_344 = arith.constant 2 : i32
      %dma_start3A_345 = arith.constant 2 : i32
      %dma_start3A_346 = arith.constant 0 : i32
      %dma_start3A_347 = arith.constant 0 : i32
      %dma_start3A_348 = tpu.memref_slice %arg9[%dma_start3A_343, %dma_start3A_346, %dma_start3A_347] : memref<4x64x128xf32, #tpu.memory_space<vmem>> -> memref<1x64x128xf32, #tpu.memory_space<vmem>>
      %dma_start3A_349 = tpu.memref_squeeze %dma_start3A_348 : memref<1x64x128xf32, #tpu.memory_space<vmem>> -> memref<64x128xf32, #tpu.memory_space<vmem>>
      %dma_start3A_350 = arith.constant 0 : i32
      %dma_start3A_351 = tpu.memref_slice %arg7[%dma_start3A_344, %dma_start3A_350] : memref<8x64xi32, #tpu.memory_space<vmem>> -> memref<1x64xi32, #tpu.memory_space<vmem>>
      %dma_start3A_352 = tpu.memref_squeeze %dma_start3A_351 : memref<1x64xi32, #tpu.memory_space<vmem>> -> memref<64xi32, #tpu.memory_space<vmem>>
      %dma_start3A_353 = arith.constant 0 : i32
      %dma_start3A_354 = arith.constant 0 : i32
      %dma_start3A_355 = tpu.memref_slice %arg10[%dma_start3A_353, %dma_start3A_354] : memref<10112x128xf32, #tpu.memory_space<vmem_shared>> -> memref<10112x128xf32, #tpu.memory_space<vmem_shared>>
      %dma_start3A_356 = tpu.memref_slice %arg13[%dma_start3A_345] : memref<4x!tpu.dma_semaphore, #tpu.memory_space<semaphore_mem>> -> memref<1x!tpu.dma_semaphore, #tpu.memory_space<semaphore_mem>>
      %dma_start3A_357 = tpu.memref_squeeze %dma_start3A_356 : memref<1x!tpu.dma_semaphore, #tpu.memory_space<semaphore_mem>> -> memref<!tpu.dma_semaphore, #tpu.memory_space<semaphore_mem>>
      tpu.enqueue_indirect_dma source(%dma_start3A_349 : memref<64x128xf32, #tpu.memory_space<vmem>>) target(%dma_start3A_355 : memref<10112x128xf32, #tpu.memory_space<vmem_shared>>) offsets(%dma_start3A_352 : memref<64xi32, #tpu.memory_space<vmem>>) semaphore(%dma_start3A_357 : memref<!tpu.dma_semaphore, #tpu.memory_space<semaphore_mem>>) {add = true}
      %ge3A_358 = arith.constant 2 : i32
      %ge3A_359 = arith.cmpi sge, %add3A_327, %ge3A_358 : i32
      %convert_element_type3A_360 = arith.extui %ge3A_359 : i1 to i32
      %cond3A_361 = arith.constant 0 : i32
      %cond3A_362 = arith.cmpi ne, %convert_element_type3A_360, %cond3A_361 : i32
      scf.if %cond3A_362 {
        %dma_wait3A_632 = arith.constant 0 : i32
        %dma_wait3A_633 = arith.constant 4 : i32
        %dma_wait3A_634 = arith.constant 0 : i32
        %dma_wait3A_635 = arith.constant 0 : i32
        %dma_wait3A_636 = arith.constant 0 : i32
        %dma_wait3A_637 = tpu.memref_slice %arg9[%dma_wait3A_632, %dma_wait3A_635, %dma_wait3A_636] : memref<4x64x128xf32, #tpu.memory_space<vmem>> -> memref<1x64x128xf32, #tpu.memory_space<vmem>>
        %dma_wait3A_638 = tpu.memref_squeeze %dma_wait3A_637 : memref<1x64x128xf32, #tpu.memory_space<vmem>> -> memref<64x128xf32, #tpu.memory_space<vmem>>
        %dma_wait3A_639 = arith.constant 0 : i32
        %dma_wait3A_640 = tpu.memref_slice %arg7[%dma_wait3A_633, %dma_wait3A_639] : memref<8x64xi32, #tpu.memory_space<vmem>> -> memref<1x64xi32, #tpu.memory_space<vmem>>
        %dma_wait3A_641 = tpu.memref_squeeze %dma_wait3A_640 : memref<1x64xi32, #tpu.memory_space<vmem>> -> memref<64xi32, #tpu.memory_space<vmem>>
        %dma_wait3A_642 = arith.constant 0 : i32
        %dma_wait3A_643 = arith.constant 0 : i32
        %dma_wait3A_644 = tpu.memref_slice %arg10[%dma_wait3A_642, %dma_wait3A_643] : memref<10112x128xf32, #tpu.memory_space<vmem_shared>> -> memref<10112x128xf32, #tpu.memory_space<vmem_shared>>
        %dma_wait3A_645 = tpu.memref_slice %arg13[%dma_wait3A_634] : memref<4x!tpu.dma_semaphore, #tpu.memory_space<semaphore_mem>> -> memref<1x!tpu.dma_semaphore, #tpu.memory_space<semaphore_mem>>
        %dma_wait3A_646 = tpu.memref_squeeze %dma_wait3A_645 : memref<1x!tpu.dma_semaphore, #tpu.memory_space<semaphore_mem>> -> memref<!tpu.dma_semaphore, #tpu.memory_space<semaphore_mem>>
        tpu.wait_indirect_dma semaphore(%dma_wait3A_646 : memref<!tpu.dma_semaphore, #tpu.memory_space<semaphore_mem>>) src(%dma_wait3A_638 : memref<64x128xf32, #tpu.memory_space<vmem>>) dst(%dma_wait3A_644 : memref<10112x128xf32, #tpu.memory_space<vmem_shared>>)
      } else {
      }
      %add3A_363 = arith.constant 2 : i32
      %add3A_364 = arith.addi %add3A_327, %add3A_363 : i32
      %lt3A_365 = arith.constant 80 : i32
      %lt3A_366 = arith.cmpi slt, %add3A_364, %lt3A_365 : i32
      %convert_element_type3A_367 = arith.extui %lt3A_366 : i1 to i32
      %cond3A_368 = arith.constant 0 : i32
      %cond3A_369 = arith.cmpi ne, %convert_element_type3A_367, %cond3A_368 : i32
      scf.if %cond3A_369 {
        %dma_wait3A_632 = arith.constant 4 : i32
        %dma_wait3A_633 = arith.constant 4 : i32
        %dma_wait3A_634 = arith.constant 0 : i32
        %dma_wait3A_635 = tpu.memref_slice %arg7[%dma_wait3A_632, %dma_wait3A_634] : memref<8x64xi32, #tpu.memory_space<vmem>> -> memref<1x64xi32, #tpu.memory_space<vmem>>
        %dma_wait3A_636 = tpu.memref_squeeze %dma_wait3A_635 : memref<1x64xi32, #tpu.memory_space<vmem>> -> memref<64xi32, #tpu.memory_space<vmem>>
        %dma_wait3A_637 = tpu.memref_slice %arg3[%mul3A_2] : memref<163840xi32, #tpu.memory_space<hbm>> -> memref<64xi32, #tpu.memory_space<hbm>>
        %dma_wait3A_638 = tpu.memref_slice %arg11[%dma_wait3A_633] : memref<8x!tpu.dma_semaphore, #tpu.memory_space<semaphore_mem>> -> memref<1x!tpu.dma_semaphore, #tpu.memory_space<semaphore_mem>>
        %dma_wait3A_639 = tpu.memref_squeeze %dma_wait3A_638 : memref<1x!tpu.dma_semaphore, #tpu.memory_space<semaphore_mem>> -> memref<!tpu.dma_semaphore, #tpu.memory_space<semaphore_mem>>
        %dma_wait3A_640 = arith.constant 0 : i32
        %dma_wait3A_641 = tpu.memref_slice %arg7[%dma_wait3A_632, %dma_wait3A_640] : memref<8x64xi32, #tpu.memory_space<vmem>> -> memref<1x64xi32, #tpu.memory_space<vmem>>
        %dma_wait3A_642 = tpu.memref_squeeze %dma_wait3A_641 : memref<1x64xi32, #tpu.memory_space<vmem>> -> memref<64xi32, #tpu.memory_space<vmem>>
        %dma_wait3A_643 = tpu.memref_slice %arg3[%mul3A_2] : memref<163840xi32, #tpu.memory_space<hbm>> -> memref<64xi32, #tpu.memory_space<hbm>>
        tpu.wait_dma2 semaphore(%dma_wait3A_639 : memref<!tpu.dma_semaphore, #tpu.memory_space<semaphore_mem>>) src(%dma_wait3A_643 : memref<64xi32, #tpu.memory_space<hbm>>) dst(%dma_wait3A_642 : memref<64xi32, #tpu.memory_space<vmem>>)
        %dma_wait3A_644 = arith.constant 4 : i32
        %dma_wait3A_645 = arith.constant 4 : i32
        %dma_wait3A_646 = arith.constant 0 : i32
        %dma_wait3A_647 = tpu.memref_slice %arg8[%dma_wait3A_644, %dma_wait3A_646] : memref<8x64xi32, #tpu.memory_space<vmem>> -> memref<1x64xi32, #tpu.memory_space<vmem>>
        %dma_wait3A_648 = tpu.memref_squeeze %dma_wait3A_647 : memref<1x64xi32, #tpu.memory_space<vmem>> -> memref<64xi32, #tpu.memory_space<vmem>>
        %dma_wait3A_649 = tpu.memref_slice %arg4[%mul3A_2] : memref<163840xi32, #tpu.memory_space<hbm>> -> memref<64xi32, #tpu.memory_space<hbm>>
        %dma_wait3A_650 = tpu.memref_slice %arg11[%dma_wait3A_645] : memref<8x!tpu.dma_semaphore, #tpu.memory_space<semaphore_mem>> -> memref<1x!tpu.dma_semaphore, #tpu.memory_space<semaphore_mem>>
        %dma_wait3A_651 = tpu.memref_squeeze %dma_wait3A_650 : memref<1x!tpu.dma_semaphore, #tpu.memory_space<semaphore_mem>> -> memref<!tpu.dma_semaphore, #tpu.memory_space<semaphore_mem>>
        %dma_wait3A_652 = arith.constant 0 : i32
        %dma_wait3A_653 = tpu.memref_slice %arg8[%dma_wait3A_644, %dma_wait3A_652] : memref<8x64xi32, #tpu.memory_space<vmem>> -> memref<1x64xi32, #tpu.memory_space<vmem>>
        %dma_wait3A_654 = tpu.memref_squeeze %dma_wait3A_653 : memref<1x64xi32, #tpu.memory_space<vmem>> -> memref<64xi32, #tpu.memory_space<vmem>>
        %dma_wait3A_655 = tpu.memref_slice %arg4[%mul3A_2] : memref<163840xi32, #tpu.memory_space<hbm>> -> memref<64xi32, #tpu.memory_space<hbm>>
        tpu.wait_dma2 semaphore(%dma_wait3A_651 : memref<!tpu.dma_semaphore, #tpu.memory_space<semaphore_mem>>) src(%dma_wait3A_655 : memref<64xi32, #tpu.memory_space<hbm>>) dst(%dma_wait3A_654 : memref<64xi32, #tpu.memory_space<vmem>>)
        %dma_start3A_656 = arith.constant 4 : i32
        %dma_start3A_657 = arith.constant 0 : i32
        %dma_start3A_658 = arith.constant 0 : i32
        %dma_start3A_659 = arith.constant 0 : i32
        %dma_start3A_660 = arith.constant 0 : i32
        %dma_start3A_661 = tpu.memref_slice %arg9[%dma_start3A_657, %dma_start3A_659, %dma_start3A_660] : memref<4x64x128xf32, #tpu.memory_space<vmem>> -> memref<1x64x128xf32, #tpu.memory_space<vmem>>
        %dma_start3A_662 = tpu.memref_squeeze %dma_start3A_661 : memref<1x64x128xf32, #tpu.memory_space<vmem>> -> memref<64x128xf32, #tpu.memory_space<vmem>>
        %dma_start3A_663 = arith.constant 0 : i32
        %dma_start3A_664 = tpu.memref_slice %arg8[%dma_start3A_656, %dma_start3A_663] : memref<8x64xi32, #tpu.memory_space<vmem>> -> memref<1x64xi32, #tpu.memory_space<vmem>>
        %dma_start3A_665 = tpu.memref_squeeze %dma_start3A_664 : memref<1x64xi32, #tpu.memory_space<vmem>> -> memref<64xi32, #tpu.memory_space<vmem>>
        %dma_start3A_666 = arith.constant 0 : i32
        %dma_start3A_667 = arith.constant 0 : i32
        %dma_start3A_668 = tpu.memref_slice %arg2[%dma_start3A_666, %dma_start3A_667] : memref<10000x128xf32, #tpu.memory_space<hbm>> -> memref<10000x128xf32, #tpu.memory_space<hbm>>
        %dma_start3A_669 = tpu.memref_slice %arg12[%dma_start3A_658] : memref<4x!tpu.dma_semaphore, #tpu.memory_space<semaphore_mem>> -> memref<1x!tpu.dma_semaphore, #tpu.memory_space<semaphore_mem>>
        %dma_start3A_670 = tpu.memref_squeeze %dma_start3A_669 : memref<1x!tpu.dma_semaphore, #tpu.memory_space<semaphore_mem>> -> memref<!tpu.dma_semaphore, #tpu.memory_space<semaphore_mem>>
        tpu.enqueue_indirect_dma source(%dma_start3A_668 : memref<10000x128xf32, #tpu.memory_space<hbm>>) target(%dma_start3A_662 : memref<64x128xf32, #tpu.memory_space<vmem>>) offsets(%dma_start3A_665 : memref<64xi32, #tpu.memory_space<vmem>>) semaphore(%dma_start3A_670 : memref<!tpu.dma_semaphore, #tpu.memory_space<semaphore_mem>>)
      } else {
      }
      %add3A_370 = arith.constant 4 : i32
      %add3A_371 = arith.addi %add3A_327, %add3A_370 : i32
      %lt3A_372 = arith.constant 80 : i32
      %lt3A_373 = arith.cmpi slt, %add3A_371, %lt3A_372 : i32
      %convert_element_type3A_374 = arith.extui %lt3A_373 : i1 to i32
      %cond3A_375 = arith.constant 0 : i32
      %cond3A_376 = arith.cmpi ne, %convert_element_type3A_374, %cond3A_375 : i32
      scf.if %cond3A_376 {
        %add3A_632 = arith.constant 4 : i32
        %add3A_633 = arith.addi %add3A_327, %add3A_632 : i32
        %mul3A_634 = arith.constant 64 : i32
        %mul3A_635 = arith.muli %add3A_633, %mul3A_634 : i32
        %add3A_636 = arith.addi %mul3A_2, %mul3A_635 : i32
        %dma_start3A_637 = arith.constant 6 : i32
        %dma_start3A_638 = arith.constant 6 : i32
        %dma_start3A_639 = arith.constant 0 : i32
        %dma_start3A_640 = tpu.memref_slice %arg7[%dma_start3A_637, %dma_start3A_639] : memref<8x64xi32, #tpu.memory_space<vmem>> -> memref<1x64xi32, #tpu.memory_space<vmem>>
        %dma_start3A_641 = tpu.memref_squeeze %dma_start3A_640 : memref<1x64xi32, #tpu.memory_space<vmem>> -> memref<64xi32, #tpu.memory_space<vmem>>
        %dma_start3A_642 = tpu.memref_slice %arg3[%add3A_636] : memref<163840xi32, #tpu.memory_space<hbm>> -> memref<64xi32, #tpu.memory_space<hbm>>
        %dma_start3A_643 = tpu.memref_slice %arg11[%dma_start3A_638] : memref<8x!tpu.dma_semaphore, #tpu.memory_space<semaphore_mem>> -> memref<1x!tpu.dma_semaphore, #tpu.memory_space<semaphore_mem>>
        %dma_start3A_644 = tpu.memref_squeeze %dma_start3A_643 : memref<1x!tpu.dma_semaphore, #tpu.memory_space<semaphore_mem>> -> memref<!tpu.dma_semaphore, #tpu.memory_space<semaphore_mem>>
        %dma_start3A_645 = arith.constant 0 : i32
        %dma_start3A_646 = tpu.memref_slice %arg7[%dma_start3A_637, %dma_start3A_645] : memref<8x64xi32, #tpu.memory_space<vmem>> -> memref<1x64xi32, #tpu.memory_space<vmem>>
        %dma_start3A_647 = tpu.memref_squeeze %dma_start3A_646 : memref<1x64xi32, #tpu.memory_space<vmem>> -> memref<64xi32, #tpu.memory_space<vmem>>
        %dma_start3A_648 = tpu.memref_slice %arg3[%add3A_636] : memref<163840xi32, #tpu.memory_space<hbm>> -> memref<64xi32, #tpu.memory_space<hbm>>
        tpu.enqueue_dma source(%dma_start3A_648 : memref<64xi32, #tpu.memory_space<hbm>>) target(%dma_start3A_647 : memref<64xi32, #tpu.memory_space<vmem>>) target_semaphore(%dma_start3A_644 : memref<!tpu.dma_semaphore, #tpu.memory_space<semaphore_mem>>)
        %dma_start3A_649 = arith.constant 6 : i32
        %dma_start3A_650 = arith.constant 6 : i32
        %dma_start3A_651 = arith.constant 0 : i32
        %dma_start3A_652 = tpu.memref_slice %arg8[%dma_start3A_649, %dma_start3A_651] : memref<8x64xi32, #tpu.memory_space<vmem>> -> memref<1x64xi32, #tpu.memory_space<vmem>>
        %dma_start3A_653 = tpu.memref_squeeze %dma_start3A_652 : memref<1x64xi32, #tpu.memory_space<vmem>> -> memref<64xi32, #tpu.memory_space<vmem>>
        %dma_start3A_654 = tpu.memref_slice %arg4[%add3A_636] : memref<163840xi32, #tpu.memory_space<hbm>> -> memref<64xi32, #tpu.memory_space<hbm>>
        %dma_start3A_655 = tpu.memref_slice %arg11[%dma_start3A_650] : memref<8x!tpu.dma_semaphore, #tpu.memory_space<semaphore_mem>> -> memref<1x!tpu.dma_semaphore, #tpu.memory_space<semaphore_mem>>
        %dma_start3A_656 = tpu.memref_squeeze %dma_start3A_655 : memref<1x!tpu.dma_semaphore, #tpu.memory_space<semaphore_mem>> -> memref<!tpu.dma_semaphore, #tpu.memory_space<semaphore_mem>>
        %dma_start3A_657 = arith.constant 0 : i32
        %dma_start3A_658 = tpu.memref_slice %arg8[%dma_start3A_649, %dma_start3A_657] : memref<8x64xi32, #tpu.memory_space<vmem>> -> memref<1x64xi32, #tpu.memory_space<vmem>>
        %dma_start3A_659 = tpu.memref_squeeze %dma_start3A_658 : memref<1x64xi32, #tpu.memory_space<vmem>> -> memref<64xi32, #tpu.memory_space<vmem>>
        %dma_start3A_660 = tpu.memref_slice %arg4[%add3A_636] : memref<163840xi32, #tpu.memory_space<hbm>> -> memref<64xi32, #tpu.memory_space<hbm>>
        tpu.enqueue_dma source(%dma_start3A_660 : memref<64xi32, #tpu.memory_space<hbm>>) target(%dma_start3A_659 : memref<64xi32, #tpu.memory_space<vmem>>) target_semaphore(%dma_start3A_656 : memref<!tpu.dma_semaphore, #tpu.memory_space<semaphore_mem>>)
      } else {
      }
      %add3A_377 = arith.constant 3 : i32
      %add3A_378 = arith.addi %add3A_227, %add3A_377 : i32
      %dma_wait3A_379 = arith.constant 3 : i32
      %dma_wait3A_380 = arith.constant 3 : i32
      %dma_wait3A_381 = arith.constant 3 : i32
      %dma_wait3A_382 = arith.constant 0 : i32
      %dma_wait3A_383 = arith.constant 0 : i32
      %dma_wait3A_384 = tpu.memref_slice %arg9[%dma_wait3A_380, %dma_wait3A_382, %dma_wait3A_383] : memref<4x64x128xf32, #tpu.memory_space<vmem>> -> memref<1x64x128xf32, #tpu.memory_space<vmem>>
      %dma_wait3A_385 = tpu.memref_squeeze %dma_wait3A_384 : memref<1x64x128xf32, #tpu.memory_space<vmem>> -> memref<64x128xf32, #tpu.memory_space<vmem>>
      %dma_wait3A_386 = arith.constant 0 : i32
      %dma_wait3A_387 = tpu.memref_slice %arg8[%dma_wait3A_379, %dma_wait3A_386] : memref<8x64xi32, #tpu.memory_space<vmem>> -> memref<1x64xi32, #tpu.memory_space<vmem>>
      %dma_wait3A_388 = tpu.memref_squeeze %dma_wait3A_387 : memref<1x64xi32, #tpu.memory_space<vmem>> -> memref<64xi32, #tpu.memory_space<vmem>>
      %dma_wait3A_389 = arith.constant 0 : i32
      %dma_wait3A_390 = arith.constant 0 : i32
      %dma_wait3A_391 = tpu.memref_slice %arg2[%dma_wait3A_389, %dma_wait3A_390] : memref<10000x128xf32, #tpu.memory_space<hbm>> -> memref<10000x128xf32, #tpu.memory_space<hbm>>
      %dma_wait3A_392 = tpu.memref_slice %arg12[%dma_wait3A_381] : memref<4x!tpu.dma_semaphore, #tpu.memory_space<semaphore_mem>> -> memref<1x!tpu.dma_semaphore, #tpu.memory_space<semaphore_mem>>
      %dma_wait3A_393 = tpu.memref_squeeze %dma_wait3A_392 : memref<1x!tpu.dma_semaphore, #tpu.memory_space<semaphore_mem>> -> memref<!tpu.dma_semaphore, #tpu.memory_space<semaphore_mem>>
      tpu.wait_indirect_dma semaphore(%dma_wait3A_393 : memref<!tpu.dma_semaphore, #tpu.memory_space<semaphore_mem>>) src(%dma_wait3A_391 : memref<10000x128xf32, #tpu.memory_space<hbm>>) dst(%dma_wait3A_385 : memref<64x128xf32, #tpu.memory_space<vmem>>)
      %dma_start3A_394 = arith.constant 3 : i32
      %dma_start3A_395 = arith.constant 3 : i32
      %dma_start3A_396 = arith.constant 3 : i32
      %dma_start3A_397 = arith.constant 0 : i32
      %dma_start3A_398 = arith.constant 0 : i32
      %dma_start3A_399 = tpu.memref_slice %arg9[%dma_start3A_394, %dma_start3A_397, %dma_start3A_398] : memref<4x64x128xf32, #tpu.memory_space<vmem>> -> memref<1x64x128xf32, #tpu.memory_space<vmem>>
      %dma_start3A_400 = tpu.memref_squeeze %dma_start3A_399 : memref<1x64x128xf32, #tpu.memory_space<vmem>> -> memref<64x128xf32, #tpu.memory_space<vmem>>
      %dma_start3A_401 = arith.constant 0 : i32
      %dma_start3A_402 = tpu.memref_slice %arg7[%dma_start3A_395, %dma_start3A_401] : memref<8x64xi32, #tpu.memory_space<vmem>> -> memref<1x64xi32, #tpu.memory_space<vmem>>
      %dma_start3A_403 = tpu.memref_squeeze %dma_start3A_402 : memref<1x64xi32, #tpu.memory_space<vmem>> -> memref<64xi32, #tpu.memory_space<vmem>>
      %dma_start3A_404 = arith.constant 0 : i32
      %dma_start3A_405 = arith.constant 0 : i32
      %dma_start3A_406 = tpu.memref_slice %arg10[%dma_start3A_404, %dma_start3A_405] : memref<10112x128xf32, #tpu.memory_space<vmem_shared>> -> memref<10112x128xf32, #tpu.memory_space<vmem_shared>>
      %dma_start3A_407 = tpu.memref_slice %arg13[%dma_start3A_396] : memref<4x!tpu.dma_semaphore, #tpu.memory_space<semaphore_mem>> -> memref<1x!tpu.dma_semaphore, #tpu.memory_space<semaphore_mem>>
      %dma_start3A_408 = tpu.memref_squeeze %dma_start3A_407 : memref<1x!tpu.dma_semaphore, #tpu.memory_space<semaphore_mem>> -> memref<!tpu.dma_semaphore, #tpu.memory_space<semaphore_mem>>
      tpu.enqueue_indirect_dma source(%dma_start3A_400 : memref<64x128xf32, #tpu.memory_space<vmem>>) target(%dma_start3A_406 : memref<10112x128xf32, #tpu.memory_space<vmem_shared>>) offsets(%dma_start3A_403 : memref<64xi32, #tpu.memory_space<vmem>>) semaphore(%dma_start3A_408 : memref<!tpu.dma_semaphore, #tpu.memory_space<semaphore_mem>>) {add = true}
      %ge3A_409 = arith.constant 2 : i32
      %ge3A_410 = arith.cmpi sge, %add3A_378, %ge3A_409 : i32
      %convert_element_type3A_411 = arith.extui %ge3A_410 : i1 to i32
      %cond3A_412 = arith.constant 0 : i32
      %cond3A_413 = arith.cmpi ne, %convert_element_type3A_411, %cond3A_412 : i32
      scf.if %cond3A_413 {
        %dma_wait3A_632 = arith.constant 1 : i32
        %dma_wait3A_633 = arith.constant 5 : i32
        %dma_wait3A_634 = arith.constant 1 : i32
        %dma_wait3A_635 = arith.constant 0 : i32
        %dma_wait3A_636 = arith.constant 0 : i32
        %dma_wait3A_637 = tpu.memref_slice %arg9[%dma_wait3A_632, %dma_wait3A_635, %dma_wait3A_636] : memref<4x64x128xf32, #tpu.memory_space<vmem>> -> memref<1x64x128xf32, #tpu.memory_space<vmem>>
        %dma_wait3A_638 = tpu.memref_squeeze %dma_wait3A_637 : memref<1x64x128xf32, #tpu.memory_space<vmem>> -> memref<64x128xf32, #tpu.memory_space<vmem>>
        %dma_wait3A_639 = arith.constant 0 : i32
        %dma_wait3A_640 = tpu.memref_slice %arg7[%dma_wait3A_633, %dma_wait3A_639] : memref<8x64xi32, #tpu.memory_space<vmem>> -> memref<1x64xi32, #tpu.memory_space<vmem>>
        %dma_wait3A_641 = tpu.memref_squeeze %dma_wait3A_640 : memref<1x64xi32, #tpu.memory_space<vmem>> -> memref<64xi32, #tpu.memory_space<vmem>>
        %dma_wait3A_642 = arith.constant 0 : i32
        %dma_wait3A_643 = arith.constant 0 : i32
        %dma_wait3A_644 = tpu.memref_slice %arg10[%dma_wait3A_642, %dma_wait3A_643] : memref<10112x128xf32, #tpu.memory_space<vmem_shared>> -> memref<10112x128xf32, #tpu.memory_space<vmem_shared>>
        %dma_wait3A_645 = tpu.memref_slice %arg13[%dma_wait3A_634] : memref<4x!tpu.dma_semaphore, #tpu.memory_space<semaphore_mem>> -> memref<1x!tpu.dma_semaphore, #tpu.memory_space<semaphore_mem>>
        %dma_wait3A_646 = tpu.memref_squeeze %dma_wait3A_645 : memref<1x!tpu.dma_semaphore, #tpu.memory_space<semaphore_mem>> -> memref<!tpu.dma_semaphore, #tpu.memory_space<semaphore_mem>>
        tpu.wait_indirect_dma semaphore(%dma_wait3A_646 : memref<!tpu.dma_semaphore, #tpu.memory_space<semaphore_mem>>) src(%dma_wait3A_638 : memref<64x128xf32, #tpu.memory_space<vmem>>) dst(%dma_wait3A_644 : memref<10112x128xf32, #tpu.memory_space<vmem_shared>>)
      } else {
      }
      %add3A_414 = arith.constant 2 : i32
      %add3A_415 = arith.addi %add3A_378, %add3A_414 : i32
      %lt3A_416 = arith.constant 80 : i32
      %lt3A_417 = arith.cmpi slt, %add3A_415, %lt3A_416 : i32
      %convert_element_type3A_418 = arith.extui %lt3A_417 : i1 to i32
      %cond3A_419 = arith.constant 0 : i32
      %cond3A_420 = arith.cmpi ne, %convert_element_type3A_418, %cond3A_419 : i32
      scf.if %cond3A_420 {
        %dma_wait3A_632 = arith.constant 5 : i32
        %dma_wait3A_633 = arith.constant 5 : i32
        %dma_wait3A_634 = arith.constant 0 : i32
        %dma_wait3A_635 = tpu.memref_slice %arg7[%dma_wait3A_632, %dma_wait3A_634] : memref<8x64xi32, #tpu.memory_space<vmem>> -> memref<1x64xi32, #tpu.memory_space<vmem>>
        %dma_wait3A_636 = tpu.memref_squeeze %dma_wait3A_635 : memref<1x64xi32, #tpu.memory_space<vmem>> -> memref<64xi32, #tpu.memory_space<vmem>>
        %dma_wait3A_637 = tpu.memref_slice %arg3[%mul3A_2] : memref<163840xi32, #tpu.memory_space<hbm>> -> memref<64xi32, #tpu.memory_space<hbm>>
        %dma_wait3A_638 = tpu.memref_slice %arg11[%dma_wait3A_633] : memref<8x!tpu.dma_semaphore, #tpu.memory_space<semaphore_mem>> -> memref<1x!tpu.dma_semaphore, #tpu.memory_space<semaphore_mem>>
        %dma_wait3A_639 = tpu.memref_squeeze %dma_wait3A_638 : memref<1x!tpu.dma_semaphore, #tpu.memory_space<semaphore_mem>> -> memref<!tpu.dma_semaphore, #tpu.memory_space<semaphore_mem>>
        %dma_wait3A_640 = arith.constant 0 : i32
        %dma_wait3A_641 = tpu.memref_slice %arg7[%dma_wait3A_632, %dma_wait3A_640] : memref<8x64xi32, #tpu.memory_space<vmem>> -> memref<1x64xi32, #tpu.memory_space<vmem>>
        %dma_wait3A_642 = tpu.memref_squeeze %dma_wait3A_641 : memref<1x64xi32, #tpu.memory_space<vmem>> -> memref<64xi32, #tpu.memory_space<vmem>>
        %dma_wait3A_643 = tpu.memref_slice %arg3[%mul3A_2] : memref<163840xi32, #tpu.memory_space<hbm>> -> memref<64xi32, #tpu.memory_space<hbm>>
        tpu.wait_dma2 semaphore(%dma_wait3A_639 : memref<!tpu.dma_semaphore, #tpu.memory_space<semaphore_mem>>) src(%dma_wait3A_643 : memref<64xi32, #tpu.memory_space<hbm>>) dst(%dma_wait3A_642 : memref<64xi32, #tpu.memory_space<vmem>>)
        %dma_wait3A_644 = arith.constant 5 : i32
        %dma_wait3A_645 = arith.constant 5 : i32
        %dma_wait3A_646 = arith.constant 0 : i32
        %dma_wait3A_647 = tpu.memref_slice %arg8[%dma_wait3A_644, %dma_wait3A_646] : memref<8x64xi32, #tpu.memory_space<vmem>> -> memref<1x64xi32, #tpu.memory_space<vmem>>
        %dma_wait3A_648 = tpu.memref_squeeze %dma_wait3A_647 : memref<1x64xi32, #tpu.memory_space<vmem>> -> memref<64xi32, #tpu.memory_space<vmem>>
        %dma_wait3A_649 = tpu.memref_slice %arg4[%mul3A_2] : memref<163840xi32, #tpu.memory_space<hbm>> -> memref<64xi32, #tpu.memory_space<hbm>>
        %dma_wait3A_650 = tpu.memref_slice %arg11[%dma_wait3A_645] : memref<8x!tpu.dma_semaphore, #tpu.memory_space<semaphore_mem>> -> memref<1x!tpu.dma_semaphore, #tpu.memory_space<semaphore_mem>>
        %dma_wait3A_651 = tpu.memref_squeeze %dma_wait3A_650 : memref<1x!tpu.dma_semaphore, #tpu.memory_space<semaphore_mem>> -> memref<!tpu.dma_semaphore, #tpu.memory_space<semaphore_mem>>
        %dma_wait3A_652 = arith.constant 0 : i32
        %dma_wait3A_653 = tpu.memref_slice %arg8[%dma_wait3A_644, %dma_wait3A_652] : memref<8x64xi32, #tpu.memory_space<vmem>> -> memref<1x64xi32, #tpu.memory_space<vmem>>
        %dma_wait3A_654 = tpu.memref_squeeze %dma_wait3A_653 : memref<1x64xi32, #tpu.memory_space<vmem>> -> memref<64xi32, #tpu.memory_space<vmem>>
        %dma_wait3A_655 = tpu.memref_slice %arg4[%mul3A_2] : memref<163840xi32, #tpu.memory_space<hbm>> -> memref<64xi32, #tpu.memory_space<hbm>>
        tpu.wait_dma2 semaphore(%dma_wait3A_651 : memref<!tpu.dma_semaphore, #tpu.memory_space<semaphore_mem>>) src(%dma_wait3A_655 : memref<64xi32, #tpu.memory_space<hbm>>) dst(%dma_wait3A_654 : memref<64xi32, #tpu.memory_space<vmem>>)
        %dma_start3A_656 = arith.constant 5 : i32
        %dma_start3A_657 = arith.constant 1 : i32
        %dma_start3A_658 = arith.constant 1 : i32
        %dma_start3A_659 = arith.constant 0 : i32
        %dma_start3A_660 = arith.constant 0 : i32
        %dma_start3A_661 = tpu.memref_slice %arg9[%dma_start3A_657, %dma_start3A_659, %dma_start3A_660] : memref<4x64x128xf32, #tpu.memory_space<vmem>> -> memref<1x64x128xf32, #tpu.memory_space<vmem>>
        %dma_start3A_662 = tpu.memref_squeeze %dma_start3A_661 : memref<1x64x128xf32, #tpu.memory_space<vmem>> -> memref<64x128xf32, #tpu.memory_space<vmem>>
        %dma_start3A_663 = arith.constant 0 : i32
        %dma_start3A_664 = tpu.memref_slice %arg8[%dma_start3A_656, %dma_start3A_663] : memref<8x64xi32, #tpu.memory_space<vmem>> -> memref<1x64xi32, #tpu.memory_space<vmem>>
        %dma_start3A_665 = tpu.memref_squeeze %dma_start3A_664 : memref<1x64xi32, #tpu.memory_space<vmem>> -> memref<64xi32, #tpu.memory_space<vmem>>
        %dma_start3A_666 = arith.constant 0 : i32
        %dma_start3A_667 = arith.constant 0 : i32
        %dma_start3A_668 = tpu.memref_slice %arg2[%dma_start3A_666, %dma_start3A_667] : memref<10000x128xf32, #tpu.memory_space<hbm>> -> memref<10000x128xf32, #tpu.memory_space<hbm>>
        %dma_start3A_669 = tpu.memref_slice %arg12[%dma_start3A_658] : memref<4x!tpu.dma_semaphore, #tpu.memory_space<semaphore_mem>> -> memref<1x!tpu.dma_semaphore, #tpu.memory_space<semaphore_mem>>
        %dma_start3A_670 = tpu.memref_squeeze %dma_start3A_669 : memref<1x!tpu.dma_semaphore, #tpu.memory_space<semaphore_mem>> -> memref<!tpu.dma_semaphore, #tpu.memory_space<semaphore_mem>>
        tpu.enqueue_indirect_dma source(%dma_start3A_668 : memref<10000x128xf32, #tpu.memory_space<hbm>>) target(%dma_start3A_662 : memref<64x128xf32, #tpu.memory_space<vmem>>) offsets(%dma_start3A_665 : memref<64xi32, #tpu.memory_space<vmem>>) semaphore(%dma_start3A_670 : memref<!tpu.dma_semaphore, #tpu.memory_space<semaphore_mem>>)
      } else {
      }
      %add3A_421 = arith.constant 4 : i32
      %add3A_422 = arith.addi %add3A_378, %add3A_421 : i32
      %lt3A_423 = arith.constant 80 : i32
      %lt3A_424 = arith.cmpi slt, %add3A_422, %lt3A_423 : i32
      %convert_element_type3A_425 = arith.extui %lt3A_424 : i1 to i32
      %cond3A_426 = arith.constant 0 : i32
      %cond3A_427 = arith.cmpi ne, %convert_element_type3A_425, %cond3A_426 : i32
      scf.if %cond3A_427 {
        %add3A_632 = arith.constant 4 : i32
        %add3A_633 = arith.addi %add3A_378, %add3A_632 : i32
        %mul3A_634 = arith.constant 64 : i32
        %mul3A_635 = arith.muli %add3A_633, %mul3A_634 : i32
        %add3A_636 = arith.addi %mul3A_2, %mul3A_635 : i32
        %dma_start3A_637 = arith.constant 7 : i32
        %dma_start3A_638 = arith.constant 7 : i32
        %dma_start3A_639 = arith.constant 0 : i32
        %dma_start3A_640 = tpu.memref_slice %arg7[%dma_start3A_637, %dma_start3A_639] : memref<8x64xi32, #tpu.memory_space<vmem>> -> memref<1x64xi32, #tpu.memory_space<vmem>>
        %dma_start3A_641 = tpu.memref_squeeze %dma_start3A_640 : memref<1x64xi32, #tpu.memory_space<vmem>> -> memref<64xi32, #tpu.memory_space<vmem>>
        %dma_start3A_642 = tpu.memref_slice %arg3[%add3A_636] : memref<163840xi32, #tpu.memory_space<hbm>> -> memref<64xi32, #tpu.memory_space<hbm>>
        %dma_start3A_643 = tpu.memref_slice %arg11[%dma_start3A_638] : memref<8x!tpu.dma_semaphore, #tpu.memory_space<semaphore_mem>> -> memref<1x!tpu.dma_semaphore, #tpu.memory_space<semaphore_mem>>
        %dma_start3A_644 = tpu.memref_squeeze %dma_start3A_643 : memref<1x!tpu.dma_semaphore, #tpu.memory_space<semaphore_mem>> -> memref<!tpu.dma_semaphore, #tpu.memory_space<semaphore_mem>>
        %dma_start3A_645 = arith.constant 0 : i32
        %dma_start3A_646 = tpu.memref_slice %arg7[%dma_start3A_637, %dma_start3A_645] : memref<8x64xi32, #tpu.memory_space<vmem>> -> memref<1x64xi32, #tpu.memory_space<vmem>>
        %dma_start3A_647 = tpu.memref_squeeze %dma_start3A_646 : memref<1x64xi32, #tpu.memory_space<vmem>> -> memref<64xi32, #tpu.memory_space<vmem>>
        %dma_start3A_648 = tpu.memref_slice %arg3[%add3A_636] : memref<163840xi32, #tpu.memory_space<hbm>> -> memref<64xi32, #tpu.memory_space<hbm>>
        tpu.enqueue_dma source(%dma_start3A_648 : memref<64xi32, #tpu.memory_space<hbm>>) target(%dma_start3A_647 : memref<64xi32, #tpu.memory_space<vmem>>) target_semaphore(%dma_start3A_644 : memref<!tpu.dma_semaphore, #tpu.memory_space<semaphore_mem>>)
        %dma_start3A_649 = arith.constant 7 : i32
        %dma_start3A_650 = arith.constant 7 : i32
        %dma_start3A_651 = arith.constant 0 : i32
        %dma_start3A_652 = tpu.memref_slice %arg8[%dma_start3A_649, %dma_start3A_651] : memref<8x64xi32, #tpu.memory_space<vmem>> -> memref<1x64xi32, #tpu.memory_space<vmem>>
        %dma_start3A_653 = tpu.memref_squeeze %dma_start3A_652 : memref<1x64xi32, #tpu.memory_space<vmem>> -> memref<64xi32, #tpu.memory_space<vmem>>
        %dma_start3A_654 = tpu.memref_slice %arg4[%add3A_636] : memref<163840xi32, #tpu.memory_space<hbm>> -> memref<64xi32, #tpu.memory_space<hbm>>
        %dma_start3A_655 = tpu.memref_slice %arg11[%dma_start3A_650] : memref<8x!tpu.dma_semaphore, #tpu.memory_space<semaphore_mem>> -> memref<1x!tpu.dma_semaphore, #tpu.memory_space<semaphore_mem>>
        %dma_start3A_656 = tpu.memref_squeeze %dma_start3A_655 : memref<1x!tpu.dma_semaphore, #tpu.memory_space<semaphore_mem>> -> memref<!tpu.dma_semaphore, #tpu.memory_space<semaphore_mem>>
        %dma_start3A_657 = arith.constant 0 : i32
        %dma_start3A_658 = tpu.memref_slice %arg8[%dma_start3A_649, %dma_start3A_657] : memref<8x64xi32, #tpu.memory_space<vmem>> -> memref<1x64xi32, #tpu.memory_space<vmem>>
        %dma_start3A_659 = tpu.memref_squeeze %dma_start3A_658 : memref<1x64xi32, #tpu.memory_space<vmem>> -> memref<64xi32, #tpu.memory_space<vmem>>
        %dma_start3A_660 = tpu.memref_slice %arg4[%add3A_636] : memref<163840xi32, #tpu.memory_space<hbm>> -> memref<64xi32, #tpu.memory_space<hbm>>
        tpu.enqueue_dma source(%dma_start3A_660 : memref<64xi32, #tpu.memory_space<hbm>>) target(%dma_start3A_659 : memref<64xi32, #tpu.memory_space<vmem>>) target_semaphore(%dma_start3A_656 : memref<!tpu.dma_semaphore, #tpu.memory_space<semaphore_mem>>)
      } else {
      }
      %add3A_428 = arith.constant 4 : i32
      %add3A_429 = arith.addi %add3A_227, %add3A_428 : i32
      %dma_wait3A_430 = arith.constant 4 : i32
      %dma_wait3A_431 = arith.constant 0 : i32
      %dma_wait3A_432 = arith.constant 0 : i32
      %dma_wait3A_433 = arith.constant 0 : i32
      %dma_wait3A_434 = arith.constant 0 : i32
      %dma_wait3A_435 = tpu.memref_slice %arg9[%dma_wait3A_431, %dma_wait3A_433, %dma_wait3A_434] : memref<4x64x128xf32, #tpu.memory_space<vmem>> -> memref<1x64x128xf32, #tpu.memory_space<vmem>>
      %dma_wait3A_436 = tpu.memref_squeeze %dma_wait3A_435 : memref<1x64x128xf32, #tpu.memory_space<vmem>> -> memref<64x128xf32, #tpu.memory_space<vmem>>
      %dma_wait3A_437 = arith.constant 0 : i32
      %dma_wait3A_438 = tpu.memref_slice %arg8[%dma_wait3A_430, %dma_wait3A_437] : memref<8x64xi32, #tpu.memory_space<vmem>> -> memref<1x64xi32, #tpu.memory_space<vmem>>
      %dma_wait3A_439 = tpu.memref_squeeze %dma_wait3A_438 : memref<1x64xi32, #tpu.memory_space<vmem>> -> memref<64xi32, #tpu.memory_space<vmem>>
      %dma_wait3A_440 = arith.constant 0 : i32
      %dma_wait3A_441 = arith.constant 0 : i32
      %dma_wait3A_442 = tpu.memref_slice %arg2[%dma_wait3A_440, %dma_wait3A_441] : memref<10000x128xf32, #tpu.memory_space<hbm>> -> memref<10000x128xf32, #tpu.memory_space<hbm>>
      %dma_wait3A_443 = tpu.memref_slice %arg12[%dma_wait3A_432] : memref<4x!tpu.dma_semaphore, #tpu.memory_space<semaphore_mem>> -> memref<1x!tpu.dma_semaphore, #tpu.memory_space<semaphore_mem>>
      %dma_wait3A_444 = tpu.memref_squeeze %dma_wait3A_443 : memref<1x!tpu.dma_semaphore, #tpu.memory_space<semaphore_mem>> -> memref<!tpu.dma_semaphore, #tpu.memory_space<semaphore_mem>>
      tpu.wait_indirect_dma semaphore(%dma_wait3A_444 : memref<!tpu.dma_semaphore, #tpu.memory_space<semaphore_mem>>) src(%dma_wait3A_442 : memref<10000x128xf32, #tpu.memory_space<hbm>>) dst(%dma_wait3A_436 : memref<64x128xf32, #tpu.memory_space<vmem>>)
      %dma_start3A_445 = arith.constant 0 : i32
      %dma_start3A_446 = arith.constant 4 : i32
      %dma_start3A_447 = arith.constant 0 : i32
      %dma_start3A_448 = arith.constant 0 : i32
      %dma_start3A_449 = arith.constant 0 : i32
      %dma_start3A_450 = tpu.memref_slice %arg9[%dma_start3A_445, %dma_start3A_448, %dma_start3A_449] : memref<4x64x128xf32, #tpu.memory_space<vmem>> -> memref<1x64x128xf32, #tpu.memory_space<vmem>>
      %dma_start3A_451 = tpu.memref_squeeze %dma_start3A_450 : memref<1x64x128xf32, #tpu.memory_space<vmem>> -> memref<64x128xf32, #tpu.memory_space<vmem>>
      %dma_start3A_452 = arith.constant 0 : i32
      %dma_start3A_453 = tpu.memref_slice %arg7[%dma_start3A_446, %dma_start3A_452] : memref<8x64xi32, #tpu.memory_space<vmem>> -> memref<1x64xi32, #tpu.memory_space<vmem>>
      %dma_start3A_454 = tpu.memref_squeeze %dma_start3A_453 : memref<1x64xi32, #tpu.memory_space<vmem>> -> memref<64xi32, #tpu.memory_space<vmem>>
      %dma_start3A_455 = arith.constant 0 : i32
      %dma_start3A_456 = arith.constant 0 : i32
      %dma_start3A_457 = tpu.memref_slice %arg10[%dma_start3A_455, %dma_start3A_456] : memref<10112x128xf32, #tpu.memory_space<vmem_shared>> -> memref<10112x128xf32, #tpu.memory_space<vmem_shared>>
      %dma_start3A_458 = tpu.memref_slice %arg13[%dma_start3A_447] : memref<4x!tpu.dma_semaphore, #tpu.memory_space<semaphore_mem>> -> memref<1x!tpu.dma_semaphore, #tpu.memory_space<semaphore_mem>>
      %dma_start3A_459 = tpu.memref_squeeze %dma_start3A_458 : memref<1x!tpu.dma_semaphore, #tpu.memory_space<semaphore_mem>> -> memref<!tpu.dma_semaphore, #tpu.memory_space<semaphore_mem>>
      tpu.enqueue_indirect_dma source(%dma_start3A_451 : memref<64x128xf32, #tpu.memory_space<vmem>>) target(%dma_start3A_457 : memref<10112x128xf32, #tpu.memory_space<vmem_shared>>) offsets(%dma_start3A_454 : memref<64xi32, #tpu.memory_space<vmem>>) semaphore(%dma_start3A_459 : memref<!tpu.dma_semaphore, #tpu.memory_space<semaphore_mem>>) {add = true}
      %ge3A_460 = arith.constant 2 : i32
      %ge3A_461 = arith.cmpi sge, %add3A_429, %ge3A_460 : i32
      %convert_element_type3A_462 = arith.extui %ge3A_461 : i1 to i32
      %cond3A_463 = arith.constant 0 : i32
      %cond3A_464 = arith.cmpi ne, %convert_element_type3A_462, %cond3A_463 : i32
      scf.if %cond3A_464 {
        %dma_wait3A_632 = arith.constant 2 : i32
        %dma_wait3A_633 = arith.constant 6 : i32
        %dma_wait3A_634 = arith.constant 2 : i32
        %dma_wait3A_635 = arith.constant 0 : i32
        %dma_wait3A_636 = arith.constant 0 : i32
        %dma_wait3A_637 = tpu.memref_slice %arg9[%dma_wait3A_632, %dma_wait3A_635, %dma_wait3A_636] : memref<4x64x128xf32, #tpu.memory_space<vmem>> -> memref<1x64x128xf32, #tpu.memory_space<vmem>>
        %dma_wait3A_638 = tpu.memref_squeeze %dma_wait3A_637 : memref<1x64x128xf32, #tpu.memory_space<vmem>> -> memref<64x128xf32, #tpu.memory_space<vmem>>
        %dma_wait3A_639 = arith.constant 0 : i32
        %dma_wait3A_640 = tpu.memref_slice %arg7[%dma_wait3A_633, %dma_wait3A_639] : memref<8x64xi32, #tpu.memory_space<vmem>> -> memref<1x64xi32, #tpu.memory_space<vmem>>
        %dma_wait3A_641 = tpu.memref_squeeze %dma_wait3A_640 : memref<1x64xi32, #tpu.memory_space<vmem>> -> memref<64xi32, #tpu.memory_space<vmem>>
        %dma_wait3A_642 = arith.constant 0 : i32
        %dma_wait3A_643 = arith.constant 0 : i32
        %dma_wait3A_644 = tpu.memref_slice %arg10[%dma_wait3A_642, %dma_wait3A_643] : memref<10112x128xf32, #tpu.memory_space<vmem_shared>> -> memref<10112x128xf32, #tpu.memory_space<vmem_shared>>
        %dma_wait3A_645 = tpu.memref_slice %arg13[%dma_wait3A_634] : memref<4x!tpu.dma_semaphore, #tpu.memory_space<semaphore_mem>> -> memref<1x!tpu.dma_semaphore, #tpu.memory_space<semaphore_mem>>
        %dma_wait3A_646 = tpu.memref_squeeze %dma_wait3A_645 : memref<1x!tpu.dma_semaphore, #tpu.memory_space<semaphore_mem>> -> memref<!tpu.dma_semaphore, #tpu.memory_space<semaphore_mem>>
        tpu.wait_indirect_dma semaphore(%dma_wait3A_646 : memref<!tpu.dma_semaphore, #tpu.memory_space<semaphore_mem>>) src(%dma_wait3A_638 : memref<64x128xf32, #tpu.memory_space<vmem>>) dst(%dma_wait3A_644 : memref<10112x128xf32, #tpu.memory_space<vmem_shared>>)
      } else {
      }
      %add3A_465 = arith.constant 2 : i32
      %add3A_466 = arith.addi %add3A_429, %add3A_465 : i32
      %lt3A_467 = arith.constant 80 : i32
      %lt3A_468 = arith.cmpi slt, %add3A_466, %lt3A_467 : i32
      %convert_element_type3A_469 = arith.extui %lt3A_468 : i1 to i32
      %cond3A_470 = arith.constant 0 : i32
      %cond3A_471 = arith.cmpi ne, %convert_element_type3A_469, %cond3A_470 : i32
      scf.if %cond3A_471 {
        %dma_wait3A_632 = arith.constant 6 : i32
        %dma_wait3A_633 = arith.constant 6 : i32
        %dma_wait3A_634 = arith.constant 0 : i32
        %dma_wait3A_635 = tpu.memref_slice %arg7[%dma_wait3A_632, %dma_wait3A_634] : memref<8x64xi32, #tpu.memory_space<vmem>> -> memref<1x64xi32, #tpu.memory_space<vmem>>
        %dma_wait3A_636 = tpu.memref_squeeze %dma_wait3A_635 : memref<1x64xi32, #tpu.memory_space<vmem>> -> memref<64xi32, #tpu.memory_space<vmem>>
        %dma_wait3A_637 = tpu.memref_slice %arg3[%mul3A_2] : memref<163840xi32, #tpu.memory_space<hbm>> -> memref<64xi32, #tpu.memory_space<hbm>>
        %dma_wait3A_638 = tpu.memref_slice %arg11[%dma_wait3A_633] : memref<8x!tpu.dma_semaphore, #tpu.memory_space<semaphore_mem>> -> memref<1x!tpu.dma_semaphore, #tpu.memory_space<semaphore_mem>>
        %dma_wait3A_639 = tpu.memref_squeeze %dma_wait3A_638 : memref<1x!tpu.dma_semaphore, #tpu.memory_space<semaphore_mem>> -> memref<!tpu.dma_semaphore, #tpu.memory_space<semaphore_mem>>
        %dma_wait3A_640 = arith.constant 0 : i32
        %dma_wait3A_641 = tpu.memref_slice %arg7[%dma_wait3A_632, %dma_wait3A_640] : memref<8x64xi32, #tpu.memory_space<vmem>> -> memref<1x64xi32, #tpu.memory_space<vmem>>
        %dma_wait3A_642 = tpu.memref_squeeze %dma_wait3A_641 : memref<1x64xi32, #tpu.memory_space<vmem>> -> memref<64xi32, #tpu.memory_space<vmem>>
        %dma_wait3A_643 = tpu.memref_slice %arg3[%mul3A_2] : memref<163840xi32, #tpu.memory_space<hbm>> -> memref<64xi32, #tpu.memory_space<hbm>>
        tpu.wait_dma2 semaphore(%dma_wait3A_639 : memref<!tpu.dma_semaphore, #tpu.memory_space<semaphore_mem>>) src(%dma_wait3A_643 : memref<64xi32, #tpu.memory_space<hbm>>) dst(%dma_wait3A_642 : memref<64xi32, #tpu.memory_space<vmem>>)
        %dma_wait3A_644 = arith.constant 6 : i32
        %dma_wait3A_645 = arith.constant 6 : i32
        %dma_wait3A_646 = arith.constant 0 : i32
        %dma_wait3A_647 = tpu.memref_slice %arg8[%dma_wait3A_644, %dma_wait3A_646] : memref<8x64xi32, #tpu.memory_space<vmem>> -> memref<1x64xi32, #tpu.memory_space<vmem>>
        %dma_wait3A_648 = tpu.memref_squeeze %dma_wait3A_647 : memref<1x64xi32, #tpu.memory_space<vmem>> -> memref<64xi32, #tpu.memory_space<vmem>>
        %dma_wait3A_649 = tpu.memref_slice %arg4[%mul3A_2] : memref<163840xi32, #tpu.memory_space<hbm>> -> memref<64xi32, #tpu.memory_space<hbm>>
        %dma_wait3A_650 = tpu.memref_slice %arg11[%dma_wait3A_645] : memref<8x!tpu.dma_semaphore, #tpu.memory_space<semaphore_mem>> -> memref<1x!tpu.dma_semaphore, #tpu.memory_space<semaphore_mem>>
        %dma_wait3A_651 = tpu.memref_squeeze %dma_wait3A_650 : memref<1x!tpu.dma_semaphore, #tpu.memory_space<semaphore_mem>> -> memref<!tpu.dma_semaphore, #tpu.memory_space<semaphore_mem>>
        %dma_wait3A_652 = arith.constant 0 : i32
        %dma_wait3A_653 = tpu.memref_slice %arg8[%dma_wait3A_644, %dma_wait3A_652] : memref<8x64xi32, #tpu.memory_space<vmem>> -> memref<1x64xi32, #tpu.memory_space<vmem>>
        %dma_wait3A_654 = tpu.memref_squeeze %dma_wait3A_653 : memref<1x64xi32, #tpu.memory_space<vmem>> -> memref<64xi32, #tpu.memory_space<vmem>>
        %dma_wait3A_655 = tpu.memref_slice %arg4[%mul3A_2] : memref<163840xi32, #tpu.memory_space<hbm>> -> memref<64xi32, #tpu.memory_space<hbm>>
        tpu.wait_dma2 semaphore(%dma_wait3A_651 : memref<!tpu.dma_semaphore, #tpu.memory_space<semaphore_mem>>) src(%dma_wait3A_655 : memref<64xi32, #tpu.memory_space<hbm>>) dst(%dma_wait3A_654 : memref<64xi32, #tpu.memory_space<vmem>>)
        %dma_start3A_656 = arith.constant 6 : i32
        %dma_start3A_657 = arith.constant 2 : i32
        %dma_start3A_658 = arith.constant 2 : i32
        %dma_start3A_659 = arith.constant 0 : i32
        %dma_start3A_660 = arith.constant 0 : i32
        %dma_start3A_661 = tpu.memref_slice %arg9[%dma_start3A_657, %dma_start3A_659, %dma_start3A_660] : memref<4x64x128xf32, #tpu.memory_space<vmem>> -> memref<1x64x128xf32, #tpu.memory_space<vmem>>
        %dma_start3A_662 = tpu.memref_squeeze %dma_start3A_661 : memref<1x64x128xf32, #tpu.memory_space<vmem>> -> memref<64x128xf32, #tpu.memory_space<vmem>>
        %dma_start3A_663 = arith.constant 0 : i32
        %dma_start3A_664 = tpu.memref_slice %arg8[%dma_start3A_656, %dma_start3A_663] : memref<8x64xi32, #tpu.memory_space<vmem>> -> memref<1x64xi32, #tpu.memory_space<vmem>>
        %dma_start3A_665 = tpu.memref_squeeze %dma_start3A_664 : memref<1x64xi32, #tpu.memory_space<vmem>> -> memref<64xi32, #tpu.memory_space<vmem>>
        %dma_start3A_666 = arith.constant 0 : i32
        %dma_start3A_667 = arith.constant 0 : i32
        %dma_start3A_668 = tpu.memref_slice %arg2[%dma_start3A_666, %dma_start3A_667] : memref<10000x128xf32, #tpu.memory_space<hbm>> -> memref<10000x128xf32, #tpu.memory_space<hbm>>
        %dma_start3A_669 = tpu.memref_slice %arg12[%dma_start3A_658] : memref<4x!tpu.dma_semaphore, #tpu.memory_space<semaphore_mem>> -> memref<1x!tpu.dma_semaphore, #tpu.memory_space<semaphore_mem>>
        %dma_start3A_670 = tpu.memref_squeeze %dma_start3A_669 : memref<1x!tpu.dma_semaphore, #tpu.memory_space<semaphore_mem>> -> memref<!tpu.dma_semaphore, #tpu.memory_space<semaphore_mem>>
        tpu.enqueue_indirect_dma source(%dma_start3A_668 : memref<10000x128xf32, #tpu.memory_space<hbm>>) target(%dma_start3A_662 : memref<64x128xf32, #tpu.memory_space<vmem>>) offsets(%dma_start3A_665 : memref<64xi32, #tpu.memory_space<vmem>>) semaphore(%dma_start3A_670 : memref<!tpu.dma_semaphore, #tpu.memory_space<semaphore_mem>>)
      } else {
      }
      %add3A_472 = arith.constant 4 : i32
      %add3A_473 = arith.addi %add3A_429, %add3A_472 : i32
      %lt3A_474 = arith.constant 80 : i32
      %lt3A_475 = arith.cmpi slt, %add3A_473, %lt3A_474 : i32
      %convert_element_type3A_476 = arith.extui %lt3A_475 : i1 to i32
      %cond3A_477 = arith.constant 0 : i32
      %cond3A_478 = arith.cmpi ne, %convert_element_type3A_476, %cond3A_477 : i32
      scf.if %cond3A_478 {
        %add3A_632 = arith.constant 4 : i32
        %add3A_633 = arith.addi %add3A_429, %add3A_632 : i32
        %mul3A_634 = arith.constant 64 : i32
        %mul3A_635 = arith.muli %add3A_633, %mul3A_634 : i32
        %add3A_636 = arith.addi %mul3A_2, %mul3A_635 : i32
        %dma_start3A_637 = arith.constant 0 : i32
        %dma_start3A_638 = arith.constant 0 : i32
        %dma_start3A_639 = arith.constant 0 : i32
        %dma_start3A_640 = tpu.memref_slice %arg7[%dma_start3A_637, %dma_start3A_639] : memref<8x64xi32, #tpu.memory_space<vmem>> -> memref<1x64xi32, #tpu.memory_space<vmem>>
        %dma_start3A_641 = tpu.memref_squeeze %dma_start3A_640 : memref<1x64xi32, #tpu.memory_space<vmem>> -> memref<64xi32, #tpu.memory_space<vmem>>
        %dma_start3A_642 = tpu.memref_slice %arg3[%add3A_636] : memref<163840xi32, #tpu.memory_space<hbm>> -> memref<64xi32, #tpu.memory_space<hbm>>
        %dma_start3A_643 = tpu.memref_slice %arg11[%dma_start3A_638] : memref<8x!tpu.dma_semaphore, #tpu.memory_space<semaphore_mem>> -> memref<1x!tpu.dma_semaphore, #tpu.memory_space<semaphore_mem>>
        %dma_start3A_644 = tpu.memref_squeeze %dma_start3A_643 : memref<1x!tpu.dma_semaphore, #tpu.memory_space<semaphore_mem>> -> memref<!tpu.dma_semaphore, #tpu.memory_space<semaphore_mem>>
        %dma_start3A_645 = arith.constant 0 : i32
        %dma_start3A_646 = tpu.memref_slice %arg7[%dma_start3A_637, %dma_start3A_645] : memref<8x64xi32, #tpu.memory_space<vmem>> -> memref<1x64xi32, #tpu.memory_space<vmem>>
        %dma_start3A_647 = tpu.memref_squeeze %dma_start3A_646 : memref<1x64xi32, #tpu.memory_space<vmem>> -> memref<64xi32, #tpu.memory_space<vmem>>
        %dma_start3A_648 = tpu.memref_slice %arg3[%add3A_636] : memref<163840xi32, #tpu.memory_space<hbm>> -> memref<64xi32, #tpu.memory_space<hbm>>
        tpu.enqueue_dma source(%dma_start3A_648 : memref<64xi32, #tpu.memory_space<hbm>>) target(%dma_start3A_647 : memref<64xi32, #tpu.memory_space<vmem>>) target_semaphore(%dma_start3A_644 : memref<!tpu.dma_semaphore, #tpu.memory_space<semaphore_mem>>)
        %dma_start3A_649 = arith.constant 0 : i32
        %dma_start3A_650 = arith.constant 0 : i32
        %dma_start3A_651 = arith.constant 0 : i32
        %dma_start3A_652 = tpu.memref_slice %arg8[%dma_start3A_649, %dma_start3A_651] : memref<8x64xi32, #tpu.memory_space<vmem>> -> memref<1x64xi32, #tpu.memory_space<vmem>>
        %dma_start3A_653 = tpu.memref_squeeze %dma_start3A_652 : memref<1x64xi32, #tpu.memory_space<vmem>> -> memref<64xi32, #tpu.memory_space<vmem>>
        %dma_start3A_654 = tpu.memref_slice %arg4[%add3A_636] : memref<163840xi32, #tpu.memory_space<hbm>> -> memref<64xi32, #tpu.memory_space<hbm>>
        %dma_start3A_655 = tpu.memref_slice %arg11[%dma_start3A_650] : memref<8x!tpu.dma_semaphore, #tpu.memory_space<semaphore_mem>> -> memref<1x!tpu.dma_semaphore, #tpu.memory_space<semaphore_mem>>
        %dma_start3A_656 = tpu.memref_squeeze %dma_start3A_655 : memref<1x!tpu.dma_semaphore, #tpu.memory_space<semaphore_mem>> -> memref<!tpu.dma_semaphore, #tpu.memory_space<semaphore_mem>>
        %dma_start3A_657 = arith.constant 0 : i32
        %dma_start3A_658 = tpu.memref_slice %arg8[%dma_start3A_649, %dma_start3A_657] : memref<8x64xi32, #tpu.memory_space<vmem>> -> memref<1x64xi32, #tpu.memory_space<vmem>>
        %dma_start3A_659 = tpu.memref_squeeze %dma_start3A_658 : memref<1x64xi32, #tpu.memory_space<vmem>> -> memref<64xi32, #tpu.memory_space<vmem>>
        %dma_start3A_660 = tpu.memref_slice %arg4[%add3A_636] : memref<163840xi32, #tpu.memory_space<hbm>> -> memref<64xi32, #tpu.memory_space<hbm>>
        tpu.enqueue_dma source(%dma_start3A_660 : memref<64xi32, #tpu.memory_space<hbm>>) target(%dma_start3A_659 : memref<64xi32, #tpu.memory_space<vmem>>) target_semaphore(%dma_start3A_656 : memref<!tpu.dma_semaphore, #tpu.memory_space<semaphore_mem>>)
      } else {
      }
      %add3A_479 = arith.constant 5 : i32
      %add3A_480 = arith.addi %add3A_227, %add3A_479 : i32
      %dma_wait3A_481 = arith.constant 5 : i32
      %dma_wait3A_482 = arith.constant 1 : i32
      %dma_wait3A_483 = arith.constant 1 : i32
      %dma_wait3A_484 = arith.constant 0 : i32
      %dma_wait3A_485 = arith.constant 0 : i32
      %dma_wait3A_486 = tpu.memref_slice %arg9[%dma_wait3A_482, %dma_wait3A_484, %dma_wait3A_485] : memref<4x64x128xf32, #tpu.memory_space<vmem>> -> memref<1x64x128xf32, #tpu.memory_space<vmem>>
      %dma_wait3A_487 = tpu.memref_squeeze %dma_wait3A_486 : memref<1x64x128xf32, #tpu.memory_space<vmem>> -> memref<64x128xf32, #tpu.memory_space<vmem>>
      %dma_wait3A_488 = arith.constant 0 : i32
      %dma_wait3A_489 = tpu.memref_slice %arg8[%dma_wait3A_481, %dma_wait3A_488] : memref<8x64xi32, #tpu.memory_space<vmem>> -> memref<1x64xi32, #tpu.memory_space<vmem>>
      %dma_wait3A_490 = tpu.memref_squeeze %dma_wait3A_489 : memref<1x64xi32, #tpu.memory_space<vmem>> -> memref<64xi32, #tpu.memory_space<vmem>>
      %dma_wait3A_491 = arith.constant 0 : i32
      %dma_wait3A_492 = arith.constant 0 : i32
      %dma_wait3A_493 = tpu.memref_slice %arg2[%dma_wait3A_491, %dma_wait3A_492] : memref<10000x128xf32, #tpu.memory_space<hbm>> -> memref<10000x128xf32, #tpu.memory_space<hbm>>
      %dma_wait3A_494 = tpu.memref_slice %arg12[%dma_wait3A_483] : memref<4x!tpu.dma_semaphore, #tpu.memory_space<semaphore_mem>> -> memref<1x!tpu.dma_semaphore, #tpu.memory_space<semaphore_mem>>
      %dma_wait3A_495 = tpu.memref_squeeze %dma_wait3A_494 : memref<1x!tpu.dma_semaphore, #tpu.memory_space<semaphore_mem>> -> memref<!tpu.dma_semaphore, #tpu.memory_space<semaphore_mem>>
      tpu.wait_indirect_dma semaphore(%dma_wait3A_495 : memref<!tpu.dma_semaphore, #tpu.memory_space<semaphore_mem>>) src(%dma_wait3A_493 : memref<10000x128xf32, #tpu.memory_space<hbm>>) dst(%dma_wait3A_487 : memref<64x128xf32, #tpu.memory_space<vmem>>)
      %dma_start3A_496 = arith.constant 1 : i32
      %dma_start3A_497 = arith.constant 5 : i32
      %dma_start3A_498 = arith.constant 1 : i32
      %dma_start3A_499 = arith.constant 0 : i32
      %dma_start3A_500 = arith.constant 0 : i32
      %dma_start3A_501 = tpu.memref_slice %arg9[%dma_start3A_496, %dma_start3A_499, %dma_start3A_500] : memref<4x64x128xf32, #tpu.memory_space<vmem>> -> memref<1x64x128xf32, #tpu.memory_space<vmem>>
      %dma_start3A_502 = tpu.memref_squeeze %dma_start3A_501 : memref<1x64x128xf32, #tpu.memory_space<vmem>> -> memref<64x128xf32, #tpu.memory_space<vmem>>
      %dma_start3A_503 = arith.constant 0 : i32
      %dma_start3A_504 = tpu.memref_slice %arg7[%dma_start3A_497, %dma_start3A_503] : memref<8x64xi32, #tpu.memory_space<vmem>> -> memref<1x64xi32, #tpu.memory_space<vmem>>
      %dma_start3A_505 = tpu.memref_squeeze %dma_start3A_504 : memref<1x64xi32, #tpu.memory_space<vmem>> -> memref<64xi32, #tpu.memory_space<vmem>>
      %dma_start3A_506 = arith.constant 0 : i32
      %dma_start3A_507 = arith.constant 0 : i32
      %dma_start3A_508 = tpu.memref_slice %arg10[%dma_start3A_506, %dma_start3A_507] : memref<10112x128xf32, #tpu.memory_space<vmem_shared>> -> memref<10112x128xf32, #tpu.memory_space<vmem_shared>>
      %dma_start3A_509 = tpu.memref_slice %arg13[%dma_start3A_498] : memref<4x!tpu.dma_semaphore, #tpu.memory_space<semaphore_mem>> -> memref<1x!tpu.dma_semaphore, #tpu.memory_space<semaphore_mem>>
      %dma_start3A_510 = tpu.memref_squeeze %dma_start3A_509 : memref<1x!tpu.dma_semaphore, #tpu.memory_space<semaphore_mem>> -> memref<!tpu.dma_semaphore, #tpu.memory_space<semaphore_mem>>
      tpu.enqueue_indirect_dma source(%dma_start3A_502 : memref<64x128xf32, #tpu.memory_space<vmem>>) target(%dma_start3A_508 : memref<10112x128xf32, #tpu.memory_space<vmem_shared>>) offsets(%dma_start3A_505 : memref<64xi32, #tpu.memory_space<vmem>>) semaphore(%dma_start3A_510 : memref<!tpu.dma_semaphore, #tpu.memory_space<semaphore_mem>>) {add = true}
      %ge3A_511 = arith.constant 2 : i32
      %ge3A_512 = arith.cmpi sge, %add3A_480, %ge3A_511 : i32
      %convert_element_type3A_513 = arith.extui %ge3A_512 : i1 to i32
      %cond3A_514 = arith.constant 0 : i32
      %cond3A_515 = arith.cmpi ne, %convert_element_type3A_513, %cond3A_514 : i32
      scf.if %cond3A_515 {
        %dma_wait3A_632 = arith.constant 3 : i32
        %dma_wait3A_633 = arith.constant 7 : i32
        %dma_wait3A_634 = arith.constant 3 : i32
        %dma_wait3A_635 = arith.constant 0 : i32
        %dma_wait3A_636 = arith.constant 0 : i32
        %dma_wait3A_637 = tpu.memref_slice %arg9[%dma_wait3A_632, %dma_wait3A_635, %dma_wait3A_636] : memref<4x64x128xf32, #tpu.memory_space<vmem>> -> memref<1x64x128xf32, #tpu.memory_space<vmem>>
        %dma_wait3A_638 = tpu.memref_squeeze %dma_wait3A_637 : memref<1x64x128xf32, #tpu.memory_space<vmem>> -> memref<64x128xf32, #tpu.memory_space<vmem>>
        %dma_wait3A_639 = arith.constant 0 : i32
        %dma_wait3A_640 = tpu.memref_slice %arg7[%dma_wait3A_633, %dma_wait3A_639] : memref<8x64xi32, #tpu.memory_space<vmem>> -> memref<1x64xi32, #tpu.memory_space<vmem>>
        %dma_wait3A_641 = tpu.memref_squeeze %dma_wait3A_640 : memref<1x64xi32, #tpu.memory_space<vmem>> -> memref<64xi32, #tpu.memory_space<vmem>>
        %dma_wait3A_642 = arith.constant 0 : i32
        %dma_wait3A_643 = arith.constant 0 : i32
        %dma_wait3A_644 = tpu.memref_slice %arg10[%dma_wait3A_642, %dma_wait3A_643] : memref<10112x128xf32, #tpu.memory_space<vmem_shared>> -> memref<10112x128xf32, #tpu.memory_space<vmem_shared>>
        %dma_wait3A_645 = tpu.memref_slice %arg13[%dma_wait3A_634] : memref<4x!tpu.dma_semaphore, #tpu.memory_space<semaphore_mem>> -> memref<1x!tpu.dma_semaphore, #tpu.memory_space<semaphore_mem>>
        %dma_wait3A_646 = tpu.memref_squeeze %dma_wait3A_645 : memref<1x!tpu.dma_semaphore, #tpu.memory_space<semaphore_mem>> -> memref<!tpu.dma_semaphore, #tpu.memory_space<semaphore_mem>>
        tpu.wait_indirect_dma semaphore(%dma_wait3A_646 : memref<!tpu.dma_semaphore, #tpu.memory_space<semaphore_mem>>) src(%dma_wait3A_638 : memref<64x128xf32, #tpu.memory_space<vmem>>) dst(%dma_wait3A_644 : memref<10112x128xf32, #tpu.memory_space<vmem_shared>>)
      } else {
      }
      %add3A_516 = arith.constant 2 : i32
      %add3A_517 = arith.addi %add3A_480, %add3A_516 : i32
      %lt3A_518 = arith.constant 80 : i32
      %lt3A_519 = arith.cmpi slt, %add3A_517, %lt3A_518 : i32
      %convert_element_type3A_520 = arith.extui %lt3A_519 : i1 to i32
      %cond3A_521 = arith.constant 0 : i32
      %cond3A_522 = arith.cmpi ne, %convert_element_type3A_520, %cond3A_521 : i32
      scf.if %cond3A_522 {
        %dma_wait3A_632 = arith.constant 7 : i32
        %dma_wait3A_633 = arith.constant 7 : i32
        %dma_wait3A_634 = arith.constant 0 : i32
        %dma_wait3A_635 = tpu.memref_slice %arg7[%dma_wait3A_632, %dma_wait3A_634] : memref<8x64xi32, #tpu.memory_space<vmem>> -> memref<1x64xi32, #tpu.memory_space<vmem>>
        %dma_wait3A_636 = tpu.memref_squeeze %dma_wait3A_635 : memref<1x64xi32, #tpu.memory_space<vmem>> -> memref<64xi32, #tpu.memory_space<vmem>>
        %dma_wait3A_637 = tpu.memref_slice %arg3[%mul3A_2] : memref<163840xi32, #tpu.memory_space<hbm>> -> memref<64xi32, #tpu.memory_space<hbm>>
        %dma_wait3A_638 = tpu.memref_slice %arg11[%dma_wait3A_633] : memref<8x!tpu.dma_semaphore, #tpu.memory_space<semaphore_mem>> -> memref<1x!tpu.dma_semaphore, #tpu.memory_space<semaphore_mem>>
        %dma_wait3A_639 = tpu.memref_squeeze %dma_wait3A_638 : memref<1x!tpu.dma_semaphore, #tpu.memory_space<semaphore_mem>> -> memref<!tpu.dma_semaphore, #tpu.memory_space<semaphore_mem>>
        %dma_wait3A_640 = arith.constant 0 : i32
        %dma_wait3A_641 = tpu.memref_slice %arg7[%dma_wait3A_632, %dma_wait3A_640] : memref<8x64xi32, #tpu.memory_space<vmem>> -> memref<1x64xi32, #tpu.memory_space<vmem>>
        %dma_wait3A_642 = tpu.memref_squeeze %dma_wait3A_641 : memref<1x64xi32, #tpu.memory_space<vmem>> -> memref<64xi32, #tpu.memory_space<vmem>>
        %dma_wait3A_643 = tpu.memref_slice %arg3[%mul3A_2] : memref<163840xi32, #tpu.memory_space<hbm>> -> memref<64xi32, #tpu.memory_space<hbm>>
        tpu.wait_dma2 semaphore(%dma_wait3A_639 : memref<!tpu.dma_semaphore, #tpu.memory_space<semaphore_mem>>) src(%dma_wait3A_643 : memref<64xi32, #tpu.memory_space<hbm>>) dst(%dma_wait3A_642 : memref<64xi32, #tpu.memory_space<vmem>>)
        %dma_wait3A_644 = arith.constant 7 : i32
        %dma_wait3A_645 = arith.constant 7 : i32
        %dma_wait3A_646 = arith.constant 0 : i32
        %dma_wait3A_647 = tpu.memref_slice %arg8[%dma_wait3A_644, %dma_wait3A_646] : memref<8x64xi32, #tpu.memory_space<vmem>> -> memref<1x64xi32, #tpu.memory_space<vmem>>
        %dma_wait3A_648 = tpu.memref_squeeze %dma_wait3A_647 : memref<1x64xi32, #tpu.memory_space<vmem>> -> memref<64xi32, #tpu.memory_space<vmem>>
        %dma_wait3A_649 = tpu.memref_slice %arg4[%mul3A_2] : memref<163840xi32, #tpu.memory_space<hbm>> -> memref<64xi32, #tpu.memory_space<hbm>>
        %dma_wait3A_650 = tpu.memref_slice %arg11[%dma_wait3A_645] : memref<8x!tpu.dma_semaphore, #tpu.memory_space<semaphore_mem>> -> memref<1x!tpu.dma_semaphore, #tpu.memory_space<semaphore_mem>>
        %dma_wait3A_651 = tpu.memref_squeeze %dma_wait3A_650 : memref<1x!tpu.dma_semaphore, #tpu.memory_space<semaphore_mem>> -> memref<!tpu.dma_semaphore, #tpu.memory_space<semaphore_mem>>
        %dma_wait3A_652 = arith.constant 0 : i32
        %dma_wait3A_653 = tpu.memref_slice %arg8[%dma_wait3A_644, %dma_wait3A_652] : memref<8x64xi32, #tpu.memory_space<vmem>> -> memref<1x64xi32, #tpu.memory_space<vmem>>
        %dma_wait3A_654 = tpu.memref_squeeze %dma_wait3A_653 : memref<1x64xi32, #tpu.memory_space<vmem>> -> memref<64xi32, #tpu.memory_space<vmem>>
        %dma_wait3A_655 = tpu.memref_slice %arg4[%mul3A_2] : memref<163840xi32, #tpu.memory_space<hbm>> -> memref<64xi32, #tpu.memory_space<hbm>>
        tpu.wait_dma2 semaphore(%dma_wait3A_651 : memref<!tpu.dma_semaphore, #tpu.memory_space<semaphore_mem>>) src(%dma_wait3A_655 : memref<64xi32, #tpu.memory_space<hbm>>) dst(%dma_wait3A_654 : memref<64xi32, #tpu.memory_space<vmem>>)
        %dma_start3A_656 = arith.constant 7 : i32
        %dma_start3A_657 = arith.constant 3 : i32
        %dma_start3A_658 = arith.constant 3 : i32
        %dma_start3A_659 = arith.constant 0 : i32
        %dma_start3A_660 = arith.constant 0 : i32
        %dma_start3A_661 = tpu.memref_slice %arg9[%dma_start3A_657, %dma_start3A_659, %dma_start3A_660] : memref<4x64x128xf32, #tpu.memory_space<vmem>> -> memref<1x64x128xf32, #tpu.memory_space<vmem>>
        %dma_start3A_662 = tpu.memref_squeeze %dma_start3A_661 : memref<1x64x128xf32, #tpu.memory_space<vmem>> -> memref<64x128xf32, #tpu.memory_space<vmem>>
        %dma_start3A_663 = arith.constant 0 : i32
        %dma_start3A_664 = tpu.memref_slice %arg8[%dma_start3A_656, %dma_start3A_663] : memref<8x64xi32, #tpu.memory_space<vmem>> -> memref<1x64xi32, #tpu.memory_space<vmem>>
        %dma_start3A_665 = tpu.memref_squeeze %dma_start3A_664 : memref<1x64xi32, #tpu.memory_space<vmem>> -> memref<64xi32, #tpu.memory_space<vmem>>
        %dma_start3A_666 = arith.constant 0 : i32
        %dma_start3A_667 = arith.constant 0 : i32
        %dma_start3A_668 = tpu.memref_slice %arg2[%dma_start3A_666, %dma_start3A_667] : memref<10000x128xf32, #tpu.memory_space<hbm>> -> memref<10000x128xf32, #tpu.memory_space<hbm>>
        %dma_start3A_669 = tpu.memref_slice %arg12[%dma_start3A_658] : memref<4x!tpu.dma_semaphore, #tpu.memory_space<semaphore_mem>> -> memref<1x!tpu.dma_semaphore, #tpu.memory_space<semaphore_mem>>
        %dma_start3A_670 = tpu.memref_squeeze %dma_start3A_669 : memref<1x!tpu.dma_semaphore, #tpu.memory_space<semaphore_mem>> -> memref<!tpu.dma_semaphore, #tpu.memory_space<semaphore_mem>>
        tpu.enqueue_indirect_dma source(%dma_start3A_668 : memref<10000x128xf32, #tpu.memory_space<hbm>>) target(%dma_start3A_662 : memref<64x128xf32, #tpu.memory_space<vmem>>) offsets(%dma_start3A_665 : memref<64xi32, #tpu.memory_space<vmem>>) semaphore(%dma_start3A_670 : memref<!tpu.dma_semaphore, #tpu.memory_space<semaphore_mem>>)
      } else {
      }
      %add3A_523 = arith.constant 4 : i32
      %add3A_524 = arith.addi %add3A_480, %add3A_523 : i32
      %lt3A_525 = arith.constant 80 : i32
      %lt3A_526 = arith.cmpi slt, %add3A_524, %lt3A_525 : i32
      %convert_element_type3A_527 = arith.extui %lt3A_526 : i1 to i32
      %cond3A_528 = arith.constant 0 : i32
      %cond3A_529 = arith.cmpi ne, %convert_element_type3A_527, %cond3A_528 : i32
      scf.if %cond3A_529 {
        %add3A_632 = arith.constant 4 : i32
        %add3A_633 = arith.addi %add3A_480, %add3A_632 : i32
        %mul3A_634 = arith.constant 64 : i32
        %mul3A_635 = arith.muli %add3A_633, %mul3A_634 : i32
        %add3A_636 = arith.addi %mul3A_2, %mul3A_635 : i32
        %dma_start3A_637 = arith.constant 1 : i32
        %dma_start3A_638 = arith.constant 1 : i32
        %dma_start3A_639 = arith.constant 0 : i32
        %dma_start3A_640 = tpu.memref_slice %arg7[%dma_start3A_637, %dma_start3A_639] : memref<8x64xi32, #tpu.memory_space<vmem>> -> memref<1x64xi32, #tpu.memory_space<vmem>>
        %dma_start3A_641 = tpu.memref_squeeze %dma_start3A_640 : memref<1x64xi32, #tpu.memory_space<vmem>> -> memref<64xi32, #tpu.memory_space<vmem>>
        %dma_start3A_642 = tpu.memref_slice %arg3[%add3A_636] : memref<163840xi32, #tpu.memory_space<hbm>> -> memref<64xi32, #tpu.memory_space<hbm>>
        %dma_start3A_643 = tpu.memref_slice %arg11[%dma_start3A_638] : memref<8x!tpu.dma_semaphore, #tpu.memory_space<semaphore_mem>> -> memref<1x!tpu.dma_semaphore, #tpu.memory_space<semaphore_mem>>
        %dma_start3A_644 = tpu.memref_squeeze %dma_start3A_643 : memref<1x!tpu.dma_semaphore, #tpu.memory_space<semaphore_mem>> -> memref<!tpu.dma_semaphore, #tpu.memory_space<semaphore_mem>>
        %dma_start3A_645 = arith.constant 0 : i32
        %dma_start3A_646 = tpu.memref_slice %arg7[%dma_start3A_637, %dma_start3A_645] : memref<8x64xi32, #tpu.memory_space<vmem>> -> memref<1x64xi32, #tpu.memory_space<vmem>>
        %dma_start3A_647 = tpu.memref_squeeze %dma_start3A_646 : memref<1x64xi32, #tpu.memory_space<vmem>> -> memref<64xi32, #tpu.memory_space<vmem>>
        %dma_start3A_648 = tpu.memref_slice %arg3[%add3A_636] : memref<163840xi32, #tpu.memory_space<hbm>> -> memref<64xi32, #tpu.memory_space<hbm>>
        tpu.enqueue_dma source(%dma_start3A_648 : memref<64xi32, #tpu.memory_space<hbm>>) target(%dma_start3A_647 : memref<64xi32, #tpu.memory_space<vmem>>) target_semaphore(%dma_start3A_644 : memref<!tpu.dma_semaphore, #tpu.memory_space<semaphore_mem>>)
        %dma_start3A_649 = arith.constant 1 : i32
        %dma_start3A_650 = arith.constant 1 : i32
        %dma_start3A_651 = arith.constant 0 : i32
        %dma_start3A_652 = tpu.memref_slice %arg8[%dma_start3A_649, %dma_start3A_651] : memref<8x64xi32, #tpu.memory_space<vmem>> -> memref<1x64xi32, #tpu.memory_space<vmem>>
        %dma_start3A_653 = tpu.memref_squeeze %dma_start3A_652 : memref<1x64xi32, #tpu.memory_space<vmem>> -> memref<64xi32, #tpu.memory_space<vmem>>
        %dma_start3A_654 = tpu.memref_slice %arg4[%add3A_636] : memref<163840xi32, #tpu.memory_space<hbm>> -> memref<64xi32, #tpu.memory_space<hbm>>
        %dma_start3A_655 = tpu.memref_slice %arg11[%dma_start3A_650] : memref<8x!tpu.dma_semaphore, #tpu.memory_space<semaphore_mem>> -> memref<1x!tpu.dma_semaphore, #tpu.memory_space<semaphore_mem>>
        %dma_start3A_656 = tpu.memref_squeeze %dma_start3A_655 : memref<1x!tpu.dma_semaphore, #tpu.memory_space<semaphore_mem>> -> memref<!tpu.dma_semaphore, #tpu.memory_space<semaphore_mem>>
        %dma_start3A_657 = arith.constant 0 : i32
        %dma_start3A_658 = tpu.memref_slice %arg8[%dma_start3A_649, %dma_start3A_657] : memref<8x64xi32, #tpu.memory_space<vmem>> -> memref<1x64xi32, #tpu.memory_space<vmem>>
        %dma_start3A_659 = tpu.memref_squeeze %dma_start3A_658 : memref<1x64xi32, #tpu.memory_space<vmem>> -> memref<64xi32, #tpu.memory_space<vmem>>
        %dma_start3A_660 = tpu.memref_slice %arg4[%add3A_636] : memref<163840xi32, #tpu.memory_space<hbm>> -> memref<64xi32, #tpu.memory_space<hbm>>
        tpu.enqueue_dma source(%dma_start3A_660 : memref<64xi32, #tpu.memory_space<hbm>>) target(%dma_start3A_659 : memref<64xi32, #tpu.memory_space<vmem>>) target_semaphore(%dma_start3A_656 : memref<!tpu.dma_semaphore, #tpu.memory_space<semaphore_mem>>)
      } else {
      }
      %add3A_530 = arith.constant 6 : i32
      %add3A_531 = arith.addi %add3A_227, %add3A_530 : i32
      %dma_wait3A_532 = arith.constant 6 : i32
      %dma_wait3A_533 = arith.constant 2 : i32
      %dma_wait3A_534 = arith.constant 2 : i32
      %dma_wait3A_535 = arith.constant 0 : i32
      %dma_wait3A_536 = arith.constant 0 : i32
      %dma_wait3A_537 = tpu.memref_slice %arg9[%dma_wait3A_533, %dma_wait3A_535, %dma_wait3A_536] : memref<4x64x128xf32, #tpu.memory_space<vmem>> -> memref<1x64x128xf32, #tpu.memory_space<vmem>>
      %dma_wait3A_538 = tpu.memref_squeeze %dma_wait3A_537 : memref<1x64x128xf32, #tpu.memory_space<vmem>> -> memref<64x128xf32, #tpu.memory_space<vmem>>
      %dma_wait3A_539 = arith.constant 0 : i32
      %dma_wait3A_540 = tpu.memref_slice %arg8[%dma_wait3A_532, %dma_wait3A_539] : memref<8x64xi32, #tpu.memory_space<vmem>> -> memref<1x64xi32, #tpu.memory_space<vmem>>
      %dma_wait3A_541 = tpu.memref_squeeze %dma_wait3A_540 : memref<1x64xi32, #tpu.memory_space<vmem>> -> memref<64xi32, #tpu.memory_space<vmem>>
      %dma_wait3A_542 = arith.constant 0 : i32
      %dma_wait3A_543 = arith.constant 0 : i32
      %dma_wait3A_544 = tpu.memref_slice %arg2[%dma_wait3A_542, %dma_wait3A_543] : memref<10000x128xf32, #tpu.memory_space<hbm>> -> memref<10000x128xf32, #tpu.memory_space<hbm>>
      %dma_wait3A_545 = tpu.memref_slice %arg12[%dma_wait3A_534] : memref<4x!tpu.dma_semaphore, #tpu.memory_space<semaphore_mem>> -> memref<1x!tpu.dma_semaphore, #tpu.memory_space<semaphore_mem>>
      %dma_wait3A_546 = tpu.memref_squeeze %dma_wait3A_545 : memref<1x!tpu.dma_semaphore, #tpu.memory_space<semaphore_mem>> -> memref<!tpu.dma_semaphore, #tpu.memory_space<semaphore_mem>>
      tpu.wait_indirect_dma semaphore(%dma_wait3A_546 : memref<!tpu.dma_semaphore, #tpu.memory_space<semaphore_mem>>) src(%dma_wait3A_544 : memref<10000x128xf32, #tpu.memory_space<hbm>>) dst(%dma_wait3A_538 : memref<64x128xf32, #tpu.memory_space<vmem>>)
      %dma_start3A_547 = arith.constant 2 : i32
      %dma_start3A_548 = arith.constant 6 : i32
      %dma_start3A_549 = arith.constant 2 : i32
      %dma_start3A_550 = arith.constant 0 : i32
      %dma_start3A_551 = arith.constant 0 : i32
      %dma_start3A_552 = tpu.memref_slice %arg9[%dma_start3A_547, %dma_start3A_550, %dma_start3A_551] : memref<4x64x128xf32, #tpu.memory_space<vmem>> -> memref<1x64x128xf32, #tpu.memory_space<vmem>>
      %dma_start3A_553 = tpu.memref_squeeze %dma_start3A_552 : memref<1x64x128xf32, #tpu.memory_space<vmem>> -> memref<64x128xf32, #tpu.memory_space<vmem>>
      %dma_start3A_554 = arith.constant 0 : i32
      %dma_start3A_555 = tpu.memref_slice %arg7[%dma_start3A_548, %dma_start3A_554] : memref<8x64xi32, #tpu.memory_space<vmem>> -> memref<1x64xi32, #tpu.memory_space<vmem>>
      %dma_start3A_556 = tpu.memref_squeeze %dma_start3A_555 : memref<1x64xi32, #tpu.memory_space<vmem>> -> memref<64xi32, #tpu.memory_space<vmem>>
      %dma_start3A_557 = arith.constant 0 : i32
      %dma_start3A_558 = arith.constant 0 : i32
      %dma_start3A_559 = tpu.memref_slice %arg10[%dma_start3A_557, %dma_start3A_558] : memref<10112x128xf32, #tpu.memory_space<vmem_shared>> -> memref<10112x128xf32, #tpu.memory_space<vmem_shared>>
      %dma_start3A_560 = tpu.memref_slice %arg13[%dma_start3A_549] : memref<4x!tpu.dma_semaphore, #tpu.memory_space<semaphore_mem>> -> memref<1x!tpu.dma_semaphore, #tpu.memory_space<semaphore_mem>>
      %dma_start3A_561 = tpu.memref_squeeze %dma_start3A_560 : memref<1x!tpu.dma_semaphore, #tpu.memory_space<semaphore_mem>> -> memref<!tpu.dma_semaphore, #tpu.memory_space<semaphore_mem>>
      tpu.enqueue_indirect_dma source(%dma_start3A_553 : memref<64x128xf32, #tpu.memory_space<vmem>>) target(%dma_start3A_559 : memref<10112x128xf32, #tpu.memory_space<vmem_shared>>) offsets(%dma_start3A_556 : memref<64xi32, #tpu.memory_space<vmem>>) semaphore(%dma_start3A_561 : memref<!tpu.dma_semaphore, #tpu.memory_space<semaphore_mem>>) {add = true}
      %ge3A_562 = arith.constant 2 : i32
      %ge3A_563 = arith.cmpi sge, %add3A_531, %ge3A_562 : i32
      %convert_element_type3A_564 = arith.extui %ge3A_563 : i1 to i32
      %cond3A_565 = arith.constant 0 : i32
      %cond3A_566 = arith.cmpi ne, %convert_element_type3A_564, %cond3A_565 : i32
      scf.if %cond3A_566 {
        %dma_wait3A_632 = arith.constant 0 : i32
        %dma_wait3A_633 = arith.constant 0 : i32
        %dma_wait3A_634 = arith.constant 0 : i32
        %dma_wait3A_635 = arith.constant 0 : i32
        %dma_wait3A_636 = arith.constant 0 : i32
        %dma_wait3A_637 = tpu.memref_slice %arg9[%dma_wait3A_632, %dma_wait3A_635, %dma_wait3A_636] : memref<4x64x128xf32, #tpu.memory_space<vmem>> -> memref<1x64x128xf32, #tpu.memory_space<vmem>>
        %dma_wait3A_638 = tpu.memref_squeeze %dma_wait3A_637 : memref<1x64x128xf32, #tpu.memory_space<vmem>> -> memref<64x128xf32, #tpu.memory_space<vmem>>
        %dma_wait3A_639 = arith.constant 0 : i32
        %dma_wait3A_640 = tpu.memref_slice %arg7[%dma_wait3A_633, %dma_wait3A_639] : memref<8x64xi32, #tpu.memory_space<vmem>> -> memref<1x64xi32, #tpu.memory_space<vmem>>
        %dma_wait3A_641 = tpu.memref_squeeze %dma_wait3A_640 : memref<1x64xi32, #tpu.memory_space<vmem>> -> memref<64xi32, #tpu.memory_space<vmem>>
        %dma_wait3A_642 = arith.constant 0 : i32
        %dma_wait3A_643 = arith.constant 0 : i32
        %dma_wait3A_644 = tpu.memref_slice %arg10[%dma_wait3A_642, %dma_wait3A_643] : memref<10112x128xf32, #tpu.memory_space<vmem_shared>> -> memref<10112x128xf32, #tpu.memory_space<vmem_shared>>
        %dma_wait3A_645 = tpu.memref_slice %arg13[%dma_wait3A_634] : memref<4x!tpu.dma_semaphore, #tpu.memory_space<semaphore_mem>> -> memref<1x!tpu.dma_semaphore, #tpu.memory_space<semaphore_mem>>
        %dma_wait3A_646 = tpu.memref_squeeze %dma_wait3A_645 : memref<1x!tpu.dma_semaphore, #tpu.memory_space<semaphore_mem>> -> memref<!tpu.dma_semaphore, #tpu.memory_space<semaphore_mem>>
        tpu.wait_indirect_dma semaphore(%dma_wait3A_646 : memref<!tpu.dma_semaphore, #tpu.memory_space<semaphore_mem>>) src(%dma_wait3A_638 : memref<64x128xf32, #tpu.memory_space<vmem>>) dst(%dma_wait3A_644 : memref<10112x128xf32, #tpu.memory_space<vmem_shared>>)
      } else {
      }
      %add3A_567 = arith.constant 2 : i32
      %add3A_568 = arith.addi %add3A_531, %add3A_567 : i32
      %lt3A_569 = arith.constant 80 : i32
      %lt3A_570 = arith.cmpi slt, %add3A_568, %lt3A_569 : i32
      %convert_element_type3A_571 = arith.extui %lt3A_570 : i1 to i32
      %cond3A_572 = arith.constant 0 : i32
      %cond3A_573 = arith.cmpi ne, %convert_element_type3A_571, %cond3A_572 : i32
      scf.if %cond3A_573 {
        %dma_wait3A_632 = arith.constant 0 : i32
        %dma_wait3A_633 = arith.constant 0 : i32
        %dma_wait3A_634 = arith.constant 0 : i32
        %dma_wait3A_635 = tpu.memref_slice %arg7[%dma_wait3A_632, %dma_wait3A_634] : memref<8x64xi32, #tpu.memory_space<vmem>> -> memref<1x64xi32, #tpu.memory_space<vmem>>
        %dma_wait3A_636 = tpu.memref_squeeze %dma_wait3A_635 : memref<1x64xi32, #tpu.memory_space<vmem>> -> memref<64xi32, #tpu.memory_space<vmem>>
        %dma_wait3A_637 = tpu.memref_slice %arg3[%mul3A_2] : memref<163840xi32, #tpu.memory_space<hbm>> -> memref<64xi32, #tpu.memory_space<hbm>>
        %dma_wait3A_638 = tpu.memref_slice %arg11[%dma_wait3A_633] : memref<8x!tpu.dma_semaphore, #tpu.memory_space<semaphore_mem>> -> memref<1x!tpu.dma_semaphore, #tpu.memory_space<semaphore_mem>>
        %dma_wait3A_639 = tpu.memref_squeeze %dma_wait3A_638 : memref<1x!tpu.dma_semaphore, #tpu.memory_space<semaphore_mem>> -> memref<!tpu.dma_semaphore, #tpu.memory_space<semaphore_mem>>
        %dma_wait3A_640 = arith.constant 0 : i32
        %dma_wait3A_641 = tpu.memref_slice %arg7[%dma_wait3A_632, %dma_wait3A_640] : memref<8x64xi32, #tpu.memory_space<vmem>> -> memref<1x64xi32, #tpu.memory_space<vmem>>
        %dma_wait3A_642 = tpu.memref_squeeze %dma_wait3A_641 : memref<1x64xi32, #tpu.memory_space<vmem>> -> memref<64xi32, #tpu.memory_space<vmem>>
        %dma_wait3A_643 = tpu.memref_slice %arg3[%mul3A_2] : memref<163840xi32, #tpu.memory_space<hbm>> -> memref<64xi32, #tpu.memory_space<hbm>>
        tpu.wait_dma2 semaphore(%dma_wait3A_639 : memref<!tpu.dma_semaphore, #tpu.memory_space<semaphore_mem>>) src(%dma_wait3A_643 : memref<64xi32, #tpu.memory_space<hbm>>) dst(%dma_wait3A_642 : memref<64xi32, #tpu.memory_space<vmem>>)
        %dma_wait3A_644 = arith.constant 0 : i32
        %dma_wait3A_645 = arith.constant 0 : i32
        %dma_wait3A_646 = arith.constant 0 : i32
        %dma_wait3A_647 = tpu.memref_slice %arg8[%dma_wait3A_644, %dma_wait3A_646] : memref<8x64xi32, #tpu.memory_space<vmem>> -> memref<1x64xi32, #tpu.memory_space<vmem>>
        %dma_wait3A_648 = tpu.memref_squeeze %dma_wait3A_647 : memref<1x64xi32, #tpu.memory_space<vmem>> -> memref<64xi32, #tpu.memory_space<vmem>>
        %dma_wait3A_649 = tpu.memref_slice %arg4[%mul3A_2] : memref<163840xi32, #tpu.memory_space<hbm>> -> memref<64xi32, #tpu.memory_space<hbm>>
        %dma_wait3A_650 = tpu.memref_slice %arg11[%dma_wait3A_645] : memref<8x!tpu.dma_semaphore, #tpu.memory_space<semaphore_mem>> -> memref<1x!tpu.dma_semaphore, #tpu.memory_space<semaphore_mem>>
        %dma_wait3A_651 = tpu.memref_squeeze %dma_wait3A_650 : memref<1x!tpu.dma_semaphore, #tpu.memory_space<semaphore_mem>> -> memref<!tpu.dma_semaphore, #tpu.memory_space<semaphore_mem>>
        %dma_wait3A_652 = arith.constant 0 : i32
        %dma_wait3A_653 = tpu.memref_slice %arg8[%dma_wait3A_644, %dma_wait3A_652] : memref<8x64xi32, #tpu.memory_space<vmem>> -> memref<1x64xi32, #tpu.memory_space<vmem>>
        %dma_wait3A_654 = tpu.memref_squeeze %dma_wait3A_653 : memref<1x64xi32, #tpu.memory_space<vmem>> -> memref<64xi32, #tpu.memory_space<vmem>>
        %dma_wait3A_655 = tpu.memref_slice %arg4[%mul3A_2] : memref<163840xi32, #tpu.memory_space<hbm>> -> memref<64xi32, #tpu.memory_space<hbm>>
        tpu.wait_dma2 semaphore(%dma_wait3A_651 : memref<!tpu.dma_semaphore, #tpu.memory_space<semaphore_mem>>) src(%dma_wait3A_655 : memref<64xi32, #tpu.memory_space<hbm>>) dst(%dma_wait3A_654 : memref<64xi32, #tpu.memory_space<vmem>>)
        %dma_start3A_656 = arith.constant 0 : i32
        %dma_start3A_657 = arith.constant 0 : i32
        %dma_start3A_658 = arith.constant 0 : i32
        %dma_start3A_659 = arith.constant 0 : i32
        %dma_start3A_660 = arith.constant 0 : i32
        %dma_start3A_661 = tpu.memref_slice %arg9[%dma_start3A_657, %dma_start3A_659, %dma_start3A_660] : memref<4x64x128xf32, #tpu.memory_space<vmem>> -> memref<1x64x128xf32, #tpu.memory_space<vmem>>
        %dma_start3A_662 = tpu.memref_squeeze %dma_start3A_661 : memref<1x64x128xf32, #tpu.memory_space<vmem>> -> memref<64x128xf32, #tpu.memory_space<vmem>>
        %dma_start3A_663 = arith.constant 0 : i32
        %dma_start3A_664 = tpu.memref_slice %arg8[%dma_start3A_656, %dma_start3A_663] : memref<8x64xi32, #tpu.memory_space<vmem>> -> memref<1x64xi32, #tpu.memory_space<vmem>>
        %dma_start3A_665 = tpu.memref_squeeze %dma_start3A_664 : memref<1x64xi32, #tpu.memory_space<vmem>> -> memref<64xi32, #tpu.memory_space<vmem>>
        %dma_start3A_666 = arith.constant 0 : i32
        %dma_start3A_667 = arith.constant 0 : i32
        %dma_start3A_668 = tpu.memref_slice %arg2[%dma_start3A_666, %dma_start3A_667] : memref<10000x128xf32, #tpu.memory_space<hbm>> -> memref<10000x128xf32, #tpu.memory_space<hbm>>
        %dma_start3A_669 = tpu.memref_slice %arg12[%dma_start3A_658] : memref<4x!tpu.dma_semaphore, #tpu.memory_space<semaphore_mem>> -> memref<1x!tpu.dma_semaphore, #tpu.memory_space<semaphore_mem>>
        %dma_start3A_670 = tpu.memref_squeeze %dma_start3A_669 : memref<1x!tpu.dma_semaphore, #tpu.memory_space<semaphore_mem>> -> memref<!tpu.dma_semaphore, #tpu.memory_space<semaphore_mem>>
        tpu.enqueue_indirect_dma source(%dma_start3A_668 : memref<10000x128xf32, #tpu.memory_space<hbm>>) target(%dma_start3A_662 : memref<64x128xf32, #tpu.memory_space<vmem>>) offsets(%dma_start3A_665 : memref<64xi32, #tpu.memory_space<vmem>>) semaphore(%dma_start3A_670 : memref<!tpu.dma_semaphore, #tpu.memory_space<semaphore_mem>>)
      } else {
      }
      %add3A_574 = arith.constant 4 : i32
      %add3A_575 = arith.addi %add3A_531, %add3A_574 : i32
      %lt3A_576 = arith.constant 80 : i32
      %lt3A_577 = arith.cmpi slt, %add3A_575, %lt3A_576 : i32
      %convert_element_type3A_578 = arith.extui %lt3A_577 : i1 to i32
      %cond3A_579 = arith.constant 0 : i32
      %cond3A_580 = arith.cmpi ne, %convert_element_type3A_578, %cond3A_579 : i32
      scf.if %cond3A_580 {
        %add3A_632 = arith.constant 4 : i32
        %add3A_633 = arith.addi %add3A_531, %add3A_632 : i32
        %mul3A_634 = arith.constant 64 : i32
        %mul3A_635 = arith.muli %add3A_633, %mul3A_634 : i32
        %add3A_636 = arith.addi %mul3A_2, %mul3A_635 : i32
        %dma_start3A_637 = arith.constant 2 : i32
        %dma_start3A_638 = arith.constant 2 : i32
        %dma_start3A_639 = arith.constant 0 : i32
        %dma_start3A_640 = tpu.memref_slice %arg7[%dma_start3A_637, %dma_start3A_639] : memref<8x64xi32, #tpu.memory_space<vmem>> -> memref<1x64xi32, #tpu.memory_space<vmem>>
        %dma_start3A_641 = tpu.memref_squeeze %dma_start3A_640 : memref<1x64xi32, #tpu.memory_space<vmem>> -> memref<64xi32, #tpu.memory_space<vmem>>
        %dma_start3A_642 = tpu.memref_slice %arg3[%add3A_636] : memref<163840xi32, #tpu.memory_space<hbm>> -> memref<64xi32, #tpu.memory_space<hbm>>
        %dma_start3A_643 = tpu.memref_slice %arg11[%dma_start3A_638] : memref<8x!tpu.dma_semaphore, #tpu.memory_space<semaphore_mem>> -> memref<1x!tpu.dma_semaphore, #tpu.memory_space<semaphore_mem>>
        %dma_start3A_644 = tpu.memref_squeeze %dma_start3A_643 : memref<1x!tpu.dma_semaphore, #tpu.memory_space<semaphore_mem>> -> memref<!tpu.dma_semaphore, #tpu.memory_space<semaphore_mem>>
        %dma_start3A_645 = arith.constant 0 : i32
        %dma_start3A_646 = tpu.memref_slice %arg7[%dma_start3A_637, %dma_start3A_645] : memref<8x64xi32, #tpu.memory_space<vmem>> -> memref<1x64xi32, #tpu.memory_space<vmem>>
        %dma_start3A_647 = tpu.memref_squeeze %dma_start3A_646 : memref<1x64xi32, #tpu.memory_space<vmem>> -> memref<64xi32, #tpu.memory_space<vmem>>
        %dma_start3A_648 = tpu.memref_slice %arg3[%add3A_636] : memref<163840xi32, #tpu.memory_space<hbm>> -> memref<64xi32, #tpu.memory_space<hbm>>
        tpu.enqueue_dma source(%dma_start3A_648 : memref<64xi32, #tpu.memory_space<hbm>>) target(%dma_start3A_647 : memref<64xi32, #tpu.memory_space<vmem>>) target_semaphore(%dma_start3A_644 : memref<!tpu.dma_semaphore, #tpu.memory_space<semaphore_mem>>)
        %dma_start3A_649 = arith.constant 2 : i32
        %dma_start3A_650 = arith.constant 2 : i32
        %dma_start3A_651 = arith.constant 0 : i32
        %dma_start3A_652 = tpu.memref_slice %arg8[%dma_start3A_649, %dma_start3A_651] : memref<8x64xi32, #tpu.memory_space<vmem>> -> memref<1x64xi32, #tpu.memory_space<vmem>>
        %dma_start3A_653 = tpu.memref_squeeze %dma_start3A_652 : memref<1x64xi32, #tpu.memory_space<vmem>> -> memref<64xi32, #tpu.memory_space<vmem>>
        %dma_start3A_654 = tpu.memref_slice %arg4[%add3A_636] : memref<163840xi32, #tpu.memory_space<hbm>> -> memref<64xi32, #tpu.memory_space<hbm>>
        %dma_start3A_655 = tpu.memref_slice %arg11[%dma_start3A_650] : memref<8x!tpu.dma_semaphore, #tpu.memory_space<semaphore_mem>> -> memref<1x!tpu.dma_semaphore, #tpu.memory_space<semaphore_mem>>
        %dma_start3A_656 = tpu.memref_squeeze %dma_start3A_655 : memref<1x!tpu.dma_semaphore, #tpu.memory_space<semaphore_mem>> -> memref<!tpu.dma_semaphore, #tpu.memory_space<semaphore_mem>>
        %dma_start3A_657 = arith.constant 0 : i32
        %dma_start3A_658 = tpu.memref_slice %arg8[%dma_start3A_649, %dma_start3A_657] : memref<8x64xi32, #tpu.memory_space<vmem>> -> memref<1x64xi32, #tpu.memory_space<vmem>>
        %dma_start3A_659 = tpu.memref_squeeze %dma_start3A_658 : memref<1x64xi32, #tpu.memory_space<vmem>> -> memref<64xi32, #tpu.memory_space<vmem>>
        %dma_start3A_660 = tpu.memref_slice %arg4[%add3A_636] : memref<163840xi32, #tpu.memory_space<hbm>> -> memref<64xi32, #tpu.memory_space<hbm>>
        tpu.enqueue_dma source(%dma_start3A_660 : memref<64xi32, #tpu.memory_space<hbm>>) target(%dma_start3A_659 : memref<64xi32, #tpu.memory_space<vmem>>) target_semaphore(%dma_start3A_656 : memref<!tpu.dma_semaphore, #tpu.memory_space<semaphore_mem>>)
      } else {
      }
      %add3A_581 = arith.constant 7 : i32
      %add3A_582 = arith.addi %add3A_227, %add3A_581 : i32
      %dma_wait3A_583 = arith.constant 7 : i32
      %dma_wait3A_584 = arith.constant 3 : i32
      %dma_wait3A_585 = arith.constant 3 : i32
      %dma_wait3A_586 = arith.constant 0 : i32
      %dma_wait3A_587 = arith.constant 0 : i32
      %dma_wait3A_588 = tpu.memref_slice %arg9[%dma_wait3A_584, %dma_wait3A_586, %dma_wait3A_587] : memref<4x64x128xf32, #tpu.memory_space<vmem>> -> memref<1x64x128xf32, #tpu.memory_space<vmem>>
      %dma_wait3A_589 = tpu.memref_squeeze %dma_wait3A_588 : memref<1x64x128xf32, #tpu.memory_space<vmem>> -> memref<64x128xf32, #tpu.memory_space<vmem>>
      %dma_wait3A_590 = arith.constant 0 : i32
      %dma_wait3A_591 = tpu.memref_slice %arg8[%dma_wait3A_583, %dma_wait3A_590] : memref<8x64xi32, #tpu.memory_space<vmem>> -> memref<1x64xi32, #tpu.memory_space<vmem>>
      %dma_wait3A_592 = tpu.memref_squeeze %dma_wait3A_591 : memref<1x64xi32, #tpu.memory_space<vmem>> -> memref<64xi32, #tpu.memory_space<vmem>>
      %dma_wait3A_593 = arith.constant 0 : i32
      %dma_wait3A_594 = arith.constant 0 : i32
      %dma_wait3A_595 = tpu.memref_slice %arg2[%dma_wait3A_593, %dma_wait3A_594] : memref<10000x128xf32, #tpu.memory_space<hbm>> -> memref<10000x128xf32, #tpu.memory_space<hbm>>
      %dma_wait3A_596 = tpu.memref_slice %arg12[%dma_wait3A_585] : memref<4x!tpu.dma_semaphore, #tpu.memory_space<semaphore_mem>> -> memref<1x!tpu.dma_semaphore, #tpu.memory_space<semaphore_mem>>
      %dma_wait3A_597 = tpu.memref_squeeze %dma_wait3A_596 : memref<1x!tpu.dma_semaphore, #tpu.memory_space<semaphore_mem>> -> memref<!tpu.dma_semaphore, #tpu.memory_space<semaphore_mem>>
      tpu.wait_indirect_dma semaphore(%dma_wait3A_597 : memref<!tpu.dma_semaphore, #tpu.memory_space<semaphore_mem>>) src(%dma_wait3A_595 : memref<10000x128xf32, #tpu.memory_space<hbm>>) dst(%dma_wait3A_589 : memref<64x128xf32, #tpu.memory_space<vmem>>)
      %dma_start3A_598 = arith.constant 3 : i32
      %dma_start3A_599 = arith.constant 7 : i32
      %dma_start3A_600 = arith.constant 3 : i32
      %dma_start3A_601 = arith.constant 0 : i32
      %dma_start3A_602 = arith.constant 0 : i32
      %dma_start3A_603 = tpu.memref_slice %arg9[%dma_start3A_598, %dma_start3A_601, %dma_start3A_602] : memref<4x64x128xf32, #tpu.memory_space<vmem>> -> memref<1x64x128xf32, #tpu.memory_space<vmem>>
      %dma_start3A_604 = tpu.memref_squeeze %dma_start3A_603 : memref<1x64x128xf32, #tpu.memory_space<vmem>> -> memref<64x128xf32, #tpu.memory_space<vmem>>
      %dma_start3A_605 = arith.constant 0 : i32
      %dma_start3A_606 = tpu.memref_slice %arg7[%dma_start3A_599, %dma_start3A_605] : memref<8x64xi32, #tpu.memory_space<vmem>> -> memref<1x64xi32, #tpu.memory_space<vmem>>
      %dma_start3A_607 = tpu.memref_squeeze %dma_start3A_606 : memref<1x64xi32, #tpu.memory_space<vmem>> -> memref<64xi32, #tpu.memory_space<vmem>>
      %dma_start3A_608 = arith.constant 0 : i32
      %dma_start3A_609 = arith.constant 0 : i32
      %dma_start3A_610 = tpu.memref_slice %arg10[%dma_start3A_608, %dma_start3A_609] : memref<10112x128xf32, #tpu.memory_space<vmem_shared>> -> memref<10112x128xf32, #tpu.memory_space<vmem_shared>>
      %dma_start3A_611 = tpu.memref_slice %arg13[%dma_start3A_600] : memref<4x!tpu.dma_semaphore, #tpu.memory_space<semaphore_mem>> -> memref<1x!tpu.dma_semaphore, #tpu.memory_space<semaphore_mem>>
      %dma_start3A_612 = tpu.memref_squeeze %dma_start3A_611 : memref<1x!tpu.dma_semaphore, #tpu.memory_space<semaphore_mem>> -> memref<!tpu.dma_semaphore, #tpu.memory_space<semaphore_mem>>
      tpu.enqueue_indirect_dma source(%dma_start3A_604 : memref<64x128xf32, #tpu.memory_space<vmem>>) target(%dma_start3A_610 : memref<10112x128xf32, #tpu.memory_space<vmem_shared>>) offsets(%dma_start3A_607 : memref<64xi32, #tpu.memory_space<vmem>>) semaphore(%dma_start3A_612 : memref<!tpu.dma_semaphore, #tpu.memory_space<semaphore_mem>>) {add = true}
      %ge3A_613 = arith.constant 2 : i32
      %ge3A_614 = arith.cmpi sge, %add3A_582, %ge3A_613 : i32
      %convert_element_type3A_615 = arith.extui %ge3A_614 : i1 to i32
      %cond3A_616 = arith.constant 0 : i32
      %cond3A_617 = arith.cmpi ne, %convert_element_type3A_615, %cond3A_616 : i32
      scf.if %cond3A_617 {
        %dma_wait3A_632 = arith.constant 1 : i32
        %dma_wait3A_633 = arith.constant 1 : i32
        %dma_wait3A_634 = arith.constant 1 : i32
        %dma_wait3A_635 = arith.constant 0 : i32
        %dma_wait3A_636 = arith.constant 0 : i32
        %dma_wait3A_637 = tpu.memref_slice %arg9[%dma_wait3A_632, %dma_wait3A_635, %dma_wait3A_636] : memref<4x64x128xf32, #tpu.memory_space<vmem>> -> memref<1x64x128xf32, #tpu.memory_space<vmem>>
        %dma_wait3A_638 = tpu.memref_squeeze %dma_wait3A_637 : memref<1x64x128xf32, #tpu.memory_space<vmem>> -> memref<64x128xf32, #tpu.memory_space<vmem>>
        %dma_wait3A_639 = arith.constant 0 : i32
        %dma_wait3A_640 = tpu.memref_slice %arg7[%dma_wait3A_633, %dma_wait3A_639] : memref<8x64xi32, #tpu.memory_space<vmem>> -> memref<1x64xi32, #tpu.memory_space<vmem>>
        %dma_wait3A_641 = tpu.memref_squeeze %dma_wait3A_640 : memref<1x64xi32, #tpu.memory_space<vmem>> -> memref<64xi32, #tpu.memory_space<vmem>>
        %dma_wait3A_642 = arith.constant 0 : i32
        %dma_wait3A_643 = arith.constant 0 : i32
        %dma_wait3A_644 = tpu.memref_slice %arg10[%dma_wait3A_642, %dma_wait3A_643] : memref<10112x128xf32, #tpu.memory_space<vmem_shared>> -> memref<10112x128xf32, #tpu.memory_space<vmem_shared>>
        %dma_wait3A_645 = tpu.memref_slice %arg13[%dma_wait3A_634] : memref<4x!tpu.dma_semaphore, #tpu.memory_space<semaphore_mem>> -> memref<1x!tpu.dma_semaphore, #tpu.memory_space<semaphore_mem>>
        %dma_wait3A_646 = tpu.memref_squeeze %dma_wait3A_645 : memref<1x!tpu.dma_semaphore, #tpu.memory_space<semaphore_mem>> -> memref<!tpu.dma_semaphore, #tpu.memory_space<semaphore_mem>>
        tpu.wait_indirect_dma semaphore(%dma_wait3A_646 : memref<!tpu.dma_semaphore, #tpu.memory_space<semaphore_mem>>) src(%dma_wait3A_638 : memref<64x128xf32, #tpu.memory_space<vmem>>) dst(%dma_wait3A_644 : memref<10112x128xf32, #tpu.memory_space<vmem_shared>>)
      } else {
      }
      %add3A_618 = arith.constant 2 : i32
      %add3A_619 = arith.addi %add3A_582, %add3A_618 : i32
      %lt3A_620 = arith.constant 80 : i32
      %lt3A_621 = arith.cmpi slt, %add3A_619, %lt3A_620 : i32
      %convert_element_type3A_622 = arith.extui %lt3A_621 : i1 to i32
      %cond3A_623 = arith.constant 0 : i32
      %cond3A_624 = arith.cmpi ne, %convert_element_type3A_622, %cond3A_623 : i32
      scf.if %cond3A_624 {
        %dma_wait3A_632 = arith.constant 1 : i32
        %dma_wait3A_633 = arith.constant 1 : i32
        %dma_wait3A_634 = arith.constant 0 : i32
        %dma_wait3A_635 = tpu.memref_slice %arg7[%dma_wait3A_632, %dma_wait3A_634] : memref<8x64xi32, #tpu.memory_space<vmem>> -> memref<1x64xi32, #tpu.memory_space<vmem>>
        %dma_wait3A_636 = tpu.memref_squeeze %dma_wait3A_635 : memref<1x64xi32, #tpu.memory_space<vmem>> -> memref<64xi32, #tpu.memory_space<vmem>>
        %dma_wait3A_637 = tpu.memref_slice %arg3[%mul3A_2] : memref<163840xi32, #tpu.memory_space<hbm>> -> memref<64xi32, #tpu.memory_space<hbm>>
        %dma_wait3A_638 = tpu.memref_slice %arg11[%dma_wait3A_633] : memref<8x!tpu.dma_semaphore, #tpu.memory_space<semaphore_mem>> -> memref<1x!tpu.dma_semaphore, #tpu.memory_space<semaphore_mem>>
        %dma_wait3A_639 = tpu.memref_squeeze %dma_wait3A_638 : memref<1x!tpu.dma_semaphore, #tpu.memory_space<semaphore_mem>> -> memref<!tpu.dma_semaphore, #tpu.memory_space<semaphore_mem>>
        %dma_wait3A_640 = arith.constant 0 : i32
        %dma_wait3A_641 = tpu.memref_slice %arg7[%dma_wait3A_632, %dma_wait3A_640] : memref<8x64xi32, #tpu.memory_space<vmem>> -> memref<1x64xi32, #tpu.memory_space<vmem>>
        %dma_wait3A_642 = tpu.memref_squeeze %dma_wait3A_641 : memref<1x64xi32, #tpu.memory_space<vmem>> -> memref<64xi32, #tpu.memory_space<vmem>>
        %dma_wait3A_643 = tpu.memref_slice %arg3[%mul3A_2] : memref<163840xi32, #tpu.memory_space<hbm>> -> memref<64xi32, #tpu.memory_space<hbm>>
        tpu.wait_dma2 semaphore(%dma_wait3A_639 : memref<!tpu.dma_semaphore, #tpu.memory_space<semaphore_mem>>) src(%dma_wait3A_643 : memref<64xi32, #tpu.memory_space<hbm>>) dst(%dma_wait3A_642 : memref<64xi32, #tpu.memory_space<vmem>>)
        %dma_wait3A_644 = arith.constant 1 : i32
        %dma_wait3A_645 = arith.constant 1 : i32
        %dma_wait3A_646 = arith.constant 0 : i32
        %dma_wait3A_647 = tpu.memref_slice %arg8[%dma_wait3A_644, %dma_wait3A_646] : memref<8x64xi32, #tpu.memory_space<vmem>> -> memref<1x64xi32, #tpu.memory_space<vmem>>
        %dma_wait3A_648 = tpu.memref_squeeze %dma_wait3A_647 : memref<1x64xi32, #tpu.memory_space<vmem>> -> memref<64xi32, #tpu.memory_space<vmem>>
        %dma_wait3A_649 = tpu.memref_slice %arg4[%mul3A_2] : memref<163840xi32, #tpu.memory_space<hbm>> -> memref<64xi32, #tpu.memory_space<hbm>>
        %dma_wait3A_650 = tpu.memref_slice %arg11[%dma_wait3A_645] : memref<8x!tpu.dma_semaphore, #tpu.memory_space<semaphore_mem>> -> memref<1x!tpu.dma_semaphore, #tpu.memory_space<semaphore_mem>>
        %dma_wait3A_651 = tpu.memref_squeeze %dma_wait3A_650 : memref<1x!tpu.dma_semaphore, #tpu.memory_space<semaphore_mem>> -> memref<!tpu.dma_semaphore, #tpu.memory_space<semaphore_mem>>
        %dma_wait3A_652 = arith.constant 0 : i32
        %dma_wait3A_653 = tpu.memref_slice %arg8[%dma_wait3A_644, %dma_wait3A_652] : memref<8x64xi32, #tpu.memory_space<vmem>> -> memref<1x64xi32, #tpu.memory_space<vmem>>
        %dma_wait3A_654 = tpu.memref_squeeze %dma_wait3A_653 : memref<1x64xi32, #tpu.memory_space<vmem>> -> memref<64xi32, #tpu.memory_space<vmem>>
        %dma_wait3A_655 = tpu.memref_slice %arg4[%mul3A_2] : memref<163840xi32, #tpu.memory_space<hbm>> -> memref<64xi32, #tpu.memory_space<hbm>>
        tpu.wait_dma2 semaphore(%dma_wait3A_651 : memref<!tpu.dma_semaphore, #tpu.memory_space<semaphore_mem>>) src(%dma_wait3A_655 : memref<64xi32, #tpu.memory_space<hbm>>) dst(%dma_wait3A_654 : memref<64xi32, #tpu.memory_space<vmem>>)
        %dma_start3A_656 = arith.constant 1 : i32
        %dma_start3A_657 = arith.constant 1 : i32
        %dma_start3A_658 = arith.constant 1 : i32
        %dma_start3A_659 = arith.constant 0 : i32
        %dma_start3A_660 = arith.constant 0 : i32
        %dma_start3A_661 = tpu.memref_slice %arg9[%dma_start3A_657, %dma_start3A_659, %dma_start3A_660] : memref<4x64x128xf32, #tpu.memory_space<vmem>> -> memref<1x64x128xf32, #tpu.memory_space<vmem>>
        %dma_start3A_662 = tpu.memref_squeeze %dma_start3A_661 : memref<1x64x128xf32, #tpu.memory_space<vmem>> -> memref<64x128xf32, #tpu.memory_space<vmem>>
        %dma_start3A_663 = arith.constant 0 : i32
        %dma_start3A_664 = tpu.memref_slice %arg8[%dma_start3A_656, %dma_start3A_663] : memref<8x64xi32, #tpu.memory_space<vmem>> -> memref<1x64xi32, #tpu.memory_space<vmem>>
        %dma_start3A_665 = tpu.memref_squeeze %dma_start3A_664 : memref<1x64xi32, #tpu.memory_space<vmem>> -> memref<64xi32, #tpu.memory_space<vmem>>
        %dma_start3A_666 = arith.constant 0 : i32
        %dma_start3A_667 = arith.constant 0 : i32
        %dma_start3A_668 = tpu.memref_slice %arg2[%dma_start3A_666, %dma_start3A_667] : memref<10000x128xf32, #tpu.memory_space<hbm>> -> memref<10000x128xf32, #tpu.memory_space<hbm>>
        %dma_start3A_669 = tpu.memref_slice %arg12[%dma_start3A_658] : memref<4x!tpu.dma_semaphore, #tpu.memory_space<semaphore_mem>> -> memref<1x!tpu.dma_semaphore, #tpu.memory_space<semaphore_mem>>
        %dma_start3A_670 = tpu.memref_squeeze %dma_start3A_669 : memref<1x!tpu.dma_semaphore, #tpu.memory_space<semaphore_mem>> -> memref<!tpu.dma_semaphore, #tpu.memory_space<semaphore_mem>>
        tpu.enqueue_indirect_dma source(%dma_start3A_668 : memref<10000x128xf32, #tpu.memory_space<hbm>>) target(%dma_start3A_662 : memref<64x128xf32, #tpu.memory_space<vmem>>) offsets(%dma_start3A_665 : memref<64xi32, #tpu.memory_space<vmem>>) semaphore(%dma_start3A_670 : memref<!tpu.dma_semaphore, #tpu.memory_space<semaphore_mem>>)
      } else {
      }
      %add3A_625 = arith.constant 4 : i32
      %add3A_626 = arith.addi %add3A_582, %add3A_625 : i32
      %lt3A_627 = arith.constant 80 : i32
      %lt3A_628 = arith.cmpi slt, %add3A_626, %lt3A_627 : i32
      %convert_element_type3A_629 = arith.extui %lt3A_628 : i1 to i32
      %cond3A_630 = arith.constant 0 : i32
      %cond3A_631 = arith.cmpi ne, %convert_element_type3A_629, %cond3A_630 : i32
      scf.if %cond3A_631 {
        %add3A_632 = arith.constant 4 : i32
        %add3A_633 = arith.addi %add3A_582, %add3A_632 : i32
        %mul3A_634 = arith.constant 64 : i32
        %mul3A_635 = arith.muli %add3A_633, %mul3A_634 : i32
        %add3A_636 = arith.addi %mul3A_2, %mul3A_635 : i32
        %dma_start3A_637 = arith.constant 3 : i32
        %dma_start3A_638 = arith.constant 3 : i32
        %dma_start3A_639 = arith.constant 0 : i32
        %dma_start3A_640 = tpu.memref_slice %arg7[%dma_start3A_637, %dma_start3A_639] : memref<8x64xi32, #tpu.memory_space<vmem>> -> memref<1x64xi32, #tpu.memory_space<vmem>>
        %dma_start3A_641 = tpu.memref_squeeze %dma_start3A_640 : memref<1x64xi32, #tpu.memory_space<vmem>> -> memref<64xi32, #tpu.memory_space<vmem>>
        %dma_start3A_642 = tpu.memref_slice %arg3[%add3A_636] : memref<163840xi32, #tpu.memory_space<hbm>> -> memref<64xi32, #tpu.memory_space<hbm>>
        %dma_start3A_643 = tpu.memref_slice %arg11[%dma_start3A_638] : memref<8x!tpu.dma_semaphore, #tpu.memory_space<semaphore_mem>> -> memref<1x!tpu.dma_semaphore, #tpu.memory_space<semaphore_mem>>
        %dma_start3A_644 = tpu.memref_squeeze %dma_start3A_643 : memref<1x!tpu.dma_semaphore, #tpu.memory_space<semaphore_mem>> -> memref<!tpu.dma_semaphore, #tpu.memory_space<semaphore_mem>>
        %dma_start3A_645 = arith.constant 0 : i32
        %dma_start3A_646 = tpu.memref_slice %arg7[%dma_start3A_637, %dma_start3A_645] : memref<8x64xi32, #tpu.memory_space<vmem>> -> memref<1x64xi32, #tpu.memory_space<vmem>>
        %dma_start3A_647 = tpu.memref_squeeze %dma_start3A_646 : memref<1x64xi32, #tpu.memory_space<vmem>> -> memref<64xi32, #tpu.memory_space<vmem>>
        %dma_start3A_648 = tpu.memref_slice %arg3[%add3A_636] : memref<163840xi32, #tpu.memory_space<hbm>> -> memref<64xi32, #tpu.memory_space<hbm>>
        tpu.enqueue_dma source(%dma_start3A_648 : memref<64xi32, #tpu.memory_space<hbm>>) target(%dma_start3A_647 : memref<64xi32, #tpu.memory_space<vmem>>) target_semaphore(%dma_start3A_644 : memref<!tpu.dma_semaphore, #tpu.memory_space<semaphore_mem>>)
        %dma_start3A_649 = arith.constant 3 : i32
        %dma_start3A_650 = arith.constant 3 : i32
        %dma_start3A_651 = arith.constant 0 : i32
        %dma_start3A_652 = tpu.memref_slice %arg8[%dma_start3A_649, %dma_start3A_651] : memref<8x64xi32, #tpu.memory_space<vmem>> -> memref<1x64xi32, #tpu.memory_space<vmem>>
        %dma_start3A_653 = tpu.memref_squeeze %dma_start3A_652 : memref<1x64xi32, #tpu.memory_space<vmem>> -> memref<64xi32, #tpu.memory_space<vmem>>
        %dma_start3A_654 = tpu.memref_slice %arg4[%add3A_636] : memref<163840xi32, #tpu.memory_space<hbm>> -> memref<64xi32, #tpu.memory_space<hbm>>
        %dma_start3A_655 = tpu.memref_slice %arg11[%dma_start3A_650] : memref<8x!tpu.dma_semaphore, #tpu.memory_space<semaphore_mem>> -> memref<1x!tpu.dma_semaphore, #tpu.memory_space<semaphore_mem>>
        %dma_start3A_656 = tpu.memref_squeeze %dma_start3A_655 : memref<1x!tpu.dma_semaphore, #tpu.memory_space<semaphore_mem>> -> memref<!tpu.dma_semaphore, #tpu.memory_space<semaphore_mem>>
        %dma_start3A_657 = arith.constant 0 : i32
        %dma_start3A_658 = tpu.memref_slice %arg8[%dma_start3A_649, %dma_start3A_657] : memref<8x64xi32, #tpu.memory_space<vmem>> -> memref<1x64xi32, #tpu.memory_space<vmem>>
        %dma_start3A_659 = tpu.memref_squeeze %dma_start3A_658 : memref<1x64xi32, #tpu.memory_space<vmem>> -> memref<64xi32, #tpu.memory_space<vmem>>
        %dma_start3A_660 = tpu.memref_slice %arg4[%add3A_636] : memref<163840xi32, #tpu.memory_space<hbm>> -> memref<64xi32, #tpu.memory_space<hbm>>
        tpu.enqueue_dma source(%dma_start3A_660 : memref<64xi32, #tpu.memory_space<hbm>>) target(%dma_start3A_659 : memref<64xi32, #tpu.memory_space<vmem>>) target_semaphore(%dma_start3A_656 : memref<!tpu.dma_semaphore, #tpu.memory_space<semaphore_mem>>)
      } else {
      }
    }
    %scan3A_188 = arith.constant 10 : i32
    %dma_wait3A_189 = arith.constant 2 : i32
    %dma_wait3A_190 = arith.constant 2 : i32
    %dma_wait3A_191 = arith.constant 2 : i32
    %dma_wait3A_192 = arith.constant 0 : i32
    %dma_wait3A_193 = arith.constant 0 : i32
    %dma_wait3A_194 = tpu.memref_slice %arg9[%dma_wait3A_189, %dma_wait3A_192, %dma_wait3A_193] : memref<4x64x128xf32, #tpu.memory_space<vmem>> -> memref<1x64x128xf32, #tpu.memory_space<vmem>>
    %dma_wait3A_195 = tpu.memref_squeeze %dma_wait3A_194 : memref<1x64x128xf32, #tpu.memory_space<vmem>> -> memref<64x128xf32, #tpu.memory_space<vmem>>
    %dma_wait3A_196 = arith.constant 0 : i32
    %dma_wait3A_197 = tpu.memref_slice %arg7[%dma_wait3A_190, %dma_wait3A_196] : memref<8x64xi32, #tpu.memory_space<vmem>> -> memref<1x64xi32, #tpu.memory_space<vmem>>
    %dma_wait3A_198 = tpu.memref_squeeze %dma_wait3A_197 : memref<1x64xi32, #tpu.memory_space<vmem>> -> memref<64xi32, #tpu.memory_space<vmem>>
    %dma_wait3A_199 = arith.constant 0 : i32
    %dma_wait3A_200 = arith.constant 0 : i32
    %dma_wait3A_201 = tpu.memref_slice %arg10[%dma_wait3A_199, %dma_wait3A_200] : memref<10112x128xf32, #tpu.memory_space<vmem_shared>> -> memref<10112x128xf32, #tpu.memory_space<vmem_shared>>
    %dma_wait3A_202 = tpu.memref_slice %arg13[%dma_wait3A_191] : memref<4x!tpu.dma_semaphore, #tpu.memory_space<semaphore_mem>> -> memref<1x!tpu.dma_semaphore, #tpu.memory_space<semaphore_mem>>
    %dma_wait3A_203 = tpu.memref_squeeze %dma_wait3A_202 : memref<1x!tpu.dma_semaphore, #tpu.memory_space<semaphore_mem>> -> memref<!tpu.dma_semaphore, #tpu.memory_space<semaphore_mem>>
    tpu.wait_indirect_dma semaphore(%dma_wait3A_203 : memref<!tpu.dma_semaphore, #tpu.memory_space<semaphore_mem>>) src(%dma_wait3A_195 : memref<64x128xf32, #tpu.memory_space<vmem>>) dst(%dma_wait3A_201 : memref<10112x128xf32, #tpu.memory_space<vmem_shared>>)
    %dma_wait3A_204 = arith.constant 3 : i32
    %dma_wait3A_205 = arith.constant 3 : i32
    %dma_wait3A_206 = arith.constant 3 : i32
    %dma_wait3A_207 = arith.constant 0 : i32
    %dma_wait3A_208 = arith.constant 0 : i32
    %dma_wait3A_209 = tpu.memref_slice %arg9[%dma_wait3A_204, %dma_wait3A_207, %dma_wait3A_208] : memref<4x64x128xf32, #tpu.memory_space<vmem>> -> memref<1x64x128xf32, #tpu.memory_space<vmem>>
    %dma_wait3A_210 = tpu.memref_squeeze %dma_wait3A_209 : memref<1x64x128xf32, #tpu.memory_space<vmem>> -> memref<64x128xf32, #tpu.memory_space<vmem>>
    %dma_wait3A_211 = arith.constant 0 : i32
    %dma_wait3A_212 = tpu.memref_slice %arg7[%dma_wait3A_205, %dma_wait3A_211] : memref<8x64xi32, #tpu.memory_space<vmem>> -> memref<1x64xi32, #tpu.memory_space<vmem>>
    %dma_wait3A_213 = tpu.memref_squeeze %dma_wait3A_212 : memref<1x64xi32, #tpu.memory_space<vmem>> -> memref<64xi32, #tpu.memory_space<vmem>>
    %dma_wait3A_214 = arith.constant 0 : i32
    %dma_wait3A_215 = arith.constant 0 : i32
    %dma_wait3A_216 = tpu.memref_slice %arg10[%dma_wait3A_214, %dma_wait3A_215] : memref<10112x128xf32, #tpu.memory_space<vmem_shared>> -> memref<10112x128xf32, #tpu.memory_space<vmem_shared>>
    %dma_wait3A_217 = tpu.memref_slice %arg13[%dma_wait3A_206] : memref<4x!tpu.dma_semaphore, #tpu.memory_space<semaphore_mem>> -> memref<1x!tpu.dma_semaphore, #tpu.memory_space<semaphore_mem>>
    %dma_wait3A_218 = tpu.memref_squeeze %dma_wait3A_217 : memref<1x!tpu.dma_semaphore, #tpu.memory_space<semaphore_mem>> -> memref<!tpu.dma_semaphore, #tpu.memory_space<semaphore_mem>>
    tpu.wait_indirect_dma semaphore(%dma_wait3A_218 : memref<!tpu.dma_semaphore, #tpu.memory_space<semaphore_mem>>) src(%dma_wait3A_210 : memref<64x128xf32, #tpu.memory_space<vmem>>) dst(%dma_wait3A_216 : memref<10112x128xf32, #tpu.memory_space<vmem_shared>>)
    %barrier3A_219 = arith.constant 0 : index
    tpu.barrier barrier_id(%barrier3A_219)
    %mul3A_220 = arith.constant 10112 : i32
    %mul3A_221 = arith.muli %arg0, %mul3A_220 : i32
    %add3A_222 = arith.addi %mul3A_221, %mul3A_4 : i32
    "tpu.region"() ({
      %run_scoped3A = tpu.sem_alloc : memref<!tpu.dma_semaphore, #tpu.memory_space<semaphore_mem>>
      %dma_start3A_223 = arith.constant 0 : i32
      %dma_start3A_224 = tpu.memref_slice %arg6[%add3A_222, %dma_start3A_223] : memref<20224x128xf32, #tpu.memory_space<hbm>> -> memref<632x128xf32, #tpu.memory_space<hbm>>
      %dma_start3A_225 = arith.constant 0 : i32
      %dma_start3A_226 = tpu.memref_slice %arg10[%mul3A_4, %dma_start3A_225] : memref<10112x128xf32, #tpu.memory_space<vmem_shared>> -> memref<632x128xf32, #tpu.memory_space<vmem_shared>>
      tpu.enqueue_dma source(%dma_start3A_226 : memref<632x128xf32, #tpu.memory_space<vmem_shared>>) target(%dma_start3A_224 : memref<632x128xf32, #tpu.memory_space<hbm>>) target_semaphore(%run_scoped3A : memref<!tpu.dma_semaphore, #tpu.memory_space<semaphore_mem>>)
      %dma_wait3A_227 = arith.constant 0 : i32
      %dma_wait3A_228 = tpu.memref_slice %arg6[%add3A_222, %dma_wait3A_227] : memref<20224x128xf32, #tpu.memory_space<hbm>> -> memref<632x128xf32, #tpu.memory_space<hbm>>
      %dma_wait3A_229 = arith.constant 0 : i32
      %dma_wait3A_230 = tpu.memref_slice %arg10[%mul3A_4, %dma_wait3A_229] : memref<10112x128xf32, #tpu.memory_space<vmem_shared>> -> memref<632x128xf32, #tpu.memory_space<vmem_shared>>
      tpu.wait_dma2 semaphore(%run_scoped3A : memref<!tpu.dma_semaphore, #tpu.memory_space<semaphore_mem>>) src(%dma_wait3A_230 : memref<632x128xf32, #tpu.memory_space<vmem_shared>>) dst(%dma_wait3A_228 : memref<632x128xf32, #tpu.memory_space<hbm>>)
      tpu.yield
    }) : () -> ()
    return
  }
}

module attributes {stable_mosaic.version = 14 : i64} {
  func.func @_mlp_body(%arg0: i32, %arg1: memref<1000x128xf32, #tpu.memory_space<vmem>>, %arg2: memref<2x1000x128xf32, #tpu.memory_space<vmem>>, %arg3: memref<2x1000x128xf32, #tpu.memory_space<vmem>>, %arg4: memref<128x128xf32, #tpu.memory_space<vmem>>, %arg5: memref<128x128xf32, #tpu.memory_space<vmem>>, %arg6: memref<1x128xf32, #tpu.memory_space<vmem>>, %arg7: memref<128x128xf32, #tpu.memory_space<vmem>>, %arg8: memref<1x128xf32, #tpu.memory_space<vmem>>, %arg9: memref<128x128xf32, #tpu.memory_space<vmem>>, %arg10: memref<1x128xf32, #tpu.memory_space<vmem>>, %arg11: memref<128x128xf32, #tpu.memory_space<vmem>>, %arg12: memref<1x128xf32, #tpu.memory_space<vmem>>, %arg13: memref<1000x128xf32, #tpu.memory_space<vmem>>) attributes {dimension_semantics = [#tpu.dimension_semantics<arbitrary>], iteration_bounds = array<i64: 10>, scalar_prefetch = 0 : i64, scratch_operands = 0 : i64, tpu.core_type = #tpu.core_type<tc>, window_params = [{transform_indices = @transform_0, window_bounds = array<i64: 1000, 128>}, {transform_indices = @transform_1, window_bounds = array<i64: 2, 1000, 128>}, {transform_indices = @transform_2, window_bounds = array<i64: 2, 1000, 128>}, {pipeline_mode = #tpu.pipeline_mode<synchronous>, transform_indices = @transform_3, window_bounds = array<i64: 128, 128>}, {pipeline_mode = #tpu.pipeline_mode<synchronous>, transform_indices = @transform_4, window_bounds = array<i64: 128, 128>}, {pipeline_mode = #tpu.pipeline_mode<synchronous>, transform_indices = @transform_5, window_bounds = array<i64: 1, 128>}, {pipeline_mode = #tpu.pipeline_mode<synchronous>, transform_indices = @transform_6, window_bounds = array<i64: 128, 128>}, {pipeline_mode = #tpu.pipeline_mode<synchronous>, transform_indices = @transform_7, window_bounds = array<i64: 1, 128>}, {pipeline_mode = #tpu.pipeline_mode<synchronous>, transform_indices = @transform_8, window_bounds = array<i64: 128, 128>}, {pipeline_mode = #tpu.pipeline_mode<synchronous>, transform_indices = @transform_9, window_bounds = array<i64: 1, 128>}, {pipeline_mode = #tpu.pipeline_mode<synchronous>, transform_indices = @transform_10, window_bounds = array<i64: 128, 128>}, {pipeline_mode = #tpu.pipeline_mode<synchronous>, transform_indices = @transform_11, window_bounds = array<i64: 1, 128>}, {transform_indices = @transform_12, window_bounds = array<i64: 1000, 128>}]} {
    %get3A = arith.constant 0 : index
    %get3A_0 = arith.constant 0 : index
    %get3A_1 = arith.constant 0 : index
    %get3A_2 = vector.load %arg3[%get3A, %get3A_0, %get3A_1] : memref<2x1000x128xf32, #tpu.memory_space<vmem>>, vector<1x1000x1xf32>
    %get3A_3 = vector.shape_cast %get3A_2 : vector<1x1000x1xf32> to vector<1000x1xf32>
    %get3A_4 = arith.constant 1 : index
    %get3A_5 = arith.constant 0 : index
    %get3A_6 = arith.constant 0 : index
    %get3A_7 = vector.load %arg3[%get3A_4, %get3A_5, %get3A_6] : memref<2x1000x128xf32, #tpu.memory_space<vmem>>, vector<1x1000x1xf32>
    %get3A_8 = vector.shape_cast %get3A_7 : vector<1x1000x1xf32> to vector<1000x1xf32>
    %add3A = arith.addf %get3A_3, %get3A_8 : vector<1000x1xf32>
    %max3A = arith.constant 1.000000e+00 : f32
    %max3A_9 = vector.broadcast %max3A : f32 to vector<1000x1xf32>
    %max3A_10 = arith.maximumf %add3A, %max3A_9 : vector<1000x1xf32>
    %get3A_11 = arith.constant 0 : index
    %get3A_12 = arith.constant 0 : index
    %get3A_13 = arith.constant 0 : index
    %get3A_14 = vector.load %arg2[%get3A_11, %get3A_12, %get3A_13] : memref<2x1000x128xf32, #tpu.memory_space<vmem>>, vector<1x1000x128xf32>
    %get3A_15 = vector.shape_cast %get3A_14 : vector<1x1000x128xf32> to vector<1000x128xf32>
    %get3A_16 = arith.constant 1 : index
    %get3A_17 = arith.constant 0 : index
    %get3A_18 = arith.constant 0 : index
    %get3A_19 = vector.load %arg2[%get3A_16, %get3A_17, %get3A_18] : memref<2x1000x128xf32, #tpu.memory_space<vmem>>, vector<1x1000x128xf32>
    %get3A_20 = vector.shape_cast %get3A_19 : vector<1x1000x128xf32> to vector<1000x128xf32>
    %add3A_21 = arith.addf %get3A_15, %get3A_20 : vector<1000x128xf32>
    %div3A = vector.broadcast %max3A_10 : vector<1000x1xf32> to vector<1000x128xf32>
    %div3A_22 = arith.divf %add3A_21, %div3A : vector<1000x128xf32>
    %get3A_23 = arith.constant 0 : index
    %get3A_24 = arith.constant 0 : index
    %get3A_25 = vector.load %arg1[%get3A_23, %get3A_24] : memref<1000x128xf32, #tpu.memory_space<vmem>>, vector<1000x128xf32>
    %get3A_26 = arith.constant 0 : index
    %get3A_27 = arith.constant 0 : index
    %get3A_28 = vector.load %arg4[%get3A_26, %get3A_27] : memref<128x128xf32, #tpu.memory_space<vmem>>, vector<128x128xf32>
    %dot_general3A = arith.constant dense<0.000000e+00> : vector<1000x128xf32>
    %dot_general3A_29 = tpu.matmul %get3A_25, %get3A_28, %dot_general3A {dimension_numbers = #tpu.dot_dimension_numbers<[1], [0], [0], [1], [0, 0, 1, 1], [], []>, transpose_lhs_hint = false} : vector<1000x128xf32>, vector<128x128xf32>, vector<1000x128xf32> -> vector<1000x128xf32>
    %get3A_30 = arith.constant 0 : index
    %get3A_31 = arith.constant 0 : index
    %get3A_32 = vector.load %arg5[%get3A_30, %get3A_31] : memref<128x128xf32, #tpu.memory_space<vmem>>, vector<128x128xf32>
    %dot_general3A_33 = arith.constant dense<0.000000e+00> : vector<1000x128xf32>
    %dot_general3A_34 = tpu.matmul %div3A_22, %get3A_32, %dot_general3A_33 {dimension_numbers = #tpu.dot_dimension_numbers<[1], [0], [0], [1], [0, 0, 1, 1], [], []>, transpose_lhs_hint = false} : vector<1000x128xf32>, vector<128x128xf32>, vector<1000x128xf32> -> vector<1000x128xf32>
    %add3A_35 = arith.addf %dot_general3A_29, %dot_general3A_34 : vector<1000x128xf32>
    %get3A_36 = arith.constant 0 : index
    %get3A_37 = arith.constant 0 : index
    %get3A_38 = vector.load %arg6[%get3A_36, %get3A_37] : memref<1x128xf32, #tpu.memory_space<vmem>>, vector<1x128xf32>
    %add3A_39 = vector.broadcast %get3A_38 : vector<1x128xf32> to vector<1000x128xf32>
    %add3A_40 = arith.addf %add3A_35, %add3A_39 : vector<1000x128xf32>
    %max3A_41 = arith.constant 0.000000e+00 : f32
    %max3A_42 = vector.broadcast %max3A_41 : f32 to vector<1000x128xf32>
    %max3A_43 = arith.maximumf %add3A_40, %max3A_42 : vector<1000x128xf32>
    %get3A_44 = arith.constant 0 : index
    %get3A_45 = arith.constant 0 : index
    %get3A_46 = vector.load %arg7[%get3A_44, %get3A_45] : memref<128x128xf32, #tpu.memory_space<vmem>>, vector<128x128xf32>
    %dot_general3A_47 = arith.constant dense<0.000000e+00> : vector<1000x128xf32>
    %dot_general3A_48 = tpu.matmul %max3A_43, %get3A_46, %dot_general3A_47 {dimension_numbers = #tpu.dot_dimension_numbers<[1], [0], [0], [1], [0, 0, 1, 1], [], []>, transpose_lhs_hint = false} : vector<1000x128xf32>, vector<128x128xf32>, vector<1000x128xf32> -> vector<1000x128xf32>
    %get3A_49 = arith.constant 0 : index
    %get3A_50 = arith.constant 0 : index
    %get3A_51 = vector.load %arg8[%get3A_49, %get3A_50] : memref<1x128xf32, #tpu.memory_space<vmem>>, vector<1x128xf32>
    %add3A_52 = vector.broadcast %get3A_51 : vector<1x128xf32> to vector<1000x128xf32>
    %add3A_53 = arith.addf %dot_general3A_48, %add3A_52 : vector<1000x128xf32>
    %max3A_54 = arith.constant 0.000000e+00 : f32
    %max3A_55 = vector.broadcast %max3A_54 : f32 to vector<1000x128xf32>
    %max3A_56 = arith.maximumf %add3A_53, %max3A_55 : vector<1000x128xf32>
    %get3A_57 = arith.constant 0 : index
    %get3A_58 = arith.constant 0 : index
    %get3A_59 = vector.load %arg9[%get3A_57, %get3A_58] : memref<128x128xf32, #tpu.memory_space<vmem>>, vector<128x128xf32>
    %dot_general3A_60 = arith.constant dense<0.000000e+00> : vector<1000x128xf32>
    %dot_general3A_61 = tpu.matmul %max3A_56, %get3A_59, %dot_general3A_60 {dimension_numbers = #tpu.dot_dimension_numbers<[1], [0], [0], [1], [0, 0, 1, 1], [], []>, transpose_lhs_hint = false} : vector<1000x128xf32>, vector<128x128xf32>, vector<1000x128xf32> -> vector<1000x128xf32>
    %get3A_62 = arith.constant 0 : index
    %get3A_63 = arith.constant 0 : index
    %get3A_64 = vector.load %arg10[%get3A_62, %get3A_63] : memref<1x128xf32, #tpu.memory_space<vmem>>, vector<1x128xf32>
    %add3A_65 = vector.broadcast %get3A_64 : vector<1x128xf32> to vector<1000x128xf32>
    %add3A_66 = arith.addf %dot_general3A_61, %add3A_65 : vector<1000x128xf32>
    %max3A_67 = arith.constant 0.000000e+00 : f32
    %max3A_68 = vector.broadcast %max3A_67 : f32 to vector<1000x128xf32>
    %max3A_69 = arith.maximumf %add3A_66, %max3A_68 : vector<1000x128xf32>
    %get3A_70 = arith.constant 0 : index
    %get3A_71 = arith.constant 0 : index
    %get3A_72 = vector.load %arg11[%get3A_70, %get3A_71] : memref<128x128xf32, #tpu.memory_space<vmem>>, vector<128x128xf32>
    %dot_general3A_73 = arith.constant dense<0.000000e+00> : vector<1000x128xf32>
    %dot_general3A_74 = tpu.matmul %max3A_69, %get3A_72, %dot_general3A_73 {dimension_numbers = #tpu.dot_dimension_numbers<[1], [0], [0], [1], [0, 0, 1, 1], [], []>, transpose_lhs_hint = false} : vector<1000x128xf32>, vector<128x128xf32>, vector<1000x128xf32> -> vector<1000x128xf32>
    %get3A_75 = arith.constant 0 : index
    %get3A_76 = arith.constant 0 : index
    %get3A_77 = vector.load %arg12[%get3A_75, %get3A_76] : memref<1x128xf32, #tpu.memory_space<vmem>>, vector<1x128xf32>
    %add3A_78 = vector.broadcast %get3A_77 : vector<1x128xf32> to vector<1000x128xf32>
    %add3A_79 = arith.addf %dot_general3A_74, %add3A_78 : vector<1000x128xf32>
    %swap3A = arith.constant 0 : index
    %swap3A_80 = arith.constant 0 : index
    %swap3A_81 = vector.load %arg13[%swap3A, %swap3A_80] : memref<1000x128xf32, #tpu.memory_space<vmem>>, vector<1000x128xf32>
    tpu.vector_store %arg13[%swap3A, %swap3A_80], %add3A_79 {strides = array<i32>} : memref<1000x128xf32, #tpu.memory_space<vmem>>, vector<1000x128xf32>,
    return
  }
  func.func @transform_0(%arg0: i32) -> (i32, i32) {
    %c0_i32 = arith.constant 0 : i32
    %c0_i32_0 = arith.constant 0 : i32
    return %arg0, %c0_i32 : i32, i32
  }
  func.func @transform_1(%arg0: i32) -> (i32, i32, i32) {
    %c0_i32 = arith.constant 0 : i32
    %c0_i32_0 = arith.constant 0 : i32
    %c0_i32_1 = arith.constant 0 : i32
    return %c0_i32, %arg0, %c0_i32_0 : i32, i32, i32
  }
  func.func @transform_2(%arg0: i32) -> (i32, i32, i32) {
    %c0_i32 = arith.constant 0 : i32
    %c0_i32_0 = arith.constant 0 : i32
    %c0_i32_1 = arith.constant 0 : i32
    return %c0_i32, %arg0, %c0_i32_0 : i32, i32, i32
  }
  func.func @transform_3(%arg0: i32) -> (i32, i32) {
    %c0_i32 = arith.constant 0 : i32
    %c0_i32_0 = arith.constant 0 : i32
    %c0_i32_1 = arith.constant 0 : i32
    return %c0_i32, %c0_i32_0 : i32, i32
  }
  func.func @transform_4(%arg0: i32) -> (i32, i32) {
    %c0_i32 = arith.constant 0 : i32
    %c0_i32_0 = arith.constant 0 : i32
    %c0_i32_1 = arith.constant 0 : i32
    return %c0_i32, %c0_i32_0 : i32, i32
  }
  func.func @transform_5(%arg0: i32) -> (i32, i32) {
    %c0_i32 = arith.constant 0 : i32
    %c0_i32_0 = arith.constant 0 : i32
    %c0_i32_1 = arith.constant 0 : i32
    return %c0_i32, %c0_i32_0 : i32, i32
  }
  func.func @transform_6(%arg0: i32) -> (i32, i32) {
    %c0_i32 = arith.constant 0 : i32
    %c0_i32_0 = arith.constant 0 : i32
    %c0_i32_1 = arith.constant 0 : i32
    return %c0_i32, %c0_i32_0 : i32, i32
  }
  func.func @transform_7(%arg0: i32) -> (i32, i32) {
    %c0_i32 = arith.constant 0 : i32
    %c0_i32_0 = arith.constant 0 : i32
    %c0_i32_1 = arith.constant 0 : i32
    return %c0_i32, %c0_i32_0 : i32, i32
  }
  func.func @transform_8(%arg0: i32) -> (i32, i32) {
    %c0_i32 = arith.constant 0 : i32
    %c0_i32_0 = arith.constant 0 : i32
    %c0_i32_1 = arith.constant 0 : i32
    return %c0_i32, %c0_i32_0 : i32, i32
  }
  func.func @transform_9(%arg0: i32) -> (i32, i32) {
    %c0_i32 = arith.constant 0 : i32
    %c0_i32_0 = arith.constant 0 : i32
    %c0_i32_1 = arith.constant 0 : i32
    return %c0_i32, %c0_i32_0 : i32, i32
  }
  func.func @transform_10(%arg0: i32) -> (i32, i32) {
    %c0_i32 = arith.constant 0 : i32
    %c0_i32_0 = arith.constant 0 : i32
    %c0_i32_1 = arith.constant 0 : i32
    return %c0_i32, %c0_i32_0 : i32, i32
  }
  func.func @transform_11(%arg0: i32) -> (i32, i32) {
    %c0_i32 = arith.constant 0 : i32
    %c0_i32_0 = arith.constant 0 : i32
    %c0_i32_1 = arith.constant 0 : i32
    return %c0_i32, %c0_i32_0 : i32, i32
  }
  func.func @transform_12(%arg0: i32) -> (i32, i32) {
    %c0_i32 = arith.constant 0 : i32
    %c0_i32_0 = arith.constant 0 : i32
    return %arg0, %c0_i32 : i32, i32
  }
}

</mosaic_0001>

<sc_bundles>
// kernel: kernel.12.cloned.1.call-start
scs
__scs_entry_jumppad:
0x0: {  	(pc) =	sbr.rel $0x88, $3  }
0x1: {  	(tag) =	ssettag $0x0;
	lr =	simm.s32 $0x1  }
0x2: {  	[smem:$0x3F97] =	sst lr;
	_ =	strace $0xD0000000  }
0x3: {  	_ = 	snop  }
0x4: {  	_ = 	snop  }
0x5: {  	_ = 	snop  }
0x6: {  	_ = 	snop  }
0x7: {  	_ = 	snop  }
__scs_overlays_trampoline_lowered:
0x8: {  	[smem:$0x3FA6] =	sst s0  }
0x9: {  	[smem:$0x3FA7] =	sst s1  }
0xa: {  	[smem:$0x3FA8] =	sst s2  }
0xb: {  	[smem:$0x3FA9] =	sst s3  }
0xc: {  	[smem:$0x3FAA] =	sst s4  }
0xd: {  	[smem:$0x3FAB] =	sst s5  }
0xe: {  	[smem:$0x3FAC] =	sst s6  }
0xf: {  	[smem:$0x3FAD] =	sst s7  }
0x10: {  	[smem:$0x3FAE] =	sst s8  }
0x11: {  	[smem:$0x3FAF] =	sst s9;
	s0 =	simm.s32 @!p0 $0x0  }
0x12: {  	s1 =	sld [smem:$0x3F95];
	s0 =	simm.s32 @p0 $0x1  }
0x13: {  	[smem:$0x3FB0] =	sst s0;
	s0 =	simm.s32 @!p1 $0x0  }
0x14: {  	s2 =	sld [smem:$0x3F94];
	s0 =	simm.s32 @p1 $0x1  }
0x15: {  	[smem:$0x3FB1] =	sst s0;
	s0 =	simm.s32 @!p2 $0x0  }
0x16: {  	s3 =	sld [smem:$0x3FDB];
	s0 =	simm.s32 @p2 $0x1  }
0x17: {  	s4 =	simm.s32 $0x1BF5;
	[smem:$0x3FB3] =	sst s0  }
0x18: {  	s0 =	sld [smem:$0x3F96];
	_ =	swait.ge [sflag:s4], $0x0  }
0x19: {  	s7 =	sld [smem:$0x3F97]  }
0x1a: {  	s8 =	sadd.s32 $0xFFFFE003, lr  }
0x1b: {  	s9 =	sadd.s32 $0xFFFFFEF7, lr;
	s5 =	simm.s32 $0xFFFFFFFF;
	p2 =	slt.u32 s8, $0xFFFFF086  }
0x1c: {  	p1 =	slt.u32 s9, $0xF7A;
	s5 =	simm.s32 @!p2 $0x0  }
0x1d: {  	s5 =	simm.s32 @p1 $0x1;
	p0 =	seq.s32 s7, s2  }
0x1e: {  	s7 =	smul.u32 @!p0 $0xF7A, s2;
	p2 =	seq.s32 @!p0 s5, $0x0  }
0x1f: {  	s9 =	smul.u32 $0xF7A, s1;
	s8 =	simm.s32 @!p0 $0x1BF5;
	p2 =	por !p2, p0  }
0x20: {  	[sflag:s8] =	ssyncset.s32 @!p0 $0xFFFFF086;
	s6 =	sadd.s32 @!p0 s3, s7;
	s7 =	simm.s32 @!p0 $0x108  }
0x21: {  	s3 =	sadd.s32 s3, s9;
	s6 =	sadd.s32 @!p0 $0x88, s6;
	s7 =	simm.s32 @p2 $0x1082  }
0x22: {  	[simem:s7], [sflag:s8] =	dma.local @!p0 [hbm:s6], $0xF7A  }
0x23: {  	s9 =	sor.u32 $0xD0000000, s2;
	s6 =	simm.s32 $0x108;
	_ =	swait.ge @!p0 [sflag:s8], $0x0  }
0x24: {  	s3 =	sadd.s32 $0x88, s3;
	s6 =	simm.s32 @!p1 $0x1082;
	[sflag:s4] =	ssyncset.s32 $0xFFFFF086  }
0x25: {  	[simem:s6], [sflag:s4] =	dma.local [hbm:s3], $0xF7A  }
0x26: {  	[smem:$0x3F97] =	sst s1;
	(tag) =	ssettag s2;
	_ =	strace s9  }
0x27: {  	s1 =	sld [smem:$0x3FA7]  }
0x28: {  	s2 =	sld [smem:$0x3FA8]  }
0x29: {  	s4 =	sld [smem:$0x3FAA]  }
0x2a: {  	p0 =	seq.s32 s5, $0x0;
	s5 =	sld [smem:$0x3FAB]  }
0x2b: {  	s6 =	sld [smem:$0x3FAC]  }
0x2c: {  	s7 =	sld [smem:$0x3FAD]  }
0x2d: {  	s3 =	simm.s32 $0x108;
	s8 =	sld [smem:$0x3FAE]  }
0x2e: {  	s3 =	simm.s32 @!p0 $0x1082;
	s9 =	sld [smem:$0x3FAF]  }
0x2f: {  	lr =	sadd.s32 s0, s3;
	s0 =	sld [smem:$0x3FA6]  }
0x30: {  	s3 =	sld [smem:$0x3FA9]  }
0x31: {  	[smem:$0x3FB2] =	sst s10  }
0x32: {  	s10 =	sld [smem:$0x3FB0];
	_ =	sdelay $0x3  }
0x33: {  	p0 =	seq.s32 s10, $0x1;
	s10 =	sld [smem:$0x3FB2];
	_ =	sdelay $0x3  }
0x34: {  	[smem:$0x3FB2] =	sst s10  }
0x35: {  	s10 =	sld [smem:$0x3FB1];
	_ =	sdelay $0x3  }
0x36: {  	p1 =	seq.s32 s10, $0x1;
	s10 =	sld [smem:$0x3FB2];
	_ =	sdelay $0x3  }
0x37: {  	[smem:$0x3FB2] =	sst s10  }
0x38: {  	s10 =	sld [smem:$0x3FB3]  }
0x39: {  	_ = 	snop;
	(pc) =	sbr.ind lr, $3  }
0x3a: {  	_ = 	snop  }
0x3b: {  	_ = 	snop  }
0x3c: {  	p2 =	seq.s32 s10, $0x1;
	s10 =	sld [smem:$0x3FB2]  }
0x3d: {  	_ =	shalt  }
0x3e: {  	_ =	shalt  }
0x3f: {  	_ =	shalt  }
0x40: {  	_ =	shalt  }
0x41: {  	_ =	shalt  }
0x42: {  	_ =	shalt  }
0x43: {  	_ =	shalt  }
0x44: {  	_ =	shalt  }
0x45: {  	_ =	shalt  }
0x46: {  	_ =	shalt  }
0x47: {  	_ =	shalt  }
0x48: {  	_ =	shalt  }
0x49: {  	_ =	shalt  }
0x4a: {  	_ =	shalt  }
0x4b: {  	_ =	shalt  }
0x4c: {  	_ =	shalt  }
0x4d: {  	_ =	shalt  }
0x4e: {  	_ =	shalt  }
0x4f: {  	_ =	shalt  }
0x50: {  	_ =	shalt  }
0x51: {  	_ =	shalt  }
0x52: {  	_ =	shalt  }
0x53: {  	_ =	shalt  }
0x54: {  	_ =	shalt  }
0x55: {  	_ =	shalt  }
0x56: {  	_ =	shalt  }
0x57: {  	_ =	shalt  }
0x58: {  	_ =	shalt  }
0x59: {  	_ =	shalt  }
0x5a: {  	_ =	shalt  }
0x5b: {  	_ =	shalt  }
0x5c: {  	_ =	shalt  }
0x5d: {  	_ =	shalt  }
0x5e: {  	_ =	shalt  }
0x5f: {  	_ =	shalt  }
0x60: {  	_ =	shalt  }
0x61: {  	_ =	shalt  }
0x62: {  	_ =	shalt  }
0x63: {  	_ =	shalt  }
0x64: {  	_ =	shalt  }
0x65: {  	_ =	shalt  }
0x66: {  	_ =	shalt  }
0x67: {  	_ =	shalt  }
0x68: {  	_ =	shalt  }
0x69: {  	_ =	shalt  }
0x6a: {  	_ =	shalt  }
0x6b: {  	_ =	shalt  }
0x6c: {  	_ =	shalt  }
0x6d: {  	_ =	shalt  }
0x6e: {  	_ =	shalt  }
0x6f: {  	_ =	shalt  }
0x70: {  	_ =	shalt  }
0x71: {  	_ =	shalt  }
0x72: {  	_ =	shalt  }
0x73: {  	_ =	shalt  }
0x74: {  	_ =	shalt  }
0x75: {  	_ =	shalt  }
0x76: {  	_ =	shalt  }
0x77: {  	_ =	shalt  }
0x78: {  	_ =	shalt  }
0x79: {  	_ =	shalt  }
0x7a: {  	_ =	shalt  }
0x7b: {  	_ =	shalt  }
0x7c: {  	_ =	shalt  }
0x7d: {  	_ =	shalt  }
0x7e: {  	_ =	shalt  }
0x7f: {  	_ =	shalt  }
0x80: {  	_ =	shalt  }
0x81: {  	_ =	shalt  }
0x82: {  	_ =	shalt  }
0x83: {  	_ =	shalt  }
0x84: {  	_ =	shalt  }
0x85: {  	_ =	shalt  }
0x86: {  	_ =	shalt  }
0x87: {  	_ =	shalt  }
.Lfunc_end0:
.L_simem_size_0:
called_computation.2_lowered:
.L_overlay_start_0:
0x88: {  	s2 =	sld [smem:$0x3FD9]  }
0x89: {  	s3 =	sld [smem:$0x3FFE];
	_ =	sdelay $0x1  }
0x8a: {  	s1 =	srdreg.scid  }
0x8b: {  	s0 =	sand.u32 $0x1, s1  }
0x8c: {  	s17 =	sshll.u32 s0, $0xA;
	s2 =	sadd.s32 s3, s2  }
0x8d: {  	s2 =	sadd.s32 s2, s17  }
0x8e: {  	[smem:$0x3FBE] =	sst s2  }
0x8f: {  	_ = 	snop  }
0x90: {  	s18 =	sld [smem:$0x3FD0];
	(tm) =	ssettm $0x1  }
0x91: {  	s19 =	sld [smem:$0x3FFB];
	_ =	sdelay $0x3  }
0x92: {  	_ =	strace s19  }
0x93: {  	s2 =	sld [smem:$0x3FFC];
	_ =	sdelay $0x3  }
0x94: {  	_ =	strace s2  }
0x95: {  	s2 =	sld [smem:$0x3FFD];
	_ =	sdelay $0x3  }
0x96: {  	_ =	strace s2  }
0x97: {  	_ =	strace $0x8FFFFFFF  }
0x98: {  	s20 =	sld [smem:$0x3FDB];
	_ =	sdelay $0x1  }
0x99: {  	s4 =	simm.s32 $_scs_section_size  }
0x9a: {  	s5 =	simm.s32 $_size__tile_overlayer_lowered;
	s6 =	simm.s32 $_tile_overlayer_lowered  }
0x9b: {  	s7 =	simm.s32 $0x1BFF;
	s21 =	sshll.u32 s6, $0x1;
	s4 =	sadd.s32 s4, s20  }
0x9c: {  	s22 =	simm.s32 $0x0;
	s5 =	sshll.u32 s5, $0x1;
	s6 =	sadd.s32 s21, s4  }
0x9d: {  	[timem:s22], [sflag:s7] =	dma.local [hbm:s6], s5  }
0x9e: {  	_ =	swait.ge [sflag:s7], s5  }
0x9f: {  	s5 =	ssub.s32 $0x0, s5;
	[sflag:s7] =	ssyncset.done $0x0  }
0xa0: {  	[sflag:s7] =	ssyncadd.s32 s5;
	_ =	sdelay $0x1  }
0xa1: {  	s23 =	simm.s32 $0x1B8B  }
0xa2: {  	_ =	swait.ge [sflag:s23], $0x1  }
0xa3: {  	[sflag:s23] =	ssyncset.done $0x0  }
0xa4: {  	[sflag:s23] =	ssyncadd.s32 $0xFFFFFFFF  }
0xa5: {  	s5 =	sld [smem:$0x0]  }
0xa6: {  	s6 =	sand.u32 $0xFFFFFFFE, s1  }
0xa7: {  	p0 =	sne.s32 s1, s6  }
0xa8: {  	s6 =	sshll.u32 @p0 s6, $0xE  }
0xa9: {  	s6 =	sadd.s32 @p0 $0x11B8D, s6;
	s7 =	sshll.u32 @p0 s5, $0x11  }
0xaa: {  	s6 =	sor.u32 @p0 s7, s6  }
0xab: {  	[sflag:s6] =	ssyncadd.remote.s32 @p0 $0x1;
	_ =	sdelay $0x1  }
0xac: {  	s6 =	simm.s32 @p0 $0x1B8D  }
0xad: {  	_ =	swait.eq @p0 [sflag:s6], $0x1  }
0xae: {  	[sflag:s6] =	ssyncadd.s32 @p0 $0xFFFFFFFF  }
0xaf: {  	s7 =	sshll.u32 @!p0 s1, $0xE  }
0xb0: {  	s7 =	sor.u32 @!p0 $0x4000, s7;
	s6 =	simm.s32 @!p0 $0x1B8D  }
0xb1: {  	s5 =	sshll.u32 @!p0 s5, $0x11;
	s7 =	sadd.s32 @!p0 $0x11B8D, s7;
	_ =	swait.eq @!p0 [sflag:s6], $0x1  }
0xb2: {  	s5 =	sor.u32 @!p0 s5, s7;
	[sflag:s6] =	ssyncadd.s32 @!p0 $0xFFFFFFFF  }
0xb3: {  	s25 =	simm.s32 $0x1B8E;
	s24 =	sld [smem:$0x3FFE];
	[sflag:s5] =	ssyncadd.remote.s32 @!p0 $0x1  }
0xb4: {  	s26 =	simm.s32 $execute0_lowered;
	[smem:$0x3FD2] =	sst s25  }
0xb5: {  	s6 =	sshll.u32 s26, $0x1;
	_ =	strace $0x80000049;
	[dreg:$0x1] =	wrdreg $0xFFFFFFFF  }
0xb6: {  	s28 =	simm.s32 $_size_execute0_lowered;
	s4 =	sadd.s32 s4, s6;
	[dreg:$0x0] =	wrdreg $0x0  }
0xb7: {  	s6 =	sshll.u32 s28, $0x1;
	[dreg:$0x2] =	wrdreg s4  }
0xb8: {  	[dreg:$0x3] =	wrdreg s6  }
0xb9: {  	[dreg:$0x4] =	wrdreg $0xC0  }
0xba: {  	_ =	task [dreg:s22], $0x5FFFF  }
0xbb: {  	[dreg:$0x1] =	wrdreg $0xFFFFFFFF  }
0xbc: {  	[dreg:$0x0] =	wrdreg $0x60  }
0xbd: {  	[dreg:$0x2] =	wrdreg s18  }
0xbe: {  	[dreg:$0x3] =	wrdreg s24  }
0xbf: {  	[dreg:$0x4] =	wrdreg $0x44000  }
0xc0: {  	[dreg:$0x5] =	wrdreg $0x9  }
0xc1: {  	_ =	task.clear_ibuf [dreg:s22], $0x6FFFF;
	_ =	strace $0x90000049  }
0xc2: {  	s29 =	simm.s32 $0x9;
	_ =	strace $0x8000004B  }
0xc3: {  	_ =	swait.ge [sflag:s29], $0x1  }
0xc4: {  	[sflag:s29] =	ssyncadd.s32 $0xFFFFFFFF  }
0xc5: {  	_ =	strace $0x9000004B  }
0xc6: {  	_ =	sfence  }
0xc7: {  	s30 =	sld [smem:$0x0];
	_ =	sdelay $0x2  }
0xc8: {  	s31 =	sshll.u32 s1, $0xD;
	s1 =	sshrl.u32 s1, $0x2  }
0xc9: {  	s4 =	sand.u32 $0x4000, s31;
	s1 =	sadd.s32 s1, s30  }
0xca: {  	s0 =	sor.u32 s4, s0;
	s1 =	sshll.u32 s1, $0x11  }
0xcb: {  	s0 =	sor.u32 s1, s0  }
0xcc: {  	s0 =	sadd.s32 $0x8F2B, s0  }
0xcd: {  	[sflag:s0] =	ssyncadd.remote.s32 $0x1  }
0xce: {  	_ =	sfence.sel $0xFFFF  }
0xcf: {  	[dreg:$0x0] =	wrdreg $0xFFFFFFFF;
	(pc) =	sbr.abs _section_cstart, $3  }
0xd0: {  	[dreg:$0x1] =	wrdreg $0xFFFFFFFF  }
0xd1: {  	_ =	task.clear_ibuf [dreg:s22], $0x2FFFF;
	_ =	strace $0x9FFFFFFF  }
0xd2: {  	(tm) =	ssettm $0x7FFFFFFF  }
0xd3: {  	_ =	shalt  }
tec
execute0_lowered:
.L_overlay_start_1:
0x0: {  	(tag) =	ssettag $0x1  }
0x1: {  	s0 =	rddreg [dreg:$0x0]  }
0x2: {  	s2 =	rddreg [dreg:$0x1]  }
0x3: {  	s1 =	rddreg [dreg:$0x2];
	s3 =	simm.s32 $0x0;
	s4 =	srdreg.scid  }
0x4: {  	s10 =	stileid.u32;
	s28 =	simm.s32 $0x1;
	s29 =	simm.s32 $0x200  }
0x5: {  	s30 =	simm.s32 $0x2;
	[smem:$0x7FF] =	sst s3;
	s5 =	smul.u32 $0x2780, s10  }
0x6: {  	s4 =	sand.u32 $0x1, s4;
	s6 =	sshll.u32 s10, $0x1;
	s26 =	smul.u32 $0x4F000, s10  }
0x7: {  	s8 =	sadd.s32 $0xC600, s2;
	s24 =	sadd.s32 $0x5DE00, s2;
	s9 =	smul.u32 $0x5000, s10  }
0x8: {  	_ =	strace $0x8000004A;
	s7 =	smul.u32 $0x27800, s4;
	s6 =	sor.u32 s4, s6  }
0x9: {  	[dreg:$0x4] =	wrdreg s8;
	s25 =	ssub.s32 $0x2, s4;
	s4 =	smul.u32 $0x2800, s4  }
0xa: {  	s31 =	simm.s32 $0x0;
	[dreg:$0x5] =	wrdreg s24;
	s6 =	smul.u32 $0x2800, s6  }
0xb: {  	s11 =	sshrl.u32 s25, $0x1;
	s8 =	sshrl.u32 s26, $0x2;
	s26 =	sshll.u32 s10, $0x6  }
0xc: {  	s10 =	simm.s32 $0xB;
	s5 =	sadd.s32 s5, s7;
	s12 =	sadd.s32 s8, s1  }
0xd: {  	s4 =	sadd.s32 s4, s9;
	s7 =	simm.s32 $0x5;
	s8 =	simm.s32 $0x9  }
0xe: {  	s9 =	simm.s32 $0x7;
	s2 =	sadd.s32 s5, s2;
	s6 =	sshrl.u32 s6, $0x3  }
0xf: {  	s5 =	ssub.s32 s25, s11;
	s17 =	sor.u32 $0x580, s4;
	s18 =	sor.u32 $0x500, s4  }
0x10: {  	s21 =	sor.u32 $0x480, s4;
	s22 =	sor.u32 $0x400, s4;
	s23 =	sor.u32 $0x380, s4  }
0x11: {  	s24 =	sor.u32 $0x300, s4;
	s25 =	sor.u32 $0x280, s4;
	s4 =	sor.u32 $0x200, s4  }
0x12: {  	s11 =	simm.s32 $0x8;
	s6 =	sadd.s32 s0, s6;
	s2 =	sadd.s32 $0x5E600, s2  }
0x13: {  	s19 =	sshrl.u32 s17, $0x3;
	s20 =	sshrl.u32 s18, $0x3;
	s5 =	smax.u32 s5, $0x1  }
0x14: {  	s4 =	sshrl.u32 s4, $0x3;
	s15 =	sadd.s32 $0x10, s6;
	[dreg:$0x6] =	wrdreg s6  }
0x15: {  	s16 =	sadd.s32 $0x20, s6;
	s6 =	sadd.s32 $0x30, s6;
	[dreg:$0xa] =	wrdreg s2  }
0x16: {  	[dreg:$0xb] =	wrdreg s5;
	s2 =	sadd.s32 s19, s0;
	s13 =	sadd.s32 s20, s0  }
0x17: {  	s5 =	sshrl.u32 s22, $0x3;
	s19 =	sadd.s32 s4, s0;
	[dreg:$0x7] =	wrdreg s15  }
0x18: {  	s20 =	simm.s32 $0x400;
	s22 =	sor.u32 $0x1C11, s26;
	[dreg:$0x8] =	wrdreg s16  }
0x19: {  	s26 =	simm.s32 $0x180;
	s4 =	simm.s32 $0x4;
	[dreg:$0x9] =	wrdreg s6  }
0x1a: {  	[dreg:$0xc] =	wrdreg s2;
	s2 =	sshrl.u32 s21, $0x3;
	s6 =	sshrl.u32 s23, $0x3  }
0x1b: {  	s15 =	sadd.s32 s5, s0;
	s5 =	sshrl.u32 s25, $0x3;
	s21 =	simm.s32 $0x11  }
.Ltmp0:
0x1c: {  	s23 =	sshrl.u32 s12, $0x3;
	s25 =	simm.s32 $0x100;
	(pc) =	sbr.rel .LBB2_1-.Ltmp0, $4  }
0x1d: {  	[dreg:$0xd] =	wrdreg s22;
	s14 =	sadd.s32 s2, s0;
	s16 =	sadd.s32 s6, s0  }
0x1e: {  	s2 =	sshrl.u32 s24, $0x3;
	s18 =	sadd.s32 s5, s0;
	s24 =	simm.s32 $0x80  }
0x1f: {  	s5 =	simm.s32 $0x380;
	s6 =	simm.s32 $0xC;
	[dreg:$0xe] =	wrdreg s23  }
0x20: {  	s17 =	sadd.s32 s2, s0;
	s0 =	simm.s32 $0x3;
	s2 =	simm.s32 $0x300  }
.LBB2_4:
0x21: {  	_ =	swait.ge [sflag:s11], $0x80  }
0x22: {  	[sflag:s11] =	ssyncset.done $0x0  }
0x23: {  	[sflag:s11] =	ssyncadd.s32 $0xFFFFFF80  }
0x24: {  	[spmem:s1] =	stream.indirect.scatter.add.f32 [tilespmem:s20], [sflag:$0x10], $0x80, s5, s24, $0xb8;
	[tilespmem:$0x18000] =	vst v63  }
0x25: {  	_ =	swait.ge [sflag:s6], $0x4000  }
0x26: {  	[sflag:s6] =	ssyncset.done $0x0  }
0x27: {  	s12 =	simm.s32 $0xD;
	[sflag:s6] =	ssyncadd.s32 $0xFFFFC000  }
0x28: {  	_ =	swait.ge [sflag:s12], $0x4000  }
0x29: {  	[sflag:s12] =	ssyncset.done $0x0  }
0x2a: {  	s21 =	simm.s32 $0xE;
	[sflag:s12] =	ssyncadd.s32 $0xFFFFC000  }
0x2b: {  	_ =	swait.ge [sflag:s21], $0x4000  }
0x2c: {  	[sflag:s21] =	ssyncset.done $0x0  }
0x2d: {  	s22 =	simm.s32 $0xF;
	[sflag:s21] =	ssyncadd.s32 $0xFFFFC000  }
0x2e: {  	_ =	swait.ge [sflag:s22], $0x4000  }
0x2f: {  	[sflag:s22] =	ssyncset.done $0x0  }
0x30: {  	s23 =	simm.s32 $0x10;
	[sflag:s22] =	ssyncadd.s32 $0xFFFFC000  }
0x31: {  	_ =	swait.ge [sflag:s23], $0x4000  }
0x32: {  	[sflag:s23] =	ssyncset.done $0x0  }
0x33: {  	[sflag:s23] =	ssyncadd.s32 $0xFFFFC000  }
0x34: {  	[bflag:$0x0] =	sbarrier.arrive $0xFFFF  }
0x35: {  	s21 =	rddreg [dreg:$0xa]  }
0x36: {  	s22 =	rddreg [dreg:$0xd]  }
0x37: {  	s23 =	rddreg [dreg:$0xe]  }
0x38: {  	[hbm:s21], [sflag:s22] =	dma.local [spmem:s23], $0x2780  }
0x39: {  	s21 =	simm.s32 $0x11  }
0x3a: {  	_ =	swait.ge [sflag:s21], $0x2780  }
0x3b: {  	s31 =	rddreg [dreg:$0xf]  }
0x3c: {  	s12 =	rddreg [dreg:$0xb];
	s31 =	sadd.s32 $0x1, s31  }
0x3d: {  	p0 =	sne.s32 s31, s12  }
.Ltmp1:
0x3e: {  	_ = 	snop;
	(pc) =	sbr.rel @!p0 .LBB2_5-.Ltmp1, $3  }
0x3f: {  	_ =	sdelay $0x1  }
0x40: {  	[sflag:s21] =	ssyncset.done $0x0  }
0x41: {  	[sflag:s21] =	ssyncadd.s32 $0xFFFFD880  }
.LBB2_1:
0x42: {  	[dreg:$0xf] =	wrdreg s31  }
0x43: {  	s12 =	rddreg [dreg:$0x5]  }
0x44: {  	[tilespmem:s20], [sflag:$0x11] =	stream.linear.gather [hbm4b:s12+s3], $0x4000, $0x38;
	[tilespmem:$0x18000] =	vst v63  }
0x45: {  	_ =	swait.ge [sflag:s21], $0x4000  }
0x46: {  	[sflag:s21] =	ssyncset.done $0x0  }
0x47: {  	s31 =	rddreg [dreg:$0x4];
	[sflag:s21] =	ssyncadd.s32 $0xFFFFC000  }
0x48: {  	[spmem:s23], [sflag:s22] =	dma.local [hbm:s31], $0x2780  }
0x49: {  	_ =	swait.ge [sflag:s21], $0x2780  }
0x4a: {  	[sflag:s21] =	ssyncset.done $0x0  }
0x4b: {  	[sflag:s21] =	ssyncadd.s32 $0xFFFFD880  }
0x4c: {  	[bflag:$0x0] =	sbarrier.arrive $0xFFFF  }
0x4d: {  	s21 =	rddreg [dreg:$0x6]  }
0x4e: {  	[tilespmem:s3], [sflag:$0x1] =	stream.linear.gather [hbm4b:s21+s3], $0x80, $0x38;
	[tilespmem:$0x18000] =	vst v63  }
0x4f: {  	s22 =	rddreg [dreg:$0x7]  }
0x50: {  	[tilespmem:s24], [sflag:$0x2] =	stream.linear.gather [hbm4b:s22+s3], $0x80, $0x38;
	[tilespmem:$0x18000] =	vst v63  }
0x51: {  	s23 =	rddreg [dreg:$0x8]  }
0x52: {  	[tilespmem:s25], [sflag:$0x3] =	stream.linear.gather [hbm4b:s23+s3], $0x80, $0x38;
	[tilespmem:$0x18000] =	vst v63  }
0x53: {  	s31 =	rddreg [dreg:$0x9];
	s23 =	simm.s32 $0x0  }
0x54: {  	[tilespmem:s26], [sflag:$0x4] =	stream.linear.gather [hbm4b:s31+s3], $0x80, $0x38;
	[tilespmem:$0x18000] =	vst v63  }
.LBB2_2:
0x55: {  	_ =	swait.ge [sflag:s28], $0x80  }
0x56: {  	p0 =	seq.s32 s23, $0x0;
	[sflag:s28] =	ssyncset.done $0x0  }
0x57: {  	s21 =	simm.s32 @!p0 $0xD;
	[sflag:s28] =	ssyncadd.s32 $0xFFFFFF80  }
0x58: {  	[spmem:s1] =	stream.indirect.scatter.add.f32 [tilespmem:s20], [sflag:$0x9], $0x80, s3, s24, $0xb8;
	[tilespmem:$0x18000] =	vst v63  }
0x59: {  	_ =	swait.ge @!p0 [sflag:s21], $0x4000  }
0x5a: {  	[sflag:s21] =	ssyncset.done @!p0 $0x0  }
0x5b: {  	s22 =	sadd.s32 s23, s19;
	[sflag:s21] =	ssyncadd.s32 @!p0 $0xFFFFC000  }
0x5c: {  	[tilespmem:s29], [sflag:$0x5] =	stream.linear.gather [hbm4b:s22+s3], $0x80, $0x38;
	[tilespmem:$0x18000] =	vst v63  }
0x5d: {  	_ =	swait.ge [sflag:s30], $0x80  }
0x5e: {  	[sflag:s30] =	ssyncset.done $0x0  }
0x5f: {  	s21 =	simm.s32 @!p0 $0xE;
	[sflag:s30] =	ssyncadd.s32 $0xFFFFFF80  }
0x60: {  	[spmem:s1] =	stream.indirect.scatter.add.f32 [tilespmem:s20], [sflag:$0xA], $0x80, s24, s24, $0xb8;
	[tilespmem:$0x18000] =	vst v63  }
0x61: {  	_ =	swait.ge @!p0 [sflag:s21], $0x4000  }
0x62: {  	[sflag:s21] =	ssyncset.done @!p0 $0x0  }
0x63: {  	s31 =	sadd.s32 s23, s18;
	s12 =	simm.s32 $0x280;
	[sflag:s21] =	ssyncadd.s32 @!p0 $0xFFFFC000  }
0x64: {  	[tilespmem:s12], [sflag:$0x6] =	stream.linear.gather [hbm4b:s31+s3], $0x80, $0x38;
	[tilespmem:$0x18000] =	vst v63  }
0x65: {  	_ =	swait.ge [sflag:s0], $0x80  }
0x66: {  	[sflag:s0] =	ssyncset.done $0x0  }
0x67: {  	s21 =	simm.s32 @!p0 $0xF;
	[sflag:s0] =	ssyncadd.s32 $0xFFFFFF80  }
0x68: {  	[spmem:s1] =	stream.indirect.scatter.add.f32 [tilespmem:s20], [sflag:$0xB], $0x80, s25, s24, $0xb8;
	[tilespmem:$0x18000] =	vst v63  }
0x69: {  	_ =	swait.ge @!p0 [sflag:s21], $0x4000  }
0x6a: {  	[sflag:s21] =	ssyncset.done @!p0 $0x0  }
0x6b: {  	s22 =	sadd.s32 s23, s17;
	[sflag:s21] =	ssyncadd.s32 @!p0 $0xFFFFC000  }
0x6c: {  	[tilespmem:s2], [sflag:$0x7] =	stream.linear.gather [hbm4b:s22+s3], $0x80, $0x38;
	[tilespmem:$0x18000] =	vst v63  }
0x6d: {  	_ =	swait.ge [sflag:s4], $0x80  }
0x6e: {  	[sflag:s4] =	ssyncset.done $0x0  }
0x6f: {  	s21 =	simm.s32 @!p0 $0x10;
	[sflag:s4] =	ssyncadd.s32 $0xFFFFFF80  }
0x70: {  	[spmem:s1] =	stream.indirect.scatter.add.f32 [tilespmem:s20], [sflag:$0xC], $0x80, s26, s24, $0xb8;
	[tilespmem:$0x18000] =	vst v63  }
0x71: {  	_ =	swait.ge @!p0 [sflag:s21], $0x4000  }
0x72: {  	[sflag:s21] =	ssyncset.done @!p0 $0x0  }
0x73: {  	s31 =	sadd.s32 s23, s16;
	[sflag:s21] =	ssyncadd.s32 @!p0 $0xFFFFC000  }
0x74: {  	[tilespmem:s5], [sflag:$0x8] =	stream.linear.gather [hbm4b:s31+s3], $0x80, $0x38;
	[tilespmem:$0x18000] =	vst v63  }
0x75: {  	_ =	swait.ge [sflag:s7], $0x80  }
0x76: {  	[sflag:s7] =	ssyncset.done $0x0  }
0x77: {  	[sflag:s7] =	ssyncadd.s32 $0xFFFFFF80  }
0x78: {  	[spmem:s1] =	stream.indirect.scatter.add.f32 [tilespmem:s20], [sflag:$0xD], $0x80, s29, s24, $0xb8;
	[tilespmem:$0x18000] =	vst v63  }
0x79: {  	_ =	swait.ge [sflag:s8], $0x4000  }
0x7a: {  	p0 =	seq.s32 s23, $0x480;
	[sflag:s8] =	ssyncset.done $0x0  }
0x7b: {  	s21 =	simm.s32 @p0 $0x6;
	[sflag:s8] =	ssyncadd.s32 $0xFFFFC000  }
0x7c: {  	_ =	swait.ge @p0 [sflag:s21], $0x80  }
0x7d: {  	s22 =	simm.s32 @p0 $0x280;
	[sflag:s21] =	ssyncset.done @p0 $0x0  }
0x7e: {  	s31 =	simm.s32 @p0 $0x400;
	[sflag:s21] =	ssyncadd.s32 @p0 $0xFFFFFF80;
	s21 =	simm.s32 @p0 $0x80  }
0x7f: {  	[spmem:s1] =	stream.indirect.scatter.add.f32 @p0 [tilespmem:s31], [sflag:$0xE], $0x80, s22, s21, $0xb8;
	[tilespmem:$0x18000] =	vst v63  }
0x80: {  	s21 =	simm.s32 @p0 $0xA  }
0x81: {  	_ =	swait.ge @p0 [sflag:s21], $0x4000  }
0x82: {  	[sflag:s21] =	ssyncset.done @p0 $0x0  }
0x83: {  	s22 =	simm.s32 @!p0 $0x0;
	[sflag:s21] =	ssyncadd.s32 @p0 $0xFFFFC000;
	s21 =	sadd.s32 @!p0 s23, s15  }
0x84: {  	[tilespmem:s22], [sflag:$0x1] =	stream.linear.gather @!p0 [hbm4b:s21+s22], $0x80, $0x38;
	[tilespmem:$0x18000] =	vst v63  }
0x85: {  	s21 =	simm.s32 @!p0 $0x6  }
0x86: {  	_ =	swait.ge @!p0 [sflag:s21], $0x80  }
0x87: {  	s12 =	simm.s32 @!p0 $0x400;
	[sflag:s21] =	ssyncset.done @!p0 $0x0  }
0x88: {  	s31 =	simm.s32 @!p0 $0x280;
	[sflag:s21] =	ssyncadd.s32 @!p0 $0xFFFFFF80;
	s21 =	simm.s32 @!p0 $0x80  }
0x89: {  	[spmem:s1] =	stream.indirect.scatter.add.f32 @!p0 [tilespmem:s12], [sflag:$0xE], $0x80, s31, s21, $0xb8;
	[tilespmem:$0x18000] =	vst v63  }
0x8a: {  	s12 =	simm.s32 @!p0 $0xA  }
0x8b: {  	_ =	swait.ge @!p0 [sflag:s12], $0x4000  }
0x8c: {  	[sflag:s12] =	ssyncset.done @!p0 $0x0  }
0x8d: {  	[sflag:s12] =	ssyncadd.s32 @!p0 $0xFFFFC000;
	s12 =	sadd.s32 @!p0 s23, s14  }
0x8e: {  	[tilespmem:s21], [sflag:$0x2] =	stream.linear.gather @!p0 [hbm4b:s12+s22], $0x80, $0x38;
	[tilespmem:$0x18000] =	vst v63  }
0x8f: {  	_ =	swait.ge [sflag:s9], $0x80  }
0x90: {  	[sflag:s9] =	ssyncset.done $0x0  }
.Ltmp2:
0x91: {  	[sflag:s9] =	ssyncadd.s32 $0xFFFFFF80;
	(pc) =	sbr.rel @p0 .LBB2_4-.Ltmp2, $4  }
0x92: {  	[spmem:s1] =	stream.indirect.scatter.add.f32 [tilespmem:s20], [sflag:$0xF], $0x80, s2, s24, $0xb8;
	[tilespmem:$0x18000] =	vst v63  }
0x93: {  	_ =	swait.ge [sflag:s10], $0x4000  }
0x94: {  	[sflag:s10] =	ssyncset.done $0x0  }
0x95: {  	[sflag:s10] =	ssyncadd.s32 $0xFFFFC000  }
0x96: {  	s12 =	sadd.s32 s23, s13  }
0x97: {  	[tilespmem:s25], [sflag:$0x3] =	stream.linear.gather [hbm4b:s12+s3], $0x80, $0x38;
	[tilespmem:$0x18000] =	vst v63  }
0x98: {  	_ =	swait.ge [sflag:s11], $0x80  }
0x99: {  	[sflag:s11] =	ssyncset.done $0x0  }
0x9a: {  	[sflag:s11] =	ssyncadd.s32 $0xFFFFFF80  }
0x9b: {  	[spmem:s1] =	stream.indirect.scatter.add.f32 [tilespmem:s20], [sflag:$0x10], $0x80, s5, s24, $0xb8;
	[tilespmem:$0x18000] =	vst v63  }
.Ltmp3:
0x9c: {  	_ = 	snop;
	(pc) =	sbr.rel .LBB2_2-.Ltmp3, $4  }
0x9d: {  	_ =	swait.ge [sflag:s6], $0x4000  }
0x9e: {  	[sflag:s6] =	ssyncset.done $0x0;
	s31 =	rddreg [dreg:$0xc]  }
0x9f: {  	[sflag:s6] =	ssyncadd.s32 $0xFFFFC000;
	s12 =	sadd.s32 s23, s31;
	s23 =	sadd.s32 $0x80, s23  }
0xa0: {  	[tilespmem:s26], [sflag:$0x4] =	stream.linear.gather [hbm4b:s12+s3], $0x80, $0x38;
	[tilespmem:$0x18000] =	vst v63  }
.LBB2_5:
0xa1: {  	_ =	sfence.sel $0x180000  }
0xa2: {  	[bflag:$0x0] =	sbarrier.arrive $0xFFFF  }
0xa3: {  	_ =	strace $0x9000004A  }
0xa4: {  	s0 =	stileid.u32;
	[bflag:$0x2] =	sbarrier.arrive $0xFFFF  }
0xa5: {  	p0 =	sne.s32 s0, $0x0;
	s0 =	rddreg [dreg:$0x3]  }
0xa6: {  	s0 =	sadd.s32 @!p0 $0x100000, s0  }
0xa7: {  	[sflag:s0] =	ssyncadd.tile.s32 @!p0 $0x1;
	_ =	shalt  }
.Lfunc_end2:
_tile_overlayer_lowered:
.L_overlay_start_2:
0xa8: {  	(tag) =	ssettag $0x2  }
0xa9: {  	s0 =	rddreg [dreg:$0x0];
	s2 =	stileid.u32  }
0xaa: {  	s1 =	rddreg [dreg:$0x1];
	p0 =	sne.s32 s2, $0x0  }
0xab: {  	s3 =	rddreg [dreg:$0x2];
	[bflag:$0x3] =	sbarrier.arrive $0xFFFF;
	s2 =	simm.s32 @!p0 $0x1C11  }
0xac: {  	[timem:s3], [sflag:s2] =	dma.local @!p0 [hbm:s0], s1  }
0xad: {  	s0 =	simm.s32 @!p0 $0x11  }
0xae: {  	_ =	swait.ge @!p0 [sflag:s0], s1  }
0xaf: {  	s1 =	ssub.s32 @!p0 $0x0, s1;
	[sflag:s0] =	ssyncset.done @!p0 $0x0  }
0xb0: {  	[sflag:s0] =	ssyncadd.s32 @!p0 s1  }
0xb1: {  	[bflag:$0x3] =	sbarrier.arrive $0xFFFF  }
0xb2: {  	_ =	shalt  }

// kernel: kernel.6.cloned.1.call-start
scs
__scs_entry_jumppad:
0x0: {  	(pc) =	sbr.rel $0x88, $3  }
0x1: {  	(tag) =	ssettag $0x0;
	lr =	simm.s32 $0x1  }
0x2: {  	[smem:$0x3F97] =	sst lr;
	_ =	strace $0xD0000000  }
0x3: {  	_ = 	snop  }
0x4: {  	_ = 	snop  }
0x5: {  	_ = 	snop  }
0x6: {  	_ = 	snop  }
0x7: {  	_ = 	snop  }
__scs_overlays_trampoline_lowered:
0x8: {  	[smem:$0x3FA6] =	sst s0  }
0x9: {  	[smem:$0x3FA7] =	sst s1  }
0xa: {  	[smem:$0x3FA8] =	sst s2  }
0xb: {  	[smem:$0x3FA9] =	sst s3  }
0xc: {  	[smem:$0x3FAA] =	sst s4  }
0xd: {  	[smem:$0x3FAB] =	sst s5  }
0xe: {  	[smem:$0x3FAC] =	sst s6  }
0xf: {  	[smem:$0x3FAD] =	sst s7  }
0x10: {  	[smem:$0x3FAE] =	sst s8  }
0x11: {  	[smem:$0x3FAF] =	sst s9;
	s0 =	simm.s32 @!p0 $0x0  }
0x12: {  	s1 =	sld [smem:$0x3F95];
	s0 =	simm.s32 @p0 $0x1  }
0x13: {  	[smem:$0x3FB0] =	sst s0;
	s0 =	simm.s32 @!p1 $0x0  }
0x14: {  	s2 =	sld [smem:$0x3F94];
	s0 =	simm.s32 @p1 $0x1  }
0x15: {  	[smem:$0x3FB1] =	sst s0;
	s0 =	simm.s32 @!p2 $0x0  }
0x16: {  	s3 =	sld [smem:$0x3FDB];
	s0 =	simm.s32 @p2 $0x1  }
0x17: {  	s4 =	simm.s32 $0x1BF5;
	[smem:$0x3FB3] =	sst s0  }
0x18: {  	s0 =	sld [smem:$0x3F96];
	_ =	swait.ge [sflag:s4], $0x0  }
0x19: {  	s7 =	sld [smem:$0x3F97]  }
0x1a: {  	s8 =	sadd.s32 $0xFFFFE003, lr  }
0x1b: {  	s9 =	sadd.s32 $0xFFFFFEF7, lr;
	s5 =	simm.s32 $0xFFFFFFFF;
	p2 =	slt.u32 s8, $0xFFFFF086  }
0x1c: {  	p1 =	slt.u32 s9, $0xF7A;
	s5 =	simm.s32 @!p2 $0x0  }
0x1d: {  	s5 =	simm.s32 @p1 $0x1;
	p0 =	seq.s32 s7, s2  }
0x1e: {  	s7 =	smul.u32 @!p0 $0xF7A, s2;
	p2 =	seq.s32 @!p0 s5, $0x0  }
0x1f: {  	s9 =	smul.u32 $0xF7A, s1;
	s8 =	simm.s32 @!p0 $0x1BF5;
	p2 =	por !p2, p0  }
0x20: {  	[sflag:s8] =	ssyncset.s32 @!p0 $0xFFFFF086;
	s6 =	sadd.s32 @!p0 s3, s7;
	s7 =	simm.s32 @!p0 $0x108  }
0x21: {  	s3 =	sadd.s32 s3, s9;
	s6 =	sadd.s32 @!p0 $0x88, s6;
	s7 =	simm.s32 @p2 $0x1082  }
0x22: {  	[simem:s7], [sflag:s8] =	dma.local @!p0 [hbm:s6], $0xF7A  }
0x23: {  	s9 =	sor.u32 $0xD0000000, s2;
	s6 =	simm.s32 $0x108;
	_ =	swait.ge @!p0 [sflag:s8], $0x0  }
0x24: {  	s3 =	sadd.s32 $0x88, s3;
	s6 =	simm.s32 @!p1 $0x1082;
	[sflag:s4] =	ssyncset.s32 $0xFFFFF086  }
0x25: {  	[simem:s6], [sflag:s4] =	dma.local [hbm:s3], $0xF7A  }
0x26: {  	[smem:$0x3F97] =	sst s1;
	(tag) =	ssettag s2;
	_ =	strace s9  }
0x27: {  	s1 =	sld [smem:$0x3FA7]  }
0x28: {  	s2 =	sld [smem:$0x3FA8]  }
0x29: {  	s4 =	sld [smem:$0x3FAA]  }
0x2a: {  	p0 =	seq.s32 s5, $0x0;
	s5 =	sld [smem:$0x3FAB]  }
0x2b: {  	s6 =	sld [smem:$0x3FAC]  }
0x2c: {  	s7 =	sld [smem:$0x3FAD]  }
0x2d: {  	s3 =	simm.s32 $0x108;
	s8 =	sld [smem:$0x3FAE]  }
0x2e: {  	s3 =	simm.s32 @!p0 $0x1082;
	s9 =	sld [smem:$0x3FAF]  }
0x2f: {  	lr =	sadd.s32 s0, s3;
	s0 =	sld [smem:$0x3FA6]  }
0x30: {  	s3 =	sld [smem:$0x3FA9]  }
0x31: {  	[smem:$0x3FB2] =	sst s10  }
0x32: {  	s10 =	sld [smem:$0x3FB0];
	_ =	sdelay $0x3  }
0x33: {  	p0 =	seq.s32 s10, $0x1;
	s10 =	sld [smem:$0x3FB2];
	_ =	sdelay $0x3  }
0x34: {  	[smem:$0x3FB2] =	sst s10  }
0x35: {  	s10 =	sld [smem:$0x3FB1];
	_ =	sdelay $0x3  }
0x36: {  	p1 =	seq.s32 s10, $0x1;
	s10 =	sld [smem:$0x3FB2];
	_ =	sdelay $0x3  }
0x37: {  	[smem:$0x3FB2] =	sst s10  }
0x38: {  	s10 =	sld [smem:$0x3FB3]  }
0x39: {  	_ = 	snop;
	(pc) =	sbr.ind lr, $3  }
0x3a: {  	_ = 	snop  }
0x3b: {  	_ = 	snop  }
0x3c: {  	p2 =	seq.s32 s10, $0x1;
	s10 =	sld [smem:$0x3FB2]  }
0x3d: {  	_ =	shalt  }
0x3e: {  	_ =	shalt  }
0x3f: {  	_ =	shalt  }
0x40: {  	_ =	shalt  }
0x41: {  	_ =	shalt  }
0x42: {  	_ =	shalt  }
0x43: {  	_ =	shalt  }
0x44: {  	_ =	shalt  }
0x45: {  	_ =	shalt  }
0x46: {  	_ =	shalt  }
0x47: {  	_ =	shalt  }
0x48: {  	_ =	shalt  }
0x49: {  	_ =	shalt  }
0x4a: {  	_ =	shalt  }
0x4b: {  	_ =	shalt  }
0x4c: {  	_ =	shalt  }
0x4d: {  	_ =	shalt  }
0x4e: {  	_ =	shalt  }
0x4f: {  	_ =	shalt  }
0x50: {  	_ =	shalt  }
0x51: {  	_ =	shalt  }
0x52: {  	_ =	shalt  }
0x53: {  	_ =	shalt  }
0x54: {  	_ =	shalt  }
0x55: {  	_ =	shalt  }
0x56: {  	_ =	shalt  }
0x57: {  	_ =	shalt  }
0x58: {  	_ =	shalt  }
0x59: {  	_ =	shalt  }
0x5a: {  	_ =	shalt  }
0x5b: {  	_ =	shalt  }
0x5c: {  	_ =	shalt  }
0x5d: {  	_ =	shalt  }
0x5e: {  	_ =	shalt  }
0x5f: {  	_ =	shalt  }
0x60: {  	_ =	shalt  }
0x61: {  	_ =	shalt  }
0x62: {  	_ =	shalt  }
0x63: {  	_ =	shalt  }
0x64: {  	_ =	shalt  }
0x65: {  	_ =	shalt  }
0x66: {  	_ =	shalt  }
0x67: {  	_ =	shalt  }
0x68: {  	_ =	shalt  }
0x69: {  	_ =	shalt  }
0x6a: {  	_ =	shalt  }
0x6b: {  	_ =	shalt  }
0x6c: {  	_ =	shalt  }
0x6d: {  	_ =	shalt  }
0x6e: {  	_ =	shalt  }
0x6f: {  	_ =	shalt  }
0x70: {  	_ =	shalt  }
0x71: {  	_ =	shalt  }
0x72: {  	_ =	shalt  }
0x73: {  	_ =	shalt  }
0x74: {  	_ =	shalt  }
0x75: {  	_ =	shalt  }
0x76: {  	_ =	shalt  }
0x77: {  	_ =	shalt  }
0x78: {  	_ =	shalt  }
0x79: {  	_ =	shalt  }
0x7a: {  	_ =	shalt  }
0x7b: {  	_ =	shalt  }
0x7c: {  	_ =	shalt  }
0x7d: {  	_ =	shalt  }
0x7e: {  	_ =	shalt  }
0x7f: {  	_ =	shalt  }
0x80: {  	_ =	shalt  }
0x81: {  	_ =	shalt  }
0x82: {  	_ =	shalt  }
0x83: {  	_ =	shalt  }
0x84: {  	_ =	shalt  }
0x85: {  	_ =	shalt  }
0x86: {  	_ =	shalt  }
0x87: {  	_ =	shalt  }
.Lfunc_end0:
.L_simem_size_0:
called_computation_lowered:
.L_overlay_start_0:
0x88: {  	s2 =	sld [smem:$0x3FD9]  }
0x89: {  	s3 =	sld [smem:$0x3FFE];
	_ =	sdelay $0x1  }
0x8a: {  	s1 =	srdreg.scid  }
0x8b: {  	s0 =	sand.u32 $0x1, s1  }
0x8c: {  	s17 =	sshll.u32 s0, $0xA;
	s2 =	sadd.s32 s3, s2  }
0x8d: {  	s2 =	sadd.s32 s2, s17  }
0x8e: {  	[smem:$0x3FBE] =	sst s2  }
0x8f: {  	_ = 	snop  }
0x90: {  	s2 =	sld [smem:$0x3FC9];
	(tm) =	ssettm $0x1  }
0x91: {  	s18 =	sld [smem:$0x3FFB];
	_ =	sdelay $0x3  }
0x92: {  	_ =	strace s18  }
0x93: {  	s3 =	sld [smem:$0x3FFC];
	_ =	sdelay $0x3  }
0x94: {  	_ =	strace s3  }
0x95: {  	s3 =	sld [smem:$0x3FFD];
	_ =	sdelay $0x3  }
0x96: {  	_ =	strace s3  }
0x97: {  	_ =	strace $0x8FFFFFFF  }
0x98: {  	s19 =	sld [smem:$0x3FDB];
	_ =	sdelay $0x1  }
0x99: {  	s4 =	simm.s32 $_scs_section_size  }
0x9a: {  	s5 =	simm.s32 $_size__tile_overlayer_lowered;
	s6 =	simm.s32 $_tile_overlayer_lowered  }
0x9b: {  	s22 =	simm.s32 $0x1BFF;
	s21 =	sshll.u32 s6, $0x1;
	s3 =	sadd.s32 s4, s19  }
0x9c: {  	s7 =	simm.s32 $0x0;
	s20 =	sshll.u32 s5, $0x1;
	s5 =	sadd.s32 s21, s3  }
0x9d: {  	[timem:s7], [sflag:s22] =	dma.local [hbm:s5], s20  }
0x9e: {  	_ =	swait.ge [sflag:s22], s20  }
0x9f: {  	s4 =	ssub.s32 $0x0, s20;
	[sflag:s22] =	ssyncset.done $0x0  }
0xa0: {  	[sflag:s22] =	ssyncadd.s32 s4;
	_ =	sdelay $0x1  }
0xa1: {  	s23 =	simm.s32 $0x1B8B  }
0xa2: {  	_ =	swait.ge [sflag:s23], $0x1  }
0xa3: {  	[sflag:s23] =	ssyncset.done $0x0  }
0xa4: {  	s25 =	simm.s32 $0x1B8E;
	s24 =	sld [smem:$0x3FFE];
	[sflag:s23] =	ssyncadd.s32 $0xFFFFFFFF  }
0xa5: {  	s26 =	simm.s32 $execute0_lowered;
	[smem:$0x3FD2] =	sst s25  }
0xa6: {  	s5 =	sshll.u32 s26, $0x1;
	_ =	strace $0x80000046;
	[dreg:$0x1] =	wrdreg $0xFFFFFFFF  }
0xa7: {  	s28 =	simm.s32 $_size_execute0_lowered;
	s3 =	sadd.s32 s3, s5;
	[dreg:$0x0] =	wrdreg $0x0  }
0xa8: {  	s5 =	sshll.u32 s28, $0x1;
	[dreg:$0x2] =	wrdreg s3  }
0xa9: {  	[dreg:$0x3] =	wrdreg s5  }
0xaa: {  	[dreg:$0x4] =	wrdreg $0xC0  }
0xab: {  	_ =	task [dreg:s7], $0x5FFFF  }
0xac: {  	[dreg:$0x1] =	wrdreg $0xFFFFFFFF  }
0xad: {  	[dreg:$0x0] =	wrdreg $0x60  }
0xae: {  	[dreg:$0x2] =	wrdreg s2  }
0xaf: {  	[dreg:$0x3] =	wrdreg s24  }
0xb0: {  	[dreg:$0x4] =	wrdreg $0x88000  }
0xb1: {  	[dreg:$0x5] =	wrdreg $0xA  }
0xb2: {  	_ =	task.clear_ibuf [dreg:s7], $0x6FFFF;
	_ =	strace $0x90000046  }
0xb3: {  	s29 =	simm.s32 $0xA;
	_ =	strace $0x80000048  }
0xb4: {  	_ =	swait.ge [sflag:s29], $0x1  }
0xb5: {  	[sflag:s29] =	ssyncadd.s32 $0xFFFFFFFF  }
0xb6: {  	_ =	strace $0x90000048  }
0xb7: {  	_ =	sfence  }
0xb8: {  	s30 =	sld [smem:$0x0];
	_ =	sdelay $0x2  }
0xb9: {  	s31 =	sshll.u32 s1, $0xD;
	s1 =	sshrl.u32 s1, $0x2  }
0xba: {  	s3 =	sand.u32 $0x4000, s31;
	s1 =	sadd.s32 s1, s30  }
0xbb: {  	s0 =	sor.u32 s3, s0;
	s1 =	sshll.u32 s1, $0x11  }
0xbc: {  	s0 =	sor.u32 s1, s0  }
0xbd: {  	s0 =	sadd.s32 $0x8F2B, s0  }
0xbe: {  	[sflag:s0] =	ssyncadd.remote.s32 $0x1  }
0xbf: {  	_ =	sfence.sel $0xFFFF  }
0xc0: {  	[dreg:$0x0] =	wrdreg $0xFFFFFFFF;
	(pc) =	sbr.abs _section_cstart, $3  }
0xc1: {  	[dreg:$0x1] =	wrdreg $0xFFFFFFFF  }
0xc2: {  	_ =	task.clear_ibuf [dreg:s7], $0x2FFFF;
	_ =	strace $0x9FFFFFFF  }
0xc3: {  	(tm) =	ssettm $0x7FFFFFFF  }
tec
execute0_lowered:
.L_overlay_start_1:
0x0: {  	(tag) =	ssettag $0x1  }
0x1: {  	s0 =	rddreg [dreg:$0x1];
	s1 =	simm.s32 $0x0;
	s11 =	stileid.u32  }
0x2: {  	s2 =	srdreg.scid;
	s31 =	simm.s32 $0x3;
	s3 =	smul.u32 $0x2780, s11  }
0x3: {  	s28 =	simm.s32 $0x7;
	s2 =	sand.u32 $0x1, s2;
	s30 =	smul.u32 $0x2800, s11  }
0x4: {  	s29 =	simm.s32 $0x10;
	s4 =	sshll.u32 s11, $0x1;
	s5 =	smul.u32 $0x27800, s2  }
0x5: {  	s4 =	sor.u32 s2, s4;
	s7 =	ssub.s32 $0x2, s2;
	s2 =	smul.u32 $0x1400, s2  }
0x6: {  	[smem:$0x7FF] =	sst s1;
	s6 =	sadd.s32 $0x7600, s0;
	s4 =	smul.u32 $0x1400, s4  }
0x7: {  	s8 =	sadd.s32 $0x2600, s0;
	s26 =	sshrl.u32 s7, $0x1;
	s3 =	sadd.s32 s3, s5  }
0x8: {  	s5 =	ssub.s32 s7, s26;
	s2 =	sadd.s32 s2, s30;
	s4 =	sshrl.u32 s4, $0x3  }
0x9: {  	s17 =	sor.u32 $0x2C0, s2;
	s19 =	sor.u32 $0x280, s2;
	s23 =	sor.u32 $0x240, s2  }
0xa: {  	s9 =	sadd.s32 s6, s4;
	s24 =	sshrl.u32 s23, $0x3;
	s23 =	rddreg [dreg:$0x0]  }
0xb: {  	s12 =	sor.u32 $0x8, s4;
	s10 =	sadd.s32 s8, s4;
	[dreg:$0x4] =	wrdreg s9  }
0xc: {  	s25 =	sor.u32 $0x200, s2;
	[dreg:$0x5] =	wrdreg s10;
	s13 =	sadd.s32 s6, s12  }
0xd: {  	s14 =	sor.u32 $0x10, s4;
	s9 =	sadd.s32 s8, s12;
	[dreg:$0x6] =	wrdreg s13  }
0xe: {  	s30 =	sor.u32 $0x1C0, s2;
	s15 =	sadd.s32 s6, s14;
	[dreg:$0x7] =	wrdreg s9  }
0xf: {  	s4 =	sor.u32 $0x18, s4;
	s16 =	sadd.s32 s8, s14;
	[dreg:$0x8] =	wrdreg s15  }
0x10: {  	s7 =	sshrl.u32 s17, $0x3;
	s18 =	sadd.s32 s6, s4;
	[dreg:$0x9] =	wrdreg s16  }
0x11: {  	s21 =	sshrl.u32 s19, $0x3;
	s4 =	sadd.s32 s8, s4;
	[dreg:$0xa] =	wrdreg s18  }
0x12: {  	s20 =	sadd.s32 s7, s8;
	s7 =	sadd.s32 s7, s6;
	[dreg:$0xb] =	wrdreg s4  }
0x13: {  	s22 =	sadd.s32 s21, s8;
	s26 =	sadd.s32 s24, s8;
	[dreg:$0xc] =	wrdreg s20  }
0x14: {  	s12 =	sshrl.u32 s30, $0x3;
	s14 =	sor.u32 $0x180, s2;
	[dreg:$0xd] =	wrdreg s7  }
0x15: {  	s30 =	smax.u32 s5, $0x1;
	s5 =	simm.s32 $0x800;
	[dreg:$0xe] =	wrdreg s22  }
0x16: {  	s4 =	sadd.s32 s21, s6;
	[dreg:$0x10] =	wrdreg s26;
	s7 =	sshrl.u32 s25, $0x3  }
0x17: {  	s13 =	sadd.s32 s12, s8;
	s15 =	sshrl.u32 s14, $0x3;
	s16 =	sor.u32 $0x140, s2  }
0x18: {  	s2 =	sor.u32 $0x100, s2;
	s26 =	rddreg [dreg:$0x2];
	s20 =	smul.u32 $0x4F000, s11  }
0x19: {  	s21 =	sadd.s32 s3, s0;
	s0 =	sadd.s32 $0xC600, s0;
	s3 =	simm.s32 $0x9  }
0x1a: {  	s9 =	simm.s32 $0x8;
	s14 =	simm.s32 $0x4800;
	[dreg:$0xf] =	wrdreg s4  }
0x1b: {  	s4 =	sadd.s32 s24, s6;
	s10 =	sadd.s32 s7, s8;
	s7 =	sadd.s32 s7, s6  }
0x1c: {  	[dreg:$0x14] =	wrdreg s13;
	s17 =	sadd.s32 s15, s8;
	s18 =	sshrl.u32 s16, $0x3  }
0x1d: {  	s2 =	sshrl.u32 s2, $0x3;
	s24 =	sshll.u32 s11, $0x6;
	[dreg:$0x11] =	wrdreg s4  }
0x1e: {  	s25 =	sadd.s32 $0xEE00, s21;
	s21 =	simm.s32 $0x580;
	[dreg:$0x12] =	wrdreg s10  }
0x1f: {  	s11 =	simm.s32 $0x6800;
	s16 =	simm.s32 $0x5;
	[dreg:$0x13] =	wrdreg s7  }
0x20: {  	s4 =	sadd.s32 s12, s6;
	[dreg:$0x16] =	wrdreg s17;
	s7 =	sadd.s32 s18, s8  }
0x21: {  	s19 =	sadd.s32 s2, s8;
	s2 =	sadd.s32 s2, s6;
	[dreg:$0x15] =	wrdreg s4  }
0x22: {  	s22 =	sshrl.u32 s20, $0x2;
	s12 =	simm.s32 $0x11;
	[dreg:$0x18] =	wrdreg s7  }
0x23: {  	s17 =	simm.s32 $0x180;
	s8 =	simm.s32 $0xA;
	[dreg:$0x1a] =	wrdreg s19  }
0x24: {  	s10 =	simm.s32 $0x4;
	s4 =	sadd.s32 s15, s6;
	[dreg:$0x1b] =	wrdreg s2  }
0x25: {  	s20 =	simm.s32 $0x6;
	[dreg:$0x17] =	wrdreg s4;
	s4 =	sadd.s32 s18, s6  }
0x26: {  	s7 =	sor.u32 $0x1C11, s24;
	s2 =	simm.s32 $0x2;
	[dreg:$0x19] =	wrdreg s4  }
.Ltmp0:
0x27: {  	_ =	strace $0x80000047;
	[dreg:$0x1c] =	wrdreg s0;
	(pc) =	sbr.rel .LBB2_1-.Ltmp0, $4  }
0x28: {  	s15 =	simm.s32 $0xD;
	s19 =	simm.s32 $0xE;
	[dreg:$0x1f] =	wrdreg s25  }
0x29: {  	s18 =	simm.s32 $0xC;
	s4 =	simm.s32 $0x40;
	[smem:$0x7FD] =	sst s30  }
0x2a: {  	s0 =	sadd.s32 s22, s26;
	s22 =	simm.s32 $0x2800;
	[dreg:$0x1e] =	wrdreg s7  }
0x2b: {  	s25 =	simm.s32 $0xF;
	[dreg:$0x1d] =	wrdreg s0;
	s0 =	simm.s32 $0x0  }
.LBB2_4:
0x2c: {  	_ =	swait.ge [sflag:s25], $0x2000  }
0x2d: {  	[sflag:s25] =	ssyncset.done $0x0  }
0x2e: {  	[sflag:s25] =	ssyncadd.s32 $0xFFFFE000  }
0x2f: {  	_ =	swait.ge [sflag:s29], $0x2000  }
0x30: {  	[sflag:s29] =	ssyncset.done $0x0  }
0x31: {  	[sflag:s29] =	ssyncadd.s32 $0xFFFFE000  }
0x32: {  	[bflag:$0x0] =	sbarrier.arrive $0xFFFF  }
0x33: {  	s0 =	sld [smem:$0x7FC]  }
0x34: {  	s7 =	rddreg [dreg:$0x1e]  }
0x35: {  	s12 =	simm.s32 $0x11;
	s6 =	rddreg [dreg:$0x1f]  }
0x36: {  	[hbm:s6], [sflag:s7] =	dma.local [spmem:s0], $0x2780  }
0x37: {  	_ =	swait.ge [sflag:s12], $0x2780  }
0x38: {  	s24 =	sld [smem:$0x7FB]  }
0x39: {  	s30 =	sld [smem:$0x7FD];
	_ =	sdelay $0x1  }
0x3a: {  	s0 =	sadd.s32 $0x1, s24  }
0x3b: {  	p0 =	sne.s32 s0, s30  }
.Ltmp1:
0x3c: {  	_ = 	snop;
	(pc) =	sbr.rel @!p0 .LBB2_5-.Ltmp1, $3  }
0x3d: {  	_ =	sdelay $0x1  }
0x3e: {  	[sflag:s12] =	ssyncset.done $0x0  }
0x3f: {  	s17 =	simm.s32 $0x180;
	s21 =	simm.s32 $0x580;
	[sflag:s12] =	ssyncadd.s32 $0xFFFFD880  }
.LBB2_1:
0x40: {  	[smem:$0x7FB] =	sst s0  }
0x41: {  	s6 =	rddreg [dreg:$0x1d]  }
0x42: {  	s13 =	rddreg [dreg:$0x1c];
	s6 =	sshrl.u32 s6, $0x3  }
0x43: {  	[smem:$0x7FC] =	sst s6  }
0x44: {  	[spmem:s6], [sflag:s7] =	dma.local [hbm:s13], $0x2780  }
0x45: {  	_ =	swait.ge [sflag:s12], $0x2780  }
0x46: {  	[sflag:s12] =	ssyncset.done $0x0  }
0x47: {  	[sflag:s12] =	ssyncadd.s32 $0xFFFFD880  }
0x48: {  	[bflag:$0x0] =	sbarrier.arrive $0xFFFF  }
0x49: {  	s24 =	rddreg [dreg:$0x4]  }
0x4a: {  	[tilespmem:s1], [sflag:$0x1] =	stream.linear.gather [hbm4b:s24+s1], $0x40, $0x38;
	[tilespmem:$0x1C400] =	vst v63  }
0x4b: {  	s7 =	simm.s32 $0x400;
	s0 =	rddreg [dreg:$0x5]  }
0x4c: {  	[tilespmem:s7], [sflag:$0x1] =	stream.linear.gather [hbm4b:s0+s1], $0x40, $0x38;
	[tilespmem:$0x1C400] =	vst v63  }
0x4d: {  	s13 =	simm.s32 $0x80;
	s12 =	rddreg [dreg:$0x6]  }
0x4e: {  	[tilespmem:s13], [sflag:$0x2] =	stream.linear.gather [hbm4b:s12+s1], $0x40, $0x38;
	[tilespmem:$0x1C400] =	vst v63  }
0x4f: {  	s24 =	rddreg [dreg:$0x7];
	s12 =	simm.s32 $0x480  }
0x50: {  	[tilespmem:s12], [sflag:$0x2] =	stream.linear.gather [hbm4b:s24+s1], $0x40, $0x38;
	[tilespmem:$0x1C400] =	vst v63  }
0x51: {  	s0 =	rddreg [dreg:$0x8];
	s13 =	simm.s32 $0x100  }
0x52: {  	[tilespmem:s13], [sflag:$0x3] =	stream.linear.gather [hbm4b:s0+s1], $0x40, $0x38;
	[tilespmem:$0x1C400] =	vst v63  }
0x53: {  	s24 =	simm.s32 $0x500;
	s13 =	rddreg [dreg:$0x9]  }
0x54: {  	[tilespmem:s24], [sflag:$0x3] =	stream.linear.gather [hbm4b:s13+s1], $0x40, $0x38;
	[tilespmem:$0x1C400] =	vst v63  }
0x55: {  	s0 =	rddreg [dreg:$0xa]  }
0x56: {  	[tilespmem:s17], [sflag:$0x4] =	stream.linear.gather [hbm4b:s0+s1], $0x40, $0x38;
	[tilespmem:$0x1C400] =	vst v63  }
0x57: {  	s13 =	rddreg [dreg:$0xb];
	s24 =	simm.s32 $0x1  }
0x58: {  	[tilespmem:s21], [sflag:$0x4] =	stream.linear.gather [hbm4b:s13+s1], $0x40, $0x38;
	[tilespmem:$0x1C400] =	vst v63  }
0x59: {  	_ =	swait.ge [sflag:s24], $0x40  }
0x5a: {  	[sflag:s24] =	ssyncset.done $0x0  }
0x5b: {  	[sflag:s24] =	ssyncadd.s32 $0xFFFFFFC0  }
0x5c: {  	_ =	swait.ge [sflag:s24], $0x40  }
0x5d: {  	[sflag:s24] =	ssyncset.done $0x0  }
0x5e: {  	[sflag:s24] =	ssyncadd.s32 $0xFFFFFFC0  }
0x5f: {  	[tilespmem:s5], [sflag:$0x9] =	stream.indirect.gather [hbm4b:s23+s4], $0x80, s7, s4, $0xb8;
	[tilespmem:$0x1C400] =	vst v63  }
0x60: {  	_ =	swait.ge [sflag:s2], $0x40  }
0x61: {  	[sflag:s2] =	ssyncset.done $0x0  }
0x62: {  	[sflag:s2] =	ssyncadd.s32 $0xFFFFFFC0  }
0x63: {  	_ =	swait.ge [sflag:s2], $0x40  }
0x64: {  	[sflag:s2] =	ssyncset.done $0x0  }
0x65: {  	s30 =	simm.s32 $0x0;
	[sflag:s2] =	ssyncadd.s32 $0xFFFFFFC0  }
0x66: {  	[tilespmem:s22], [sflag:$0xA] =	stream.indirect.gather [hbm4b:s23+s4], $0x80, s12, s4, $0xb8;
	[tilespmem:$0x1C400] =	vst v63  }
.LBB2_2:
0x67: {  	_ =	swait.ge [sflag:s3], $0x2000  }
0x68: {  	p0 =	seq.s32 s30, $0x0;
	[sflag:s3] =	ssyncset.done $0x0  }
0x69: {  	s24 =	simm.s32 $0x800;
	s6 =	simm.s32 @!p0 $0xF;
	[sflag:s3] =	ssyncadd.s32 $0xFFFFE000  }
0x6a: {  	[spmem:s26] =	stream.indirect.scatter.add.f32 [tilespmem:s24], [sflag:$0xD], $0x80, s1, s4, $0xb8;
	[tilespmem:$0x1C400] =	vst v63  }
0x6b: {  	_ =	swait.ge @!p0 [sflag:s6], $0x2000  }
0x6c: {  	[sflag:s6] =	ssyncset.done @!p0 $0x0  }
0x6d: {  	[sflag:s6] =	ssyncadd.s32 @!p0 $0xFFFFE000  }
0x6e: {  	_ =	swait.ge [sflag:s31], $0x40  }
0x6f: {  	[sflag:s31] =	ssyncset.done $0x0  }
0x70: {  	[sflag:s31] =	ssyncadd.s32 $0xFFFFFFC0  }
0x71: {  	_ =	swait.ge [sflag:s31], $0x40  }
0x72: {  	[sflag:s31] =	ssyncset.done $0x0  }
0x73: {  	s5 =	simm.s32 $0x500;
	s7 =	rddreg [dreg:$0x1b];
	[sflag:s31] =	ssyncadd.s32 $0xFFFFFFC0  }
0x74: {  	[tilespmem:s14], [sflag:$0xB] =	stream.indirect.gather [hbm4b:s23+s4], $0x80, s5, s4, $0xb8;
	[tilespmem:$0x1C400] =	vst v63  }
0x75: {  	s12 =	rddreg [dreg:$0x1a];
	s6 =	sadd.s32 s30, s7;
	s7 =	simm.s32 $0x200  }
0x76: {  	[tilespmem:s7], [sflag:$0x5] =	stream.linear.gather [hbm4b:s6+s1], $0x40, $0x38;
	[tilespmem:$0x1C400] =	vst v63  }
0x77: {  	s6 =	sadd.s32 s30, s12;
	s12 =	simm.s32 $0x600  }
0x78: {  	[tilespmem:s12], [sflag:$0x5] =	stream.linear.gather [hbm4b:s6+s1], $0x40, $0x38;
	[tilespmem:$0x1C400] =	vst v63  }
0x79: {  	_ =	swait.ge [sflag:s8], $0x2000  }
0x7a: {  	[sflag:s8] =	ssyncset.done $0x0  }
0x7b: {  	s13 =	simm.s32 $0x80;
	s6 =	simm.s32 @!p0 $0x10;
	[sflag:s8] =	ssyncadd.s32 $0xFFFFE000  }
0x7c: {  	[spmem:s26] =	stream.indirect.scatter.add.f32 [tilespmem:s22], [sflag:$0xE], $0x80, s13, s4, $0xb8;
	[tilespmem:$0x1C400] =	vst v63  }
0x7d: {  	_ =	swait.ge @!p0 [sflag:s6], $0x2000  }
0x7e: {  	[sflag:s6] =	ssyncset.done @!p0 $0x0  }
0x7f: {  	[sflag:s6] =	ssyncadd.s32 @!p0 $0xFFFFE000  }
0x80: {  	_ =	swait.ge [sflag:s10], $0x40  }
0x81: {  	[sflag:s10] =	ssyncset.done $0x0  }
0x82: {  	[sflag:s10] =	ssyncadd.s32 $0xFFFFFFC0  }
0x83: {  	_ =	swait.ge [sflag:s10], $0x40  }
0x84: {  	[sflag:s10] =	ssyncset.done $0x0  }
0x85: {  	[sflag:s10] =	ssyncadd.s32 $0xFFFFFFC0  }
0x86: {  	[tilespmem:s11], [sflag:$0xC] =	stream.indirect.gather [hbm4b:s23+s4], $0x80, s21, s4, $0xb8;
	[tilespmem:$0x1C400] =	vst v63  }
0x87: {  	s21 =	rddreg [dreg:$0x19]  }
0x88: {  	s13 =	simm.s32 $0x280;
	s0 =	rddreg [dreg:$0x18];
	s6 =	sadd.s32 s30, s21  }
0x89: {  	[tilespmem:s13], [sflag:$0x6] =	stream.linear.gather [hbm4b:s6+s1], $0x40, $0x38;
	[tilespmem:$0x1C400] =	vst v63  }
0x8a: {  	s21 =	simm.s32 $0x680;
	s6 =	sadd.s32 s30, s0;
	s0 =	simm.s32 $0xB  }
0x8b: {  	[tilespmem:s21], [sflag:$0x6] =	stream.linear.gather [hbm4b:s6+s1], $0x40, $0x38;
	[tilespmem:$0x1C400] =	vst v63  }
0x8c: {  	_ =	swait.ge [sflag:s0], $0x2000  }
0x8d: {  	[sflag:s0] =	ssyncset.done $0x0  }
0x8e: {  	s5 =	simm.s32 $0x100;
	[sflag:s0] =	ssyncadd.s32 $0xFFFFE000  }
0x8f: {  	[spmem:s26] =	stream.indirect.scatter.add.f32 [tilespmem:s14], [sflag:$0xF], $0x80, s5, s4, $0xb8;
	[tilespmem:$0x1C400] =	vst v63  }
0x90: {  	_ =	swait.ge [sflag:s15], $0x2000  }
0x91: {  	[sflag:s15] =	ssyncset.done $0x0  }
0x92: {  	[sflag:s15] =	ssyncadd.s32 $0xFFFFE000  }
0x93: {  	_ =	swait.ge [sflag:s16], $0x40  }
0x94: {  	[sflag:s16] =	ssyncset.done $0x0  }
0x95: {  	[sflag:s16] =	ssyncadd.s32 $0xFFFFFFC0  }
0x96: {  	_ =	swait.ge [sflag:s16], $0x40  }
0x97: {  	[sflag:s16] =	ssyncset.done $0x0  }
0x98: {  	s0 =	rddreg [dreg:$0x17];
	[sflag:s16] =	ssyncadd.s32 $0xFFFFFFC0  }
0x99: {  	[tilespmem:s24], [sflag:$0x9] =	stream.indirect.gather [hbm4b:s23+s4], $0x80, s12, s4, $0xb8;
	[tilespmem:$0x1C400] =	vst v63  }
0x9a: {  	s5 =	simm.s32 $0x300;
	s6 =	sadd.s32 s30, s0;
	s0 =	rddreg [dreg:$0x16]  }
0x9b: {  	[tilespmem:s5], [sflag:$0x7] =	stream.linear.gather [hbm4b:s6+s1], $0x40, $0x38;
	[tilespmem:$0x1C400] =	vst v63  }
0x9c: {  	s12 =	simm.s32 $0x700;
	s6 =	sadd.s32 s30, s0  }
0x9d: {  	[tilespmem:s12], [sflag:$0x7] =	stream.linear.gather [hbm4b:s6+s1], $0x40, $0x38;
	[tilespmem:$0x1C400] =	vst v63  }
0x9e: {  	_ =	swait.ge [sflag:s18], $0x2000  }
0x9f: {  	[sflag:s18] =	ssyncset.done $0x0  }
0xa0: {  	[sflag:s18] =	ssyncadd.s32 $0xFFFFE000  }
0xa1: {  	[spmem:s26] =	stream.indirect.scatter.add.f32 [tilespmem:s11], [sflag:$0x10], $0x80, s17, s4, $0xb8;
	[tilespmem:$0x1C400] =	vst v63  }
0xa2: {  	_ =	swait.ge [sflag:s19], $0x2000  }
0xa3: {  	[sflag:s19] =	ssyncset.done $0x0  }
0xa4: {  	[sflag:s19] =	ssyncadd.s32 $0xFFFFE000  }
0xa5: {  	_ =	swait.ge [sflag:s20], $0x40  }
0xa6: {  	[sflag:s20] =	ssyncset.done $0x0  }
0xa7: {  	[sflag:s20] =	ssyncadd.s32 $0xFFFFFFC0  }
0xa8: {  	_ =	swait.ge [sflag:s20], $0x40  }
0xa9: {  	[sflag:s20] =	ssyncset.done $0x0  }
0xaa: {  	s5 =	rddreg [dreg:$0x15];
	[sflag:s20] =	ssyncadd.s32 $0xFFFFFFC0  }
0xab: {  	[tilespmem:s22], [sflag:$0xA] =	stream.indirect.gather [hbm4b:s23+s4], $0x80, s21, s4, $0xb8;
	[tilespmem:$0x1C400] =	vst v63  }
0xac: {  	s0 =	simm.s32 $0x380;
	s17 =	rddreg [dreg:$0x14];
	s6 =	sadd.s32 s30, s5  }
0xad: {  	[tilespmem:s0], [sflag:$0x8] =	stream.linear.gather [hbm4b:s6+s1], $0x40, $0x38;
	[tilespmem:$0x1C400] =	vst v63  }
0xae: {  	s21 =	simm.s32 $0x780;
	s6 =	sadd.s32 s30, s17  }
0xaf: {  	[tilespmem:s21], [sflag:$0x8] =	stream.linear.gather [hbm4b:s6+s1], $0x40, $0x38;
	[tilespmem:$0x1C400] =	vst v63  }
0xb0: {  	_ =	swait.ge [sflag:s3], $0x2000  }
0xb1: {  	[sflag:s3] =	ssyncset.done $0x0  }
0xb2: {  	[sflag:s3] =	ssyncadd.s32 $0xFFFFE000  }
0xb3: {  	[spmem:s26] =	stream.indirect.scatter.add.f32 [tilespmem:s24], [sflag:$0xD], $0x80, s7, s4, $0xb8;
	[tilespmem:$0x1C400] =	vst v63  }
0xb4: {  	_ =	swait.ge [sflag:s25], $0x2000  }
0xb5: {  	[sflag:s25] =	ssyncset.done $0x0  }
0xb6: {  	[sflag:s25] =	ssyncadd.s32 $0xFFFFE000  }
0xb7: {  	_ =	swait.ge [sflag:s28], $0x40  }
0xb8: {  	[sflag:s28] =	ssyncset.done $0x0  }
0xb9: {  	[sflag:s28] =	ssyncadd.s32 $0xFFFFFFC0  }
0xba: {  	_ =	swait.ge [sflag:s28], $0x40  }
0xbb: {  	[sflag:s28] =	ssyncset.done $0x0  }
0xbc: {  	p0 =	seq.s32 s30, $0x240;
	s6 =	rddreg [dreg:$0x13];
	[sflag:s28] =	ssyncadd.s32 $0xFFFFFFC0  }
0xbd: {  	[tilespmem:s14], [sflag:$0xB] =	stream.indirect.gather [hbm4b:s23+s4], $0x80, s12, s4, $0xb8;
	[tilespmem:$0x1C400] =	vst v63  }
0xbe: {  	s7 =	sadd.s32 @!p0 s30, s6;
	s6 =	simm.s32 @!p0 $0x0  }
0xbf: {  	[tilespmem:s6], [sflag:$0x1] =	stream.linear.gather @!p0 [hbm4b:s7+s6], $0x40, $0x38;
	[tilespmem:$0x1C400] =	vst v63  }
0xc0: {  	s7 =	rddreg [dreg:$0x12]  }
0xc1: {  	s12 =	simm.s32 @!p0 $0x400;
	s7 =	sadd.s32 @!p0 s30, s7  }
0xc2: {  	[tilespmem:s12], [sflag:$0x1] =	stream.linear.gather @!p0 [hbm4b:s7+s6], $0x40, $0x38;
	[tilespmem:$0x1C400] =	vst v63  }
0xc3: {  	_ =	swait.ge [sflag:s8], $0x2000  }
0xc4: {  	[sflag:s8] =	ssyncset.done $0x0  }
0xc5: {  	[sflag:s8] =	ssyncadd.s32 $0xFFFFE000  }
0xc6: {  	[spmem:s26] =	stream.indirect.scatter.add.f32 [tilespmem:s22], [sflag:$0xE], $0x80, s13, s4, $0xb8;
	[tilespmem:$0x1C400] =	vst v63  }
0xc7: {  	_ =	swait.ge [sflag:s29], $0x2000  }
0xc8: {  	[sflag:s29] =	ssyncset.done $0x0  }
0xc9: {  	[sflag:s29] =	ssyncadd.s32 $0xFFFFE000  }
0xca: {  	_ =	swait.ge [sflag:s9], $0x40  }
0xcb: {  	[sflag:s9] =	ssyncset.done $0x0  }
0xcc: {  	[sflag:s9] =	ssyncadd.s32 $0xFFFFFFC0  }
0xcd: {  	_ =	swait.ge [sflag:s9], $0x40  }
0xce: {  	[sflag:s9] =	ssyncset.done $0x0  }
0xcf: {  	s7 =	simm.s32 @p0 $0xB;
	[sflag:s9] =	ssyncadd.s32 $0xFFFFFFC0  }
0xd0: {  	[tilespmem:s11], [sflag:$0xC] =	stream.indirect.gather [hbm4b:s23+s4], $0x80, s21, s4, $0xb8;
	[tilespmem:$0x1C400] =	vst v63  }
0xd1: {  	_ =	swait.ge @p0 [sflag:s7], $0x2000  }
0xd2: {  	s17 =	simm.s32 @p0 $0x4800;
	[sflag:s7] =	ssyncset.done @p0 $0x0  }
0xd3: {  	s13 =	simm.s32 @p0 $0x300;
	[sflag:s7] =	ssyncadd.s32 @p0 $0xFFFFE000;
	s7 =	simm.s32 @p0 $0x40  }
0xd4: {  	[spmem:s26] =	stream.indirect.scatter.add.f32 @p0 [tilespmem:s17], [sflag:$0xF], $0x80, s13, s7, $0xb8;
	[tilespmem:$0x1C400] =	vst v63  }
0xd5: {  	s7 =	simm.s32 @p0 $0xD  }
0xd6: {  	_ =	swait.ge @p0 [sflag:s7], $0x2000  }
0xd7: {  	[sflag:s7] =	ssyncset.done @p0 $0x0  }
0xd8: {  	[sflag:s7] =	ssyncadd.s32 @p0 $0xFFFFE000;
	s7 =	rddreg [dreg:$0x11]  }
0xd9: {  	s13 =	simm.s32 @!p0 $0x80;
	s7 =	sadd.s32 @!p0 s30, s7  }
0xda: {  	[tilespmem:s13], [sflag:$0x2] =	stream.linear.gather @!p0 [hbm4b:s7+s6], $0x40, $0x38;
	[tilespmem:$0x1C400] =	vst v63  }
0xdb: {  	s7 =	rddreg [dreg:$0x10]  }
0xdc: {  	s13 =	simm.s32 @!p0 $0x480;
	s7 =	sadd.s32 @!p0 s30, s7  }
0xdd: {  	[tilespmem:s13], [sflag:$0x2] =	stream.linear.gather @!p0 [hbm4b:s7+s6], $0x40, $0x38;
	[tilespmem:$0x1C400] =	vst v63  }
0xde: {  	s7 =	simm.s32 @!p0 $0xB  }
0xdf: {  	_ =	swait.ge @!p0 [sflag:s7], $0x2000  }
0xe0: {  	s17 =	simm.s32 @!p0 $0x4800;
	[sflag:s7] =	ssyncset.done @!p0 $0x0  }
0xe1: {  	s13 =	simm.s32 @!p0 $0x300;
	[sflag:s7] =	ssyncadd.s32 @!p0 $0xFFFFE000;
	s7 =	simm.s32 @!p0 $0x40  }
0xe2: {  	[spmem:s26] =	stream.indirect.scatter.add.f32 @!p0 [tilespmem:s17], [sflag:$0xF], $0x80, s13, s7, $0xb8;
	[tilespmem:$0x1C400] =	vst v63  }
0xe3: {  	s13 =	simm.s32 @!p0 $0xD  }
0xe4: {  	_ =	swait.ge @!p0 [sflag:s13], $0x2000  }
0xe5: {  	[sflag:s13] =	ssyncset.done @!p0 $0x0  }
0xe6: {  	[sflag:s13] =	ssyncadd.s32 @!p0 $0xFFFFE000;
	s13 =	simm.s32 @!p0 $0x1  }
0xe7: {  	_ =	swait.ge @!p0 [sflag:s13], $0x40  }
0xe8: {  	[sflag:s13] =	ssyncset.done @!p0 $0x0  }
0xe9: {  	[sflag:s13] =	ssyncadd.s32 @!p0 $0xFFFFFFC0  }
0xea: {  	_ =	swait.ge @!p0 [sflag:s13], $0x40  }
0xeb: {  	[sflag:s13] =	ssyncset.done @!p0 $0x0  }
0xec: {  	[sflag:s13] =	ssyncadd.s32 @!p0 $0xFFFFFFC0;
	s13 =	simm.s32 @!p0 $0x800  }
0xed: {  	[tilespmem:s13], [sflag:$0x9] =	stream.indirect.gather @!p0 [hbm4b:s23+s7], $0x80, s12, s7, $0xb8;
	[tilespmem:$0x1C400] =	vst v63  }
0xee: {  	s7 =	rddreg [dreg:$0xf]  }
0xef: {  	s12 =	simm.s32 @!p0 $0x100;
	s7 =	sadd.s32 @!p0 s30, s7  }
0xf0: {  	[tilespmem:s12], [sflag:$0x3] =	stream.linear.gather @!p0 [hbm4b:s7+s6], $0x40, $0x38;
	[tilespmem:$0x1C400] =	vst v63  }
0xf1: {  	s7 =	rddreg [dreg:$0xe]  }
0xf2: {  	s12 =	simm.s32 @!p0 $0x500;
	s7 =	sadd.s32 @!p0 s30, s7  }
0xf3: {  	[tilespmem:s12], [sflag:$0x3] =	stream.linear.gather @!p0 [hbm4b:s7+s6], $0x40, $0x38;
	[tilespmem:$0x1C400] =	vst v63  }
0xf4: {  	_ =	swait.ge [sflag:s18], $0x2000  }
0xf5: {  	[sflag:s18] =	ssyncset.done $0x0  }
.Ltmp2:
0xf6: {  	[sflag:s18] =	ssyncadd.s32 $0xFFFFE000;
	(pc) =	sbr.rel @p0 .LBB2_4-.Ltmp2, $4  }
0xf7: {  	[spmem:s26] =	stream.indirect.scatter.add.f32 [tilespmem:s11], [sflag:$0x10], $0x80, s0, s4, $0xb8;
	[tilespmem:$0x1C400] =	vst v63  }
0xf8: {  	_ =	swait.ge [sflag:s19], $0x2000  }
0xf9: {  	s5 =	simm.s32 $0x800;
	[sflag:s19] =	ssyncset.done $0x0  }
0xfa: {  	s24 =	simm.s32 $0x580;
	s21 =	simm.s32 $0x180;
	[sflag:s19] =	ssyncadd.s32 $0xFFFFE000  }
0xfb: {  	_ =	swait.ge [sflag:s2], $0x40  }
0xfc: {  	[sflag:s2] =	ssyncset.done $0x0  }
0xfd: {  	[sflag:s2] =	ssyncadd.s32 $0xFFFFFFC0  }
0xfe: {  	_ =	swait.ge [sflag:s2], $0x40  }
0xff: {  	[sflag:s2] =	ssyncset.done $0x0  }
0x100: {  	s6 =	simm.s32 $0x480;
	s17 =	rddreg [dreg:$0xd];
	[sflag:s2] =	ssyncadd.s32 $0xFFFFFFC0  }
0x101: {  	[tilespmem:s22], [sflag:$0xA] =	stream.indirect.gather [hbm4b:s23+s4], $0x80, s6, s4, $0xb8;
	[tilespmem:$0x1C400] =	vst v63  }
.Ltmp3:
0x102: {  	s6 =	sadd.s32 s30, s17;
	(pc) =	sbr.rel .LBB2_2-.Ltmp3, $4  }
0x103: {  	[tilespmem:s21], [sflag:$0x4] =	stream.linear.gather [hbm4b:s6+s1], $0x40, $0x38;
	[tilespmem:$0x1C400] =	vst v63  }
0x104: {  	s17 =	simm.s32 $0x180;
	s21 =	rddreg [dreg:$0xc]  }
0x105: {  	s6 =	sadd.s32 s30, s21;
	s30 =	sadd.s32 $0x40, s30;
	s21 =	simm.s32 $0x580  }
0x106: {  	[tilespmem:s24], [sflag:$0x4] =	stream.linear.gather [hbm4b:s6+s1], $0x40, $0x38;
	[tilespmem:$0x1C400] =	vst v63  }
.LBB2_5:
0x107: {  	_ =	sfence.sel $0x180000  }
0x108: {  	[bflag:$0x0] =	sbarrier.arrive $0xFFFF  }
0x109: {  	_ =	strace $0x90000047  }
0x10a: {  	s0 =	stileid.u32;
	[bflag:$0x2] =	sbarrier.arrive $0xFFFF  }
0x10b: {  	p0 =	sne.s32 s0, $0x0;
	s0 =	rddreg [dreg:$0x3]  }
0x10c: {  	s0 =	sadd.s32 @!p0 $0x100000, s0  }
0x10d: {  	[sflag:s0] =	ssyncadd.tile.s32 @!p0 $0x1;
	_ =	shalt  }
.Lfunc_end2:
_tile_overlayer_lowered:
.L_overlay_start_2:
0x10e: {  	(tag) =	ssettag $0x2  }
0x10f: {  	s0 =	rddreg [dreg:$0x0];
	s2 =	stileid.u32  }
0x110: {  	s1 =	rddreg [dreg:$0x1];
	p0 =	sne.s32 s2, $0x0  }
0x111: {  	s3 =	rddreg [dreg:$0x2];
	[bflag:$0x3] =	sbarrier.arrive $0xFFFF;
	s2 =	simm.s32 @!p0 $0x1C11  }
0x112: {  	[timem:s3], [sflag:s2] =	dma.local @!p0 [hbm:s0], s1  }
0x113: {  	s0 =	simm.s32 @!p0 $0x11  }
0x114: {  	_ =	swait.ge @!p0 [sflag:s0], s1  }
0x115: {  	s1 =	ssub.s32 @!p0 $0x0, s1;
	[sflag:s0] =	ssyncset.done @!p0 $0x0  }
0x116: {  	[sflag:s0] =	ssyncadd.s32 @!p0 s1  }
0x117: {  	[bflag:$0x3] =	sbarrier.arrive $0xFFFF  }
0x118: {  	_ =	shalt  }

// kernel: kernel.9.cloned.1.call-start
scs
__scs_entry_jumppad:
0x0: {  	(pc) =	sbr.rel $0x88, $3  }
0x1: {  	(tag) =	ssettag $0x0;
	lr =	simm.s32 $0x1  }
0x2: {  	[smem:$0x3F97] =	sst lr;
	_ =	strace $0xD0000000  }
0x3: {  	_ = 	snop  }
0x4: {  	_ = 	snop  }
0x5: {  	_ = 	snop  }
0x6: {  	_ = 	snop  }
0x7: {  	_ = 	snop  }
__scs_overlays_trampoline_lowered:
0x8: {  	[smem:$0x3FA6] =	sst s0  }
0x9: {  	[smem:$0x3FA7] =	sst s1  }
0xa: {  	[smem:$0x3FA8] =	sst s2  }
0xb: {  	[smem:$0x3FA9] =	sst s3  }
0xc: {  	[smem:$0x3FAA] =	sst s4  }
0xd: {  	[smem:$0x3FAB] =	sst s5  }
0xe: {  	[smem:$0x3FAC] =	sst s6  }
0xf: {  	[smem:$0x3FAD] =	sst s7  }
0x10: {  	[smem:$0x3FAE] =	sst s8  }
0x11: {  	[smem:$0x3FAF] =	sst s9;
	s0 =	simm.s32 @!p0 $0x0  }
0x12: {  	s1 =	sld [smem:$0x3F95];
	s0 =	simm.s32 @p0 $0x1  }
0x13: {  	[smem:$0x3FB0] =	sst s0;
	s0 =	simm.s32 @!p1 $0x0  }
0x14: {  	s2 =	sld [smem:$0x3F94];
	s0 =	simm.s32 @p1 $0x1  }
0x15: {  	[smem:$0x3FB1] =	sst s0;
	s0 =	simm.s32 @!p2 $0x0  }
0x16: {  	s3 =	sld [smem:$0x3FDB];
	s0 =	simm.s32 @p2 $0x1  }
0x17: {  	s4 =	simm.s32 $0x1BF5;
	[smem:$0x3FB3] =	sst s0  }
0x18: {  	s0 =	sld [smem:$0x3F96];
	_ =	swait.ge [sflag:s4], $0x0  }
0x19: {  	s7 =	sld [smem:$0x3F97]  }
0x1a: {  	s8 =	sadd.s32 $0xFFFFE003, lr  }
0x1b: {  	s9 =	sadd.s32 $0xFFFFFEF7, lr;
	s5 =	simm.s32 $0xFFFFFFFF;
	p2 =	slt.u32 s8, $0xFFFFF086  }
0x1c: {  	p1 =	slt.u32 s9, $0xF7A;
	s5 =	simm.s32 @!p2 $0x0  }
0x1d: {  	s5 =	simm.s32 @p1 $0x1;
	p0 =	seq.s32 s7, s2  }
0x1e: {  	s7 =	smul.u32 @!p0 $0xF7A, s2;
	p2 =	seq.s32 @!p0 s5, $0x0  }
0x1f: {  	s9 =	smul.u32 $0xF7A, s1;
	s8 =	simm.s32 @!p0 $0x1BF5;
	p2 =	por !p2, p0  }
0x20: {  	[sflag:s8] =	ssyncset.s32 @!p0 $0xFFFFF086;
	s6 =	sadd.s32 @!p0 s3, s7;
	s7 =	simm.s32 @!p0 $0x108  }
0x21: {  	s3 =	sadd.s32 s3, s9;
	s6 =	sadd.s32 @!p0 $0x88, s6;
	s7 =	simm.s32 @p2 $0x1082  }
0x22: {  	[simem:s7], [sflag:s8] =	dma.local @!p0 [hbm:s6], $0xF7A  }
0x23: {  	s9 =	sor.u32 $0xD0000000, s2;
	s6 =	simm.s32 $0x108;
	_ =	swait.ge @!p0 [sflag:s8], $0x0  }
0x24: {  	s3 =	sadd.s32 $0x88, s3;
	s6 =	simm.s32 @!p1 $0x1082;
	[sflag:s4] =	ssyncset.s32 $0xFFFFF086  }
0x25: {  	[simem:s6], [sflag:s4] =	dma.local [hbm:s3], $0xF7A  }
0x26: {  	[smem:$0x3F97] =	sst s1;
	(tag) =	ssettag s2;
	_ =	strace s9  }
0x27: {  	s1 =	sld [smem:$0x3FA7]  }
0x28: {  	s2 =	sld [smem:$0x3FA8]  }
0x29: {  	s4 =	sld [smem:$0x3FAA]  }
0x2a: {  	p0 =	seq.s32 s5, $0x0;
	s5 =	sld [smem:$0x3FAB]  }
0x2b: {  	s6 =	sld [smem:$0x3FAC]  }
0x2c: {  	s7 =	sld [smem:$0x3FAD]  }
0x2d: {  	s3 =	simm.s32 $0x108;
	s8 =	sld [smem:$0x3FAE]  }
0x2e: {  	s3 =	simm.s32 @!p0 $0x1082;
	s9 =	sld [smem:$0x3FAF]  }
0x2f: {  	lr =	sadd.s32 s0, s3;
	s0 =	sld [smem:$0x3FA6]  }
0x30: {  	s3 =	sld [smem:$0x3FA9]  }
0x31: {  	[smem:$0x3FB2] =	sst s10  }
0x32: {  	s10 =	sld [smem:$0x3FB0];
	_ =	sdelay $0x3  }
0x33: {  	p0 =	seq.s32 s10, $0x1;
	s10 =	sld [smem:$0x3FB2];
	_ =	sdelay $0x3  }
0x34: {  	[smem:$0x3FB2] =	sst s10  }
0x35: {  	s10 =	sld [smem:$0x3FB1];
	_ =	sdelay $0x3  }
0x36: {  	p1 =	seq.s32 s10, $0x1;
	s10 =	sld [smem:$0x3FB2];
	_ =	sdelay $0x3  }
0x37: {  	[smem:$0x3FB2] =	sst s10  }
0x38: {  	s10 =	sld [smem:$0x3FB3]  }
0x39: {  	_ = 	snop;
	(pc) =	sbr.ind lr, $3  }
0x3a: {  	_ = 	snop  }
0x3b: {  	_ = 	snop  }
0x3c: {  	p2 =	seq.s32 s10, $0x1;
	s10 =	sld [smem:$0x3FB2]  }
0x3d: {  	_ =	shalt  }
0x3e: {  	_ =	shalt  }
0x3f: {  	_ =	shalt  }
0x40: {  	_ =	shalt  }
0x41: {  	_ =	shalt  }
0x42: {  	_ =	shalt  }
0x43: {  	_ =	shalt  }
0x44: {  	_ =	shalt  }
0x45: {  	_ =	shalt  }
0x46: {  	_ =	shalt  }
0x47: {  	_ =	shalt  }
0x48: {  	_ =	shalt  }
0x49: {  	_ =	shalt  }
0x4a: {  	_ =	shalt  }
0x4b: {  	_ =	shalt  }
0x4c: {  	_ =	shalt  }
0x4d: {  	_ =	shalt  }
0x4e: {  	_ =	shalt  }
0x4f: {  	_ =	shalt  }
0x50: {  	_ =	shalt  }
0x51: {  	_ =	shalt  }
0x52: {  	_ =	shalt  }
0x53: {  	_ =	shalt  }
0x54: {  	_ =	shalt  }
0x55: {  	_ =	shalt  }
0x56: {  	_ =	shalt  }
0x57: {  	_ =	shalt  }
0x58: {  	_ =	shalt  }
0x59: {  	_ =	shalt  }
0x5a: {  	_ =	shalt  }
0x5b: {  	_ =	shalt  }
0x5c: {  	_ =	shalt  }
0x5d: {  	_ =	shalt  }
0x5e: {  	_ =	shalt  }
0x5f: {  	_ =	shalt  }
0x60: {  	_ =	shalt  }
0x61: {  	_ =	shalt  }
0x62: {  	_ =	shalt  }
0x63: {  	_ =	shalt  }
0x64: {  	_ =	shalt  }
0x65: {  	_ =	shalt  }
0x66: {  	_ =	shalt  }
0x67: {  	_ =	shalt  }
0x68: {  	_ =	shalt  }
0x69: {  	_ =	shalt  }
0x6a: {  	_ =	shalt  }
0x6b: {  	_ =	shalt  }
0x6c: {  	_ =	shalt  }
0x6d: {  	_ =	shalt  }
0x6e: {  	_ =	shalt  }
0x6f: {  	_ =	shalt  }
0x70: {  	_ =	shalt  }
0x71: {  	_ =	shalt  }
0x72: {  	_ =	shalt  }
0x73: {  	_ =	shalt  }
0x74: {  	_ =	shalt  }
0x75: {  	_ =	shalt  }
0x76: {  	_ =	shalt  }
0x77: {  	_ =	shalt  }
0x78: {  	_ =	shalt  }
0x79: {  	_ =	shalt  }
0x7a: {  	_ =	shalt  }
0x7b: {  	_ =	shalt  }
0x7c: {  	_ =	shalt  }
0x7d: {  	_ =	shalt  }
0x7e: {  	_ =	shalt  }
0x7f: {  	_ =	shalt  }
0x80: {  	_ =	shalt  }
0x81: {  	_ =	shalt  }
0x82: {  	_ =	shalt  }
0x83: {  	_ =	shalt  }
0x84: {  	_ =	shalt  }
0x85: {  	_ =	shalt  }
0x86: {  	_ =	shalt  }
0x87: {  	_ =	shalt  }
.Lfunc_end0:
.L_simem_size_0:
called_computation.1_lowered:
.L_overlay_start_0:
0x88: {  	s2 =	sld [smem:$0x3FD9]  }
0x89: {  	s3 =	sld [smem:$0x3FFE];
	_ =	sdelay $0x1  }
0x8a: {  	s1 =	srdreg.scid  }
0x8b: {  	s0 =	sand.u32 $0x1, s1  }
0x8c: {  	s17 =	sshll.u32 s0, $0xA;
	s2 =	sadd.s32 s3, s2  }
0x8d: {  	s2 =	sadd.s32 s2, s17  }
0x8e: {  	[smem:$0x3FBE] =	sst s2  }
0x8f: {  	_ = 	snop  }
0x90: {  	s18 =	sld [smem:$0x3FC9];
	(tm) =	ssettm $0x1  }
0x91: {  	s19 =	sld [smem:$0x3FFB];
	_ =	sdelay $0x3  }
0x92: {  	_ =	strace s19  }
0x93: {  	s2 =	sld [smem:$0x3FFC];
	_ =	sdelay $0x3  }
0x94: {  	_ =	strace s2  }
0x95: {  	s2 =	sld [smem:$0x3FFD];
	_ =	sdelay $0x3  }
0x96: {  	_ =	strace s2  }
0x97: {  	_ =	strace $0x8FFFFFFF  }
0x98: {  	s20 =	sld [smem:$0x3FDB];
	_ =	sdelay $0x1  }
0x99: {  	s4 =	simm.s32 $_scs_section_size  }
0x9a: {  	s5 =	simm.s32 $_size__tile_overlayer_lowered;
	s6 =	simm.s32 $_tile_overlayer_lowered  }
0x9b: {  	s7 =	simm.s32 $0x1BFF;
	s21 =	sshll.u32 s6, $0x1;
	s4 =	sadd.s32 s4, s20  }
0x9c: {  	s22 =	simm.s32 $0x0;
	s5 =	sshll.u32 s5, $0x1;
	s6 =	sadd.s32 s21, s4  }
0x9d: {  	[timem:s22], [sflag:s7] =	dma.local [hbm:s6], s5  }
0x9e: {  	_ =	swait.ge [sflag:s7], s5  }
0x9f: {  	s5 =	ssub.s32 $0x0, s5;
	[sflag:s7] =	ssyncset.done $0x0  }
0xa0: {  	[sflag:s7] =	ssyncadd.s32 s5;
	_ =	sdelay $0x1  }
0xa1: {  	s23 =	simm.s32 $0x1B8B  }
0xa2: {  	_ =	swait.ge [sflag:s23], $0x1  }
0xa3: {  	[sflag:s23] =	ssyncset.done $0x0  }
0xa4: {  	[sflag:s23] =	ssyncadd.s32 $0xFFFFFFFF  }
0xa5: {  	s5 =	sld [smem:$0x0]  }
0xa6: {  	s6 =	sand.u32 $0xFFFFFFFE, s1  }
0xa7: {  	p0 =	sne.s32 s1, s6  }
0xa8: {  	s6 =	sshll.u32 @p0 s6, $0xE  }
0xa9: {  	s6 =	sadd.s32 @p0 $0x11B8D, s6;
	s7 =	sshll.u32 @p0 s5, $0x11  }
0xaa: {  	s6 =	sor.u32 @p0 s7, s6  }
0xab: {  	[sflag:s6] =	ssyncadd.remote.s32 @p0 $0x1;
	_ =	sdelay $0x1  }
0xac: {  	s6 =	simm.s32 @p0 $0x1B8D  }
0xad: {  	_ =	swait.eq @p0 [sflag:s6], $0x1  }
0xae: {  	[sflag:s6] =	ssyncadd.s32 @p0 $0xFFFFFFFF  }
0xaf: {  	s7 =	sshll.u32 @!p0 s1, $0xE  }
0xb0: {  	s7 =	sor.u32 @!p0 $0x4000, s7;
	s6 =	simm.s32 @!p0 $0x1B8D  }
0xb1: {  	s5 =	sshll.u32 @!p0 s5, $0x11;
	s7 =	sadd.s32 @!p0 $0x11B8D, s7;
	_ =	swait.eq @!p0 [sflag:s6], $0x1  }
0xb2: {  	s5 =	sor.u32 @!p0 s5, s7;
	[sflag:s6] =	ssyncadd.s32 @!p0 $0xFFFFFFFF  }
0xb3: {  	s25 =	simm.s32 $0x1B8E;
	s24 =	sld [smem:$0x3FFE];
	[sflag:s5] =	ssyncadd.remote.s32 @!p0 $0x1  }
0xb4: {  	s26 =	simm.s32 $execute0_lowered;
	[smem:$0x3FD2] =	sst s25  }
0xb5: {  	s6 =	sshll.u32 s26, $0x1;
	_ =	strace $0x8000004C;
	[dreg:$0x1] =	wrdreg $0xFFFFFFFF  }
0xb6: {  	s28 =	simm.s32 $_size_execute0_lowered;
	s4 =	sadd.s32 s4, s6;
	[dreg:$0x0] =	wrdreg $0x0  }
0xb7: {  	s6 =	sshll.u32 s28, $0x1;
	[dreg:$0x2] =	wrdreg s4  }
0xb8: {  	[dreg:$0x3] =	wrdreg s6  }
0xb9: {  	[dreg:$0x4] =	wrdreg $0xC0  }
0xba: {  	_ =	task [dreg:s22], $0x5FFFF  }
0xbb: {  	[dreg:$0x1] =	wrdreg $0xFFFFFFFF  }
0xbc: {  	[dreg:$0x0] =	wrdreg $0x60  }
0xbd: {  	[dreg:$0x2] =	wrdreg s18  }
0xbe: {  	[dreg:$0x3] =	wrdreg s24  }
0xbf: {  	[dreg:$0x4] =	wrdreg $0x88000  }
0xc0: {  	[dreg:$0x5] =	wrdreg $0xA  }
0xc1: {  	_ =	task.clear_ibuf [dreg:s22], $0x6FFFF;
	_ =	strace $0x9000004C  }
0xc2: {  	s29 =	simm.s32 $0xA;
	_ =	strace $0x8000004E  }
0xc3: {  	_ =	swait.ge [sflag:s29], $0x1  }
0xc4: {  	[sflag:s29] =	ssyncadd.s32 $0xFFFFFFFF  }
0xc5: {  	_ =	strace $0x9000004E  }
0xc6: {  	_ =	sfence  }
0xc7: {  	s30 =	sld [smem:$0x0];
	_ =	sdelay $0x2  }
0xc8: {  	s31 =	sshll.u32 s1, $0xD;
	s1 =	sshrl.u32 s1, $0x2  }
0xc9: {  	s4 =	sand.u32 $0x4000, s31;
	s1 =	sadd.s32 s1, s30  }
0xca: {  	s0 =	sor.u32 s4, s0;
	s1 =	sshll.u32 s1, $0x11  }
0xcb: {  	s0 =	sor.u32 s1, s0  }
0xcc: {  	s0 =	sadd.s32 $0x8F2B, s0  }
0xcd: {  	[sflag:s0] =	ssyncadd.remote.s32 $0x1  }
0xce: {  	_ =	sfence.sel $0xFFFF  }
0xcf: {  	[dreg:$0x0] =	wrdreg $0xFFFFFFFF;
	(pc) =	sbr.abs _section_cstart, $3  }
0xd0: {  	[dreg:$0x1] =	wrdreg $0xFFFFFFFF  }
0xd1: {  	_ =	task.clear_ibuf [dreg:s22], $0x2FFFF;
	_ =	strace $0x9FFFFFFF  }
0xd2: {  	(tm) =	ssettm $0x7FFFFFFF  }
0xd3: {  	_ =	shalt  }
tec
execute0_lowered:
.L_overlay_start_1:
0x0: {  	(tag) =	ssettag $0x1  }
0x1: {  	s0 =	srdreg.scid  }
0x2: {  	s9 =	stileid.u32;
	s4 =	rddreg [dreg:$0x1];
	s1 =	simm.s32 $0x0  }
0x3: {  	s28 =	rddreg [dreg:$0x2];
	s31 =	simm.s32 $0x2800;
	s3 =	smul.u32 $0x278, s9  }
0x4: {  	s29 =	simm.s32 $0x10;
	s0 =	sand.u32 $0x1, s0;
	s8 =	smul.u32 $0x2800, s9  }
0x5: {  	s5 =	sshll.u32 s9, $0x1;
	[smem:$0x7FF] =	sst s1;
	s2 =	smul.u32 $0x2780, s0  }
0x6: {  	s12 =	sor.u32 s0, s5;
	s13 =	ssub.s32 $0x2, s0;
	s0 =	smul.u32 $0x1400, s0  }
0x7: {  	s6 =	sadd.s32 $0xAD600, s4;
	s5 =	sadd.s32 $0xB2600, s4;
	s7 =	sshrl.u32 s13, $0x1  }
0x8: {  	s2 =	sadd.s32 s3, s2;
	s3 =	smul.u32 $0x1400, s12;
	s0 =	sadd.s32 s0, s8  }
0x9: {  	s2 =	sshll.u32 s2, $0x4;
	s19 =	sor.u32 $0x2C0, s0;
	s23 =	sor.u32 $0x280, s0  }
0xa: {  	s24 =	sor.u32 $0x240, s0;
	s26 =	sor.u32 $0x200, s0;
	s11 =	sor.u32 $0x1C0, s0  }
0xb: {  	s2 =	sadd.s32 s2, s4;
	s3 =	sshrl.u32 s3, $0x3;
	s4 =	ssub.s32 s13, s7  }
0xc: {  	s21 =	sshrl.u32 s19, $0x3;
	s8 =	sshrl.u32 s26, $0x3;
	s10 =	sadd.s32 s5, s3  }
0xd: {  	s12 =	sshrl.u32 s11, $0x3;
	s15 =	sadd.s32 s6, s3;
	[dreg:$0x4] =	wrdreg s10  }
0xe: {  	s13 =	sor.u32 $0x180, s0;
	s22 =	sadd.s32 s21, s6;
	[dreg:$0x5] =	wrdreg s15  }
0xf: {  	s19 =	smul.u32 $0x4F000, s9;
	s14 =	sor.u32 $0x8, s3;
	[dreg:$0xc] =	wrdreg s22  }
0x10: {  	s11 =	simm.s32 $0x6800;
	s16 =	sadd.s32 s5, s14;
	s22 =	rddreg [dreg:$0x0]  }
0x11: {  	s17 =	sor.u32 $0x10, s3;
	s7 =	sadd.s32 s6, s14;
	[dreg:$0x6] =	wrdreg s16  }
0x12: {  	s3 =	sor.u32 $0x18, s3;
	s18 =	sadd.s32 s5, s17;
	[dreg:$0x7] =	wrdreg s7  }
0x13: {  	s26 =	sadd.s32 $0xB7600, s2;
	s20 =	sadd.s32 s5, s3;
	[dreg:$0x8] =	wrdreg s18  }
0x14: {  	s3 =	sadd.s32 s6, s3;
	s10 =	sadd.s32 s8, s6;
	[dreg:$0xa] =	wrdreg s20  }
0x15: {  	s14 =	sadd.s32 s12, s6;
	s15 =	sshrl.u32 s13, $0x3;
	[dreg:$0xb] =	wrdreg s3  }
0x16: {  	s7 =	sadd.s32 s6, s17;
	s3 =	sshrl.u32 s23, $0x3;
	[dreg:$0x12] =	wrdreg s10  }
0x17: {  	[dreg:$0x14] =	wrdreg s14;
	s16 =	sor.u32 $0x140, s0;
	s0 =	sor.u32 $0x100, s0  }
0x18: {  	s17 =	sadd.s32 s15, s6;
	s23 =	sshrl.u32 s19, $0x2;
	s10 =	simm.s32 $0x4  }
0x19: {  	s19 =	simm.s32 $0xE;
	s14 =	simm.s32 $0x4800;
	[dreg:$0x9] =	wrdreg s7  }
0x1a: {  	s7 =	sadd.s32 s21, s5;
	s25 =	sadd.s32 s3, s6;
	[dreg:$0x16] =	wrdreg s17  }
0x1b: {  	s3 =	sadd.s32 s3, s5;
	s18 =	sshrl.u32 s16, $0x3;
	[dreg:$0xd] =	wrdreg s7  }
0x1c: {  	s0 =	sshrl.u32 s0, $0x3;
	s17 =	simm.s32 $0x180;
	[dreg:$0xe] =	wrdreg s25  }
0x1d: {  	s16 =	simm.s32 $0x5;
	s7 =	sshrl.u32 s24, $0x3;
	[dreg:$0xf] =	wrdreg s3  }
0x1e: {  	s3 =	sadd.s32 s8, s5;
	s20 =	sadd.s32 s18, s6;
	s21 =	sadd.s32 s0, s6  }
0x1f: {  	s0 =	sadd.s32 s0, s5;
	s24 =	sshll.u32 s9, $0x6;
	[dreg:$0x13] =	wrdreg s3  }
0x20: {  	s25 =	sadd.s32 $0xEE00, s2;
	s2 =	simm.s32 $0x2;
	[dreg:$0x18] =	wrdreg s20  }
0x21: {  	s8 =	simm.s32 $0xA;
	s9 =	simm.s32 $0x8;
	[dreg:$0x1a] =	wrdreg s21  }
0x22: {  	s30 =	sadd.s32 s7, s6;
	s7 =	sadd.s32 s7, s5;
	[dreg:$0x1b] =	wrdreg s0  }
0x23: {  	s3 =	sadd.s32 s12, s5;
	s0 =	sadd.s32 s23, s28;
	[dreg:$0x10] =	wrdreg s30  }
0x24: {  	s12 =	simm.s32 $0x11;
	s21 =	simm.s32 $0x580;
	[dreg:$0x11] =	wrdreg s7  }
0x25: {  	s23 =	simm.s32 $0x40;
	[dreg:$0x15] =	wrdreg s3;
	s3 =	sadd.s32 s15, s5  }
0x26: {  	s20 =	simm.s32 $0x6;
	[dreg:$0x17] =	wrdreg s3;
	s3 =	sadd.s32 s18, s5  }
0x27: {  	s7 =	sor.u32 $0x1C11, s24;
	s30 =	smax.u32 s4, $0x1;
	[dreg:$0x19] =	wrdreg s3  }
.Ltmp0:
0x28: {  	_ =	strace $0x8000004D;
	[dreg:$0x1c] =	wrdreg s0;
	(pc) =	sbr.rel .LBB2_1-.Ltmp0, $4  }
0x29: {  	s4 =	simm.s32 $0x3;
	s15 =	simm.s32 $0xD;
	[dreg:$0x1e] =	wrdreg s25  }
0x2a: {  	s5 =	simm.s32 $0x800;
	s18 =	simm.s32 $0xC;
	[dreg:$0x1f] =	wrdreg s26  }
0x2b: {  	s3 =	simm.s32 $0x9;
	[smem:$0x7FD] =	sst s30;
	s25 =	simm.s32 $0xF  }
0x2c: {  	s26 =	simm.s32 $0x7;
	s0 =	simm.s32 $0x0;
	[dreg:$0x1d] =	wrdreg s7  }
.LBB2_4:
0x2d: {  	_ =	swait.ge [sflag:s25], $0x2000  }
0x2e: {  	[sflag:s25] =	ssyncset.done $0x0  }
0x2f: {  	[sflag:s25] =	ssyncadd.s32 $0xFFFFE000  }
0x30: {  	_ =	swait.ge [sflag:s29], $0x2000  }
0x31: {  	[sflag:s29] =	ssyncset.done $0x0  }
0x32: {  	[sflag:s29] =	ssyncadd.s32 $0xFFFFE000  }
0x33: {  	[bflag:$0x0] =	sbarrier.arrive $0xFFFF  }
0x34: {  	s0 =	sld [smem:$0x7FC]  }
0x35: {  	s7 =	rddreg [dreg:$0x1d]  }
0x36: {  	s12 =	simm.s32 $0x11;
	s6 =	rddreg [dreg:$0x1f]  }
0x37: {  	[hbm:s6], [sflag:s7] =	dma.local [spmem:s0], $0x2780  }
0x38: {  	_ =	swait.ge [sflag:s12], $0x2780  }
0x39: {  	s24 =	sld [smem:$0x7FB]  }
0x3a: {  	s30 =	sld [smem:$0x7FD];
	_ =	sdelay $0x1  }
0x3b: {  	s0 =	sadd.s32 $0x1, s24  }
0x3c: {  	p0 =	sne.s32 s0, s30  }
.Ltmp1:
0x3d: {  	_ = 	snop;
	(pc) =	sbr.rel @!p0 .LBB2_5-.Ltmp1, $3  }
0x3e: {  	_ =	sdelay $0x1  }
0x3f: {  	[sflag:s12] =	ssyncset.done $0x0  }
0x40: {  	s17 =	simm.s32 $0x180;
	s21 =	simm.s32 $0x580;
	[sflag:s12] =	ssyncadd.s32 $0xFFFFD880  }
.LBB2_1:
0x41: {  	[smem:$0x7FB] =	sst s0  }
0x42: {  	s6 =	rddreg [dreg:$0x1c]  }
0x43: {  	s13 =	rddreg [dreg:$0x1e];
	s6 =	sshrl.u32 s6, $0x3  }
0x44: {  	[smem:$0x7FC] =	sst s6  }
0x45: {  	[spmem:s6], [sflag:s7] =	dma.local [hbm:s13], $0x2780  }
0x46: {  	_ =	swait.ge [sflag:s12], $0x2780  }
0x47: {  	[sflag:s12] =	ssyncset.done $0x0  }
0x48: {  	[sflag:s12] =	ssyncadd.s32 $0xFFFFD880  }
0x49: {  	[bflag:$0x0] =	sbarrier.arrive $0xFFFF  }
0x4a: {  	s24 =	rddreg [dreg:$0x4]  }
0x4b: {  	[tilespmem:s1], [sflag:$0x1] =	stream.linear.gather [hbm4b:s24+s1], $0x40, $0x38;
	[tilespmem:$0x1C400] =	vst v63  }
0x4c: {  	s7 =	simm.s32 $0x400;
	s0 =	rddreg [dreg:$0x5]  }
0x4d: {  	[tilespmem:s7], [sflag:$0x1] =	stream.linear.gather [hbm4b:s0+s1], $0x40, $0x38;
	[tilespmem:$0x1C400] =	vst v63  }
0x4e: {  	s13 =	simm.s32 $0x80;
	s12 =	rddreg [dreg:$0x6]  }
0x4f: {  	[tilespmem:s13], [sflag:$0x2] =	stream.linear.gather [hbm4b:s12+s1], $0x40, $0x38;
	[tilespmem:$0x1C400] =	vst v63  }
0x50: {  	s24 =	rddreg [dreg:$0x7];
	s12 =	simm.s32 $0x480  }
0x51: {  	[tilespmem:s12], [sflag:$0x2] =	stream.linear.gather [hbm4b:s24+s1], $0x40, $0x38;
	[tilespmem:$0x1C400] =	vst v63  }
0x52: {  	s0 =	rddreg [dreg:$0x8];
	s13 =	simm.s32 $0x100  }
0x53: {  	[tilespmem:s13], [sflag:$0x3] =	stream.linear.gather [hbm4b:s0+s1], $0x40, $0x38;
	[tilespmem:$0x1C400] =	vst v63  }
0x54: {  	s24 =	simm.s32 $0x500;
	s13 =	rddreg [dreg:$0x9]  }
0x55: {  	[tilespmem:s24], [sflag:$0x3] =	stream.linear.gather [hbm4b:s13+s1], $0x40, $0x38;
	[tilespmem:$0x1C400] =	vst v63  }
0x56: {  	s0 =	rddreg [dreg:$0xa]  }
0x57: {  	[tilespmem:s17], [sflag:$0x4] =	stream.linear.gather [hbm4b:s0+s1], $0x40, $0x38;
	[tilespmem:$0x1C400] =	vst v63  }
0x58: {  	s13 =	rddreg [dreg:$0xb];
	s24 =	simm.s32 $0x1  }
0x59: {  	[tilespmem:s21], [sflag:$0x4] =	stream.linear.gather [hbm4b:s13+s1], $0x40, $0x38;
	[tilespmem:$0x1C400] =	vst v63  }
0x5a: {  	_ =	swait.ge [sflag:s24], $0x40  }
0x5b: {  	[sflag:s24] =	ssyncset.done $0x0  }
0x5c: {  	[sflag:s24] =	ssyncadd.s32 $0xFFFFFFC0  }
0x5d: {  	_ =	swait.ge [sflag:s24], $0x40  }
0x5e: {  	[sflag:s24] =	ssyncset.done $0x0  }
0x5f: {  	[sflag:s24] =	ssyncadd.s32 $0xFFFFFFC0  }
0x60: {  	[tilespmem:s5], [sflag:$0x9] =	stream.indirect.gather [hbm4b:s22+s23], $0x80, s7, s23, $0xb8;
	[tilespmem:$0x1C400] =	vst v63  }
0x61: {  	_ =	swait.ge [sflag:s2], $0x40  }
0x62: {  	[sflag:s2] =	ssyncset.done $0x0  }
0x63: {  	[sflag:s2] =	ssyncadd.s32 $0xFFFFFFC0  }
0x64: {  	_ =	swait.ge [sflag:s2], $0x40  }
0x65: {  	[sflag:s2] =	ssyncset.done $0x0  }
0x66: {  	s30 =	simm.s32 $0x0;
	[sflag:s2] =	ssyncadd.s32 $0xFFFFFFC0  }
0x67: {  	[tilespmem:s31], [sflag:$0xA] =	stream.indirect.gather [hbm4b:s22+s23], $0x80, s12, s23, $0xb8;
	[tilespmem:$0x1C400] =	vst v63  }
.LBB2_2:
0x68: {  	_ =	swait.ge [sflag:s3], $0x2000  }
0x69: {  	p0 =	seq.s32 s30, $0x0;
	[sflag:s3] =	ssyncset.done $0x0  }
0x6a: {  	s24 =	simm.s32 $0x800;
	s6 =	simm.s32 @!p0 $0xF;
	[sflag:s3] =	ssyncadd.s32 $0xFFFFE000  }
0x6b: {  	[spmem:s28] =	stream.indirect.scatter.add.f32 [tilespmem:s24], [sflag:$0xD], $0x80, s1, s23, $0xb8;
	[tilespmem:$0x1C400] =	vst v63  }
0x6c: {  	_ =	swait.ge @!p0 [sflag:s6], $0x2000  }
0x6d: {  	[sflag:s6] =	ssyncset.done @!p0 $0x0  }
0x6e: {  	[sflag:s6] =	ssyncadd.s32 @!p0 $0xFFFFE000  }
0x6f: {  	_ =	swait.ge [sflag:s4], $0x40  }
0x70: {  	[sflag:s4] =	ssyncset.done $0x0  }
0x71: {  	[sflag:s4] =	ssyncadd.s32 $0xFFFFFFC0  }
0x72: {  	_ =	swait.ge [sflag:s4], $0x40  }
0x73: {  	[sflag:s4] =	ssyncset.done $0x0  }
0x74: {  	s5 =	simm.s32 $0x500;
	s7 =	rddreg [dreg:$0x1b];
	[sflag:s4] =	ssyncadd.s32 $0xFFFFFFC0  }
0x75: {  	[tilespmem:s14], [sflag:$0xB] =	stream.indirect.gather [hbm4b:s22+s23], $0x80, s5, s23, $0xb8;
	[tilespmem:$0x1C400] =	vst v63  }
0x76: {  	s12 =	rddreg [dreg:$0x1a];
	s6 =	sadd.s32 s30, s7;
	s7 =	simm.s32 $0x200  }
0x77: {  	[tilespmem:s7], [sflag:$0x5] =	stream.linear.gather [hbm4b:s6+s1], $0x40, $0x38;
	[tilespmem:$0x1C400] =	vst v63  }
0x78: {  	s6 =	sadd.s32 s30, s12;
	s12 =	simm.s32 $0x600  }
0x79: {  	[tilespmem:s12], [sflag:$0x5] =	stream.linear.gather [hbm4b:s6+s1], $0x40, $0x38;
	[tilespmem:$0x1C400] =	vst v63  }
0x7a: {  	_ =	swait.ge [sflag:s8], $0x2000  }
0x7b: {  	[sflag:s8] =	ssyncset.done $0x0  }
0x7c: {  	s13 =	simm.s32 $0x80;
	s6 =	simm.s32 @!p0 $0x10;
	[sflag:s8] =	ssyncadd.s32 $0xFFFFE000  }
0x7d: {  	[spmem:s28] =	stream.indirect.scatter.add.f32 [tilespmem:s31], [sflag:$0xE], $0x80, s13, s23, $0xb8;
	[tilespmem:$0x1C400] =	vst v63  }
0x7e: {  	_ =	swait.ge @!p0 [sflag:s6], $0x2000  }
0x7f: {  	[sflag:s6] =	ssyncset.done @!p0 $0x0  }
0x80: {  	[sflag:s6] =	ssyncadd.s32 @!p0 $0xFFFFE000  }
0x81: {  	_ =	swait.ge [sflag:s10], $0x40  }
0x82: {  	[sflag:s10] =	ssyncset.done $0x0  }
0x83: {  	[sflag:s10] =	ssyncadd.s32 $0xFFFFFFC0  }
0x84: {  	_ =	swait.ge [sflag:s10], $0x40  }
0x85: {  	[sflag:s10] =	ssyncset.done $0x0  }
0x86: {  	[sflag:s10] =	ssyncadd.s32 $0xFFFFFFC0  }
0x87: {  	[tilespmem:s11], [sflag:$0xC] =	stream.indirect.gather [hbm4b:s22+s23], $0x80, s21, s23, $0xb8;
	[tilespmem:$0x1C400] =	vst v63  }
0x88: {  	s21 =	rddreg [dreg:$0x19]  }
0x89: {  	s13 =	simm.s32 $0x280;
	s0 =	rddreg [dreg:$0x18];
	s6 =	sadd.s32 s30, s21  }
0x8a: {  	[tilespmem:s13], [sflag:$0x6] =	stream.linear.gather [hbm4b:s6+s1], $0x40, $0x38;
	[tilespmem:$0x1C400] =	vst v63  }
0x8b: {  	s21 =	simm.s32 $0x680;
	s6 =	sadd.s32 s30, s0;
	s0 =	simm.s32 $0xB  }
0x8c: {  	[tilespmem:s21], [sflag:$0x6] =	stream.linear.gather [hbm4b:s6+s1], $0x40, $0x38;
	[tilespmem:$0x1C400] =	vst v63  }
0x8d: {  	_ =	swait.ge [sflag:s0], $0x2000  }
0x8e: {  	[sflag:s0] =	ssyncset.done $0x0  }
0x8f: {  	s5 =	simm.s32 $0x100;
	[sflag:s0] =	ssyncadd.s32 $0xFFFFE000  }
0x90: {  	[spmem:s28] =	stream.indirect.scatter.add.f32 [tilespmem:s14], [sflag:$0xF], $0x80, s5, s23, $0xb8;
	[tilespmem:$0x1C400] =	vst v63  }
0x91: {  	_ =	swait.ge [sflag:s15], $0x2000  }
0x92: {  	[sflag:s15] =	ssyncset.done $0x0  }
0x93: {  	[sflag:s15] =	ssyncadd.s32 $0xFFFFE000  }
0x94: {  	_ =	swait.ge [sflag:s16], $0x40  }
0x95: {  	[sflag:s16] =	ssyncset.done $0x0  }
0x96: {  	[sflag:s16] =	ssyncadd.s32 $0xFFFFFFC0  }
0x97: {  	_ =	swait.ge [sflag:s16], $0x40  }
0x98: {  	[sflag:s16] =	ssyncset.done $0x0  }
0x99: {  	s0 =	rddreg [dreg:$0x17];
	[sflag:s16] =	ssyncadd.s32 $0xFFFFFFC0  }
0x9a: {  	[tilespmem:s24], [sflag:$0x9] =	stream.indirect.gather [hbm4b:s22+s23], $0x80, s12, s23, $0xb8;
	[tilespmem:$0x1C400] =	vst v63  }
0x9b: {  	s5 =	simm.s32 $0x300;
	s6 =	sadd.s32 s30, s0;
	s0 =	rddreg [dreg:$0x16]  }
0x9c: {  	[tilespmem:s5], [sflag:$0x7] =	stream.linear.gather [hbm4b:s6+s1], $0x40, $0x38;
	[tilespmem:$0x1C400] =	vst v63  }
0x9d: {  	s12 =	simm.s32 $0x700;
	s6 =	sadd.s32 s30, s0  }
0x9e: {  	[tilespmem:s12], [sflag:$0x7] =	stream.linear.gather [hbm4b:s6+s1], $0x40, $0x38;
	[tilespmem:$0x1C400] =	vst v63  }
0x9f: {  	_ =	swait.ge [sflag:s18], $0x2000  }
0xa0: {  	[sflag:s18] =	ssyncset.done $0x0  }
0xa1: {  	[sflag:s18] =	ssyncadd.s32 $0xFFFFE000  }
0xa2: {  	[spmem:s28] =	stream.indirect.scatter.add.f32 [tilespmem:s11], [sflag:$0x10], $0x80, s17, s23, $0xb8;
	[tilespmem:$0x1C400] =	vst v63  }
0xa3: {  	_ =	swait.ge [sflag:s19], $0x2000  }
0xa4: {  	[sflag:s19] =	ssyncset.done $0x0  }
0xa5: {  	[sflag:s19] =	ssyncadd.s32 $0xFFFFE000  }
0xa6: {  	_ =	swait.ge [sflag:s20], $0x40  }
0xa7: {  	[sflag:s20] =	ssyncset.done $0x0  }
0xa8: {  	[sflag:s20] =	ssyncadd.s32 $0xFFFFFFC0  }
0xa9: {  	_ =	swait.ge [sflag:s20], $0x40  }
0xaa: {  	[sflag:s20] =	ssyncset.done $0x0  }
0xab: {  	s5 =	rddreg [dreg:$0x15];
	[sflag:s20] =	ssyncadd.s32 $0xFFFFFFC0  }
0xac: {  	[tilespmem:s31], [sflag:$0xA] =	stream.indirect.gather [hbm4b:s22+s23], $0x80, s21, s23, $0xb8;
	[tilespmem:$0x1C400] =	vst v63  }
0xad: {  	s0 =	simm.s32 $0x380;
	s17 =	rddreg [dreg:$0x14];
	s6 =	sadd.s32 s30, s5  }
0xae: {  	[tilespmem:s0], [sflag:$0x8] =	stream.linear.gather [hbm4b:s6+s1], $0x40, $0x38;
	[tilespmem:$0x1C400] =	vst v63  }
0xaf: {  	s21 =	simm.s32 $0x780;
	s6 =	sadd.s32 s30, s17  }
0xb0: {  	[tilespmem:s21], [sflag:$0x8] =	stream.linear.gather [hbm4b:s6+s1], $0x40, $0x38;
	[tilespmem:$0x1C400] =	vst v63  }
0xb1: {  	_ =	swait.ge [sflag:s3], $0x2000  }
0xb2: {  	[sflag:s3] =	ssyncset.done $0x0  }
0xb3: {  	[sflag:s3] =	ssyncadd.s32 $0xFFFFE000  }
0xb4: {  	[spmem:s28] =	stream.indirect.scatter.add.f32 [tilespmem:s24], [sflag:$0xD], $0x80, s7, s23, $0xb8;
	[tilespmem:$0x1C400] =	vst v63  }
0xb5: {  	_ =	swait.ge [sflag:s25], $0x2000  }
0xb6: {  	[sflag:s25] =	ssyncset.done $0x0  }
0xb7: {  	[sflag:s25] =	ssyncadd.s32 $0xFFFFE000  }
0xb8: {  	_ =	swait.ge [sflag:s26], $0x40  }
0xb9: {  	[sflag:s26] =	ssyncset.done $0x0  }
0xba: {  	[sflag:s26] =	ssyncadd.s32 $0xFFFFFFC0  }
0xbb: {  	_ =	swait.ge [sflag:s26], $0x40  }
0xbc: {  	[sflag:s26] =	ssyncset.done $0x0  }
0xbd: {  	p0 =	seq.s32 s30, $0x240;
	s6 =	rddreg [dreg:$0x13];
	[sflag:s26] =	ssyncadd.s32 $0xFFFFFFC0  }
0xbe: {  	[tilespmem:s14], [sflag:$0xB] =	stream.indirect.gather [hbm4b:s22+s23], $0x80, s12, s23, $0xb8;
	[tilespmem:$0x1C400] =	vst v63  }
0xbf: {  	s7 =	sadd.s32 @!p0 s30, s6;
	s6 =	simm.s32 @!p0 $0x0  }
0xc0: {  	[tilespmem:s6], [sflag:$0x1] =	stream.linear.gather @!p0 [hbm4b:s7+s6], $0x40, $0x38;
	[tilespmem:$0x1C400] =	vst v63  }
0xc1: {  	s7 =	rddreg [dreg:$0x12]  }
0xc2: {  	s12 =	simm.s32 @!p0 $0x400;
	s7 =	sadd.s32 @!p0 s30, s7  }
0xc3: {  	[tilespmem:s12], [sflag:$0x1] =	stream.linear.gather @!p0 [hbm4b:s7+s6], $0x40, $0x38;
	[tilespmem:$0x1C400] =	vst v63  }
0xc4: {  	_ =	swait.ge [sflag:s8], $0x2000  }
0xc5: {  	[sflag:s8] =	ssyncset.done $0x0  }
0xc6: {  	[sflag:s8] =	ssyncadd.s32 $0xFFFFE000  }
0xc7: {  	[spmem:s28] =	stream.indirect.scatter.add.f32 [tilespmem:s31], [sflag:$0xE], $0x80, s13, s23, $0xb8;
	[tilespmem:$0x1C400] =	vst v63  }
0xc8: {  	_ =	swait.ge [sflag:s29], $0x2000  }
0xc9: {  	[sflag:s29] =	ssyncset.done $0x0  }
0xca: {  	[sflag:s29] =	ssyncadd.s32 $0xFFFFE000  }
0xcb: {  	_ =	swait.ge [sflag:s9], $0x40  }
0xcc: {  	[sflag:s9] =	ssyncset.done $0x0  }
0xcd: {  	[sflag:s9] =	ssyncadd.s32 $0xFFFFFFC0  }
0xce: {  	_ =	swait.ge [sflag:s9], $0x40  }
0xcf: {  	[sflag:s9] =	ssyncset.done $0x0  }
0xd0: {  	s7 =	simm.s32 @p0 $0xB;
	[sflag:s9] =	ssyncadd.s32 $0xFFFFFFC0  }
0xd1: {  	[tilespmem:s11], [sflag:$0xC] =	stream.indirect.gather [hbm4b:s22+s23], $0x80, s21, s23, $0xb8;
	[tilespmem:$0x1C400] =	vst v63  }
0xd2: {  	_ =	swait.ge @p0 [sflag:s7], $0x2000  }
0xd3: {  	s17 =	simm.s32 @p0 $0x4800;
	[sflag:s7] =	ssyncset.done @p0 $0x0  }
0xd4: {  	s13 =	simm.s32 @p0 $0x300;
	[sflag:s7] =	ssyncadd.s32 @p0 $0xFFFFE000;
	s7 =	simm.s32 @p0 $0x40  }
0xd5: {  	[spmem:s28] =	stream.indirect.scatter.add.f32 @p0 [tilespmem:s17], [sflag:$0xF], $0x80, s13, s7, $0xb8;
	[tilespmem:$0x1C400] =	vst v63  }
0xd6: {  	s7 =	simm.s32 @p0 $0xD  }
0xd7: {  	_ =	swait.ge @p0 [sflag:s7], $0x2000  }
0xd8: {  	[sflag:s7] =	ssyncset.done @p0 $0x0  }
0xd9: {  	[sflag:s7] =	ssyncadd.s32 @p0 $0xFFFFE000;
	s7 =	rddreg [dreg:$0x11]  }
0xda: {  	s13 =	simm.s32 @!p0 $0x80;
	s7 =	sadd.s32 @!p0 s30, s7  }
0xdb: {  	[tilespmem:s13], [sflag:$0x2] =	stream.linear.gather @!p0 [hbm4b:s7+s6], $0x40, $0x38;
	[tilespmem:$0x1C400] =	vst v63  }
0xdc: {  	s7 =	rddreg [dreg:$0x10]  }
0xdd: {  	s13 =	simm.s32 @!p0 $0x480;
	s7 =	sadd.s32 @!p0 s30, s7  }
0xde: {  	[tilespmem:s13], [sflag:$0x2] =	stream.linear.gather @!p0 [hbm4b:s7+s6], $0x40, $0x38;
	[tilespmem:$0x1C400] =	vst v63  }
0xdf: {  	s7 =	simm.s32 @!p0 $0xB  }
0xe0: {  	_ =	swait.ge @!p0 [sflag:s7], $0x2000  }
0xe1: {  	s17 =	simm.s32 @!p0 $0x4800;
	[sflag:s7] =	ssyncset.done @!p0 $0x0  }
0xe2: {  	s13 =	simm.s32 @!p0 $0x300;
	[sflag:s7] =	ssyncadd.s32 @!p0 $0xFFFFE000;
	s7 =	simm.s32 @!p0 $0x40  }
0xe3: {  	[spmem:s28] =	stream.indirect.scatter.add.f32 @!p0 [tilespmem:s17], [sflag:$0xF], $0x80, s13, s7, $0xb8;
	[tilespmem:$0x1C400] =	vst v63  }
0xe4: {  	s13 =	simm.s32 @!p0 $0xD  }
0xe5: {  	_ =	swait.ge @!p0 [sflag:s13], $0x2000  }
0xe6: {  	[sflag:s13] =	ssyncset.done @!p0 $0x0  }
0xe7: {  	[sflag:s13] =	ssyncadd.s32 @!p0 $0xFFFFE000;
	s13 =	simm.s32 @!p0 $0x1  }
0xe8: {  	_ =	swait.ge @!p0 [sflag:s13], $0x40  }
0xe9: {  	[sflag:s13] =	ssyncset.done @!p0 $0x0  }
0xea: {  	[sflag:s13] =	ssyncadd.s32 @!p0 $0xFFFFFFC0  }
0xeb: {  	_ =	swait.ge @!p0 [sflag:s13], $0x40  }
0xec: {  	[sflag:s13] =	ssyncset.done @!p0 $0x0  }
0xed: {  	[sflag:s13] =	ssyncadd.s32 @!p0 $0xFFFFFFC0;
	s13 =	simm.s32 @!p0 $0x800  }
0xee: {  	[tilespmem:s13], [sflag:$0x9] =	stream.indirect.gather @!p0 [hbm4b:s22+s7], $0x80, s12, s7, $0xb8;
	[tilespmem:$0x1C400] =	vst v63  }
0xef: {  	s7 =	rddreg [dreg:$0xf]  }
0xf0: {  	s12 =	simm.s32 @!p0 $0x100;
	s7 =	sadd.s32 @!p0 s30, s7  }
0xf1: {  	[tilespmem:s12], [sflag:$0x3] =	stream.linear.gather @!p0 [hbm4b:s7+s6], $0x40, $0x38;
	[tilespmem:$0x1C400] =	vst v63  }
0xf2: {  	s7 =	rddreg [dreg:$0xe]  }
0xf3: {  	s12 =	simm.s32 @!p0 $0x500;
	s7 =	sadd.s32 @!p0 s30, s7  }
0xf4: {  	[tilespmem:s12], [sflag:$0x3] =	stream.linear.gather @!p0 [hbm4b:s7+s6], $0x40, $0x38;
	[tilespmem:$0x1C400] =	vst v63  }
0xf5: {  	_ =	swait.ge [sflag:s18], $0x2000  }
0xf6: {  	[sflag:s18] =	ssyncset.done $0x0  }
.Ltmp2:
0xf7: {  	[sflag:s18] =	ssyncadd.s32 $0xFFFFE000;
	(pc) =	sbr.rel @p0 .LBB2_4-.Ltmp2, $4  }
0xf8: {  	[spmem:s28] =	stream.indirect.scatter.add.f32 [tilespmem:s11], [sflag:$0x10], $0x80, s0, s23, $0xb8;
	[tilespmem:$0x1C400] =	vst v63  }
0xf9: {  	_ =	swait.ge [sflag:s19], $0x2000  }
0xfa: {  	s5 =	simm.s32 $0x800;
	[sflag:s19] =	ssyncset.done $0x0  }
0xfb: {  	s24 =	simm.s32 $0x580;
	s21 =	simm.s32 $0x180;
	[sflag:s19] =	ssyncadd.s32 $0xFFFFE000  }
0xfc: {  	_ =	swait.ge [sflag:s2], $0x40  }
0xfd: {  	[sflag:s2] =	ssyncset.done $0x0  }
0xfe: {  	[sflag:s2] =	ssyncadd.s32 $0xFFFFFFC0  }
0xff: {  	_ =	swait.ge [sflag:s2], $0x40  }
0x100: {  	[sflag:s2] =	ssyncset.done $0x0  }
0x101: {  	s6 =	simm.s32 $0x480;
	s17 =	rddreg [dreg:$0xd];
	[sflag:s2] =	ssyncadd.s32 $0xFFFFFFC0  }
0x102: {  	[tilespmem:s31], [sflag:$0xA] =	stream.indirect.gather [hbm4b:s22+s23], $0x80, s6, s23, $0xb8;
	[tilespmem:$0x1C400] =	vst v63  }
.Ltmp3:
0x103: {  	s6 =	sadd.s32 s30, s17;
	(pc) =	sbr.rel .LBB2_2-.Ltmp3, $4  }
0x104: {  	[tilespmem:s21], [sflag:$0x4] =	stream.linear.gather [hbm4b:s6+s1], $0x40, $0x38;
	[tilespmem:$0x1C400] =	vst v63  }
0x105: {  	s17 =	simm.s32 $0x180;
	s21 =	rddreg [dreg:$0xc]  }
0x106: {  	s6 =	sadd.s32 s30, s21;
	s30 =	sadd.s32 $0x40, s30;
	s21 =	simm.s32 $0x580  }
0x107: {  	[tilespmem:s24], [sflag:$0x4] =	stream.linear.gather [hbm4b:s6+s1], $0x40, $0x38;
	[tilespmem:$0x1C400] =	vst v63  }
.LBB2_5:
0x108: {  	_ =	sfence.sel $0x180000  }
0x109: {  	[bflag:$0x0] =	sbarrier.arrive $0xFFFF  }
0x10a: {  	_ =	strace $0x9000004D  }
0x10b: {  	s0 =	stileid.u32;
	[bflag:$0x2] =	sbarrier.arrive $0xFFFF  }
0x10c: {  	p0 =	sne.s32 s0, $0x0;
	s0 =	rddreg [dreg:$0x3]  }
0x10d: {  	s0 =	sadd.s32 @!p0 $0x100000, s0  }
0x10e: {  	[sflag:s0] =	ssyncadd.tile.s32 @!p0 $0x1;
	_ =	shalt  }
.Lfunc_end2:
_tile_overlayer_lowered:
.L_overlay_start_2:
0x10f: {  	(tag) =	ssettag $0x2  }
0x110: {  	s0 =	rddreg [dreg:$0x0];
	s2 =	stileid.u32  }
0x111: {  	s1 =	rddreg [dreg:$0x1];
	p0 =	sne.s32 s2, $0x0  }
0x112: {  	s3 =	rddreg [dreg:$0x2];
	[bflag:$0x3] =	sbarrier.arrive $0xFFFF;
	s2 =	simm.s32 @!p0 $0x1C11  }
0x113: {  	[timem:s3], [sflag:s2] =	dma.local @!p0 [hbm:s0], s1  }
0x114: {  	s0 =	simm.s32 @!p0 $0x11  }
0x115: {  	_ =	swait.ge @!p0 [sflag:s0], s1  }
0x116: {  	s1 =	ssub.s32 @!p0 $0x0, s1;
	[sflag:s0] =	ssyncset.done @!p0 $0x0  }
0x117: {  	[sflag:s0] =	ssyncadd.s32 @!p0 s1  }
0x118: {  	[bflag:$0x3] =	sbarrier.arrive $0xFFFF  }
0x119: {  	_ =	shalt  }

</sc_bundles>
